<compile_context>
chip_gen: v7x
topology: tpu7x:2x2x1
jax: 0.10.2.dev20260603
libtpu: 0.0.44.dev20260713+nightly
codegen_flags: <defaults>
</compile_context>

<pallas_src>
import functools

import jax
import jax.numpy as jnp
from jax import lax
from jax.experimental import pallas as pl
from jax.experimental.pallas import tpu as pltpu
from jax.experimental.pallas import tpu_sc as plsc

NUM_USERS = 25000
NUM_ITEMS = 25000
DIM = 64
N_LAYERS = 3
N_BICLIQUES = 10000
N_TOTAL = NUM_USERS + NUM_ITEMS

_NC = 2
_NS = 16
_KB = 128


def _pad_to(n, m):
    return ((n + m - 1) // m) * m


def _make_seg_kernel(e_pad, n_half, n_tot, w, has_vals):
    ep = e_pad // _NS
    nb = ep // _KB
    z = n_tot // _NS

    mesh = plsc.VectorSubcoreMesh(core_axis_name="c", subcore_axis_name="s")

    scratch = (
        [pltpu.VMEM((_KB,), jnp.int32)] * 2
        + [pltpu.VMEM((_KB,), jnp.int32)] * 2
        + [pltpu.VMEM((_KB,), jnp.int32)] * 2
        + [pltpu.VMEM((_KB, 16), jnp.float32)] * 2
        + [pltpu.VMEM((_KB, w), jnp.float32)] * 2
        + [pltpu.VMEM_SHARED((n_tot, w), jnp.float32)]
        + [pltpu.SemaphoreType.DMA] * 2
    )

    def _body(col_hbm, row_hbm, val_hbm, tab_hbm, zeros_hbm, out_hbm,
              col0, col1, row0, row1, lidx0, lidx1, val0, val1,
              rows0, rows1, acc, sem0, sem1):
        c = lax.axis_index("c")
        s = lax.axis_index("s")
        pltpu.sync_copy(zeros_hbm.at[pl.ds(s * z, z)], acc.at[pl.ds(s * z, z)])
        plsc.subcore_barrier()
        cbase = c * n_half
        base0 = s * ep

        def fetch(base, col_v, row_v, val_v, rows_v, sem):
            pltpu.sync_copy(col_hbm.at[pl.ds(base, _KB)], col_v)
            pltpu.sync_copy(row_hbm.at[pl.ds(base, _KB)], row_v)
            if has_vals:
                pltpu.sync_copy(val_hbm.at[pl.ds(base, _KB)], val_v)
            return pltpu.async_copy(tab_hbm.at[col_v], rows_v, sem)

        def mklidx(row_v, lidx_v):
            for t in range(_KB // 16):
                r = row_v[pl.ds(t * 16, 16)]
                loc = r - cbase
                ok = (loc >= 0) & (loc < n_half)
                lidx_v[pl.ds(t * 16, 16)] = jnp.where(ok, loc, n_half)

        def drain(cp, rows_v, val_v, lidx_v):
            cp.wait()
            if has_vals:
                def scale(e4, cc):
                    for j in range(4):
                        e = e4 * 4 + j
                        v16 = val_v[e, :]
                        for q in range(w // 16):
                            seg = rows_v[e, pl.ds(q * 16, 16)]
                            rows_v[e, pl.ds(q * 16, 16)] = seg * v16
                    return cc
                lax.fori_loop(0, _KB // 4, scale, 0)
            pltpu.sync_copy(rows_v, acc.at[lidx_v], add=True)

        def blk(b2, carry):
            b0 = base0 + (2 * b2) * _KB
            b1 = b0 + _KB
            cp0 = fetch(b0, col0, row0, val0, rows0, sem0)
            cp1 = fetch(b1, col1, row1, val1, rows1, sem1)
            mklidx(row0, lidx0)
            mklidx(row1, lidx1)
            drain(cp0, rows0, val0, lidx0)
            drain(cp1, rows1, val1, lidx1)
            return carry

        lax.fori_loop(0, nb // 2, blk, 0)
        plsc.subcore_barrier()
        pltpu.sync_copy(acc.at[pl.ds(s * z, z)],
                        out_hbm.at[pl.ds(c * n_tot + s * z, z)])

    if has_vals:
        def body(col_hbm, row_hbm, val_hbm, tab_hbm, zeros_hbm, out_hbm,
                 *rest):
            _body(col_hbm, row_hbm, val_hbm, tab_hbm, zeros_hbm, out_hbm,
                  *rest)
    else:
        def body(col_hbm, row_hbm, tab_hbm, zeros_hbm, out_hbm, *rest):
            _body(col_hbm, row_hbm, None, tab_hbm, zeros_hbm, out_hbm, *rest)

    return functools.partial(
        pl.kernel, mesh=mesh,
        out_type=jax.ShapeDtypeStruct((_NC * n_tot, w), jnp.float32),
        scratch_types=scratch,
        compiler_params=pltpu.CompilerParams(use_tc_tiling_on_sc=False),
    )(body)


def _run_seg(kern, cols, rows, vals, tab, n_half, n_tot):
    if vals is None:
        out2 = kern(cols, rows, tab, jnp.zeros((n_tot, tab.shape[1]), jnp.float32))
    else:
        out2 = kern(cols, rows, vals, tab, jnp.zeros((n_tot, tab.shape[1]), jnp.float32))
    return jnp.concatenate([out2[:n_half], out2[n_tot:n_tot + n_half]], axis=0)


def _mean4(a, b, c, d):
    blk = 1000

    def f(a_, b_, c_, d_, o_):
        o_[...] = (a_[...] + b_[...] + c_[...] + d_[...]) * 0.25

    spec = pl.BlockSpec((blk, DIM), lambda i: (i, 0))
    return pl.pallas_call(
        f, grid=(N_TOTAL // blk,),
        in_specs=[spec] * 4, out_specs=spec,
        out_shape=jax.ShapeDtypeStruct((N_TOTAL, DIM), jnp.float32),
    )(a, b, c, d)


def _norm_aug(x, n):
    blk = 1000

    def f(x_, o_):
        xv = x_[...]
        cnt = jnp.maximum(xv[:, DIM:DIM + 1], 1.0)
        o_[...] = jnp.concatenate(
            [xv[:, :DIM] / cnt,
             jnp.ones((blk, 1), jnp.float32),
             jnp.zeros((blk, 15), jnp.float32)], axis=1)

    spec = pl.BlockSpec((blk, 80), lambda i: (i, 0))
    return pl.pallas_call(
        f, grid=(n // blk,),
        in_specs=[spec], out_specs=spec,
        out_shape=jax.ShapeDtypeStruct((n, 80), jnp.float32),
    )(x)


def _final_combine(mean_u, ul):
    blk = 1000

    def f(m_, u_, o_):
        uv = u_[...]
        cnt = jnp.maximum(uv[:, DIM:DIM + 1], 1.0)
        o_[...] = m_[...] + uv[:, :DIM] / cnt

    return pl.pallas_call(
        f, grid=(NUM_USERS // blk,),
        in_specs=[pl.BlockSpec((blk, DIM), lambda i: (i, 0)),
                  pl.BlockSpec((blk, 80), lambda i: (i, 0))],
        out_specs=pl.BlockSpec((blk, DIM), lambda i: (i, 0)),
        out_shape=jax.ShapeDtypeStruct((NUM_USERS, DIM), jnp.float32),
    )(mean_u, ul)


def _pad_edges(rows, cols, vals, e_pad):
    e = rows.shape[0]
    pr = jnp.pad(rows.astype(jnp.int32), (0, e_pad - e), constant_values=-1)
    pc = jnp.pad(cols.astype(jnp.int32), (0, e_pad - e), constant_values=0)
    pv = None
    if vals is not None:
        pv = jnp.pad(vals, (0, e_pad - e), constant_values=0.0)
    return pr, pc, pv


def kernel(adj_index, adj_values, hv_row, hv_col, hu_row, hu_col,
           user_emb_w, item_emb_w):
    e_adj = _pad_to(adj_index.shape[1], 2 * _NS * _KB)
    ar, ac, av = _pad_edges(adj_index[0], adj_index[1], adj_values, e_adj)
    av = jnp.broadcast_to(av[:, None], (e_adj, 16))
    n_half_a = N_TOTAL // 2
    n_tot_a = _pad_to(n_half_a + 1, 128)
    spmm_k = _make_seg_kernel(e_adj, n_half_a, n_tot_a, DIM, has_vals=True)

    e0 = jnp.concatenate([user_emb_w, item_emb_w], axis=0)
    e1 = _run_seg(spmm_k, ac, ar, av, e0, n_half_a, n_tot_a)
    e2 = _run_seg(spmm_k, ac, ar, av, e1, n_half_a, n_tot_a)
    e3 = _run_seg(spmm_k, ac, ar, av, e2, n_half_a, n_tot_a)
    final_emb = _mean4(e0, e1, e2, e3)

    tab_i = jnp.concatenate(
        [item_emb_w,
         jnp.ones((NUM_ITEMS, 1), jnp.float32),
         jnp.zeros((NUM_ITEMS, 15), jnp.float32)], axis=1)
    e_hv = _pad_to(hv_row.shape[0], 2 * _NS * _KB)
    vr, vc, _ = _pad_edges(hv_row, hv_col, None, e_hv)
    n_half_v = N_BICLIQUES // 2
    n_tot_v = _pad_to(n_half_v + 1, 128)
    hv_k = _make_seg_kernel(e_hv, n_half_v, n_tot_v, 80, has_vals=False)
    bf_raw = _run_seg(hv_k, vc, vr, None, tab_i, n_half_v, n_tot_v)
    bf = _norm_aug(bf_raw, N_BICLIQUES)

    e_hu = _pad_to(hu_row.shape[0], 2 * _NS * _KB)
    ur, uc, _ = _pad_edges(hu_row, hu_col, None, e_hu)
    n_half_u = NUM_USERS // 2
    n_tot_u = _pad_to(n_half_u + 1, 128)
    hu_k = _make_seg_kernel(e_hu, n_half_u, n_tot_u, 80, has_vals=False)
    ul = _run_seg(hu_k, uc, ur, None, bf, n_half_u, n_tot_u)

    u_final = _final_combine(final_emb[:NUM_USERS], ul)
    i_global = final_emb[NUM_USERS:]
    return (u_final, i_global)

# --- scband reference (transcript-rebuilt; emitter-appended) ---
"""Pipeline reference for scband-biclique-gcn-53437983097036 (READ-ONLY COPY).

The authoritative reference and input builder live on the scoring server;
editing this copy changes nothing except your own understanding.
"""

import jax, jax.numpy as jnp
import numpy as np

NUM_USERS = 25000
NUM_ITEMS = 25000
DIM = 64
N_LAYERS = 3
N_BICLIQUES = 10000
N_TOTAL = NUM_USERS + NUM_ITEMS


def spmm(row, col, vals, mat, n_rows):
    # sparse (COO) @ dense via gather + scatter-add
    gathered = mat[col] * vals[:, None]
    return jax.ops.segment_sum(gathered, row, num_segments=n_rows)


def setup_inputs(seed: int = 0) -> dict:
    key = jax.random.key(seed)
    ks = jax.random.split(key, 10)
    adj_index = jax.random.randint(ks[0], (2, 800000), 0, N_TOTAL, dtype=jnp.int64 if jax.config.jax_enable_x64 else jnp.int32)
    adj_values = jax.random.uniform(ks[1], (800000,), dtype=jnp.float32)
    hv_row = jax.random.randint(ks[2], (320000,), 0, N_BICLIQUES)
    hv_col = jax.random.randint(ks[3], (320000,), 0, NUM_ITEMS)
    hu_row = jax.random.randint(ks[4], (250000,), 0, NUM_USERS)
    hu_col = jax.random.randint(ks[5], (250000,), 0, N_BICLIQUES)
    # learned parameters (xavier-ish init)
    user_emb_w = jax.random.normal(ks[6], (NUM_USERS, DIM), dtype=jnp.float32) * 0.06
    item_emb_w = jax.random.normal(ks[7], (NUM_ITEMS, DIM), dtype=jnp.float32) * 0.06
    return {
        "adj_index": adj_index,
        "adj_values": adj_values,
        "hv_row": hv_row,
        "hv_col": hv_col,
        "hu_row": hu_row,
        "hu_col": hu_col,
        "user_emb_w": user_emb_w,
        "item_emb_w": item_emb_w,
    }


def reference(adj_index, adj_values, hv_row, hv_col, hu_row, hu_col, user_emb_w, item_emb_w):
    u_emb = user_emb_w
    i_emb = item_emb_w
    # ---- LightGCN global encoder ----
    all_emb = jnp.concatenate([u_emb, i_emb], axis=0)
    embs = [all_emb]
    for _ in range(N_LAYERS):
        all_emb = spmm(adj_index[0], adj_index[1], adj_values, all_emb, N_TOTAL)
        embs.append(all_emb)
    final_emb = jnp.mean(jnp.stack(embs, axis=1), axis=1)
    u_global = final_emb[:NUM_USERS]
    i_global = final_emb[NUM_USERS:]
    # ---- Biclique local encoder ----
    # biclique_features = H_v @ item_emb (H_v binary incidence)
    biclique_features = jax.ops.segment_sum(i_emb[hv_col], hv_row, num_segments=N_BICLIQUES)
    degree_v = jax.ops.segment_sum(jnp.ones(hv_row.shape[0], dtype=jnp.float32), hv_row, num_segments=N_BICLIQUES)[:, None]
    degree_v = jnp.where(degree_v == 0, 1.0, degree_v)
    biclique_features = biclique_features / degree_v
    # user_local_view = H_u @ biclique_features
    user_local = jax.ops.segment_sum(biclique_features[hu_col], hu_row, num_segments=NUM_USERS)
    degree_u = jax.ops.segment_sum(jnp.ones(hu_row.shape[0], dtype=jnp.float32), hu_row, num_segments=NUM_USERS)[:, None]
    degree_u = jnp.where(degree_u == 0, 1.0, degree_u)
    user_local = user_local / degree_u
    u_final = u_global + user_local
    return (u_final, i_global)

if __name__ == "__main__":
    import jax
    _d = setup_inputs()
    print(jax.jit(kernel)(*tuple(_d.values())))

</pallas_src>

<mosaic_0001>
#map = affine_map<(d0, d1) -> (0)>
#map1 = affine_map<(d0, d1) -> (0, 0)>
module attributes {stable_mosaic.version = 14 : i64} {
  func.func @body(%arg0: i32, %arg1: i32, %arg2: memref<802816xi32, #tpu.memory_space<hbm>>, %arg3: memref<802816xi32, #tpu.memory_space<hbm>>, %arg4: memref<802816x16xf32, #tpu.memory_space<hbm>>, %arg5: memref<50000x64xf32, #tpu.memory_space<hbm>>, %arg6: memref<25088x64xf32, #tpu.memory_space<hbm>>, %arg7: memref<50176x64xf32, #tpu.memory_space<hbm>>, %arg8: memref<128xi32, #tpu.memory_space<vmem>>, %arg9: memref<128xi32, #tpu.memory_space<vmem>>, %arg10: memref<128xi32, #tpu.memory_space<vmem>>, %arg11: memref<128xi32, #tpu.memory_space<vmem>>, %arg12: memref<128xi32, #tpu.memory_space<vmem>>, %arg13: memref<128xi32, #tpu.memory_space<vmem>>, %arg14: memref<128x16xf32, #tpu.memory_space<vmem>>, %arg15: memref<128x16xf32, #tpu.memory_space<vmem>>, %arg16: memref<128x64xf32, #tpu.memory_space<vmem>>, %arg17: memref<128x64xf32, #tpu.memory_space<vmem>>, %arg18: memref<25088x64xf32, #tpu.memory_space<vmem_shared>>, %arg19: memref<!tpu.dma_semaphore, #tpu.memory_space<semaphore_mem>>, %arg20: memref<!tpu.dma_semaphore, #tpu.memory_space<semaphore_mem>>) attributes {dimension_semantics = [#tpu.dimension_semantics<core_parallel>, #tpu.dimension_semantics<subcore_parallel>], iteration_bounds = array<i64: 2, 16>, scalar_prefetch = 0 : i64, scratch_operands = 13 : i64, tpu.core_type = #tpu.core_type<sc_vector_subcore>, window_params = [{transform_indices = #map}, {transform_indices = #map}, {transform_indices = #map1}, {transform_indices = #map1}, {transform_indices = #map1}, {transform_indices = #map1}]} {
    %mul3A = arith.constant 1568 : i32
    %mul3A_0 = arith.muli %arg1, %mul3A : i32
    %mul3A_1 = arith.constant 1568 : i32
    %mul3A_2 = arith.muli %arg1, %mul3A_1 : i32
    "tpu.region"() ({
      %run_scoped3A = tpu.sem_alloc : memref<!tpu.dma_semaphore, #tpu.memory_space<semaphore_mem>>
      %dma_start3A = arith.constant 0 : i32
      %dma_start3A_19 = tpu.memref_slice %arg18[%mul3A_2, %dma_start3A] : memref<25088x64xf32, #tpu.memory_space<vmem_shared>> -> memref<1568x64xf32, #tpu.memory_space<vmem_shared>>
      %dma_start3A_20 = arith.constant 0 : i32
      %dma_start3A_21 = tpu.memref_slice %arg6[%mul3A_0, %dma_start3A_20] : memref<25088x64xf32, #tpu.memory_space<hbm>> -> memref<1568x64xf32, #tpu.memory_space<hbm>>
      tpu.enqueue_dma source(%dma_start3A_21 : memref<1568x64xf32, #tpu.memory_space<hbm>>) target(%dma_start3A_19 : memref<1568x64xf32, #tpu.memory_space<vmem_shared>>) target_semaphore(%run_scoped3A : memref<!tpu.dma_semaphore, #tpu.memory_space<semaphore_mem>>)
      %dma_wait3A = arith.constant 0 : i32
      %dma_wait3A_22 = tpu.memref_slice %arg18[%mul3A_2, %dma_wait3A] : memref<25088x64xf32, #tpu.memory_space<vmem_shared>> -> memref<1568x64xf32, #tpu.memory_space<vmem_shared>>
      %dma_wait3A_23 = arith.constant 0 : i32
      %dma_wait3A_24 = tpu.memref_slice %arg6[%mul3A_0, %dma_wait3A_23] : memref<25088x64xf32, #tpu.memory_space<hbm>> -> memref<1568x64xf32, #tpu.memory_space<hbm>>
      tpu.wait_dma2 semaphore(%run_scoped3A : memref<!tpu.dma_semaphore, #tpu.memory_space<semaphore_mem>>) src(%dma_wait3A_24 : memref<1568x64xf32, #tpu.memory_space<hbm>>) dst(%dma_wait3A_22 : memref<1568x64xf32, #tpu.memory_space<vmem_shared>>)
      tpu.yield
    }) : () -> ()
    %barrier3A = arith.constant 0 : index
    tpu.barrier barrier_id(%barrier3A)
    %mul3A_3 = arith.constant 25000 : i32
    %mul3A_4 = arith.muli %arg0, %mul3A_3 : i32
    %mul3A_5 = arith.constant 50176 : i32
    %mul3A_6 = arith.muli %arg1, %mul3A_5 : i32
    %scan3A = arith.constant 0 : i32
    %scan3A_7 = arith.constant 0 : i32
    %scan3A_8 = arith.constant 196 : i32
    %scan3A_9 = arith.addi %scan3A_7, %scan3A_8 : i32
    %scan3A_10 = arith.constant 1 : i32
    scf.for %scan3A_19 = %scan3A_7 to %scan3A_9 step %scan3A_10  : i32 {
      %mul3A_20 = arith.constant 2 : i32
      %mul3A_21 = arith.muli %mul3A_20, %scan3A_19 : i32
      %mul3A_22 = arith.constant 128 : i32
      %mul3A_23 = arith.muli %mul3A_21, %mul3A_22 : i32
      %add3A_24 = arith.addi %mul3A_6, %mul3A_23 : i32
      %add3A_25 = arith.constant 128 : i32
      %add3A_26 = arith.addi %add3A_24, %add3A_25 : i32
      "tpu.region"() ({
        %run_scoped3A = tpu.sem_alloc : memref<!tpu.dma_semaphore, #tpu.memory_space<semaphore_mem>>
        %dma_start3A_344 = tpu.memref_slice %arg2[%add3A_24] : memref<802816xi32, #tpu.memory_space<hbm>> -> memref<128xi32, #tpu.memory_space<hbm>>
        %dma_start3A_345 = tpu.memref_slice %arg2[%add3A_24] : memref<802816xi32, #tpu.memory_space<hbm>> -> memref<128xi32, #tpu.memory_space<hbm>>
        tpu.enqueue_dma source(%dma_start3A_345 : memref<128xi32, #tpu.memory_space<hbm>>) target(%arg8 : memref<128xi32, #tpu.memory_space<vmem>>) target_semaphore(%run_scoped3A : memref<!tpu.dma_semaphore, #tpu.memory_space<semaphore_mem>>)
        %dma_wait3A_346 = tpu.memref_slice %arg2[%add3A_24] : memref<802816xi32, #tpu.memory_space<hbm>> -> memref<128xi32, #tpu.memory_space<hbm>>
        %dma_wait3A_347 = tpu.memref_slice %arg2[%add3A_24] : memref<802816xi32, #tpu.memory_space<hbm>> -> memref<128xi32, #tpu.memory_space<hbm>>
        tpu.wait_dma2 semaphore(%run_scoped3A : memref<!tpu.dma_semaphore, #tpu.memory_space<semaphore_mem>>) src(%dma_wait3A_347 : memref<128xi32, #tpu.memory_space<hbm>>) dst(%arg8 : memref<128xi32, #tpu.memory_space<vmem>>)
        tpu.yield
      }) : () -> ()
      "tpu.region"() ({
        %run_scoped3A = tpu.sem_alloc : memref<!tpu.dma_semaphore, #tpu.memory_space<semaphore_mem>>
        %dma_start3A_344 = tpu.memref_slice %arg3[%add3A_24] : memref<802816xi32, #tpu.memory_space<hbm>> -> memref<128xi32, #tpu.memory_space<hbm>>
        %dma_start3A_345 = tpu.memref_slice %arg3[%add3A_24] : memref<802816xi32, #tpu.memory_space<hbm>> -> memref<128xi32, #tpu.memory_space<hbm>>
        tpu.enqueue_dma source(%dma_start3A_345 : memref<128xi32, #tpu.memory_space<hbm>>) target(%arg10 : memref<128xi32, #tpu.memory_space<vmem>>) target_semaphore(%run_scoped3A : memref<!tpu.dma_semaphore, #tpu.memory_space<semaphore_mem>>)
        %dma_wait3A_346 = tpu.memref_slice %arg3[%add3A_24] : memref<802816xi32, #tpu.memory_space<hbm>> -> memref<128xi32, #tpu.memory_space<hbm>>
        %dma_wait3A_347 = tpu.memref_slice %arg3[%add3A_24] : memref<802816xi32, #tpu.memory_space<hbm>> -> memref<128xi32, #tpu.memory_space<hbm>>
        tpu.wait_dma2 semaphore(%run_scoped3A : memref<!tpu.dma_semaphore, #tpu.memory_space<semaphore_mem>>) src(%dma_wait3A_347 : memref<128xi32, #tpu.memory_space<hbm>>) dst(%arg10 : memref<128xi32, #tpu.memory_space<vmem>>)
        tpu.yield
      }) : () -> ()
      "tpu.region"() ({
        %run_scoped3A = tpu.sem_alloc : memref<!tpu.dma_semaphore, #tpu.memory_space<semaphore_mem>>
        %dma_start3A_344 = arith.constant 0 : i32
        %dma_start3A_345 = tpu.memref_slice %arg4[%add3A_24, %dma_start3A_344] : memref<802816x16xf32, #tpu.memory_space<hbm>> -> memref<128x16xf32, #tpu.memory_space<hbm>>
        %dma_start3A_346 = arith.constant 0 : i32
        %dma_start3A_347 = tpu.memref_slice %arg4[%add3A_24, %dma_start3A_346] : memref<802816x16xf32, #tpu.memory_space<hbm>> -> memref<128x16xf32, #tpu.memory_space<hbm>>
        tpu.enqueue_dma source(%dma_start3A_347 : memref<128x16xf32, #tpu.memory_space<hbm>>) target(%arg14 : memref<128x16xf32, #tpu.memory_space<vmem>>) target_semaphore(%run_scoped3A : memref<!tpu.dma_semaphore, #tpu.memory_space<semaphore_mem>>)
        %dma_wait3A_348 = arith.constant 0 : i32
        %dma_wait3A_349 = tpu.memref_slice %arg4[%add3A_24, %dma_wait3A_348] : memref<802816x16xf32, #tpu.memory_space<hbm>> -> memref<128x16xf32, #tpu.memory_space<hbm>>
        %dma_wait3A_350 = arith.constant 0 : i32
        %dma_wait3A_351 = tpu.memref_slice %arg4[%add3A_24, %dma_wait3A_350] : memref<802816x16xf32, #tpu.memory_space<hbm>> -> memref<128x16xf32, #tpu.memory_space<hbm>>
        tpu.wait_dma2 semaphore(%run_scoped3A : memref<!tpu.dma_semaphore, #tpu.memory_space<semaphore_mem>>) src(%dma_wait3A_351 : memref<128x16xf32, #tpu.memory_space<hbm>>) dst(%arg14 : memref<128x16xf32, #tpu.memory_space<vmem>>)
        tpu.yield
      }) : () -> ()
      %dma_start3A = arith.constant 0 : i32
      %dma_start3A_27 = arith.constant 0 : i32
      %dma_start3A_28 = tpu.memref_slice %arg5[%dma_start3A, %dma_start3A_27] : memref<50000x64xf32, #tpu.memory_space<hbm>> -> memref<50000x64xf32, #tpu.memory_space<hbm>>
      tpu.enqueue_indirect_dma source(%dma_start3A_28 : memref<50000x64xf32, #tpu.memory_space<hbm>>) target(%arg16 : memref<128x64xf32, #tpu.memory_space<vmem>>) offsets(%arg8 : memref<128xi32, #tpu.memory_space<vmem>>) semaphore(%arg19 : memref<!tpu.dma_semaphore, #tpu.memory_space<semaphore_mem>>)
      "tpu.region"() ({
        %run_scoped3A = tpu.sem_alloc : memref<!tpu.dma_semaphore, #tpu.memory_space<semaphore_mem>>
        %dma_start3A_344 = tpu.memref_slice %arg2[%add3A_26] : memref<802816xi32, #tpu.memory_space<hbm>> -> memref<128xi32, #tpu.memory_space<hbm>>
        %dma_start3A_345 = tpu.memref_slice %arg2[%add3A_26] : memref<802816xi32, #tpu.memory_space<hbm>> -> memref<128xi32, #tpu.memory_space<hbm>>
        tpu.enqueue_dma source(%dma_start3A_345 : memref<128xi32, #tpu.memory_space<hbm>>) target(%arg9 : memref<128xi32, #tpu.memory_space<vmem>>) target_semaphore(%run_scoped3A : memref<!tpu.dma_semaphore, #tpu.memory_space<semaphore_mem>>)
        %dma_wait3A_346 = tpu.memref_slice %arg2[%add3A_26] : memref<802816xi32, #tpu.memory_space<hbm>> -> memref<128xi32, #tpu.memory_space<hbm>>
        %dma_wait3A_347 = tpu.memref_slice %arg2[%add3A_26] : memref<802816xi32, #tpu.memory_space<hbm>> -> memref<128xi32, #tpu.memory_space<hbm>>
        tpu.wait_dma2 semaphore(%run_scoped3A : memref<!tpu.dma_semaphore, #tpu.memory_space<semaphore_mem>>) src(%dma_wait3A_347 : memref<128xi32, #tpu.memory_space<hbm>>) dst(%arg9 : memref<128xi32, #tpu.memory_space<vmem>>)
        tpu.yield
      }) : () -> ()
      "tpu.region"() ({
        %run_scoped3A = tpu.sem_alloc : memref<!tpu.dma_semaphore, #tpu.memory_space<semaphore_mem>>
        %dma_start3A_344 = tpu.memref_slice %arg3[%add3A_26] : memref<802816xi32, #tpu.memory_space<hbm>> -> memref<128xi32, #tpu.memory_space<hbm>>
        %dma_start3A_345 = tpu.memref_slice %arg3[%add3A_26] : memref<802816xi32, #tpu.memory_space<hbm>> -> memref<128xi32, #tpu.memory_space<hbm>>
        tpu.enqueue_dma source(%dma_start3A_345 : memref<128xi32, #tpu.memory_space<hbm>>) target(%arg11 : memref<128xi32, #tpu.memory_space<vmem>>) target_semaphore(%run_scoped3A : memref<!tpu.dma_semaphore, #tpu.memory_space<semaphore_mem>>)
        %dma_wait3A_346 = tpu.memref_slice %arg3[%add3A_26] : memref<802816xi32, #tpu.memory_space<hbm>> -> memref<128xi32, #tpu.memory_space<hbm>>
        %dma_wait3A_347 = tpu.memref_slice %arg3[%add3A_26] : memref<802816xi32, #tpu.memory_space<hbm>> -> memref<128xi32, #tpu.memory_space<hbm>>
        tpu.wait_dma2 semaphore(%run_scoped3A : memref<!tpu.dma_semaphore, #tpu.memory_space<semaphore_mem>>) src(%dma_wait3A_347 : memref<128xi32, #tpu.memory_space<hbm>>) dst(%arg11 : memref<128xi32, #tpu.memory_space<vmem>>)
        tpu.yield
      }) : () -> ()
      "tpu.region"() ({
        %run_scoped3A = tpu.sem_alloc : memref<!tpu.dma_semaphore, #tpu.memory_space<semaphore_mem>>
        %dma_start3A_344 = arith.constant 0 : i32
        %dma_start3A_345 = tpu.memref_slice %arg4[%add3A_26, %dma_start3A_344] : memref<802816x16xf32, #tpu.memory_space<hbm>> -> memref<128x16xf32, #tpu.memory_space<hbm>>
        %dma_start3A_346 = arith.constant 0 : i32
        %dma_start3A_347 = tpu.memref_slice %arg4[%add3A_26, %dma_start3A_346] : memref<802816x16xf32, #tpu.memory_space<hbm>> -> memref<128x16xf32, #tpu.memory_space<hbm>>
        tpu.enqueue_dma source(%dma_start3A_347 : memref<128x16xf32, #tpu.memory_space<hbm>>) target(%arg15 : memref<128x16xf32, #tpu.memory_space<vmem>>) target_semaphore(%run_scoped3A : memref<!tpu.dma_semaphore, #tpu.memory_space<semaphore_mem>>)
        %dma_wait3A_348 = arith.constant 0 : i32
        %dma_wait3A_349 = tpu.memref_slice %arg4[%add3A_26, %dma_wait3A_348] : memref<802816x16xf32, #tpu.memory_space<hbm>> -> memref<128x16xf32, #tpu.memory_space<hbm>>
        %dma_wait3A_350 = arith.constant 0 : i32
        %dma_wait3A_351 = tpu.memref_slice %arg4[%add3A_26, %dma_wait3A_350] : memref<802816x16xf32, #tpu.memory_space<hbm>> -> memref<128x16xf32, #tpu.memory_space<hbm>>
        tpu.wait_dma2 semaphore(%run_scoped3A : memref<!tpu.dma_semaphore, #tpu.memory_space<semaphore_mem>>) src(%dma_wait3A_351 : memref<128x16xf32, #tpu.memory_space<hbm>>) dst(%arg15 : memref<128x16xf32, #tpu.memory_space<vmem>>)
        tpu.yield
      }) : () -> ()
      %dma_start3A_29 = arith.constant 0 : i32
      %dma_start3A_30 = arith.constant 0 : i32
      %dma_start3A_31 = tpu.memref_slice %arg5[%dma_start3A_29, %dma_start3A_30] : memref<50000x64xf32, #tpu.memory_space<hbm>> -> memref<50000x64xf32, #tpu.memory_space<hbm>>
      tpu.enqueue_indirect_dma source(%dma_start3A_31 : memref<50000x64xf32, #tpu.memory_space<hbm>>) target(%arg17 : memref<128x64xf32, #tpu.memory_space<vmem>>) offsets(%arg9 : memref<128xi32, #tpu.memory_space<vmem>>) semaphore(%arg20 : memref<!tpu.dma_semaphore, #tpu.memory_space<semaphore_mem>>)
      %get3A = arith.constant 0 : index
      %get3A_32 = tpu.vector_load %arg10[%get3A] {strides = array<i32>} : memref<128xi32, #tpu.memory_space<vmem>>, vector<16xi32>,
      %get3A_33 = vector.shape_cast %get3A_32 : vector<16xi32> to vector<16xi32>
      %sub3A = vector.broadcast %mul3A_4 : i32 to vector<16xi32>
      %sub3A_34 = arith.subi %get3A_33, %sub3A : vector<16xi32>
      %ge3A = arith.constant 0 : i32
      %ge3A_35 = vector.broadcast %ge3A : i32 to vector<16xi32>
      %ge3A_36 = arith.cmpi sge, %sub3A_34, %ge3A_35 : vector<16xi32>
      %lt3A = arith.constant 25000 : i32
      %lt3A_37 = vector.broadcast %lt3A : i32 to vector<16xi32>
      %lt3A_38 = arith.cmpi slt, %sub3A_34, %lt3A_37 : vector<16xi32>
      %and3A = arith.andi %ge3A_36, %lt3A_38 : vector<16xi1>
      %jit3A = arith.constant 25000 : i32
      %broadcast_in_dim3A = vector.broadcast %jit3A : i32 to vector<16xi32>
      %select_n3A = arith.select %and3A, %sub3A_34, %broadcast_in_dim3A : vector<16xi1>, vector<16xi32>
      %swap3A = arith.constant 0 : index
      %swap3A_39 = tpu.vector_load %arg12[%swap3A] {strides = array<i32>} : memref<128xi32, #tpu.memory_space<vmem>>, vector<16xi32>,
      %swap3A_40 = vector.shape_cast %swap3A_39 : vector<16xi32> to vector<16xi32>
      %swap3A_41 = vector.shape_cast %select_n3A : vector<16xi32> to vector<16xi32>
      tpu.vector_store %arg12[%swap3A], %swap3A_41 {strides = array<i32>} : memref<128xi32, #tpu.memory_space<vmem>>, vector<16xi32>,
      %get3A_42 = arith.constant 16 : index
      %get3A_43 = tpu.vector_load %arg10[%get3A_42] {strides = array<i32>} : memref<128xi32, #tpu.memory_space<vmem>>, vector<16xi32>,
      %get3A_44 = vector.shape_cast %get3A_43 : vector<16xi32> to vector<16xi32>
      %sub3A_45 = vector.broadcast %mul3A_4 : i32 to vector<16xi32>
      %sub3A_46 = arith.subi %get3A_44, %sub3A_45 : vector<16xi32>
      %ge3A_47 = arith.constant 0 : i32
      %ge3A_48 = vector.broadcast %ge3A_47 : i32 to vector<16xi32>
      %ge3A_49 = arith.cmpi sge, %sub3A_46, %ge3A_48 : vector<16xi32>
      %lt3A_50 = arith.constant 25000 : i32
      %lt3A_51 = vector.broadcast %lt3A_50 : i32 to vector<16xi32>
      %lt3A_52 = arith.cmpi slt, %sub3A_46, %lt3A_51 : vector<16xi32>
      %and3A_53 = arith.andi %ge3A_49, %lt3A_52 : vector<16xi1>
      %jit3A_54 = arith.constant 25000 : i32
      %broadcast_in_dim3A_55 = vector.broadcast %jit3A_54 : i32 to vector<16xi32>
      %select_n3A_56 = arith.select %and3A_53, %sub3A_46, %broadcast_in_dim3A_55 : vector<16xi1>, vector<16xi32>
      %swap3A_57 = arith.constant 16 : index
      %swap3A_58 = tpu.vector_load %arg12[%swap3A_57] {strides = array<i32>} : memref<128xi32, #tpu.memory_space<vmem>>, vector<16xi32>,
      %swap3A_59 = vector.shape_cast %swap3A_58 : vector<16xi32> to vector<16xi32>
      %swap3A_60 = vector.shape_cast %select_n3A_56 : vector<16xi32> to vector<16xi32>
      tpu.vector_store %arg12[%swap3A_57], %swap3A_60 {strides = array<i32>} : memref<128xi32, #tpu.memory_space<vmem>>, vector<16xi32>,
      %get3A_61 = arith.constant 32 : index
      %get3A_62 = tpu.vector_load %arg10[%get3A_61] {strides = array<i32>} : memref<128xi32, #tpu.memory_space<vmem>>, vector<16xi32>,
      %get3A_63 = vector.shape_cast %get3A_62 : vector<16xi32> to vector<16xi32>
      %sub3A_64 = vector.broadcast %mul3A_4 : i32 to vector<16xi32>
      %sub3A_65 = arith.subi %get3A_63, %sub3A_64 : vector<16xi32>
      %ge3A_66 = arith.constant 0 : i32
      %ge3A_67 = vector.broadcast %ge3A_66 : i32 to vector<16xi32>
      %ge3A_68 = arith.cmpi sge, %sub3A_65, %ge3A_67 : vector<16xi32>
      %lt3A_69 = arith.constant 25000 : i32
      %lt3A_70 = vector.broadcast %lt3A_69 : i32 to vector<16xi32>
      %lt3A_71 = arith.cmpi slt, %sub3A_65, %lt3A_70 : vector<16xi32>
      %and3A_72 = arith.andi %ge3A_68, %lt3A_71 : vector<16xi1>
      %jit3A_73 = arith.constant 25000 : i32
      %broadcast_in_dim3A_74 = vector.broadcast %jit3A_73 : i32 to vector<16xi32>
      %select_n3A_75 = arith.select %and3A_72, %sub3A_65, %broadcast_in_dim3A_74 : vector<16xi1>, vector<16xi32>
      %swap3A_76 = arith.constant 32 : index
      %swap3A_77 = tpu.vector_load %arg12[%swap3A_76] {strides = array<i32>} : memref<128xi32, #tpu.memory_space<vmem>>, vector<16xi32>,
      %swap3A_78 = vector.shape_cast %swap3A_77 : vector<16xi32> to vector<16xi32>
      %swap3A_79 = vector.shape_cast %select_n3A_75 : vector<16xi32> to vector<16xi32>
      tpu.vector_store %arg12[%swap3A_76], %swap3A_79 {strides = array<i32>} : memref<128xi32, #tpu.memory_space<vmem>>, vector<16xi32>,
      %get3A_80 = arith.constant 48 : index
      %get3A_81 = tpu.vector_load %arg10[%get3A_80] {strides = array<i32>} : memref<128xi32, #tpu.memory_space<vmem>>, vector<16xi32>,
      %get3A_82 = vector.shape_cast %get3A_81 : vector<16xi32> to vector<16xi32>
      %sub3A_83 = vector.broadcast %mul3A_4 : i32 to vector<16xi32>
      %sub3A_84 = arith.subi %get3A_82, %sub3A_83 : vector<16xi32>
      %ge3A_85 = arith.constant 0 : i32
      %ge3A_86 = vector.broadcast %ge3A_85 : i32 to vector<16xi32>
      %ge3A_87 = arith.cmpi sge, %sub3A_84, %ge3A_86 : vector<16xi32>
      %lt3A_88 = arith.constant 25000 : i32
      %lt3A_89 = vector.broadcast %lt3A_88 : i32 to vector<16xi32>
      %lt3A_90 = arith.cmpi slt, %sub3A_84, %lt3A_89 : vector<16xi32>
      %and3A_91 = arith.andi %ge3A_87, %lt3A_90 : vector<16xi1>
      %jit3A_92 = arith.constant 25000 : i32
      %broadcast_in_dim3A_93 = vector.broadcast %jit3A_92 : i32 to vector<16xi32>
      %select_n3A_94 = arith.select %and3A_91, %sub3A_84, %broadcast_in_dim3A_93 : vector<16xi1>, vector<16xi32>
      %swap3A_95 = arith.constant 48 : index
      %swap3A_96 = tpu.vector_load %arg12[%swap3A_95] {strides = array<i32>} : memref<128xi32, #tpu.memory_space<vmem>>, vector<16xi32>,
      %swap3A_97 = vector.shape_cast %swap3A_96 : vector<16xi32> to vector<16xi32>
      %swap3A_98 = vector.shape_cast %select_n3A_94 : vector<16xi32> to vector<16xi32>
      tpu.vector_store %arg12[%swap3A_95], %swap3A_98 {strides = array<i32>} : memref<128xi32, #tpu.memory_space<vmem>>, vector<16xi32>,
      %get3A_99 = arith.constant 64 : index
      %get3A_100 = tpu.vector_load %arg10[%get3A_99] {strides = array<i32>} : memref<128xi32, #tpu.memory_space<vmem>>, vector<16xi32>,
      %get3A_101 = vector.shape_cast %get3A_100 : vector<16xi32> to vector<16xi32>
      %sub3A_102 = vector.broadcast %mul3A_4 : i32 to vector<16xi32>
      %sub3A_103 = arith.subi %get3A_101, %sub3A_102 : vector<16xi32>
      %ge3A_104 = arith.constant 0 : i32
      %ge3A_105 = vector.broadcast %ge3A_104 : i32 to vector<16xi32>
      %ge3A_106 = arith.cmpi sge, %sub3A_103, %ge3A_105 : vector<16xi32>
      %lt3A_107 = arith.constant 25000 : i32
      %lt3A_108 = vector.broadcast %lt3A_107 : i32 to vector<16xi32>
      %lt3A_109 = arith.cmpi slt, %sub3A_103, %lt3A_108 : vector<16xi32>
      %and3A_110 = arith.andi %ge3A_106, %lt3A_109 : vector<16xi1>
      %jit3A_111 = arith.constant 25000 : i32
      %broadcast_in_dim3A_112 = vector.broadcast %jit3A_111 : i32 to vector<16xi32>
      %select_n3A_113 = arith.select %and3A_110, %sub3A_103, %broadcast_in_dim3A_112 : vector<16xi1>, vector<16xi32>
      %swap3A_114 = arith.constant 64 : index
      %swap3A_115 = tpu.vector_load %arg12[%swap3A_114] {strides = array<i32>} : memref<128xi32, #tpu.memory_space<vmem>>, vector<16xi32>,
      %swap3A_116 = vector.shape_cast %swap3A_115 : vector<16xi32> to vector<16xi32>
      %swap3A_117 = vector.shape_cast %select_n3A_113 : vector<16xi32> to vector<16xi32>
      tpu.vector_store %arg12[%swap3A_114], %swap3A_117 {strides = array<i32>} : memref<128xi32, #tpu.memory_space<vmem>>, vector<16xi32>,
      %get3A_118 = arith.constant 80 : index
      %get3A_119 = tpu.vector_load %arg10[%get3A_118] {strides = array<i32>} : memref<128xi32, #tpu.memory_space<vmem>>, vector<16xi32>,
      %get3A_120 = vector.shape_cast %get3A_119 : vector<16xi32> to vector<16xi32>
      %sub3A_121 = vector.broadcast %mul3A_4 : i32 to vector<16xi32>
      %sub3A_122 = arith.subi %get3A_120, %sub3A_121 : vector<16xi32>
      %ge3A_123 = arith.constant 0 : i32
      %ge3A_124 = vector.broadcast %ge3A_123 : i32 to vector<16xi32>
      %ge3A_125 = arith.cmpi sge, %sub3A_122, %ge3A_124 : vector<16xi32>
      %lt3A_126 = arith.constant 25000 : i32
      %lt3A_127 = vector.broadcast %lt3A_126 : i32 to vector<16xi32>
      %lt3A_128 = arith.cmpi slt, %sub3A_122, %lt3A_127 : vector<16xi32>
      %and3A_129 = arith.andi %ge3A_125, %lt3A_128 : vector<16xi1>
      %jit3A_130 = arith.constant 25000 : i32
      %broadcast_in_dim3A_131 = vector.broadcast %jit3A_130 : i32 to vector<16xi32>
      %select_n3A_132 = arith.select %and3A_129, %sub3A_122, %broadcast_in_dim3A_131 : vector<16xi1>, vector<16xi32>
      %swap3A_133 = arith.constant 80 : index
      %swap3A_134 = tpu.vector_load %arg12[%swap3A_133] {strides = array<i32>} : memref<128xi32, #tpu.memory_space<vmem>>, vector<16xi32>,
      %swap3A_135 = vector.shape_cast %swap3A_134 : vector<16xi32> to vector<16xi32>
      %swap3A_136 = vector.shape_cast %select_n3A_132 : vector<16xi32> to vector<16xi32>
      tpu.vector_store %arg12[%swap3A_133], %swap3A_136 {strides = array<i32>} : memref<128xi32, #tpu.memory_space<vmem>>, vector<16xi32>,
      %get3A_137 = arith.constant 96 : index
      %get3A_138 = tpu.vector_load %arg10[%get3A_137] {strides = array<i32>} : memref<128xi32, #tpu.memory_space<vmem>>, vector<16xi32>,
      %get3A_139 = vector.shape_cast %get3A_138 : vector<16xi32> to vector<16xi32>
      %sub3A_140 = vector.broadcast %mul3A_4 : i32 to vector<16xi32>
      %sub3A_141 = arith.subi %get3A_139, %sub3A_140 : vector<16xi32>
      %ge3A_142 = arith.constant 0 : i32
      %ge3A_143 = vector.broadcast %ge3A_142 : i32 to vector<16xi32>
      %ge3A_144 = arith.cmpi sge, %sub3A_141, %ge3A_143 : vector<16xi32>
      %lt3A_145 = arith.constant 25000 : i32
      %lt3A_146 = vector.broadcast %lt3A_145 : i32 to vector<16xi32>
      %lt3A_147 = arith.cmpi slt, %sub3A_141, %lt3A_146 : vector<16xi32>
      %and3A_148 = arith.andi %ge3A_144, %lt3A_147 : vector<16xi1>
      %jit3A_149 = arith.constant 25000 : i32
      %broadcast_in_dim3A_150 = vector.broadcast %jit3A_149 : i32 to vector<16xi32>
      %select_n3A_151 = arith.select %and3A_148, %sub3A_141, %broadcast_in_dim3A_150 : vector<16xi1>, vector<16xi32>
      %swap3A_152 = arith.constant 96 : index
      %swap3A_153 = tpu.vector_load %arg12[%swap3A_152] {strides = array<i32>} : memref<128xi32, #tpu.memory_space<vmem>>, vector<16xi32>,
      %swap3A_154 = vector.shape_cast %swap3A_153 : vector<16xi32> to vector<16xi32>
      %swap3A_155 = vector.shape_cast %select_n3A_151 : vector<16xi32> to vector<16xi32>
      tpu.vector_store %arg12[%swap3A_152], %swap3A_155 {strides = array<i32>} : memref<128xi32, #tpu.memory_space<vmem>>, vector<16xi32>,
      %get3A_156 = arith.constant 112 : index
      %get3A_157 = tpu.vector_load %arg10[%get3A_156] {strides = array<i32>} : memref<128xi32, #tpu.memory_space<vmem>>, vector<16xi32>,
      %get3A_158 = vector.shape_cast %get3A_157 : vector<16xi32> to vector<16xi32>
      %sub3A_159 = vector.broadcast %mul3A_4 : i32 to vector<16xi32>
      %sub3A_160 = arith.subi %get3A_158, %sub3A_159 : vector<16xi32>
      %ge3A_161 = arith.constant 0 : i32
      %ge3A_162 = vector.broadcast %ge3A_161 : i32 to vector<16xi32>
      %ge3A_163 = arith.cmpi sge, %sub3A_160, %ge3A_162 : vector<16xi32>
      %lt3A_164 = arith.constant 25000 : i32
      %lt3A_165 = vector.broadcast %lt3A_164 : i32 to vector<16xi32>
      %lt3A_166 = arith.cmpi slt, %sub3A_160, %lt3A_165 : vector<16xi32>
      %and3A_167 = arith.andi %ge3A_163, %lt3A_166 : vector<16xi1>
      %jit3A_168 = arith.constant 25000 : i32
      %broadcast_in_dim3A_169 = vector.broadcast %jit3A_168 : i32 to vector<16xi32>
      %select_n3A_170 = arith.select %and3A_167, %sub3A_160, %broadcast_in_dim3A_169 : vector<16xi1>, vector<16xi32>
      %swap3A_171 = arith.constant 112 : index
      %swap3A_172 = tpu.vector_load %arg12[%swap3A_171] {strides = array<i32>} : memref<128xi32, #tpu.memory_space<vmem>>, vector<16xi32>,
      %swap3A_173 = vector.shape_cast %swap3A_172 : vector<16xi32> to vector<16xi32>
      %swap3A_174 = vector.shape_cast %select_n3A_170 : vector<16xi32> to vector<16xi32>
      tpu.vector_store %arg12[%swap3A_171], %swap3A_174 {strides = array<i32>} : memref<128xi32, #tpu.memory_space<vmem>>, vector<16xi32>,
      %get3A_175 = arith.constant 0 : index
      %get3A_176 = tpu.vector_load %arg11[%get3A_175] {strides = array<i32>} : memref<128xi32, #tpu.memory_space<vmem>>, vector<16xi32>,
      %get3A_177 = vector.shape_cast %get3A_176 : vector<16xi32> to vector<16xi32>
      %sub3A_178 = vector.broadcast %mul3A_4 : i32 to vector<16xi32>
      %sub3A_179 = arith.subi %get3A_177, %sub3A_178 : vector<16xi32>
      %ge3A_180 = arith.constant 0 : i32
      %ge3A_181 = vector.broadcast %ge3A_180 : i32 to vector<16xi32>
      %ge3A_182 = arith.cmpi sge, %sub3A_179, %ge3A_181 : vector<16xi32>
      %lt3A_183 = arith.constant 25000 : i32
      %lt3A_184 = vector.broadcast %lt3A_183 : i32 to vector<16xi32>
      %lt3A_185 = arith.cmpi slt, %sub3A_179, %lt3A_184 : vector<16xi32>
      %and3A_186 = arith.andi %ge3A_182, %lt3A_185 : vector<16xi1>
      %jit3A_187 = arith.constant 25000 : i32
      %broadcast_in_dim3A_188 = vector.broadcast %jit3A_187 : i32 to vector<16xi32>
      %select_n3A_189 = arith.select %and3A_186, %sub3A_179, %broadcast_in_dim3A_188 : vector<16xi1>, vector<16xi32>
      %swap3A_190 = arith.constant 0 : index
      %swap3A_191 = tpu.vector_load %arg13[%swap3A_190] {strides = array<i32>} : memref<128xi32, #tpu.memory_space<vmem>>, vector<16xi32>,
      %swap3A_192 = vector.shape_cast %swap3A_191 : vector<16xi32> to vector<16xi32>
      %swap3A_193 = vector.shape_cast %select_n3A_189 : vector<16xi32> to vector<16xi32>
      tpu.vector_store %arg13[%swap3A_190], %swap3A_193 {strides = array<i32>} : memref<128xi32, #tpu.memory_space<vmem>>, vector<16xi32>,
      %get3A_194 = arith.constant 16 : index
      %get3A_195 = tpu.vector_load %arg11[%get3A_194] {strides = array<i32>} : memref<128xi32, #tpu.memory_space<vmem>>, vector<16xi32>,
      %get3A_196 = vector.shape_cast %get3A_195 : vector<16xi32> to vector<16xi32>
      %sub3A_197 = vector.broadcast %mul3A_4 : i32 to vector<16xi32>
      %sub3A_198 = arith.subi %get3A_196, %sub3A_197 : vector<16xi32>
      %ge3A_199 = arith.constant 0 : i32
      %ge3A_200 = vector.broadcast %ge3A_199 : i32 to vector<16xi32>
      %ge3A_201 = arith.cmpi sge, %sub3A_198, %ge3A_200 : vector<16xi32>
      %lt3A_202 = arith.constant 25000 : i32
      %lt3A_203 = vector.broadcast %lt3A_202 : i32 to vector<16xi32>
      %lt3A_204 = arith.cmpi slt, %sub3A_198, %lt3A_203 : vector<16xi32>
      %and3A_205 = arith.andi %ge3A_201, %lt3A_204 : vector<16xi1>
      %jit3A_206 = arith.constant 25000 : i32
      %broadcast_in_dim3A_207 = vector.broadcast %jit3A_206 : i32 to vector<16xi32>
      %select_n3A_208 = arith.select %and3A_205, %sub3A_198, %broadcast_in_dim3A_207 : vector<16xi1>, vector<16xi32>
      %swap3A_209 = arith.constant 16 : index
      %swap3A_210 = tpu.vector_load %arg13[%swap3A_209] {strides = array<i32>} : memref<128xi32, #tpu.memory_space<vmem>>, vector<16xi32>,
      %swap3A_211 = vector.shape_cast %swap3A_210 : vector<16xi32> to vector<16xi32>
      %swap3A_212 = vector.shape_cast %select_n3A_208 : vector<16xi32> to vector<16xi32>
      tpu.vector_store %arg13[%swap3A_209], %swap3A_212 {strides = array<i32>} : memref<128xi32, #tpu.memory_space<vmem>>, vector<16xi32>,
      %get3A_213 = arith.constant 32 : index
      %get3A_214 = tpu.vector_load %arg11[%get3A_213] {strides = array<i32>} : memref<128xi32, #tpu.memory_space<vmem>>, vector<16xi32>,
      %get3A_215 = vector.shape_cast %get3A_214 : vector<16xi32> to vector<16xi32>
      %sub3A_216 = vector.broadcast %mul3A_4 : i32 to vector<16xi32>
      %sub3A_217 = arith.subi %get3A_215, %sub3A_216 : vector<16xi32>
      %ge3A_218 = arith.constant 0 : i32
      %ge3A_219 = vector.broadcast %ge3A_218 : i32 to vector<16xi32>
      %ge3A_220 = arith.cmpi sge, %sub3A_217, %ge3A_219 : vector<16xi32>
      %lt3A_221 = arith.constant 25000 : i32
      %lt3A_222 = vector.broadcast %lt3A_221 : i32 to vector<16xi32>
      %lt3A_223 = arith.cmpi slt, %sub3A_217, %lt3A_222 : vector<16xi32>
      %and3A_224 = arith.andi %ge3A_220, %lt3A_223 : vector<16xi1>
      %jit3A_225 = arith.constant 25000 : i32
      %broadcast_in_dim3A_226 = vector.broadcast %jit3A_225 : i32 to vector<16xi32>
      %select_n3A_227 = arith.select %and3A_224, %sub3A_217, %broadcast_in_dim3A_226 : vector<16xi1>, vector<16xi32>
      %swap3A_228 = arith.constant 32 : index
      %swap3A_229 = tpu.vector_load %arg13[%swap3A_228] {strides = array<i32>} : memref<128xi32, #tpu.memory_space<vmem>>, vector<16xi32>,
      %swap3A_230 = vector.shape_cast %swap3A_229 : vector<16xi32> to vector<16xi32>
      %swap3A_231 = vector.shape_cast %select_n3A_227 : vector<16xi32> to vector<16xi32>
      tpu.vector_store %arg13[%swap3A_228], %swap3A_231 {strides = array<i32>} : memref<128xi32, #tpu.memory_space<vmem>>, vector<16xi32>,
      %get3A_232 = arith.constant 48 : index
      %get3A_233 = tpu.vector_load %arg11[%get3A_232] {strides = array<i32>} : memref<128xi32, #tpu.memory_space<vmem>>, vector<16xi32>,
      %get3A_234 = vector.shape_cast %get3A_233 : vector<16xi32> to vector<16xi32>
      %sub3A_235 = vector.broadcast %mul3A_4 : i32 to vector<16xi32>
      %sub3A_236 = arith.subi %get3A_234, %sub3A_235 : vector<16xi32>
      %ge3A_237 = arith.constant 0 : i32
      %ge3A_238 = vector.broadcast %ge3A_237 : i32 to vector<16xi32>
      %ge3A_239 = arith.cmpi sge, %sub3A_236, %ge3A_238 : vector<16xi32>
      %lt3A_240 = arith.constant 25000 : i32
      %lt3A_241 = vector.broadcast %lt3A_240 : i32 to vector<16xi32>
      %lt3A_242 = arith.cmpi slt, %sub3A_236, %lt3A_241 : vector<16xi32>
      %and3A_243 = arith.andi %ge3A_239, %lt3A_242 : vector<16xi1>
      %jit3A_244 = arith.constant 25000 : i32
      %broadcast_in_dim3A_245 = vector.broadcast %jit3A_244 : i32 to vector<16xi32>
      %select_n3A_246 = arith.select %and3A_243, %sub3A_236, %broadcast_in_dim3A_245 : vector<16xi1>, vector<16xi32>
      %swap3A_247 = arith.constant 48 : index
      %swap3A_248 = tpu.vector_load %arg13[%swap3A_247] {strides = array<i32>} : memref<128xi32, #tpu.memory_space<vmem>>, vector<16xi32>,
      %swap3A_249 = vector.shape_cast %swap3A_248 : vector<16xi32> to vector<16xi32>
      %swap3A_250 = vector.shape_cast %select_n3A_246 : vector<16xi32> to vector<16xi32>
      tpu.vector_store %arg13[%swap3A_247], %swap3A_250 {strides = array<i32>} : memref<128xi32, #tpu.memory_space<vmem>>, vector<16xi32>,
      %get3A_251 = arith.constant 64 : index
      %get3A_252 = tpu.vector_load %arg11[%get3A_251] {strides = array<i32>} : memref<128xi32, #tpu.memory_space<vmem>>, vector<16xi32>,
      %get3A_253 = vector.shape_cast %get3A_252 : vector<16xi32> to vector<16xi32>
      %sub3A_254 = vector.broadcast %mul3A_4 : i32 to vector<16xi32>
      %sub3A_255 = arith.subi %get3A_253, %sub3A_254 : vector<16xi32>
      %ge3A_256 = arith.constant 0 : i32
      %ge3A_257 = vector.broadcast %ge3A_256 : i32 to vector<16xi32>
      %ge3A_258 = arith.cmpi sge, %sub3A_255, %ge3A_257 : vector<16xi32>
      %lt3A_259 = arith.constant 25000 : i32
      %lt3A_260 = vector.broadcast %lt3A_259 : i32 to vector<16xi32>
      %lt3A_261 = arith.cmpi slt, %sub3A_255, %lt3A_260 : vector<16xi32>
      %and3A_262 = arith.andi %ge3A_258, %lt3A_261 : vector<16xi1>
      %jit3A_263 = arith.constant 25000 : i32
      %broadcast_in_dim3A_264 = vector.broadcast %jit3A_263 : i32 to vector<16xi32>
      %select_n3A_265 = arith.select %and3A_262, %sub3A_255, %broadcast_in_dim3A_264 : vector<16xi1>, vector<16xi32>
      %swap3A_266 = arith.constant 64 : index
      %swap3A_267 = tpu.vector_load %arg13[%swap3A_266] {strides = array<i32>} : memref<128xi32, #tpu.memory_space<vmem>>, vector<16xi32>,
      %swap3A_268 = vector.shape_cast %swap3A_267 : vector<16xi32> to vector<16xi32>
      %swap3A_269 = vector.shape_cast %select_n3A_265 : vector<16xi32> to vector<16xi32>
      tpu.vector_store %arg13[%swap3A_266], %swap3A_269 {strides = array<i32>} : memref<128xi32, #tpu.memory_space<vmem>>, vector<16xi32>,
      %get3A_270 = arith.constant 80 : index
      %get3A_271 = tpu.vector_load %arg11[%get3A_270] {strides = array<i32>} : memref<128xi32, #tpu.memory_space<vmem>>, vector<16xi32>,
      %get3A_272 = vector.shape_cast %get3A_271 : vector<16xi32> to vector<16xi32>
      %sub3A_273 = vector.broadcast %mul3A_4 : i32 to vector<16xi32>
      %sub3A_274 = arith.subi %get3A_272, %sub3A_273 : vector<16xi32>
      %ge3A_275 = arith.constant 0 : i32
      %ge3A_276 = vector.broadcast %ge3A_275 : i32 to vector<16xi32>
      %ge3A_277 = arith.cmpi sge, %sub3A_274, %ge3A_276 : vector<16xi32>
      %lt3A_278 = arith.constant 25000 : i32
      %lt3A_279 = vector.broadcast %lt3A_278 : i32 to vector<16xi32>
      %lt3A_280 = arith.cmpi slt, %sub3A_274, %lt3A_279 : vector<16xi32>
      %and3A_281 = arith.andi %ge3A_277, %lt3A_280 : vector<16xi1>
      %jit3A_282 = arith.constant 25000 : i32
      %broadcast_in_dim3A_283 = vector.broadcast %jit3A_282 : i32 to vector<16xi32>
      %select_n3A_284 = arith.select %and3A_281, %sub3A_274, %broadcast_in_dim3A_283 : vector<16xi1>, vector<16xi32>
      %swap3A_285 = arith.constant 80 : index
      %swap3A_286 = tpu.vector_load %arg13[%swap3A_285] {strides = array<i32>} : memref<128xi32, #tpu.memory_space<vmem>>, vector<16xi32>,
      %swap3A_287 = vector.shape_cast %swap3A_286 : vector<16xi32> to vector<16xi32>
      %swap3A_288 = vector.shape_cast %select_n3A_284 : vector<16xi32> to vector<16xi32>
      tpu.vector_store %arg13[%swap3A_285], %swap3A_288 {strides = array<i32>} : memref<128xi32, #tpu.memory_space<vmem>>, vector<16xi32>,
      %get3A_289 = arith.constant 96 : index
      %get3A_290 = tpu.vector_load %arg11[%get3A_289] {strides = array<i32>} : memref<128xi32, #tpu.memory_space<vmem>>, vector<16xi32>,
      %get3A_291 = vector.shape_cast %get3A_290 : vector<16xi32> to vector<16xi32>
      %sub3A_292 = vector.broadcast %mul3A_4 : i32 to vector<16xi32>
      %sub3A_293 = arith.subi %get3A_291, %sub3A_292 : vector<16xi32>
      %ge3A_294 = arith.constant 0 : i32
      %ge3A_295 = vector.broadcast %ge3A_294 : i32 to vector<16xi32>
      %ge3A_296 = arith.cmpi sge, %sub3A_293, %ge3A_295 : vector<16xi32>
      %lt3A_297 = arith.constant 25000 : i32
      %lt3A_298 = vector.broadcast %lt3A_297 : i32 to vector<16xi32>
      %lt3A_299 = arith.cmpi slt, %sub3A_293, %lt3A_298 : vector<16xi32>
      %and3A_300 = arith.andi %ge3A_296, %lt3A_299 : vector<16xi1>
      %jit3A_301 = arith.constant 25000 : i32
      %broadcast_in_dim3A_302 = vector.broadcast %jit3A_301 : i32 to vector<16xi32>
      %select_n3A_303 = arith.select %and3A_300, %sub3A_293, %broadcast_in_dim3A_302 : vector<16xi1>, vector<16xi32>
      %swap3A_304 = arith.constant 96 : index
      %swap3A_305 = tpu.vector_load %arg13[%swap3A_304] {strides = array<i32>} : memref<128xi32, #tpu.memory_space<vmem>>, vector<16xi32>,
      %swap3A_306 = vector.shape_cast %swap3A_305 : vector<16xi32> to vector<16xi32>
      %swap3A_307 = vector.shape_cast %select_n3A_303 : vector<16xi32> to vector<16xi32>
      tpu.vector_store %arg13[%swap3A_304], %swap3A_307 {strides = array<i32>} : memref<128xi32, #tpu.memory_space<vmem>>, vector<16xi32>,
      %get3A_308 = arith.constant 112 : index
      %get3A_309 = tpu.vector_load %arg11[%get3A_308] {strides = array<i32>} : memref<128xi32, #tpu.memory_space<vmem>>, vector<16xi32>,
      %get3A_310 = vector.shape_cast %get3A_309 : vector<16xi32> to vector<16xi32>
      %sub3A_311 = vector.broadcast %mul3A_4 : i32 to vector<16xi32>
      %sub3A_312 = arith.subi %get3A_310, %sub3A_311 : vector<16xi32>
      %ge3A_313 = arith.constant 0 : i32
      %ge3A_314 = vector.broadcast %ge3A_313 : i32 to vector<16xi32>
      %ge3A_315 = arith.cmpi sge, %sub3A_312, %ge3A_314 : vector<16xi32>
      %lt3A_316 = arith.constant 25000 : i32
      %lt3A_317 = vector.broadcast %lt3A_316 : i32 to vector<16xi32>
      %lt3A_318 = arith.cmpi slt, %sub3A_312, %lt3A_317 : vector<16xi32>
      %and3A_319 = arith.andi %ge3A_315, %lt3A_318 : vector<16xi1>
      %jit3A_320 = arith.constant 25000 : i32
      %broadcast_in_dim3A_321 = vector.broadcast %jit3A_320 : i32 to vector<16xi32>
      %select_n3A_322 = arith.select %and3A_319, %sub3A_312, %broadcast_in_dim3A_321 : vector<16xi1>, vector<16xi32>
      %swap3A_323 = arith.constant 112 : index
      %swap3A_324 = tpu.vector_load %arg13[%swap3A_323] {strides = array<i32>} : memref<128xi32, #tpu.memory_space<vmem>>, vector<16xi32>,
      %swap3A_325 = vector.shape_cast %swap3A_324 : vector<16xi32> to vector<16xi32>
      %swap3A_326 = vector.shape_cast %select_n3A_322 : vector<16xi32> to vector<16xi32>
      tpu.vector_store %arg13[%swap3A_323], %swap3A_326 {strides = array<i32>} : memref<128xi32, #tpu.memory_space<vmem>>, vector<16xi32>,
      %dma_wait3A = arith.constant 0 : i32
      %dma_wait3A_327 = arith.constant 0 : i32
      %dma_wait3A_328 = tpu.memref_slice %arg5[%dma_wait3A, %dma_wait3A_327] : memref<50000x64xf32, #tpu.memory_space<hbm>> -> memref<50000x64xf32, #tpu.memory_space<hbm>>
      tpu.wait_indirect_dma semaphore(%arg19 : memref<!tpu.dma_semaphore, #tpu.memory_space<semaphore_mem>>) src(%dma_wait3A_328 : memref<50000x64xf32, #tpu.memory_space<hbm>>) dst(%arg16 : memref<128x64xf32, #tpu.memory_space<vmem>>)
      %scan3A_329 = arith.constant 0 : i32
      %scan3A_330 = arith.constant 0 : i32
      %scan3A_331 = arith.constant 32 : i32
      %scan3A_332 = arith.addi %scan3A_330, %scan3A_331 : i32
      %scan3A_333 = arith.constant 1 : i32
      scf.for %scan3A_344 = %scan3A_330 to %scan3A_332 step %scan3A_333  : i32 {
        %mul3A_345 = arith.constant 4 : i32
        %mul3A_346 = arith.muli %scan3A_344, %mul3A_345 : i32
        %add3A_347 = arith.constant 0 : i32
        %add3A_348 = arith.addi %mul3A_346, %add3A_347 : i32
        %get3A_349 = arith.index_cast %add3A_348 : i32 to index
        %get3A_350 = arith.constant 0 : index
        %get3A_351 = tpu.vector_load %arg14[%get3A_349, %get3A_350] {strides = array<i32>} : memref<128x16xf32, #tpu.memory_space<vmem>>, vector<1x16xf32>,
        %get3A_352 = vector.shape_cast %get3A_351 : vector<1x16xf32> to vector<16xf32>
        %get3A_353 = arith.index_cast %add3A_348 : i32 to index
        %get3A_354 = arith.constant 0 : index
        %get3A_355 = tpu.vector_load %arg16[%get3A_353, %get3A_354] {strides = array<i32>} : memref<128x64xf32, #tpu.memory_space<vmem>>, vector<1x16xf32>,
        %get3A_356 = vector.shape_cast %get3A_355 : vector<1x16xf32> to vector<16xf32>
        %mul3A_357 = arith.mulf %get3A_356, %get3A_352 : vector<16xf32>
        %swap3A_358 = arith.index_cast %add3A_348 : i32 to index
        %swap3A_359 = arith.constant 0 : index
        %swap3A_360 = tpu.vector_load %arg16[%swap3A_358, %swap3A_359] {strides = array<i32>} : memref<128x64xf32, #tpu.memory_space<vmem>>, vector<1x16xf32>,
        %swap3A_361 = vector.shape_cast %swap3A_360 : vector<1x16xf32> to vector<16xf32>
        %swap3A_362 = vector.shape_cast %mul3A_357 : vector<16xf32> to vector<1x16xf32>
        tpu.vector_store %arg16[%swap3A_358, %swap3A_359], %swap3A_362 {strides = array<i32>} : memref<128x64xf32, #tpu.memory_space<vmem>>, vector<1x16xf32>,
        %get3A_363 = arith.index_cast %add3A_348 : i32 to index
        %get3A_364 = arith.constant 16 : index
        %get3A_365 = tpu.vector_load %arg16[%get3A_363, %get3A_364] {strides = array<i32>} : memref<128x64xf32, #tpu.memory_space<vmem>>, vector<1x16xf32>,
        %get3A_366 = vector.shape_cast %get3A_365 : vector<1x16xf32> to vector<16xf32>
        %mul3A_367 = arith.mulf %get3A_366, %get3A_352 : vector<16xf32>
        %swap3A_368 = arith.index_cast %add3A_348 : i32 to index
        %swap3A_369 = arith.constant 16 : index
        %swap3A_370 = tpu.vector_load %arg16[%swap3A_368, %swap3A_369] {strides = array<i32>} : memref<128x64xf32, #tpu.memory_space<vmem>>, vector<1x16xf32>,
        %swap3A_371 = vector.shape_cast %swap3A_370 : vector<1x16xf32> to vector<16xf32>
        %swap3A_372 = vector.shape_cast %mul3A_367 : vector<16xf32> to vector<1x16xf32>
        tpu.vector_store %arg16[%swap3A_368, %swap3A_369], %swap3A_372 {strides = array<i32>} : memref<128x64xf32, #tpu.memory_space<vmem>>, vector<1x16xf32>,
        %get3A_373 = arith.index_cast %add3A_348 : i32 to index
        %get3A_374 = arith.constant 32 : index
        %get3A_375 = tpu.vector_load %arg16[%get3A_373, %get3A_374] {strides = array<i32>} : memref<128x64xf32, #tpu.memory_space<vmem>>, vector<1x16xf32>,
        %get3A_376 = vector.shape_cast %get3A_375 : vector<1x16xf32> to vector<16xf32>
        %mul3A_377 = arith.mulf %get3A_376, %get3A_352 : vector<16xf32>
        %swap3A_378 = arith.index_cast %add3A_348 : i32 to index
        %swap3A_379 = arith.constant 32 : index
        %swap3A_380 = tpu.vector_load %arg16[%swap3A_378, %swap3A_379] {strides = array<i32>} : memref<128x64xf32, #tpu.memory_space<vmem>>, vector<1x16xf32>,
        %swap3A_381 = vector.shape_cast %swap3A_380 : vector<1x16xf32> to vector<16xf32>
        %swap3A_382 = vector.shape_cast %mul3A_377 : vector<16xf32> to vector<1x16xf32>
        tpu.vector_store %arg16[%swap3A_378, %swap3A_379], %swap3A_382 {strides = array<i32>} : memref<128x64xf32, #tpu.memory_space<vmem>>, vector<1x16xf32>,
        %get3A_383 = arith.index_cast %add3A_348 : i32 to index
        %get3A_384 = arith.constant 48 : index
        %get3A_385 = tpu.vector_load %arg16[%get3A_383, %get3A_384] {strides = array<i32>} : memref<128x64xf32, #tpu.memory_space<vmem>>, vector<1x16xf32>,
        %get3A_386 = vector.shape_cast %get3A_385 : vector<1x16xf32> to vector<16xf32>
        %mul3A_387 = arith.mulf %get3A_386, %get3A_352 : vector<16xf32>
        %swap3A_388 = arith.index_cast %add3A_348 : i32 to index
        %swap3A_389 = arith.constant 48 : index
        %swap3A_390 = tpu.vector_load %arg16[%swap3A_388, %swap3A_389] {strides = array<i32>} : memref<128x64xf32, #tpu.memory_space<vmem>>, vector<1x16xf32>,
        %swap3A_391 = vector.shape_cast %swap3A_390 : vector<1x16xf32> to vector<16xf32>
        %swap3A_392 = vector.shape_cast %mul3A_387 : vector<16xf32> to vector<1x16xf32>
        tpu.vector_store %arg16[%swap3A_388, %swap3A_389], %swap3A_392 {strides = array<i32>} : memref<128x64xf32, #tpu.memory_space<vmem>>, vector<1x16xf32>,
        %mul3A_393 = arith.constant 4 : i32
        %mul3A_394 = arith.muli %scan3A_344, %mul3A_393 : i32
        %add3A_395 = arith.constant 1 : i32
        %add3A_396 = arith.addi %mul3A_394, %add3A_395 : i32
        %get3A_397 = arith.index_cast %add3A_396 : i32 to index
        %get3A_398 = arith.constant 0 : index
        %get3A_399 = tpu.vector_load %arg14[%get3A_397, %get3A_398] {strides = array<i32>} : memref<128x16xf32, #tpu.memory_space<vmem>>, vector<1x16xf32>,
        %get3A_400 = vector.shape_cast %get3A_399 : vector<1x16xf32> to vector<16xf32>
        %get3A_401 = arith.index_cast %add3A_396 : i32 to index
        %get3A_402 = arith.constant 0 : index
        %get3A_403 = tpu.vector_load %arg16[%get3A_401, %get3A_402] {strides = array<i32>} : memref<128x64xf32, #tpu.memory_space<vmem>>, vector<1x16xf32>,
        %get3A_404 = vector.shape_cast %get3A_403 : vector<1x16xf32> to vector<16xf32>
        %mul3A_405 = arith.mulf %get3A_404, %get3A_400 : vector<16xf32>
        %swap3A_406 = arith.index_cast %add3A_396 : i32 to index
        %swap3A_407 = arith.constant 0 : index
        %swap3A_408 = tpu.vector_load %arg16[%swap3A_406, %swap3A_407] {strides = array<i32>} : memref<128x64xf32, #tpu.memory_space<vmem>>, vector<1x16xf32>,
        %swap3A_409 = vector.shape_cast %swap3A_408 : vector<1x16xf32> to vector<16xf32>
        %swap3A_410 = vector.shape_cast %mul3A_405 : vector<16xf32> to vector<1x16xf32>
        tpu.vector_store %arg16[%swap3A_406, %swap3A_407], %swap3A_410 {strides = array<i32>} : memref<128x64xf32, #tpu.memory_space<vmem>>, vector<1x16xf32>,
        %get3A_411 = arith.index_cast %add3A_396 : i32 to index
        %get3A_412 = arith.constant 16 : index
        %get3A_413 = tpu.vector_load %arg16[%get3A_411, %get3A_412] {strides = array<i32>} : memref<128x64xf32, #tpu.memory_space<vmem>>, vector<1x16xf32>,
        %get3A_414 = vector.shape_cast %get3A_413 : vector<1x16xf32> to vector<16xf32>
        %mul3A_415 = arith.mulf %get3A_414, %get3A_400 : vector<16xf32>
        %swap3A_416 = arith.index_cast %add3A_396 : i32 to index
        %swap3A_417 = arith.constant 16 : index
        %swap3A_418 = tpu.vector_load %arg16[%swap3A_416, %swap3A_417] {strides = array<i32>} : memref<128x64xf32, #tpu.memory_space<vmem>>, vector<1x16xf32>,
        %swap3A_419 = vector.shape_cast %swap3A_418 : vector<1x16xf32> to vector<16xf32>
        %swap3A_420 = vector.shape_cast %mul3A_415 : vector<16xf32> to vector<1x16xf32>
        tpu.vector_store %arg16[%swap3A_416, %swap3A_417], %swap3A_420 {strides = array<i32>} : memref<128x64xf32, #tpu.memory_space<vmem>>, vector<1x16xf32>,
        %get3A_421 = arith.index_cast %add3A_396 : i32 to index
        %get3A_422 = arith.constant 32 : index
        %get3A_423 = tpu.vector_load %arg16[%get3A_421, %get3A_422] {strides = array<i32>} : memref<128x64xf32, #tpu.memory_space<vmem>>, vector<1x16xf32>,
        %get3A_424 = vector.shape_cast %get3A_423 : vector<1x16xf32> to vector<16xf32>
        %mul3A_425 = arith.mulf %get3A_424, %get3A_400 : vector<16xf32>
        %swap3A_426 = arith.index_cast %add3A_396 : i32 to index
        %swap3A_427 = arith.constant 32 : index
        %swap3A_428 = tpu.vector_load %arg16[%swap3A_426, %swap3A_427] {strides = array<i32>} : memref<128x64xf32, #tpu.memory_space<vmem>>, vector<1x16xf32>,
        %swap3A_429 = vector.shape_cast %swap3A_428 : vector<1x16xf32> to vector<16xf32>
        %swap3A_430 = vector.shape_cast %mul3A_425 : vector<16xf32> to vector<1x16xf32>
        tpu.vector_store %arg16[%swap3A_426, %swap3A_427], %swap3A_430 {strides = array<i32>} : memref<128x64xf32, #tpu.memory_space<vmem>>, vector<1x16xf32>,
        %get3A_431 = arith.index_cast %add3A_396 : i32 to index
        %get3A_432 = arith.constant 48 : index
        %get3A_433 = tpu.vector_load %arg16[%get3A_431, %get3A_432] {strides = array<i32>} : memref<128x64xf32, #tpu.memory_space<vmem>>, vector<1x16xf32>,
        %get3A_434 = vector.shape_cast %get3A_433 : vector<1x16xf32> to vector<16xf32>
        %mul3A_435 = arith.mulf %get3A_434, %get3A_400 : vector<16xf32>
        %swap3A_436 = arith.index_cast %add3A_396 : i32 to index
        %swap3A_437 = arith.constant 48 : index
        %swap3A_438 = tpu.vector_load %arg16[%swap3A_436, %swap3A_437] {strides = array<i32>} : memref<128x64xf32, #tpu.memory_space<vmem>>, vector<1x16xf32>,
        %swap3A_439 = vector.shape_cast %swap3A_438 : vector<1x16xf32> to vector<16xf32>
        %swap3A_440 = vector.shape_cast %mul3A_435 : vector<16xf32> to vector<1x16xf32>
        tpu.vector_store %arg16[%swap3A_436, %swap3A_437], %swap3A_440 {strides = array<i32>} : memref<128x64xf32, #tpu.memory_space<vmem>>, vector<1x16xf32>,
        %mul3A_441 = arith.constant 4 : i32
        %mul3A_442 = arith.muli %scan3A_344, %mul3A_441 : i32
        %add3A_443 = arith.constant 2 : i32
        %add3A_444 = arith.addi %mul3A_442, %add3A_443 : i32
        %get3A_445 = arith.index_cast %add3A_444 : i32 to index
        %get3A_446 = arith.constant 0 : index
        %get3A_447 = tpu.vector_load %arg14[%get3A_445, %get3A_446] {strides = array<i32>} : memref<128x16xf32, #tpu.memory_space<vmem>>, vector<1x16xf32>,
        %get3A_448 = vector.shape_cast %get3A_447 : vector<1x16xf32> to vector<16xf32>
        %get3A_449 = arith.index_cast %add3A_444 : i32 to index
        %get3A_450 = arith.constant 0 : index
        %get3A_451 = tpu.vector_load %arg16[%get3A_449, %get3A_450] {strides = array<i32>} : memref<128x64xf32, #tpu.memory_space<vmem>>, vector<1x16xf32>,
        %get3A_452 = vector.shape_cast %get3A_451 : vector<1x16xf32> to vector<16xf32>
        %mul3A_453 = arith.mulf %get3A_452, %get3A_448 : vector<16xf32>
        %swap3A_454 = arith.index_cast %add3A_444 : i32 to index
        %swap3A_455 = arith.constant 0 : index
        %swap3A_456 = tpu.vector_load %arg16[%swap3A_454, %swap3A_455] {strides = array<i32>} : memref<128x64xf32, #tpu.memory_space<vmem>>, vector<1x16xf32>,
        %swap3A_457 = vector.shape_cast %swap3A_456 : vector<1x16xf32> to vector<16xf32>
        %swap3A_458 = vector.shape_cast %mul3A_453 : vector<16xf32> to vector<1x16xf32>
        tpu.vector_store %arg16[%swap3A_454, %swap3A_455], %swap3A_458 {strides = array<i32>} : memref<128x64xf32, #tpu.memory_space<vmem>>, vector<1x16xf32>,
        %get3A_459 = arith.index_cast %add3A_444 : i32 to index
        %get3A_460 = arith.constant 16 : index
        %get3A_461 = tpu.vector_load %arg16[%get3A_459, %get3A_460] {strides = array<i32>} : memref<128x64xf32, #tpu.memory_space<vmem>>, vector<1x16xf32>,
        %get3A_462 = vector.shape_cast %get3A_461 : vector<1x16xf32> to vector<16xf32>
        %mul3A_463 = arith.mulf %get3A_462, %get3A_448 : vector<16xf32>
        %swap3A_464 = arith.index_cast %add3A_444 : i32 to index
        %swap3A_465 = arith.constant 16 : index
        %swap3A_466 = tpu.vector_load %arg16[%swap3A_464, %swap3A_465] {strides = array<i32>} : memref<128x64xf32, #tpu.memory_space<vmem>>, vector<1x16xf32>,
        %swap3A_467 = vector.shape_cast %swap3A_466 : vector<1x16xf32> to vector<16xf32>
        %swap3A_468 = vector.shape_cast %mul3A_463 : vector<16xf32> to vector<1x16xf32>
        tpu.vector_store %arg16[%swap3A_464, %swap3A_465], %swap3A_468 {strides = array<i32>} : memref<128x64xf32, #tpu.memory_space<vmem>>, vector<1x16xf32>,
        %get3A_469 = arith.index_cast %add3A_444 : i32 to index
        %get3A_470 = arith.constant 32 : index
        %get3A_471 = tpu.vector_load %arg16[%get3A_469, %get3A_470] {strides = array<i32>} : memref<128x64xf32, #tpu.memory_space<vmem>>, vector<1x16xf32>,
        %get3A_472 = vector.shape_cast %get3A_471 : vector<1x16xf32> to vector<16xf32>
        %mul3A_473 = arith.mulf %get3A_472, %get3A_448 : vector<16xf32>
        %swap3A_474 = arith.index_cast %add3A_444 : i32 to index
        %swap3A_475 = arith.constant 32 : index
        %swap3A_476 = tpu.vector_load %arg16[%swap3A_474, %swap3A_475] {strides = array<i32>} : memref<128x64xf32, #tpu.memory_space<vmem>>, vector<1x16xf32>,
        %swap3A_477 = vector.shape_cast %swap3A_476 : vector<1x16xf32> to vector<16xf32>
        %swap3A_478 = vector.shape_cast %mul3A_473 : vector<16xf32> to vector<1x16xf32>
        tpu.vector_store %arg16[%swap3A_474, %swap3A_475], %swap3A_478 {strides = array<i32>} : memref<128x64xf32, #tpu.memory_space<vmem>>, vector<1x16xf32>,
        %get3A_479 = arith.index_cast %add3A_444 : i32 to index
        %get3A_480 = arith.constant 48 : index
        %get3A_481 = tpu.vector_load %arg16[%get3A_479, %get3A_480] {strides = array<i32>} : memref<128x64xf32, #tpu.memory_space<vmem>>, vector<1x16xf32>,
        %get3A_482 = vector.shape_cast %get3A_481 : vector<1x16xf32> to vector<16xf32>
        %mul3A_483 = arith.mulf %get3A_482, %get3A_448 : vector<16xf32>
        %swap3A_484 = arith.index_cast %add3A_444 : i32 to index
        %swap3A_485 = arith.constant 48 : index
        %swap3A_486 = tpu.vector_load %arg16[%swap3A_484, %swap3A_485] {strides = array<i32>} : memref<128x64xf32, #tpu.memory_space<vmem>>, vector<1x16xf32>,
        %swap3A_487 = vector.shape_cast %swap3A_486 : vector<1x16xf32> to vector<16xf32>
        %swap3A_488 = vector.shape_cast %mul3A_483 : vector<16xf32> to vector<1x16xf32>
        tpu.vector_store %arg16[%swap3A_484, %swap3A_485], %swap3A_488 {strides = array<i32>} : memref<128x64xf32, #tpu.memory_space<vmem>>, vector<1x16xf32>,
        %mul3A_489 = arith.constant 4 : i32
        %mul3A_490 = arith.muli %scan3A_344, %mul3A_489 : i32
        %add3A_491 = arith.constant 3 : i32
        %add3A_492 = arith.addi %mul3A_490, %add3A_491 : i32
        %get3A_493 = arith.index_cast %add3A_492 : i32 to index
        %get3A_494 = arith.constant 0 : index
        %get3A_495 = tpu.vector_load %arg14[%get3A_493, %get3A_494] {strides = array<i32>} : memref<128x16xf32, #tpu.memory_space<vmem>>, vector<1x16xf32>,
        %get3A_496 = vector.shape_cast %get3A_495 : vector<1x16xf32> to vector<16xf32>
        %get3A_497 = arith.index_cast %add3A_492 : i32 to index
        %get3A_498 = arith.constant 0 : index
        %get3A_499 = tpu.vector_load %arg16[%get3A_497, %get3A_498] {strides = array<i32>} : memref<128x64xf32, #tpu.memory_space<vmem>>, vector<1x16xf32>,
        %get3A_500 = vector.shape_cast %get3A_499 : vector<1x16xf32> to vector<16xf32>
        %mul3A_501 = arith.mulf %get3A_500, %get3A_496 : vector<16xf32>
        %swap3A_502 = arith.index_cast %add3A_492 : i32 to index
        %swap3A_503 = arith.constant 0 : index
        %swap3A_504 = tpu.vector_load %arg16[%swap3A_502, %swap3A_503] {strides = array<i32>} : memref<128x64xf32, #tpu.memory_space<vmem>>, vector<1x16xf32>,
        %swap3A_505 = vector.shape_cast %swap3A_504 : vector<1x16xf32> to vector<16xf32>
        %swap3A_506 = vector.shape_cast %mul3A_501 : vector<16xf32> to vector<1x16xf32>
        tpu.vector_store %arg16[%swap3A_502, %swap3A_503], %swap3A_506 {strides = array<i32>} : memref<128x64xf32, #tpu.memory_space<vmem>>, vector<1x16xf32>,
        %get3A_507 = arith.index_cast %add3A_492 : i32 to index
        %get3A_508 = arith.constant 16 : index
        %get3A_509 = tpu.vector_load %arg16[%get3A_507, %get3A_508] {strides = array<i32>} : memref<128x64xf32, #tpu.memory_space<vmem>>, vector<1x16xf32>,
        %get3A_510 = vector.shape_cast %get3A_509 : vector<1x16xf32> to vector<16xf32>
        %mul3A_511 = arith.mulf %get3A_510, %get3A_496 : vector<16xf32>
        %swap3A_512 = arith.index_cast %add3A_492 : i32 to index
        %swap3A_513 = arith.constant 16 : index
        %swap3A_514 = tpu.vector_load %arg16[%swap3A_512, %swap3A_513] {strides = array<i32>} : memref<128x64xf32, #tpu.memory_space<vmem>>, vector<1x16xf32>,
        %swap3A_515 = vector.shape_cast %swap3A_514 : vector<1x16xf32> to vector<16xf32>
        %swap3A_516 = vector.shape_cast %mul3A_511 : vector<16xf32> to vector<1x16xf32>
        tpu.vector_store %arg16[%swap3A_512, %swap3A_513], %swap3A_516 {strides = array<i32>} : memref<128x64xf32, #tpu.memory_space<vmem>>, vector<1x16xf32>,
        %get3A_517 = arith.index_cast %add3A_492 : i32 to index
        %get3A_518 = arith.constant 32 : index
        %get3A_519 = tpu.vector_load %arg16[%get3A_517, %get3A_518] {strides = array<i32>} : memref<128x64xf32, #tpu.memory_space<vmem>>, vector<1x16xf32>,
        %get3A_520 = vector.shape_cast %get3A_519 : vector<1x16xf32> to vector<16xf32>
        %mul3A_521 = arith.mulf %get3A_520, %get3A_496 : vector<16xf32>
        %swap3A_522 = arith.index_cast %add3A_492 : i32 to index
        %swap3A_523 = arith.constant 32 : index
        %swap3A_524 = tpu.vector_load %arg16[%swap3A_522, %swap3A_523] {strides = array<i32>} : memref<128x64xf32, #tpu.memory_space<vmem>>, vector<1x16xf32>,
        %swap3A_525 = vector.shape_cast %swap3A_524 : vector<1x16xf32> to vector<16xf32>
        %swap3A_526 = vector.shape_cast %mul3A_521 : vector<16xf32> to vector<1x16xf32>
        tpu.vector_store %arg16[%swap3A_522, %swap3A_523], %swap3A_526 {strides = array<i32>} : memref<128x64xf32, #tpu.memory_space<vmem>>, vector<1x16xf32>,
        %get3A_527 = arith.index_cast %add3A_492 : i32 to index
        %get3A_528 = arith.constant 48 : index
        %get3A_529 = tpu.vector_load %arg16[%get3A_527, %get3A_528] {strides = array<i32>} : memref<128x64xf32, #tpu.memory_space<vmem>>, vector<1x16xf32>,
        %get3A_530 = vector.shape_cast %get3A_529 : vector<1x16xf32> to vector<16xf32>
        %mul3A_531 = arith.mulf %get3A_530, %get3A_496 : vector<16xf32>
        %swap3A_532 = arith.index_cast %add3A_492 : i32 to index
        %swap3A_533 = arith.constant 48 : index
        %swap3A_534 = tpu.vector_load %arg16[%swap3A_532, %swap3A_533] {strides = array<i32>} : memref<128x64xf32, #tpu.memory_space<vmem>>, vector<1x16xf32>,
        %swap3A_535 = vector.shape_cast %swap3A_534 : vector<1x16xf32> to vector<16xf32>
        %swap3A_536 = vector.shape_cast %mul3A_531 : vector<16xf32> to vector<1x16xf32>
        tpu.vector_store %arg16[%swap3A_532, %swap3A_533], %swap3A_536 {strides = array<i32>} : memref<128x64xf32, #tpu.memory_space<vmem>>, vector<1x16xf32>,
      }
      %scan3A_334 = arith.constant 32 : i32
      "tpu.region"() ({
        %run_scoped3A = tpu.sem_alloc : memref<!tpu.dma_semaphore, #tpu.memory_space<semaphore_mem>>
        %dma_start3A_344 = arith.constant 0 : i32
        %dma_start3A_345 = arith.constant 0 : i32
        %dma_start3A_346 = tpu.memref_slice %arg18[%dma_start3A_344, %dma_start3A_345] : memref<25088x64xf32, #tpu.memory_space<vmem_shared>> -> memref<25088x64xf32, #tpu.memory_space<vmem_shared>>
        tpu.enqueue_indirect_dma source(%arg16 : memref<128x64xf32, #tpu.memory_space<vmem>>) target(%dma_start3A_346 : memref<25088x64xf32, #tpu.memory_space<vmem_shared>>) offsets(%arg12 : memref<128xi32, #tpu.memory_space<vmem>>) semaphore(%run_scoped3A : memref<!tpu.dma_semaphore, #tpu.memory_space<semaphore_mem>>) {add = true}
        %dma_wait3A_347 = arith.constant 0 : i32
        %dma_wait3A_348 = arith.constant 0 : i32
        %dma_wait3A_349 = tpu.memref_slice %arg18[%dma_wait3A_347, %dma_wait3A_348] : memref<25088x64xf32, #tpu.memory_space<vmem_shared>> -> memref<25088x64xf32, #tpu.memory_space<vmem_shared>>
        tpu.wait_indirect_dma semaphore(%run_scoped3A : memref<!tpu.dma_semaphore, #tpu.memory_space<semaphore_mem>>) src(%arg16 : memref<128x64xf32, #tpu.memory_space<vmem>>) dst(%dma_wait3A_349 : memref<25088x64xf32, #tpu.memory_space<vmem_shared>>)
        tpu.yield
      }) : () -> ()
      %dma_wait3A_335 = arith.constant 0 : i32
      %dma_wait3A_336 = arith.constant 0 : i32
      %dma_wait3A_337 = tpu.memref_slice %arg5[%dma_wait3A_335, %dma_wait3A_336] : memref<50000x64xf32, #tpu.memory_space<hbm>> -> memref<50000x64xf32, #tpu.memory_space<hbm>>
      tpu.wait_indirect_dma semaphore(%arg20 : memref<!tpu.dma_semaphore, #tpu.memory_space<semaphore_mem>>) src(%dma_wait3A_337 : memref<50000x64xf32, #tpu.memory_space<hbm>>) dst(%arg17 : memref<128x64xf32, #tpu.memory_space<vmem>>)
      %scan3A_338 = arith.constant 0 : i32
      %scan3A_339 = arith.constant 0 : i32
      %scan3A_340 = arith.constant 32 : i32
      %scan3A_341 = arith.addi %scan3A_339, %scan3A_340 : i32
      %scan3A_342 = arith.constant 1 : i32
      scf.for %scan3A_344 = %scan3A_339 to %scan3A_341 step %scan3A_342  : i32 {
        %mul3A_345 = arith.constant 4 : i32
        %mul3A_346 = arith.muli %scan3A_344, %mul3A_345 : i32
        %add3A_347 = arith.constant 0 : i32
        %add3A_348 = arith.addi %mul3A_346, %add3A_347 : i32
        %get3A_349 = arith.index_cast %add3A_348 : i32 to index
        %get3A_350 = arith.constant 0 : index
        %get3A_351 = tpu.vector_load %arg15[%get3A_349, %get3A_350] {strides = array<i32>} : memref<128x16xf32, #tpu.memory_space<vmem>>, vector<1x16xf32>,
        %get3A_352 = vector.shape_cast %get3A_351 : vector<1x16xf32> to vector<16xf32>
        %get3A_353 = arith.index_cast %add3A_348 : i32 to index
        %get3A_354 = arith.constant 0 : index
        %get3A_355 = tpu.vector_load %arg17[%get3A_353, %get3A_354] {strides = array<i32>} : memref<128x64xf32, #tpu.memory_space<vmem>>, vector<1x16xf32>,
        %get3A_356 = vector.shape_cast %get3A_355 : vector<1x16xf32> to vector<16xf32>
        %mul3A_357 = arith.mulf %get3A_356, %get3A_352 : vector<16xf32>
        %swap3A_358 = arith.index_cast %add3A_348 : i32 to index
        %swap3A_359 = arith.constant 0 : index
        %swap3A_360 = tpu.vector_load %arg17[%swap3A_358, %swap3A_359] {strides = array<i32>} : memref<128x64xf32, #tpu.memory_space<vmem>>, vector<1x16xf32>,
        %swap3A_361 = vector.shape_cast %swap3A_360 : vector<1x16xf32> to vector<16xf32>
        %swap3A_362 = vector.shape_cast %mul3A_357 : vector<16xf32> to vector<1x16xf32>
        tpu.vector_store %arg17[%swap3A_358, %swap3A_359], %swap3A_362 {strides = array<i32>} : memref<128x64xf32, #tpu.memory_space<vmem>>, vector<1x16xf32>,
        %get3A_363 = arith.index_cast %add3A_348 : i32 to index
        %get3A_364 = arith.constant 16 : index
        %get3A_365 = tpu.vector_load %arg17[%get3A_363, %get3A_364] {strides = array<i32>} : memref<128x64xf32, #tpu.memory_space<vmem>>, vector<1x16xf32>,
        %get3A_366 = vector.shape_cast %get3A_365 : vector<1x16xf32> to vector<16xf32>
        %mul3A_367 = arith.mulf %get3A_366, %get3A_352 : vector<16xf32>
        %swap3A_368 = arith.index_cast %add3A_348 : i32 to index
        %swap3A_369 = arith.constant 16 : index
        %swap3A_370 = tpu.vector_load %arg17[%swap3A_368, %swap3A_369] {strides = array<i32>} : memref<128x64xf32, #tpu.memory_space<vmem>>, vector<1x16xf32>,
        %swap3A_371 = vector.shape_cast %swap3A_370 : vector<1x16xf32> to vector<16xf32>
        %swap3A_372 = vector.shape_cast %mul3A_367 : vector<16xf32> to vector<1x16xf32>
        tpu.vector_store %arg17[%swap3A_368, %swap3A_369], %swap3A_372 {strides = array<i32>} : memref<128x64xf32, #tpu.memory_space<vmem>>, vector<1x16xf32>,
        %get3A_373 = arith.index_cast %add3A_348 : i32 to index
        %get3A_374 = arith.constant 32 : index
        %get3A_375 = tpu.vector_load %arg17[%get3A_373, %get3A_374] {strides = array<i32>} : memref<128x64xf32, #tpu.memory_space<vmem>>, vector<1x16xf32>,
        %get3A_376 = vector.shape_cast %get3A_375 : vector<1x16xf32> to vector<16xf32>
        %mul3A_377 = arith.mulf %get3A_376, %get3A_352 : vector<16xf32>
        %swap3A_378 = arith.index_cast %add3A_348 : i32 to index
        %swap3A_379 = arith.constant 32 : index
        %swap3A_380 = tpu.vector_load %arg17[%swap3A_378, %swap3A_379] {strides = array<i32>} : memref<128x64xf32, #tpu.memory_space<vmem>>, vector<1x16xf32>,
        %swap3A_381 = vector.shape_cast %swap3A_380 : vector<1x16xf32> to vector<16xf32>
        %swap3A_382 = vector.shape_cast %mul3A_377 : vector<16xf32> to vector<1x16xf32>
        tpu.vector_store %arg17[%swap3A_378, %swap3A_379], %swap3A_382 {strides = array<i32>} : memref<128x64xf32, #tpu.memory_space<vmem>>, vector<1x16xf32>,
        %get3A_383 = arith.index_cast %add3A_348 : i32 to index
        %get3A_384 = arith.constant 48 : index
        %get3A_385 = tpu.vector_load %arg17[%get3A_383, %get3A_384] {strides = array<i32>} : memref<128x64xf32, #tpu.memory_space<vmem>>, vector<1x16xf32>,
        %get3A_386 = vector.shape_cast %get3A_385 : vector<1x16xf32> to vector<16xf32>
        %mul3A_387 = arith.mulf %get3A_386, %get3A_352 : vector<16xf32>
        %swap3A_388 = arith.index_cast %add3A_348 : i32 to index
        %swap3A_389 = arith.constant 48 : index
        %swap3A_390 = tpu.vector_load %arg17[%swap3A_388, %swap3A_389] {strides = array<i32>} : memref<128x64xf32, #tpu.memory_space<vmem>>, vector<1x16xf32>,
        %swap3A_391 = vector.shape_cast %swap3A_390 : vector<1x16xf32> to vector<16xf32>
        %swap3A_392 = vector.shape_cast %mul3A_387 : vector<16xf32> to vector<1x16xf32>
        tpu.vector_store %arg17[%swap3A_388, %swap3A_389], %swap3A_392 {strides = array<i32>} : memref<128x64xf32, #tpu.memory_space<vmem>>, vector<1x16xf32>,
        %mul3A_393 = arith.constant 4 : i32
        %mul3A_394 = arith.muli %scan3A_344, %mul3A_393 : i32
        %add3A_395 = arith.constant 1 : i32
        %add3A_396 = arith.addi %mul3A_394, %add3A_395 : i32
        %get3A_397 = arith.index_cast %add3A_396 : i32 to index
        %get3A_398 = arith.constant 0 : index
        %get3A_399 = tpu.vector_load %arg15[%get3A_397, %get3A_398] {strides = array<i32>} : memref<128x16xf32, #tpu.memory_space<vmem>>, vector<1x16xf32>,
        %get3A_400 = vector.shape_cast %get3A_399 : vector<1x16xf32> to vector<16xf32>
        %get3A_401 = arith.index_cast %add3A_396 : i32 to index
        %get3A_402 = arith.constant 0 : index
        %get3A_403 = tpu.vector_load %arg17[%get3A_401, %get3A_402] {strides = array<i32>} : memref<128x64xf32, #tpu.memory_space<vmem>>, vector<1x16xf32>,
        %get3A_404 = vector.shape_cast %get3A_403 : vector<1x16xf32> to vector<16xf32>
        %mul3A_405 = arith.mulf %get3A_404, %get3A_400 : vector<16xf32>
        %swap3A_406 = arith.index_cast %add3A_396 : i32 to index
        %swap3A_407 = arith.constant 0 : index
        %swap3A_408 = tpu.vector_load %arg17[%swap3A_406, %swap3A_407] {strides = array<i32>} : memref<128x64xf32, #tpu.memory_space<vmem>>, vector<1x16xf32>,
        %swap3A_409 = vector.shape_cast %swap3A_408 : vector<1x16xf32> to vector<16xf32>
        %swap3A_410 = vector.shape_cast %mul3A_405 : vector<16xf32> to vector<1x16xf32>
        tpu.vector_store %arg17[%swap3A_406, %swap3A_407], %swap3A_410 {strides = array<i32>} : memref<128x64xf32, #tpu.memory_space<vmem>>, vector<1x16xf32>,
        %get3A_411 = arith.index_cast %add3A_396 : i32 to index
        %get3A_412 = arith.constant 16 : index
        %get3A_413 = tpu.vector_load %arg17[%get3A_411, %get3A_412] {strides = array<i32>} : memref<128x64xf32, #tpu.memory_space<vmem>>, vector<1x16xf32>,
        %get3A_414 = vector.shape_cast %get3A_413 : vector<1x16xf32> to vector<16xf32>
        %mul3A_415 = arith.mulf %get3A_414, %get3A_400 : vector<16xf32>
        %swap3A_416 = arith.index_cast %add3A_396 : i32 to index
        %swap3A_417 = arith.constant 16 : index
        %swap3A_418 = tpu.vector_load %arg17[%swap3A_416, %swap3A_417] {strides = array<i32>} : memref<128x64xf32, #tpu.memory_space<vmem>>, vector<1x16xf32>,
        %swap3A_419 = vector.shape_cast %swap3A_418 : vector<1x16xf32> to vector<16xf32>
        %swap3A_420 = vector.shape_cast %mul3A_415 : vector<16xf32> to vector<1x16xf32>
        tpu.vector_store %arg17[%swap3A_416, %swap3A_417], %swap3A_420 {strides = array<i32>} : memref<128x64xf32, #tpu.memory_space<vmem>>, vector<1x16xf32>,
        %get3A_421 = arith.index_cast %add3A_396 : i32 to index
        %get3A_422 = arith.constant 32 : index
        %get3A_423 = tpu.vector_load %arg17[%get3A_421, %get3A_422] {strides = array<i32>} : memref<128x64xf32, #tpu.memory_space<vmem>>, vector<1x16xf32>,
        %get3A_424 = vector.shape_cast %get3A_423 : vector<1x16xf32> to vector<16xf32>
        %mul3A_425 = arith.mulf %get3A_424, %get3A_400 : vector<16xf32>
        %swap3A_426 = arith.index_cast %add3A_396 : i32 to index
        %swap3A_427 = arith.constant 32 : index
        %swap3A_428 = tpu.vector_load %arg17[%swap3A_426, %swap3A_427] {strides = array<i32>} : memref<128x64xf32, #tpu.memory_space<vmem>>, vector<1x16xf32>,
        %swap3A_429 = vector.shape_cast %swap3A_428 : vector<1x16xf32> to vector<16xf32>
        %swap3A_430 = vector.shape_cast %mul3A_425 : vector<16xf32> to vector<1x16xf32>
        tpu.vector_store %arg17[%swap3A_426, %swap3A_427], %swap3A_430 {strides = array<i32>} : memref<128x64xf32, #tpu.memory_space<vmem>>, vector<1x16xf32>,
        %get3A_431 = arith.index_cast %add3A_396 : i32 to index
        %get3A_432 = arith.constant 48 : index
        %get3A_433 = tpu.vector_load %arg17[%get3A_431, %get3A_432] {strides = array<i32>} : memref<128x64xf32, #tpu.memory_space<vmem>>, vector<1x16xf32>,
        %get3A_434 = vector.shape_cast %get3A_433 : vector<1x16xf32> to vector<16xf32>
        %mul3A_435 = arith.mulf %get3A_434, %get3A_400 : vector<16xf32>
        %swap3A_436 = arith.index_cast %add3A_396 : i32 to index
        %swap3A_437 = arith.constant 48 : index
        %swap3A_438 = tpu.vector_load %arg17[%swap3A_436, %swap3A_437] {strides = array<i32>} : memref<128x64xf32, #tpu.memory_space<vmem>>, vector<1x16xf32>,
        %swap3A_439 = vector.shape_cast %swap3A_438 : vector<1x16xf32> to vector<16xf32>
        %swap3A_440 = vector.shape_cast %mul3A_435 : vector<16xf32> to vector<1x16xf32>
        tpu.vector_store %arg17[%swap3A_436, %swap3A_437], %swap3A_440 {strides = array<i32>} : memref<128x64xf32, #tpu.memory_space<vmem>>, vector<1x16xf32>,
        %mul3A_441 = arith.constant 4 : i32
        %mul3A_442 = arith.muli %scan3A_344, %mul3A_441 : i32
        %add3A_443 = arith.constant 2 : i32
        %add3A_444 = arith.addi %mul3A_442, %add3A_443 : i32
        %get3A_445 = arith.index_cast %add3A_444 : i32 to index
        %get3A_446 = arith.constant 0 : index
        %get3A_447 = tpu.vector_load %arg15[%get3A_445, %get3A_446] {strides = array<i32>} : memref<128x16xf32, #tpu.memory_space<vmem>>, vector<1x16xf32>,
        %get3A_448 = vector.shape_cast %get3A_447 : vector<1x16xf32> to vector<16xf32>
        %get3A_449 = arith.index_cast %add3A_444 : i32 to index
        %get3A_450 = arith.constant 0 : index
        %get3A_451 = tpu.vector_load %arg17[%get3A_449, %get3A_450] {strides = array<i32>} : memref<128x64xf32, #tpu.memory_space<vmem>>, vector<1x16xf32>,
        %get3A_452 = vector.shape_cast %get3A_451 : vector<1x16xf32> to vector<16xf32>
        %mul3A_453 = arith.mulf %get3A_452, %get3A_448 : vector<16xf32>
        %swap3A_454 = arith.index_cast %add3A_444 : i32 to index
        %swap3A_455 = arith.constant 0 : index
        %swap3A_456 = tpu.vector_load %arg17[%swap3A_454, %swap3A_455] {strides = array<i32>} : memref<128x64xf32, #tpu.memory_space<vmem>>, vector<1x16xf32>,
        %swap3A_457 = vector.shape_cast %swap3A_456 : vector<1x16xf32> to vector<16xf32>
        %swap3A_458 = vector.shape_cast %mul3A_453 : vector<16xf32> to vector<1x16xf32>
        tpu.vector_store %arg17[%swap3A_454, %swap3A_455], %swap3A_458 {strides = array<i32>} : memref<128x64xf32, #tpu.memory_space<vmem>>, vector<1x16xf32>,
        %get3A_459 = arith.index_cast %add3A_444 : i32 to index
        %get3A_460 = arith.constant 16 : index
        %get3A_461 = tpu.vector_load %arg17[%get3A_459, %get3A_460] {strides = array<i32>} : memref<128x64xf32, #tpu.memory_space<vmem>>, vector<1x16xf32>,
        %get3A_462 = vector.shape_cast %get3A_461 : vector<1x16xf32> to vector<16xf32>
        %mul3A_463 = arith.mulf %get3A_462, %get3A_448 : vector<16xf32>
        %swap3A_464 = arith.index_cast %add3A_444 : i32 to index
        %swap3A_465 = arith.constant 16 : index
        %swap3A_466 = tpu.vector_load %arg17[%swap3A_464, %swap3A_465] {strides = array<i32>} : memref<128x64xf32, #tpu.memory_space<vmem>>, vector<1x16xf32>,
        %swap3A_467 = vector.shape_cast %swap3A_466 : vector<1x16xf32> to vector<16xf32>
        %swap3A_468 = vector.shape_cast %mul3A_463 : vector<16xf32> to vector<1x16xf32>
        tpu.vector_store %arg17[%swap3A_464, %swap3A_465], %swap3A_468 {strides = array<i32>} : memref<128x64xf32, #tpu.memory_space<vmem>>, vector<1x16xf32>,
        %get3A_469 = arith.index_cast %add3A_444 : i32 to index
        %get3A_470 = arith.constant 32 : index
        %get3A_471 = tpu.vector_load %arg17[%get3A_469, %get3A_470] {strides = array<i32>} : memref<128x64xf32, #tpu.memory_space<vmem>>, vector<1x16xf32>,
        %get3A_472 = vector.shape_cast %get3A_471 : vector<1x16xf32> to vector<16xf32>
        %mul3A_473 = arith.mulf %get3A_472, %get3A_448 : vector<16xf32>
        %swap3A_474 = arith.index_cast %add3A_444 : i32 to index
        %swap3A_475 = arith.constant 32 : index
        %swap3A_476 = tpu.vector_load %arg17[%swap3A_474, %swap3A_475] {strides = array<i32>} : memref<128x64xf32, #tpu.memory_space<vmem>>, vector<1x16xf32>,
        %swap3A_477 = vector.shape_cast %swap3A_476 : vector<1x16xf32> to vector<16xf32>
        %swap3A_478 = vector.shape_cast %mul3A_473 : vector<16xf32> to vector<1x16xf32>
        tpu.vector_store %arg17[%swap3A_474, %swap3A_475], %swap3A_478 {strides = array<i32>} : memref<128x64xf32, #tpu.memory_space<vmem>>, vector<1x16xf32>,
        %get3A_479 = arith.index_cast %add3A_444 : i32 to index
        %get3A_480 = arith.constant 48 : index
        %get3A_481 = tpu.vector_load %arg17[%get3A_479, %get3A_480] {strides = array<i32>} : memref<128x64xf32, #tpu.memory_space<vmem>>, vector<1x16xf32>,
        %get3A_482 = vector.shape_cast %get3A_481 : vector<1x16xf32> to vector<16xf32>
        %mul3A_483 = arith.mulf %get3A_482, %get3A_448 : vector<16xf32>
        %swap3A_484 = arith.index_cast %add3A_444 : i32 to index
        %swap3A_485 = arith.constant 48 : index
        %swap3A_486 = tpu.vector_load %arg17[%swap3A_484, %swap3A_485] {strides = array<i32>} : memref<128x64xf32, #tpu.memory_space<vmem>>, vector<1x16xf32>,
        %swap3A_487 = vector.shape_cast %swap3A_486 : vector<1x16xf32> to vector<16xf32>
        %swap3A_488 = vector.shape_cast %mul3A_483 : vector<16xf32> to vector<1x16xf32>
        tpu.vector_store %arg17[%swap3A_484, %swap3A_485], %swap3A_488 {strides = array<i32>} : memref<128x64xf32, #tpu.memory_space<vmem>>, vector<1x16xf32>,
        %mul3A_489 = arith.constant 4 : i32
        %mul3A_490 = arith.muli %scan3A_344, %mul3A_489 : i32
        %add3A_491 = arith.constant 3 : i32
        %add3A_492 = arith.addi %mul3A_490, %add3A_491 : i32
        %get3A_493 = arith.index_cast %add3A_492 : i32 to index
        %get3A_494 = arith.constant 0 : index
        %get3A_495 = tpu.vector_load %arg15[%get3A_493, %get3A_494] {strides = array<i32>} : memref<128x16xf32, #tpu.memory_space<vmem>>, vector<1x16xf32>,
        %get3A_496 = vector.shape_cast %get3A_495 : vector<1x16xf32> to vector<16xf32>
        %get3A_497 = arith.index_cast %add3A_492 : i32 to index
        %get3A_498 = arith.constant 0 : index
        %get3A_499 = tpu.vector_load %arg17[%get3A_497, %get3A_498] {strides = array<i32>} : memref<128x64xf32, #tpu.memory_space<vmem>>, vector<1x16xf32>,
        %get3A_500 = vector.shape_cast %get3A_499 : vector<1x16xf32> to vector<16xf32>
        %mul3A_501 = arith.mulf %get3A_500, %get3A_496 : vector<16xf32>
        %swap3A_502 = arith.index_cast %add3A_492 : i32 to index
        %swap3A_503 = arith.constant 0 : index
        %swap3A_504 = tpu.vector_load %arg17[%swap3A_502, %swap3A_503] {strides = array<i32>} : memref<128x64xf32, #tpu.memory_space<vmem>>, vector<1x16xf32>,
        %swap3A_505 = vector.shape_cast %swap3A_504 : vector<1x16xf32> to vector<16xf32>
        %swap3A_506 = vector.shape_cast %mul3A_501 : vector<16xf32> to vector<1x16xf32>
        tpu.vector_store %arg17[%swap3A_502, %swap3A_503], %swap3A_506 {strides = array<i32>} : memref<128x64xf32, #tpu.memory_space<vmem>>, vector<1x16xf32>,
        %get3A_507 = arith.index_cast %add3A_492 : i32 to index
        %get3A_508 = arith.constant 16 : index
        %get3A_509 = tpu.vector_load %arg17[%get3A_507, %get3A_508] {strides = array<i32>} : memref<128x64xf32, #tpu.memory_space<vmem>>, vector<1x16xf32>,
        %get3A_510 = vector.shape_cast %get3A_509 : vector<1x16xf32> to vector<16xf32>
        %mul3A_511 = arith.mulf %get3A_510, %get3A_496 : vector<16xf32>
        %swap3A_512 = arith.index_cast %add3A_492 : i32 to index
        %swap3A_513 = arith.constant 16 : index
        %swap3A_514 = tpu.vector_load %arg17[%swap3A_512, %swap3A_513] {strides = array<i32>} : memref<128x64xf32, #tpu.memory_space<vmem>>, vector<1x16xf32>,
        %swap3A_515 = vector.shape_cast %swap3A_514 : vector<1x16xf32> to vector<16xf32>
        %swap3A_516 = vector.shape_cast %mul3A_511 : vector<16xf32> to vector<1x16xf32>
        tpu.vector_store %arg17[%swap3A_512, %swap3A_513], %swap3A_516 {strides = array<i32>} : memref<128x64xf32, #tpu.memory_space<vmem>>, vector<1x16xf32>,
        %get3A_517 = arith.index_cast %add3A_492 : i32 to index
        %get3A_518 = arith.constant 32 : index
        %get3A_519 = tpu.vector_load %arg17[%get3A_517, %get3A_518] {strides = array<i32>} : memref<128x64xf32, #tpu.memory_space<vmem>>, vector<1x16xf32>,
        %get3A_520 = vector.shape_cast %get3A_519 : vector<1x16xf32> to vector<16xf32>
        %mul3A_521 = arith.mulf %get3A_520, %get3A_496 : vector<16xf32>
        %swap3A_522 = arith.index_cast %add3A_492 : i32 to index
        %swap3A_523 = arith.constant 32 : index
        %swap3A_524 = tpu.vector_load %arg17[%swap3A_522, %swap3A_523] {strides = array<i32>} : memref<128x64xf32, #tpu.memory_space<vmem>>, vector<1x16xf32>,
        %swap3A_525 = vector.shape_cast %swap3A_524 : vector<1x16xf32> to vector<16xf32>
        %swap3A_526 = vector.shape_cast %mul3A_521 : vector<16xf32> to vector<1x16xf32>
        tpu.vector_store %arg17[%swap3A_522, %swap3A_523], %swap3A_526 {strides = array<i32>} : memref<128x64xf32, #tpu.memory_space<vmem>>, vector<1x16xf32>,
        %get3A_527 = arith.index_cast %add3A_492 : i32 to index
        %get3A_528 = arith.constant 48 : index
        %get3A_529 = tpu.vector_load %arg17[%get3A_527, %get3A_528] {strides = array<i32>} : memref<128x64xf32, #tpu.memory_space<vmem>>, vector<1x16xf32>,
        %get3A_530 = vector.shape_cast %get3A_529 : vector<1x16xf32> to vector<16xf32>
        %mul3A_531 = arith.mulf %get3A_530, %get3A_496 : vector<16xf32>
        %swap3A_532 = arith.index_cast %add3A_492 : i32 to index
        %swap3A_533 = arith.constant 48 : index
        %swap3A_534 = tpu.vector_load %arg17[%swap3A_532, %swap3A_533] {strides = array<i32>} : memref<128x64xf32, #tpu.memory_space<vmem>>, vector<1x16xf32>,
        %swap3A_535 = vector.shape_cast %swap3A_534 : vector<1x16xf32> to vector<16xf32>
        %swap3A_536 = vector.shape_cast %mul3A_531 : vector<16xf32> to vector<1x16xf32>
        tpu.vector_store %arg17[%swap3A_532, %swap3A_533], %swap3A_536 {strides = array<i32>} : memref<128x64xf32, #tpu.memory_space<vmem>>, vector<1x16xf32>,
      }
      %scan3A_343 = arith.constant 32 : i32
      "tpu.region"() ({
        %run_scoped3A = tpu.sem_alloc : memref<!tpu.dma_semaphore, #tpu.memory_space<semaphore_mem>>
        %dma_start3A_344 = arith.constant 0 : i32
        %dma_start3A_345 = arith.constant 0 : i32
        %dma_start3A_346 = tpu.memref_slice %arg18[%dma_start3A_344, %dma_start3A_345] : memref<25088x64xf32, #tpu.memory_space<vmem_shared>> -> memref<25088x64xf32, #tpu.memory_space<vmem_shared>>
        tpu.enqueue_indirect_dma source(%arg17 : memref<128x64xf32, #tpu.memory_space<vmem>>) target(%dma_start3A_346 : memref<25088x64xf32, #tpu.memory_space<vmem_shared>>) offsets(%arg13 : memref<128xi32, #tpu.memory_space<vmem>>) semaphore(%run_scoped3A : memref<!tpu.dma_semaphore, #tpu.memory_space<semaphore_mem>>) {add = true}
        %dma_wait3A_347 = arith.constant 0 : i32
        %dma_wait3A_348 = arith.constant 0 : i32
        %dma_wait3A_349 = tpu.memref_slice %arg18[%dma_wait3A_347, %dma_wait3A_348] : memref<25088x64xf32, #tpu.memory_space<vmem_shared>> -> memref<25088x64xf32, #tpu.memory_space<vmem_shared>>
        tpu.wait_indirect_dma semaphore(%run_scoped3A : memref<!tpu.dma_semaphore, #tpu.memory_space<semaphore_mem>>) src(%arg17 : memref<128x64xf32, #tpu.memory_space<vmem>>) dst(%dma_wait3A_349 : memref<25088x64xf32, #tpu.memory_space<vmem_shared>>)
        tpu.yield
      }) : () -> ()
    }
    %scan3A_11 = arith.constant 196 : i32
    %barrier3A_12 = arith.constant 0 : index
    tpu.barrier barrier_id(%barrier3A_12)
    %mul3A_13 = arith.constant 1568 : i32
    %mul3A_14 = arith.muli %arg1, %mul3A_13 : i32
    %mul3A_15 = arith.constant 25088 : i32
    %mul3A_16 = arith.muli %arg0, %mul3A_15 : i32
    %mul3A_17 = arith.constant 1568 : i32
    %mul3A_18 = arith.muli %arg1, %mul3A_17 : i32
    %add3A = arith.addi %mul3A_16, %mul3A_18 : i32
    "tpu.region"() ({
      %run_scoped3A = tpu.sem_alloc : memref<!tpu.dma_semaphore, #tpu.memory_space<semaphore_mem>>
      %dma_start3A = arith.constant 0 : i32
      %dma_start3A_19 = tpu.memref_slice %arg7[%add3A, %dma_start3A] : memref<50176x64xf32, #tpu.memory_space<hbm>> -> memref<1568x64xf32, #tpu.memory_space<hbm>>
      %dma_start3A_20 = arith.constant 0 : i32
      %dma_start3A_21 = tpu.memref_slice %arg18[%mul3A_14, %dma_start3A_20] : memref<25088x64xf32, #tpu.memory_space<vmem_shared>> -> memref<1568x64xf32, #tpu.memory_space<vmem_shared>>
      tpu.enqueue_dma source(%dma_start3A_21 : memref<1568x64xf32, #tpu.memory_space<vmem_shared>>) target(%dma_start3A_19 : memref<1568x64xf32, #tpu.memory_space<hbm>>) target_semaphore(%run_scoped3A : memref<!tpu.dma_semaphore, #tpu.memory_space<semaphore_mem>>)
      %dma_wait3A = arith.constant 0 : i32
      %dma_wait3A_22 = tpu.memref_slice %arg7[%add3A, %dma_wait3A] : memref<50176x64xf32, #tpu.memory_space<hbm>> -> memref<1568x64xf32, #tpu.memory_space<hbm>>
      %dma_wait3A_23 = arith.constant 0 : i32
      %dma_wait3A_24 = tpu.memref_slice %arg18[%mul3A_14, %dma_wait3A_23] : memref<25088x64xf32, #tpu.memory_space<vmem_shared>> -> memref<1568x64xf32, #tpu.memory_space<vmem_shared>>
      tpu.wait_dma2 semaphore(%run_scoped3A : memref<!tpu.dma_semaphore, #tpu.memory_space<semaphore_mem>>) src(%dma_wait3A_24 : memref<1568x64xf32, #tpu.memory_space<vmem_shared>>) dst(%dma_wait3A_22 : memref<1568x64xf32, #tpu.memory_space<hbm>>)
      tpu.yield
    }) : () -> ()
    return
  }
}

#map = affine_map<(d0, d1) -> (0)>
#map1 = affine_map<(d0, d1) -> (0, 0)>
module attributes {stable_mosaic.version = 14 : i64} {
  func.func @body(%arg0: i32, %arg1: i32, %arg2: memref<253952xi32, #tpu.memory_space<hbm>>, %arg3: memref<253952xi32, #tpu.memory_space<hbm>>, %arg4: memref<10000x80xf32, #tpu.memory_space<hbm>>, %arg5: memref<12544x80xf32, #tpu.memory_space<hbm>>, %arg6: memref<25088x80xf32, #tpu.memory_space<hbm>>, %arg7: memref<128xi32, #tpu.memory_space<vmem>>, %arg8: memref<128xi32, #tpu.memory_space<vmem>>, %arg9: memref<128xi32, #tpu.memory_space<vmem>>, %arg10: memref<128xi32, #tpu.memory_space<vmem>>, %arg11: memref<128xi32, #tpu.memory_space<vmem>>, %arg12: memref<128xi32, #tpu.memory_space<vmem>>, %arg13: memref<128x16xf32, #tpu.memory_space<vmem>>, %arg14: memref<128x16xf32, #tpu.memory_space<vmem>>, %arg15: memref<128x80xf32, #tpu.memory_space<vmem>>, %arg16: memref<128x80xf32, #tpu.memory_space<vmem>>, %arg17: memref<12544x80xf32, #tpu.memory_space<vmem_shared>>, %arg18: memref<!tpu.dma_semaphore, #tpu.memory_space<semaphore_mem>>, %arg19: memref<!tpu.dma_semaphore, #tpu.memory_space<semaphore_mem>>) attributes {dimension_semantics = [#tpu.dimension_semantics<core_parallel>, #tpu.dimension_semantics<subcore_parallel>], iteration_bounds = array<i64: 2, 16>, scalar_prefetch = 0 : i64, scratch_operands = 13 : i64, tpu.core_type = #tpu.core_type<sc_vector_subcore>, window_params = [{transform_indices = #map}, {transform_indices = #map}, {transform_indices = #map1}, {transform_indices = #map1}, {transform_indices = #map1}]} {
    %mul3A = arith.constant 784 : i32
    %mul3A_0 = arith.muli %arg1, %mul3A : i32
    %mul3A_1 = arith.constant 784 : i32
    %mul3A_2 = arith.muli %arg1, %mul3A_1 : i32
    "tpu.region"() ({
      %run_scoped3A = tpu.sem_alloc : memref<!tpu.dma_semaphore, #tpu.memory_space<semaphore_mem>>
      %dma_start3A = arith.constant 0 : i32
      %dma_start3A_19 = tpu.memref_slice %arg17[%mul3A_2, %dma_start3A] : memref<12544x80xf32, #tpu.memory_space<vmem_shared>> -> memref<784x80xf32, #tpu.memory_space<vmem_shared>>
      %dma_start3A_20 = arith.constant 0 : i32
      %dma_start3A_21 = tpu.memref_slice %arg5[%mul3A_0, %dma_start3A_20] : memref<12544x80xf32, #tpu.memory_space<hbm>> -> memref<784x80xf32, #tpu.memory_space<hbm>>
      tpu.enqueue_dma source(%dma_start3A_21 : memref<784x80xf32, #tpu.memory_space<hbm>>) target(%dma_start3A_19 : memref<784x80xf32, #tpu.memory_space<vmem_shared>>) target_semaphore(%run_scoped3A : memref<!tpu.dma_semaphore, #tpu.memory_space<semaphore_mem>>)
      %dma_wait3A = arith.constant 0 : i32
      %dma_wait3A_22 = tpu.memref_slice %arg17[%mul3A_2, %dma_wait3A] : memref<12544x80xf32, #tpu.memory_space<vmem_shared>> -> memref<784x80xf32, #tpu.memory_space<vmem_shared>>
      %dma_wait3A_23 = arith.constant 0 : i32
      %dma_wait3A_24 = tpu.memref_slice %arg5[%mul3A_0, %dma_wait3A_23] : memref<12544x80xf32, #tpu.memory_space<hbm>> -> memref<784x80xf32, #tpu.memory_space<hbm>>
      tpu.wait_dma2 semaphore(%run_scoped3A : memref<!tpu.dma_semaphore, #tpu.memory_space<semaphore_mem>>) src(%dma_wait3A_24 : memref<784x80xf32, #tpu.memory_space<hbm>>) dst(%dma_wait3A_22 : memref<784x80xf32, #tpu.memory_space<vmem_shared>>)
      tpu.yield
    }) : () -> ()
    %barrier3A = arith.constant 0 : index
    tpu.barrier barrier_id(%barrier3A)
    %mul3A_3 = arith.constant 12500 : i32
    %mul3A_4 = arith.muli %arg0, %mul3A_3 : i32
    %mul3A_5 = arith.constant 15872 : i32
    %mul3A_6 = arith.muli %arg1, %mul3A_5 : i32
    %scan3A = arith.constant 0 : i32
    %scan3A_7 = arith.constant 0 : i32
    %scan3A_8 = arith.constant 62 : i32
    %scan3A_9 = arith.addi %scan3A_7, %scan3A_8 : i32
    %scan3A_10 = arith.constant 1 : i32
    scf.for %scan3A_19 = %scan3A_7 to %scan3A_9 step %scan3A_10  : i32 {
      %mul3A_20 = arith.constant 2 : i32
      %mul3A_21 = arith.muli %mul3A_20, %scan3A_19 : i32
      %mul3A_22 = arith.constant 128 : i32
      %mul3A_23 = arith.muli %mul3A_21, %mul3A_22 : i32
      %add3A_24 = arith.addi %mul3A_6, %mul3A_23 : i32
      %add3A_25 = arith.constant 128 : i32
      %add3A_26 = arith.addi %add3A_24, %add3A_25 : i32
      "tpu.region"() ({
        %run_scoped3A = tpu.sem_alloc : memref<!tpu.dma_semaphore, #tpu.memory_space<semaphore_mem>>
        %dma_start3A_332 = tpu.memref_slice %arg2[%add3A_24] : memref<253952xi32, #tpu.memory_space<hbm>> -> memref<128xi32, #tpu.memory_space<hbm>>
        %dma_start3A_333 = tpu.memref_slice %arg2[%add3A_24] : memref<253952xi32, #tpu.memory_space<hbm>> -> memref<128xi32, #tpu.memory_space<hbm>>
        tpu.enqueue_dma source(%dma_start3A_333 : memref<128xi32, #tpu.memory_space<hbm>>) target(%arg7 : memref<128xi32, #tpu.memory_space<vmem>>) target_semaphore(%run_scoped3A : memref<!tpu.dma_semaphore, #tpu.memory_space<semaphore_mem>>)
        %dma_wait3A_334 = tpu.memref_slice %arg2[%add3A_24] : memref<253952xi32, #tpu.memory_space<hbm>> -> memref<128xi32, #tpu.memory_space<hbm>>
        %dma_wait3A_335 = tpu.memref_slice %arg2[%add3A_24] : memref<253952xi32, #tpu.memory_space<hbm>> -> memref<128xi32, #tpu.memory_space<hbm>>
        tpu.wait_dma2 semaphore(%run_scoped3A : memref<!tpu.dma_semaphore, #tpu.memory_space<semaphore_mem>>) src(%dma_wait3A_335 : memref<128xi32, #tpu.memory_space<hbm>>) dst(%arg7 : memref<128xi32, #tpu.memory_space<vmem>>)
        tpu.yield
      }) : () -> ()
      "tpu.region"() ({
        %run_scoped3A = tpu.sem_alloc : memref<!tpu.dma_semaphore, #tpu.memory_space<semaphore_mem>>
        %dma_start3A_332 = tpu.memref_slice %arg3[%add3A_24] : memref<253952xi32, #tpu.memory_space<hbm>> -> memref<128xi32, #tpu.memory_space<hbm>>
        %dma_start3A_333 = tpu.memref_slice %arg3[%add3A_24] : memref<253952xi32, #tpu.memory_space<hbm>> -> memref<128xi32, #tpu.memory_space<hbm>>
        tpu.enqueue_dma source(%dma_start3A_333 : memref<128xi32, #tpu.memory_space<hbm>>) target(%arg9 : memref<128xi32, #tpu.memory_space<vmem>>) target_semaphore(%run_scoped3A : memref<!tpu.dma_semaphore, #tpu.memory_space<semaphore_mem>>)
        %dma_wait3A_334 = tpu.memref_slice %arg3[%add3A_24] : memref<253952xi32, #tpu.memory_space<hbm>> -> memref<128xi32, #tpu.memory_space<hbm>>
        %dma_wait3A_335 = tpu.memref_slice %arg3[%add3A_24] : memref<253952xi32, #tpu.memory_space<hbm>> -> memref<128xi32, #tpu.memory_space<hbm>>
        tpu.wait_dma2 semaphore(%run_scoped3A : memref<!tpu.dma_semaphore, #tpu.memory_space<semaphore_mem>>) src(%dma_wait3A_335 : memref<128xi32, #tpu.memory_space<hbm>>) dst(%arg9 : memref<128xi32, #tpu.memory_space<vmem>>)
        tpu.yield
      }) : () -> ()
      %dma_start3A = arith.constant 0 : i32
      %dma_start3A_27 = arith.constant 0 : i32
      %dma_start3A_28 = tpu.memref_slice %arg4[%dma_start3A, %dma_start3A_27] : memref<10000x80xf32, #tpu.memory_space<hbm>> -> memref<10000x80xf32, #tpu.memory_space<hbm>>
      tpu.enqueue_indirect_dma source(%dma_start3A_28 : memref<10000x80xf32, #tpu.memory_space<hbm>>) target(%arg15 : memref<128x80xf32, #tpu.memory_space<vmem>>) offsets(%arg7 : memref<128xi32, #tpu.memory_space<vmem>>) semaphore(%arg18 : memref<!tpu.dma_semaphore, #tpu.memory_space<semaphore_mem>>)
      "tpu.region"() ({
        %run_scoped3A = tpu.sem_alloc : memref<!tpu.dma_semaphore, #tpu.memory_space<semaphore_mem>>
        %dma_start3A_332 = tpu.memref_slice %arg2[%add3A_26] : memref<253952xi32, #tpu.memory_space<hbm>> -> memref<128xi32, #tpu.memory_space<hbm>>
        %dma_start3A_333 = tpu.memref_slice %arg2[%add3A_26] : memref<253952xi32, #tpu.memory_space<hbm>> -> memref<128xi32, #tpu.memory_space<hbm>>
        tpu.enqueue_dma source(%dma_start3A_333 : memref<128xi32, #tpu.memory_space<hbm>>) target(%arg8 : memref<128xi32, #tpu.memory_space<vmem>>) target_semaphore(%run_scoped3A : memref<!tpu.dma_semaphore, #tpu.memory_space<semaphore_mem>>)
        %dma_wait3A_334 = tpu.memref_slice %arg2[%add3A_26] : memref<253952xi32, #tpu.memory_space<hbm>> -> memref<128xi32, #tpu.memory_space<hbm>>
        %dma_wait3A_335 = tpu.memref_slice %arg2[%add3A_26] : memref<253952xi32, #tpu.memory_space<hbm>> -> memref<128xi32, #tpu.memory_space<hbm>>
        tpu.wait_dma2 semaphore(%run_scoped3A : memref<!tpu.dma_semaphore, #tpu.memory_space<semaphore_mem>>) src(%dma_wait3A_335 : memref<128xi32, #tpu.memory_space<hbm>>) dst(%arg8 : memref<128xi32, #tpu.memory_space<vmem>>)
        tpu.yield
      }) : () -> ()
      "tpu.region"() ({
        %run_scoped3A = tpu.sem_alloc : memref<!tpu.dma_semaphore, #tpu.memory_space<semaphore_mem>>
        %dma_start3A_332 = tpu.memref_slice %arg3[%add3A_26] : memref<253952xi32, #tpu.memory_space<hbm>> -> memref<128xi32, #tpu.memory_space<hbm>>
        %dma_start3A_333 = tpu.memref_slice %arg3[%add3A_26] : memref<253952xi32, #tpu.memory_space<hbm>> -> memref<128xi32, #tpu.memory_space<hbm>>
        tpu.enqueue_dma source(%dma_start3A_333 : memref<128xi32, #tpu.memory_space<hbm>>) target(%arg10 : memref<128xi32, #tpu.memory_space<vmem>>) target_semaphore(%run_scoped3A : memref<!tpu.dma_semaphore, #tpu.memory_space<semaphore_mem>>)
        %dma_wait3A_334 = tpu.memref_slice %arg3[%add3A_26] : memref<253952xi32, #tpu.memory_space<hbm>> -> memref<128xi32, #tpu.memory_space<hbm>>
        %dma_wait3A_335 = tpu.memref_slice %arg3[%add3A_26] : memref<253952xi32, #tpu.memory_space<hbm>> -> memref<128xi32, #tpu.memory_space<hbm>>
        tpu.wait_dma2 semaphore(%run_scoped3A : memref<!tpu.dma_semaphore, #tpu.memory_space<semaphore_mem>>) src(%dma_wait3A_335 : memref<128xi32, #tpu.memory_space<hbm>>) dst(%arg10 : memref<128xi32, #tpu.memory_space<vmem>>)
        tpu.yield
      }) : () -> ()
      %dma_start3A_29 = arith.constant 0 : i32
      %dma_start3A_30 = arith.constant 0 : i32
      %dma_start3A_31 = tpu.memref_slice %arg4[%dma_start3A_29, %dma_start3A_30] : memref<10000x80xf32, #tpu.memory_space<hbm>> -> memref<10000x80xf32, #tpu.memory_space<hbm>>
      tpu.enqueue_indirect_dma source(%dma_start3A_31 : memref<10000x80xf32, #tpu.memory_space<hbm>>) target(%arg16 : memref<128x80xf32, #tpu.memory_space<vmem>>) offsets(%arg8 : memref<128xi32, #tpu.memory_space<vmem>>) semaphore(%arg19 : memref<!tpu.dma_semaphore, #tpu.memory_space<semaphore_mem>>)
      %get3A = arith.constant 0 : index
      %get3A_32 = tpu.vector_load %arg9[%get3A] {strides = array<i32>} : memref<128xi32, #tpu.memory_space<vmem>>, vector<16xi32>,
      %get3A_33 = vector.shape_cast %get3A_32 : vector<16xi32> to vector<16xi32>
      %sub3A = vector.broadcast %mul3A_4 : i32 to vector<16xi32>
      %sub3A_34 = arith.subi %get3A_33, %sub3A : vector<16xi32>
      %ge3A = arith.constant 0 : i32
      %ge3A_35 = vector.broadcast %ge3A : i32 to vector<16xi32>
      %ge3A_36 = arith.cmpi sge, %sub3A_34, %ge3A_35 : vector<16xi32>
      %lt3A = arith.constant 12500 : i32
      %lt3A_37 = vector.broadcast %lt3A : i32 to vector<16xi32>
      %lt3A_38 = arith.cmpi slt, %sub3A_34, %lt3A_37 : vector<16xi32>
      %and3A = arith.andi %ge3A_36, %lt3A_38 : vector<16xi1>
      %jit3A = arith.constant 12500 : i32
      %broadcast_in_dim3A = vector.broadcast %jit3A : i32 to vector<16xi32>
      %select_n3A = arith.select %and3A, %sub3A_34, %broadcast_in_dim3A : vector<16xi1>, vector<16xi32>
      %swap3A = arith.constant 0 : index
      %swap3A_39 = tpu.vector_load %arg11[%swap3A] {strides = array<i32>} : memref<128xi32, #tpu.memory_space<vmem>>, vector<16xi32>,
      %swap3A_40 = vector.shape_cast %swap3A_39 : vector<16xi32> to vector<16xi32>
      %swap3A_41 = vector.shape_cast %select_n3A : vector<16xi32> to vector<16xi32>
      tpu.vector_store %arg11[%swap3A], %swap3A_41 {strides = array<i32>} : memref<128xi32, #tpu.memory_space<vmem>>, vector<16xi32>,
      %get3A_42 = arith.constant 16 : index
      %get3A_43 = tpu.vector_load %arg9[%get3A_42] {strides = array<i32>} : memref<128xi32, #tpu.memory_space<vmem>>, vector<16xi32>,
      %get3A_44 = vector.shape_cast %get3A_43 : vector<16xi32> to vector<16xi32>
      %sub3A_45 = vector.broadcast %mul3A_4 : i32 to vector<16xi32>
      %sub3A_46 = arith.subi %get3A_44, %sub3A_45 : vector<16xi32>
      %ge3A_47 = arith.constant 0 : i32
      %ge3A_48 = vector.broadcast %ge3A_47 : i32 to vector<16xi32>
      %ge3A_49 = arith.cmpi sge, %sub3A_46, %ge3A_48 : vector<16xi32>
      %lt3A_50 = arith.constant 12500 : i32
      %lt3A_51 = vector.broadcast %lt3A_50 : i32 to vector<16xi32>
      %lt3A_52 = arith.cmpi slt, %sub3A_46, %lt3A_51 : vector<16xi32>
      %and3A_53 = arith.andi %ge3A_49, %lt3A_52 : vector<16xi1>
      %jit3A_54 = arith.constant 12500 : i32
      %broadcast_in_dim3A_55 = vector.broadcast %jit3A_54 : i32 to vector<16xi32>
      %select_n3A_56 = arith.select %and3A_53, %sub3A_46, %broadcast_in_dim3A_55 : vector<16xi1>, vector<16xi32>
      %swap3A_57 = arith.constant 16 : index
      %swap3A_58 = tpu.vector_load %arg11[%swap3A_57] {strides = array<i32>} : memref<128xi32, #tpu.memory_space<vmem>>, vector<16xi32>,
      %swap3A_59 = vector.shape_cast %swap3A_58 : vector<16xi32> to vector<16xi32>
      %swap3A_60 = vector.shape_cast %select_n3A_56 : vector<16xi32> to vector<16xi32>
      tpu.vector_store %arg11[%swap3A_57], %swap3A_60 {strides = array<i32>} : memref<128xi32, #tpu.memory_space<vmem>>, vector<16xi32>,
      %get3A_61 = arith.constant 32 : index
      %get3A_62 = tpu.vector_load %arg9[%get3A_61] {strides = array<i32>} : memref<128xi32, #tpu.memory_space<vmem>>, vector<16xi32>,
      %get3A_63 = vector.shape_cast %get3A_62 : vector<16xi32> to vector<16xi32>
      %sub3A_64 = vector.broadcast %mul3A_4 : i32 to vector<16xi32>
      %sub3A_65 = arith.subi %get3A_63, %sub3A_64 : vector<16xi32>
      %ge3A_66 = arith.constant 0 : i32
      %ge3A_67 = vector.broadcast %ge3A_66 : i32 to vector<16xi32>
      %ge3A_68 = arith.cmpi sge, %sub3A_65, %ge3A_67 : vector<16xi32>
      %lt3A_69 = arith.constant 12500 : i32
      %lt3A_70 = vector.broadcast %lt3A_69 : i32 to vector<16xi32>
      %lt3A_71 = arith.cmpi slt, %sub3A_65, %lt3A_70 : vector<16xi32>
      %and3A_72 = arith.andi %ge3A_68, %lt3A_71 : vector<16xi1>
      %jit3A_73 = arith.constant 12500 : i32
      %broadcast_in_dim3A_74 = vector.broadcast %jit3A_73 : i32 to vector<16xi32>
      %select_n3A_75 = arith.select %and3A_72, %sub3A_65, %broadcast_in_dim3A_74 : vector<16xi1>, vector<16xi32>
      %swap3A_76 = arith.constant 32 : index
      %swap3A_77 = tpu.vector_load %arg11[%swap3A_76] {strides = array<i32>} : memref<128xi32, #tpu.memory_space<vmem>>, vector<16xi32>,
      %swap3A_78 = vector.shape_cast %swap3A_77 : vector<16xi32> to vector<16xi32>
      %swap3A_79 = vector.shape_cast %select_n3A_75 : vector<16xi32> to vector<16xi32>
      tpu.vector_store %arg11[%swap3A_76], %swap3A_79 {strides = array<i32>} : memref<128xi32, #tpu.memory_space<vmem>>, vector<16xi32>,
      %get3A_80 = arith.constant 48 : index
      %get3A_81 = tpu.vector_load %arg9[%get3A_80] {strides = array<i32>} : memref<128xi32, #tpu.memory_space<vmem>>, vector<16xi32>,
      %get3A_82 = vector.shape_cast %get3A_81 : vector<16xi32> to vector<16xi32>
      %sub3A_83 = vector.broadcast %mul3A_4 : i32 to vector<16xi32>
      %sub3A_84 = arith.subi %get3A_82, %sub3A_83 : vector<16xi32>
      %ge3A_85 = arith.constant 0 : i32
      %ge3A_86 = vector.broadcast %ge3A_85 : i32 to vector<16xi32>
      %ge3A_87 = arith.cmpi sge, %sub3A_84, %ge3A_86 : vector<16xi32>
      %lt3A_88 = arith.constant 12500 : i32
      %lt3A_89 = vector.broadcast %lt3A_88 : i32 to vector<16xi32>
      %lt3A_90 = arith.cmpi slt, %sub3A_84, %lt3A_89 : vector<16xi32>
      %and3A_91 = arith.andi %ge3A_87, %lt3A_90 : vector<16xi1>
      %jit3A_92 = arith.constant 12500 : i32
      %broadcast_in_dim3A_93 = vector.broadcast %jit3A_92 : i32 to vector<16xi32>
      %select_n3A_94 = arith.select %and3A_91, %sub3A_84, %broadcast_in_dim3A_93 : vector<16xi1>, vector<16xi32>
      %swap3A_95 = arith.constant 48 : index
      %swap3A_96 = tpu.vector_load %arg11[%swap3A_95] {strides = array<i32>} : memref<128xi32, #tpu.memory_space<vmem>>, vector<16xi32>,
      %swap3A_97 = vector.shape_cast %swap3A_96 : vector<16xi32> to vector<16xi32>
      %swap3A_98 = vector.shape_cast %select_n3A_94 : vector<16xi32> to vector<16xi32>
      tpu.vector_store %arg11[%swap3A_95], %swap3A_98 {strides = array<i32>} : memref<128xi32, #tpu.memory_space<vmem>>, vector<16xi32>,
      %get3A_99 = arith.constant 64 : index
      %get3A_100 = tpu.vector_load %arg9[%get3A_99] {strides = array<i32>} : memref<128xi32, #tpu.memory_space<vmem>>, vector<16xi32>,
      %get3A_101 = vector.shape_cast %get3A_100 : vector<16xi32> to vector<16xi32>
      %sub3A_102 = vector.broadcast %mul3A_4 : i32 to vector<16xi32>
      %sub3A_103 = arith.subi %get3A_101, %sub3A_102 : vector<16xi32>
      %ge3A_104 = arith.constant 0 : i32
      %ge3A_105 = vector.broadcast %ge3A_104 : i32 to vector<16xi32>
      %ge3A_106 = arith.cmpi sge, %sub3A_103, %ge3A_105 : vector<16xi32>
      %lt3A_107 = arith.constant 12500 : i32
      %lt3A_108 = vector.broadcast %lt3A_107 : i32 to vector<16xi32>
      %lt3A_109 = arith.cmpi slt, %sub3A_103, %lt3A_108 : vector<16xi32>
      %and3A_110 = arith.andi %ge3A_106, %lt3A_109 : vector<16xi1>
      %jit3A_111 = arith.constant 12500 : i32
      %broadcast_in_dim3A_112 = vector.broadcast %jit3A_111 : i32 to vector<16xi32>
      %select_n3A_113 = arith.select %and3A_110, %sub3A_103, %broadcast_in_dim3A_112 : vector<16xi1>, vector<16xi32>
      %swap3A_114 = arith.constant 64 : index
      %swap3A_115 = tpu.vector_load %arg11[%swap3A_114] {strides = array<i32>} : memref<128xi32, #tpu.memory_space<vmem>>, vector<16xi32>,
      %swap3A_116 = vector.shape_cast %swap3A_115 : vector<16xi32> to vector<16xi32>
      %swap3A_117 = vector.shape_cast %select_n3A_113 : vector<16xi32> to vector<16xi32>
      tpu.vector_store %arg11[%swap3A_114], %swap3A_117 {strides = array<i32>} : memref<128xi32, #tpu.memory_space<vmem>>, vector<16xi32>,
      %get3A_118 = arith.constant 80 : index
      %get3A_119 = tpu.vector_load %arg9[%get3A_118] {strides = array<i32>} : memref<128xi32, #tpu.memory_space<vmem>>, vector<16xi32>,
      %get3A_120 = vector.shape_cast %get3A_119 : vector<16xi32> to vector<16xi32>
      %sub3A_121 = vector.broadcast %mul3A_4 : i32 to vector<16xi32>
      %sub3A_122 = arith.subi %get3A_120, %sub3A_121 : vector<16xi32>
      %ge3A_123 = arith.constant 0 : i32
      %ge3A_124 = vector.broadcast %ge3A_123 : i32 to vector<16xi32>
      %ge3A_125 = arith.cmpi sge, %sub3A_122, %ge3A_124 : vector<16xi32>
      %lt3A_126 = arith.constant 12500 : i32
      %lt3A_127 = vector.broadcast %lt3A_126 : i32 to vector<16xi32>
      %lt3A_128 = arith.cmpi slt, %sub3A_122, %lt3A_127 : vector<16xi32>
      %and3A_129 = arith.andi %ge3A_125, %lt3A_128 : vector<16xi1>
      %jit3A_130 = arith.constant 12500 : i32
      %broadcast_in_dim3A_131 = vector.broadcast %jit3A_130 : i32 to vector<16xi32>
      %select_n3A_132 = arith.select %and3A_129, %sub3A_122, %broadcast_in_dim3A_131 : vector<16xi1>, vector<16xi32>
      %swap3A_133 = arith.constant 80 : index
      %swap3A_134 = tpu.vector_load %arg11[%swap3A_133] {strides = array<i32>} : memref<128xi32, #tpu.memory_space<vmem>>, vector<16xi32>,
      %swap3A_135 = vector.shape_cast %swap3A_134 : vector<16xi32> to vector<16xi32>
      %swap3A_136 = vector.shape_cast %select_n3A_132 : vector<16xi32> to vector<16xi32>
      tpu.vector_store %arg11[%swap3A_133], %swap3A_136 {strides = array<i32>} : memref<128xi32, #tpu.memory_space<vmem>>, vector<16xi32>,
      %get3A_137 = arith.constant 96 : index
      %get3A_138 = tpu.vector_load %arg9[%get3A_137] {strides = array<i32>} : memref<128xi32, #tpu.memory_space<vmem>>, vector<16xi32>,
      %get3A_139 = vector.shape_cast %get3A_138 : vector<16xi32> to vector<16xi32>
      %sub3A_140 = vector.broadcast %mul3A_4 : i32 to vector<16xi32>
      %sub3A_141 = arith.subi %get3A_139, %sub3A_140 : vector<16xi32>
      %ge3A_142 = arith.constant 0 : i32
      %ge3A_143 = vector.broadcast %ge3A_142 : i32 to vector<16xi32>
      %ge3A_144 = arith.cmpi sge, %sub3A_141, %ge3A_143 : vector<16xi32>
      %lt3A_145 = arith.constant 12500 : i32
      %lt3A_146 = vector.broadcast %lt3A_145 : i32 to vector<16xi32>
      %lt3A_147 = arith.cmpi slt, %sub3A_141, %lt3A_146 : vector<16xi32>
      %and3A_148 = arith.andi %ge3A_144, %lt3A_147 : vector<16xi1>
      %jit3A_149 = arith.constant 12500 : i32
      %broadcast_in_dim3A_150 = vector.broadcast %jit3A_149 : i32 to vector<16xi32>
      %select_n3A_151 = arith.select %and3A_148, %sub3A_141, %broadcast_in_dim3A_150 : vector<16xi1>, vector<16xi32>
      %swap3A_152 = arith.constant 96 : index
      %swap3A_153 = tpu.vector_load %arg11[%swap3A_152] {strides = array<i32>} : memref<128xi32, #tpu.memory_space<vmem>>, vector<16xi32>,
      %swap3A_154 = vector.shape_cast %swap3A_153 : vector<16xi32> to vector<16xi32>
      %swap3A_155 = vector.shape_cast %select_n3A_151 : vector<16xi32> to vector<16xi32>
      tpu.vector_store %arg11[%swap3A_152], %swap3A_155 {strides = array<i32>} : memref<128xi32, #tpu.memory_space<vmem>>, vector<16xi32>,
      %get3A_156 = arith.constant 112 : index
      %get3A_157 = tpu.vector_load %arg9[%get3A_156] {strides = array<i32>} : memref<128xi32, #tpu.memory_space<vmem>>, vector<16xi32>,
      %get3A_158 = vector.shape_cast %get3A_157 : vector<16xi32> to vector<16xi32>
      %sub3A_159 = vector.broadcast %mul3A_4 : i32 to vector<16xi32>
      %sub3A_160 = arith.subi %get3A_158, %sub3A_159 : vector<16xi32>
      %ge3A_161 = arith.constant 0 : i32
      %ge3A_162 = vector.broadcast %ge3A_161 : i32 to vector<16xi32>
      %ge3A_163 = arith.cmpi sge, %sub3A_160, %ge3A_162 : vector<16xi32>
      %lt3A_164 = arith.constant 12500 : i32
      %lt3A_165 = vector.broadcast %lt3A_164 : i32 to vector<16xi32>
      %lt3A_166 = arith.cmpi slt, %sub3A_160, %lt3A_165 : vector<16xi32>
      %and3A_167 = arith.andi %ge3A_163, %lt3A_166 : vector<16xi1>
      %jit3A_168 = arith.constant 12500 : i32
      %broadcast_in_dim3A_169 = vector.broadcast %jit3A_168 : i32 to vector<16xi32>
      %select_n3A_170 = arith.select %and3A_167, %sub3A_160, %broadcast_in_dim3A_169 : vector<16xi1>, vector<16xi32>
      %swap3A_171 = arith.constant 112 : index
      %swap3A_172 = tpu.vector_load %arg11[%swap3A_171] {strides = array<i32>} : memref<128xi32, #tpu.memory_space<vmem>>, vector<16xi32>,
      %swap3A_173 = vector.shape_cast %swap3A_172 : vector<16xi32> to vector<16xi32>
      %swap3A_174 = vector.shape_cast %select_n3A_170 : vector<16xi32> to vector<16xi32>
      tpu.vector_store %arg11[%swap3A_171], %swap3A_174 {strides = array<i32>} : memref<128xi32, #tpu.memory_space<vmem>>, vector<16xi32>,
      %get3A_175 = arith.constant 0 : index
      %get3A_176 = tpu.vector_load %arg10[%get3A_175] {strides = array<i32>} : memref<128xi32, #tpu.memory_space<vmem>>, vector<16xi32>,
      %get3A_177 = vector.shape_cast %get3A_176 : vector<16xi32> to vector<16xi32>
      %sub3A_178 = vector.broadcast %mul3A_4 : i32 to vector<16xi32>
      %sub3A_179 = arith.subi %get3A_177, %sub3A_178 : vector<16xi32>
      %ge3A_180 = arith.constant 0 : i32
      %ge3A_181 = vector.broadcast %ge3A_180 : i32 to vector<16xi32>
      %ge3A_182 = arith.cmpi sge, %sub3A_179, %ge3A_181 : vector<16xi32>
      %lt3A_183 = arith.constant 12500 : i32
      %lt3A_184 = vector.broadcast %lt3A_183 : i32 to vector<16xi32>
      %lt3A_185 = arith.cmpi slt, %sub3A_179, %lt3A_184 : vector<16xi32>
      %and3A_186 = arith.andi %ge3A_182, %lt3A_185 : vector<16xi1>
      %jit3A_187 = arith.constant 12500 : i32
      %broadcast_in_dim3A_188 = vector.broadcast %jit3A_187 : i32 to vector<16xi32>
      %select_n3A_189 = arith.select %and3A_186, %sub3A_179, %broadcast_in_dim3A_188 : vector<16xi1>, vector<16xi32>
      %swap3A_190 = arith.constant 0 : index
      %swap3A_191 = tpu.vector_load %arg12[%swap3A_190] {strides = array<i32>} : memref<128xi32, #tpu.memory_space<vmem>>, vector<16xi32>,
      %swap3A_192 = vector.shape_cast %swap3A_191 : vector<16xi32> to vector<16xi32>
      %swap3A_193 = vector.shape_cast %select_n3A_189 : vector<16xi32> to vector<16xi32>
      tpu.vector_store %arg12[%swap3A_190], %swap3A_193 {strides = array<i32>} : memref<128xi32, #tpu.memory_space<vmem>>, vector<16xi32>,
      %get3A_194 = arith.constant 16 : index
      %get3A_195 = tpu.vector_load %arg10[%get3A_194] {strides = array<i32>} : memref<128xi32, #tpu.memory_space<vmem>>, vector<16xi32>,
      %get3A_196 = vector.shape_cast %get3A_195 : vector<16xi32> to vector<16xi32>
      %sub3A_197 = vector.broadcast %mul3A_4 : i32 to vector<16xi32>
      %sub3A_198 = arith.subi %get3A_196, %sub3A_197 : vector<16xi32>
      %ge3A_199 = arith.constant 0 : i32
      %ge3A_200 = vector.broadcast %ge3A_199 : i32 to vector<16xi32>
      %ge3A_201 = arith.cmpi sge, %sub3A_198, %ge3A_200 : vector<16xi32>
      %lt3A_202 = arith.constant 12500 : i32
      %lt3A_203 = vector.broadcast %lt3A_202 : i32 to vector<16xi32>
      %lt3A_204 = arith.cmpi slt, %sub3A_198, %lt3A_203 : vector<16xi32>
      %and3A_205 = arith.andi %ge3A_201, %lt3A_204 : vector<16xi1>
      %jit3A_206 = arith.constant 12500 : i32
      %broadcast_in_dim3A_207 = vector.broadcast %jit3A_206 : i32 to vector<16xi32>
      %select_n3A_208 = arith.select %and3A_205, %sub3A_198, %broadcast_in_dim3A_207 : vector<16xi1>, vector<16xi32>
      %swap3A_209 = arith.constant 16 : index
      %swap3A_210 = tpu.vector_load %arg12[%swap3A_209] {strides = array<i32>} : memref<128xi32, #tpu.memory_space<vmem>>, vector<16xi32>,
      %swap3A_211 = vector.shape_cast %swap3A_210 : vector<16xi32> to vector<16xi32>
      %swap3A_212 = vector.shape_cast %select_n3A_208 : vector<16xi32> to vector<16xi32>
      tpu.vector_store %arg12[%swap3A_209], %swap3A_212 {strides = array<i32>} : memref<128xi32, #tpu.memory_space<vmem>>, vector<16xi32>,
      %get3A_213 = arith.constant 32 : index
      %get3A_214 = tpu.vector_load %arg10[%get3A_213] {strides = array<i32>} : memref<128xi32, #tpu.memory_space<vmem>>, vector<16xi32>,
      %get3A_215 = vector.shape_cast %get3A_214 : vector<16xi32> to vector<16xi32>
      %sub3A_216 = vector.broadcast %mul3A_4 : i32 to vector<16xi32>
      %sub3A_217 = arith.subi %get3A_215, %sub3A_216 : vector<16xi32>
      %ge3A_218 = arith.constant 0 : i32
      %ge3A_219 = vector.broadcast %ge3A_218 : i32 to vector<16xi32>
      %ge3A_220 = arith.cmpi sge, %sub3A_217, %ge3A_219 : vector<16xi32>
      %lt3A_221 = arith.constant 12500 : i32
      %lt3A_222 = vector.broadcast %lt3A_221 : i32 to vector<16xi32>
      %lt3A_223 = arith.cmpi slt, %sub3A_217, %lt3A_222 : vector<16xi32>
      %and3A_224 = arith.andi %ge3A_220, %lt3A_223 : vector<16xi1>
      %jit3A_225 = arith.constant 12500 : i32
      %broadcast_in_dim3A_226 = vector.broadcast %jit3A_225 : i32 to vector<16xi32>
      %select_n3A_227 = arith.select %and3A_224, %sub3A_217, %broadcast_in_dim3A_226 : vector<16xi1>, vector<16xi32>
      %swap3A_228 = arith.constant 32 : index
      %swap3A_229 = tpu.vector_load %arg12[%swap3A_228] {strides = array<i32>} : memref<128xi32, #tpu.memory_space<vmem>>, vector<16xi32>,
      %swap3A_230 = vector.shape_cast %swap3A_229 : vector<16xi32> to vector<16xi32>
      %swap3A_231 = vector.shape_cast %select_n3A_227 : vector<16xi32> to vector<16xi32>
      tpu.vector_store %arg12[%swap3A_228], %swap3A_231 {strides = array<i32>} : memref<128xi32, #tpu.memory_space<vmem>>, vector<16xi32>,
      %get3A_232 = arith.constant 48 : index
      %get3A_233 = tpu.vector_load %arg10[%get3A_232] {strides = array<i32>} : memref<128xi32, #tpu.memory_space<vmem>>, vector<16xi32>,
      %get3A_234 = vector.shape_cast %get3A_233 : vector<16xi32> to vector<16xi32>
      %sub3A_235 = vector.broadcast %mul3A_4 : i32 to vector<16xi32>
      %sub3A_236 = arith.subi %get3A_234, %sub3A_235 : vector<16xi32>
      %ge3A_237 = arith.constant 0 : i32
      %ge3A_238 = vector.broadcast %ge3A_237 : i32 to vector<16xi32>
      %ge3A_239 = arith.cmpi sge, %sub3A_236, %ge3A_238 : vector<16xi32>
      %lt3A_240 = arith.constant 12500 : i32
      %lt3A_241 = vector.broadcast %lt3A_240 : i32 to vector<16xi32>
      %lt3A_242 = arith.cmpi slt, %sub3A_236, %lt3A_241 : vector<16xi32>
      %and3A_243 = arith.andi %ge3A_239, %lt3A_242 : vector<16xi1>
      %jit3A_244 = arith.constant 12500 : i32
      %broadcast_in_dim3A_245 = vector.broadcast %jit3A_244 : i32 to vector<16xi32>
      %select_n3A_246 = arith.select %and3A_243, %sub3A_236, %broadcast_in_dim3A_245 : vector<16xi1>, vector<16xi32>
      %swap3A_247 = arith.constant 48 : index
      %swap3A_248 = tpu.vector_load %arg12[%swap3A_247] {strides = array<i32>} : memref<128xi32, #tpu.memory_space<vmem>>, vector<16xi32>,
      %swap3A_249 = vector.shape_cast %swap3A_248 : vector<16xi32> to vector<16xi32>
      %swap3A_250 = vector.shape_cast %select_n3A_246 : vector<16xi32> to vector<16xi32>
      tpu.vector_store %arg12[%swap3A_247], %swap3A_250 {strides = array<i32>} : memref<128xi32, #tpu.memory_space<vmem>>, vector<16xi32>,
      %get3A_251 = arith.constant 64 : index
      %get3A_252 = tpu.vector_load %arg10[%get3A_251] {strides = array<i32>} : memref<128xi32, #tpu.memory_space<vmem>>, vector<16xi32>,
      %get3A_253 = vector.shape_cast %get3A_252 : vector<16xi32> to vector<16xi32>
      %sub3A_254 = vector.broadcast %mul3A_4 : i32 to vector<16xi32>
      %sub3A_255 = arith.subi %get3A_253, %sub3A_254 : vector<16xi32>
      %ge3A_256 = arith.constant 0 : i32
      %ge3A_257 = vector.broadcast %ge3A_256 : i32 to vector<16xi32>
      %ge3A_258 = arith.cmpi sge, %sub3A_255, %ge3A_257 : vector<16xi32>
      %lt3A_259 = arith.constant 12500 : i32
      %lt3A_260 = vector.broadcast %lt3A_259 : i32 to vector<16xi32>
      %lt3A_261 = arith.cmpi slt, %sub3A_255, %lt3A_260 : vector<16xi32>
      %and3A_262 = arith.andi %ge3A_258, %lt3A_261 : vector<16xi1>
      %jit3A_263 = arith.constant 12500 : i32
      %broadcast_in_dim3A_264 = vector.broadcast %jit3A_263 : i32 to vector<16xi32>
      %select_n3A_265 = arith.select %and3A_262, %sub3A_255, %broadcast_in_dim3A_264 : vector<16xi1>, vector<16xi32>
      %swap3A_266 = arith.constant 64 : index
      %swap3A_267 = tpu.vector_load %arg12[%swap3A_266] {strides = array<i32>} : memref<128xi32, #tpu.memory_space<vmem>>, vector<16xi32>,
      %swap3A_268 = vector.shape_cast %swap3A_267 : vector<16xi32> to vector<16xi32>
      %swap3A_269 = vector.shape_cast %select_n3A_265 : vector<16xi32> to vector<16xi32>
      tpu.vector_store %arg12[%swap3A_266], %swap3A_269 {strides = array<i32>} : memref<128xi32, #tpu.memory_space<vmem>>, vector<16xi32>,
      %get3A_270 = arith.constant 80 : index
      %get3A_271 = tpu.vector_load %arg10[%get3A_270] {strides = array<i32>} : memref<128xi32, #tpu.memory_space<vmem>>, vector<16xi32>,
      %get3A_272 = vector.shape_cast %get3A_271 : vector<16xi32> to vector<16xi32>
      %sub3A_273 = vector.broadcast %mul3A_4 : i32 to vector<16xi32>
      %sub3A_274 = arith.subi %get3A_272, %sub3A_273 : vector<16xi32>
      %ge3A_275 = arith.constant 0 : i32
      %ge3A_276 = vector.broadcast %ge3A_275 : i32 to vector<16xi32>
      %ge3A_277 = arith.cmpi sge, %sub3A_274, %ge3A_276 : vector<16xi32>
      %lt3A_278 = arith.constant 12500 : i32
      %lt3A_279 = vector.broadcast %lt3A_278 : i32 to vector<16xi32>
      %lt3A_280 = arith.cmpi slt, %sub3A_274, %lt3A_279 : vector<16xi32>
      %and3A_281 = arith.andi %ge3A_277, %lt3A_280 : vector<16xi1>
      %jit3A_282 = arith.constant 12500 : i32
      %broadcast_in_dim3A_283 = vector.broadcast %jit3A_282 : i32 to vector<16xi32>
      %select_n3A_284 = arith.select %and3A_281, %sub3A_274, %broadcast_in_dim3A_283 : vector<16xi1>, vector<16xi32>
      %swap3A_285 = arith.constant 80 : index
      %swap3A_286 = tpu.vector_load %arg12[%swap3A_285] {strides = array<i32>} : memref<128xi32, #tpu.memory_space<vmem>>, vector<16xi32>,
      %swap3A_287 = vector.shape_cast %swap3A_286 : vector<16xi32> to vector<16xi32>
      %swap3A_288 = vector.shape_cast %select_n3A_284 : vector<16xi32> to vector<16xi32>
      tpu.vector_store %arg12[%swap3A_285], %swap3A_288 {strides = array<i32>} : memref<128xi32, #tpu.memory_space<vmem>>, vector<16xi32>,
      %get3A_289 = arith.constant 96 : index
      %get3A_290 = tpu.vector_load %arg10[%get3A_289] {strides = array<i32>} : memref<128xi32, #tpu.memory_space<vmem>>, vector<16xi32>,
      %get3A_291 = vector.shape_cast %get3A_290 : vector<16xi32> to vector<16xi32>
      %sub3A_292 = vector.broadcast %mul3A_4 : i32 to vector<16xi32>
      %sub3A_293 = arith.subi %get3A_291, %sub3A_292 : vector<16xi32>
      %ge3A_294 = arith.constant 0 : i32
      %ge3A_295 = vector.broadcast %ge3A_294 : i32 to vector<16xi32>
      %ge3A_296 = arith.cmpi sge, %sub3A_293, %ge3A_295 : vector<16xi32>
      %lt3A_297 = arith.constant 12500 : i32
      %lt3A_298 = vector.broadcast %lt3A_297 : i32 to vector<16xi32>
      %lt3A_299 = arith.cmpi slt, %sub3A_293, %lt3A_298 : vector<16xi32>
      %and3A_300 = arith.andi %ge3A_296, %lt3A_299 : vector<16xi1>
      %jit3A_301 = arith.constant 12500 : i32
      %broadcast_in_dim3A_302 = vector.broadcast %jit3A_301 : i32 to vector<16xi32>
      %select_n3A_303 = arith.select %and3A_300, %sub3A_293, %broadcast_in_dim3A_302 : vector<16xi1>, vector<16xi32>
      %swap3A_304 = arith.constant 96 : index
      %swap3A_305 = tpu.vector_load %arg12[%swap3A_304] {strides = array<i32>} : memref<128xi32, #tpu.memory_space<vmem>>, vector<16xi32>,
      %swap3A_306 = vector.shape_cast %swap3A_305 : vector<16xi32> to vector<16xi32>
      %swap3A_307 = vector.shape_cast %select_n3A_303 : vector<16xi32> to vector<16xi32>
      tpu.vector_store %arg12[%swap3A_304], %swap3A_307 {strides = array<i32>} : memref<128xi32, #tpu.memory_space<vmem>>, vector<16xi32>,
      %get3A_308 = arith.constant 112 : index
      %get3A_309 = tpu.vector_load %arg10[%get3A_308] {strides = array<i32>} : memref<128xi32, #tpu.memory_space<vmem>>, vector<16xi32>,
      %get3A_310 = vector.shape_cast %get3A_309 : vector<16xi32> to vector<16xi32>
      %sub3A_311 = vector.broadcast %mul3A_4 : i32 to vector<16xi32>
      %sub3A_312 = arith.subi %get3A_310, %sub3A_311 : vector<16xi32>
      %ge3A_313 = arith.constant 0 : i32
      %ge3A_314 = vector.broadcast %ge3A_313 : i32 to vector<16xi32>
      %ge3A_315 = arith.cmpi sge, %sub3A_312, %ge3A_314 : vector<16xi32>
      %lt3A_316 = arith.constant 12500 : i32
      %lt3A_317 = vector.broadcast %lt3A_316 : i32 to vector<16xi32>
      %lt3A_318 = arith.cmpi slt, %sub3A_312, %lt3A_317 : vector<16xi32>
      %and3A_319 = arith.andi %ge3A_315, %lt3A_318 : vector<16xi1>
      %jit3A_320 = arith.constant 12500 : i32
      %broadcast_in_dim3A_321 = vector.broadcast %jit3A_320 : i32 to vector<16xi32>
      %select_n3A_322 = arith.select %and3A_319, %sub3A_312, %broadcast_in_dim3A_321 : vector<16xi1>, vector<16xi32>
      %swap3A_323 = arith.constant 112 : index
      %swap3A_324 = tpu.vector_load %arg12[%swap3A_323] {strides = array<i32>} : memref<128xi32, #tpu.memory_space<vmem>>, vector<16xi32>,
      %swap3A_325 = vector.shape_cast %swap3A_324 : vector<16xi32> to vector<16xi32>
      %swap3A_326 = vector.shape_cast %select_n3A_322 : vector<16xi32> to vector<16xi32>
      tpu.vector_store %arg12[%swap3A_323], %swap3A_326 {strides = array<i32>} : memref<128xi32, #tpu.memory_space<vmem>>, vector<16xi32>,
      %dma_wait3A = arith.constant 0 : i32
      %dma_wait3A_327 = arith.constant 0 : i32
      %dma_wait3A_328 = tpu.memref_slice %arg4[%dma_wait3A, %dma_wait3A_327] : memref<10000x80xf32, #tpu.memory_space<hbm>> -> memref<10000x80xf32, #tpu.memory_space<hbm>>
      tpu.wait_indirect_dma semaphore(%arg18 : memref<!tpu.dma_semaphore, #tpu.memory_space<semaphore_mem>>) src(%dma_wait3A_328 : memref<10000x80xf32, #tpu.memory_space<hbm>>) dst(%arg15 : memref<128x80xf32, #tpu.memory_space<vmem>>)
      "tpu.region"() ({
        %run_scoped3A = tpu.sem_alloc : memref<!tpu.dma_semaphore, #tpu.memory_space<semaphore_mem>>
        %dma_start3A_332 = arith.constant 0 : i32
        %dma_start3A_333 = arith.constant 0 : i32
        %dma_start3A_334 = tpu.memref_slice %arg17[%dma_start3A_332, %dma_start3A_333] : memref<12544x80xf32, #tpu.memory_space<vmem_shared>> -> memref<12544x80xf32, #tpu.memory_space<vmem_shared>>
        tpu.enqueue_indirect_dma source(%arg15 : memref<128x80xf32, #tpu.memory_space<vmem>>) target(%dma_start3A_334 : memref<12544x80xf32, #tpu.memory_space<vmem_shared>>) offsets(%arg11 : memref<128xi32, #tpu.memory_space<vmem>>) semaphore(%run_scoped3A : memref<!tpu.dma_semaphore, #tpu.memory_space<semaphore_mem>>) {add = true}
        %dma_wait3A_335 = arith.constant 0 : i32
        %dma_wait3A_336 = arith.constant 0 : i32
        %dma_wait3A_337 = tpu.memref_slice %arg17[%dma_wait3A_335, %dma_wait3A_336] : memref<12544x80xf32, #tpu.memory_space<vmem_shared>> -> memref<12544x80xf32, #tpu.memory_space<vmem_shared>>
        tpu.wait_indirect_dma semaphore(%run_scoped3A : memref<!tpu.dma_semaphore, #tpu.memory_space<semaphore_mem>>) src(%arg15 : memref<128x80xf32, #tpu.memory_space<vmem>>) dst(%dma_wait3A_337 : memref<12544x80xf32, #tpu.memory_space<vmem_shared>>)
        tpu.yield
      }) : () -> ()
      %dma_wait3A_329 = arith.constant 0 : i32
      %dma_wait3A_330 = arith.constant 0 : i32
      %dma_wait3A_331 = tpu.memref_slice %arg4[%dma_wait3A_329, %dma_wait3A_330] : memref<10000x80xf32, #tpu.memory_space<hbm>> -> memref<10000x80xf32, #tpu.memory_space<hbm>>
      tpu.wait_indirect_dma semaphore(%arg19 : memref<!tpu.dma_semaphore, #tpu.memory_space<semaphore_mem>>) src(%dma_wait3A_331 : memref<10000x80xf32, #tpu.memory_space<hbm>>) dst(%arg16 : memref<128x80xf32, #tpu.memory_space<vmem>>)
      "tpu.region"() ({
        %run_scoped3A = tpu.sem_alloc : memref<!tpu.dma_semaphore, #tpu.memory_space<semaphore_mem>>
        %dma_start3A_332 = arith.constant 0 : i32
        %dma_start3A_333 = arith.constant 0 : i32
        %dma_start3A_334 = tpu.memref_slice %arg17[%dma_start3A_332, %dma_start3A_333] : memref<12544x80xf32, #tpu.memory_space<vmem_shared>> -> memref<12544x80xf32, #tpu.memory_space<vmem_shared>>
        tpu.enqueue_indirect_dma source(%arg16 : memref<128x80xf32, #tpu.memory_space<vmem>>) target(%dma_start3A_334 : memref<12544x80xf32, #tpu.memory_space<vmem_shared>>) offsets(%arg12 : memref<128xi32, #tpu.memory_space<vmem>>) semaphore(%run_scoped3A : memref<!tpu.dma_semaphore, #tpu.memory_space<semaphore_mem>>) {add = true}
        %dma_wait3A_335 = arith.constant 0 : i32
        %dma_wait3A_336 = arith.constant 0 : i32
        %dma_wait3A_337 = tpu.memref_slice %arg17[%dma_wait3A_335, %dma_wait3A_336] : memref<12544x80xf32, #tpu.memory_space<vmem_shared>> -> memref<12544x80xf32, #tpu.memory_space<vmem_shared>>
        tpu.wait_indirect_dma semaphore(%run_scoped3A : memref<!tpu.dma_semaphore, #tpu.memory_space<semaphore_mem>>) src(%arg16 : memref<128x80xf32, #tpu.memory_space<vmem>>) dst(%dma_wait3A_337 : memref<12544x80xf32, #tpu.memory_space<vmem_shared>>)
        tpu.yield
      }) : () -> ()
    }
    %scan3A_11 = arith.constant 62 : i32
    %barrier3A_12 = arith.constant 0 : index
    tpu.barrier barrier_id(%barrier3A_12)
    %mul3A_13 = arith.constant 784 : i32
    %mul3A_14 = arith.muli %arg1, %mul3A_13 : i32
    %mul3A_15 = arith.constant 12544 : i32
    %mul3A_16 = arith.muli %arg0, %mul3A_15 : i32
    %mul3A_17 = arith.constant 784 : i32
    %mul3A_18 = arith.muli %arg1, %mul3A_17 : i32
    %add3A = arith.addi %mul3A_16, %mul3A_18 : i32
    "tpu.region"() ({
      %run_scoped3A = tpu.sem_alloc : memref<!tpu.dma_semaphore, #tpu.memory_space<semaphore_mem>>
      %dma_start3A = arith.constant 0 : i32
      %dma_start3A_19 = tpu.memref_slice %arg6[%add3A, %dma_start3A] : memref<25088x80xf32, #tpu.memory_space<hbm>> -> memref<784x80xf32, #tpu.memory_space<hbm>>
      %dma_start3A_20 = arith.constant 0 : i32
      %dma_start3A_21 = tpu.memref_slice %arg17[%mul3A_14, %dma_start3A_20] : memref<12544x80xf32, #tpu.memory_space<vmem_shared>> -> memref<784x80xf32, #tpu.memory_space<vmem_shared>>
      tpu.enqueue_dma source(%dma_start3A_21 : memref<784x80xf32, #tpu.memory_space<vmem_shared>>) target(%dma_start3A_19 : memref<784x80xf32, #tpu.memory_space<hbm>>) target_semaphore(%run_scoped3A : memref<!tpu.dma_semaphore, #tpu.memory_space<semaphore_mem>>)
      %dma_wait3A = arith.constant 0 : i32
      %dma_wait3A_22 = tpu.memref_slice %arg6[%add3A, %dma_wait3A] : memref<25088x80xf32, #tpu.memory_space<hbm>> -> memref<784x80xf32, #tpu.memory_space<hbm>>
      %dma_wait3A_23 = arith.constant 0 : i32
      %dma_wait3A_24 = tpu.memref_slice %arg17[%mul3A_14, %dma_wait3A_23] : memref<12544x80xf32, #tpu.memory_space<vmem_shared>> -> memref<784x80xf32, #tpu.memory_space<vmem_shared>>
      tpu.wait_dma2 semaphore(%run_scoped3A : memref<!tpu.dma_semaphore, #tpu.memory_space<semaphore_mem>>) src(%dma_wait3A_24 : memref<784x80xf32, #tpu.memory_space<vmem_shared>>) dst(%dma_wait3A_22 : memref<784x80xf32, #tpu.memory_space<hbm>>)
      tpu.yield
    }) : () -> ()
    return
  }
}

#map = affine_map<(d0, d1) -> (0)>
#map1 = affine_map<(d0, d1) -> (0, 0)>
module attributes {stable_mosaic.version = 14 : i64} {
  func.func @body(%arg0: i32, %arg1: i32, %arg2: memref<802816xi32, #tpu.memory_space<hbm>>, %arg3: memref<802816xi32, #tpu.memory_space<hbm>>, %arg4: memref<802816x16xf32, #tpu.memory_space<hbm>>, %arg5: memref<50000x64xf32, #tpu.memory_space<hbm>>, %arg6: memref<25088x64xf32, #tpu.memory_space<hbm>>, %arg7: memref<50176x64xf32, #tpu.memory_space<hbm>>, %arg8: memref<128xi32, #tpu.memory_space<vmem>>, %arg9: memref<128xi32, #tpu.memory_space<vmem>>, %arg10: memref<128xi32, #tpu.memory_space<vmem>>, %arg11: memref<128xi32, #tpu.memory_space<vmem>>, %arg12: memref<128xi32, #tpu.memory_space<vmem>>, %arg13: memref<128xi32, #tpu.memory_space<vmem>>, %arg14: memref<128x16xf32, #tpu.memory_space<vmem>>, %arg15: memref<128x16xf32, #tpu.memory_space<vmem>>, %arg16: memref<128x64xf32, #tpu.memory_space<vmem>>, %arg17: memref<128x64xf32, #tpu.memory_space<vmem>>, %arg18: memref<25088x64xf32, #tpu.memory_space<vmem_shared>>, %arg19: memref<!tpu.dma_semaphore, #tpu.memory_space<semaphore_mem>>, %arg20: memref<!tpu.dma_semaphore, #tpu.memory_space<semaphore_mem>>) attributes {dimension_semantics = [#tpu.dimension_semantics<core_parallel>, #tpu.dimension_semantics<subcore_parallel>], iteration_bounds = array<i64: 2, 16>, scalar_prefetch = 0 : i64, scratch_operands = 13 : i64, tpu.core_type = #tpu.core_type<sc_vector_subcore>, window_params = [{transform_indices = #map}, {transform_indices = #map}, {transform_indices = #map1}, {transform_indices = #map1}, {transform_indices = #map1}, {transform_indices = #map1}]} {
    %mul3A = arith.constant 1568 : i32
    %mul3A_0 = arith.muli %arg1, %mul3A : i32
    %mul3A_1 = arith.constant 1568 : i32
    %mul3A_2 = arith.muli %arg1, %mul3A_1 : i32
    "tpu.region"() ({
      %run_scoped3A = tpu.sem_alloc : memref<!tpu.dma_semaphore, #tpu.memory_space<semaphore_mem>>
      %dma_start3A = arith.constant 0 : i32
      %dma_start3A_19 = tpu.memref_slice %arg18[%mul3A_2, %dma_start3A] : memref<25088x64xf32, #tpu.memory_space<vmem_shared>> -> memref<1568x64xf32, #tpu.memory_space<vmem_shared>>
      %dma_start3A_20 = arith.constant 0 : i32
      %dma_start3A_21 = tpu.memref_slice %arg6[%mul3A_0, %dma_start3A_20] : memref<25088x64xf32, #tpu.memory_space<hbm>> -> memref<1568x64xf32, #tpu.memory_space<hbm>>
      tpu.enqueue_dma source(%dma_start3A_21 : memref<1568x64xf32, #tpu.memory_space<hbm>>) target(%dma_start3A_19 : memref<1568x64xf32, #tpu.memory_space<vmem_shared>>) target_semaphore(%run_scoped3A : memref<!tpu.dma_semaphore, #tpu.memory_space<semaphore_mem>>)
      %dma_wait3A = arith.constant 0 : i32
      %dma_wait3A_22 = tpu.memref_slice %arg18[%mul3A_2, %dma_wait3A] : memref<25088x64xf32, #tpu.memory_space<vmem_shared>> -> memref<1568x64xf32, #tpu.memory_space<vmem_shared>>
      %dma_wait3A_23 = arith.constant 0 : i32
      %dma_wait3A_24 = tpu.memref_slice %arg6[%mul3A_0, %dma_wait3A_23] : memref<25088x64xf32, #tpu.memory_space<hbm>> -> memref<1568x64xf32, #tpu.memory_space<hbm>>
      tpu.wait_dma2 semaphore(%run_scoped3A : memref<!tpu.dma_semaphore, #tpu.memory_space<semaphore_mem>>) src(%dma_wait3A_24 : memref<1568x64xf32, #tpu.memory_space<hbm>>) dst(%dma_wait3A_22 : memref<1568x64xf32, #tpu.memory_space<vmem_shared>>)
      tpu.yield
    }) : () -> ()
    %barrier3A = arith.constant 0 : index
    tpu.barrier barrier_id(%barrier3A)
    %mul3A_3 = arith.constant 25000 : i32
    %mul3A_4 = arith.muli %arg0, %mul3A_3 : i32
    %mul3A_5 = arith.constant 50176 : i32
    %mul3A_6 = arith.muli %arg1, %mul3A_5 : i32
    %scan3A = arith.constant 0 : i32
    %scan3A_7 = arith.constant 0 : i32
    %scan3A_8 = arith.constant 196 : i32
    %scan3A_9 = arith.addi %scan3A_7, %scan3A_8 : i32
    %scan3A_10 = arith.constant 1 : i32
    scf.for %scan3A_19 = %scan3A_7 to %scan3A_9 step %scan3A_10  : i32 {
      %mul3A_20 = arith.constant 2 : i32
      %mul3A_21 = arith.muli %mul3A_20, %scan3A_19 : i32
      %mul3A_22 = arith.constant 128 : i32
      %mul3A_23 = arith.muli %mul3A_21, %mul3A_22 : i32
      %add3A_24 = arith.addi %mul3A_6, %mul3A_23 : i32
      %add3A_25 = arith.constant 128 : i32
      %add3A_26 = arith.addi %add3A_24, %add3A_25 : i32
      "tpu.region"() ({
        %run_scoped3A = tpu.sem_alloc : memref<!tpu.dma_semaphore, #tpu.memory_space<semaphore_mem>>
        %dma_start3A_344 = tpu.memref_slice %arg2[%add3A_24] : memref<802816xi32, #tpu.memory_space<hbm>> -> memref<128xi32, #tpu.memory_space<hbm>>
        %dma_start3A_345 = tpu.memref_slice %arg2[%add3A_24] : memref<802816xi32, #tpu.memory_space<hbm>> -> memref<128xi32, #tpu.memory_space<hbm>>
        tpu.enqueue_dma source(%dma_start3A_345 : memref<128xi32, #tpu.memory_space<hbm>>) target(%arg8 : memref<128xi32, #tpu.memory_space<vmem>>) target_semaphore(%run_scoped3A : memref<!tpu.dma_semaphore, #tpu.memory_space<semaphore_mem>>)
        %dma_wait3A_346 = tpu.memref_slice %arg2[%add3A_24] : memref<802816xi32, #tpu.memory_space<hbm>> -> memref<128xi32, #tpu.memory_space<hbm>>
        %dma_wait3A_347 = tpu.memref_slice %arg2[%add3A_24] : memref<802816xi32, #tpu.memory_space<hbm>> -> memref<128xi32, #tpu.memory_space<hbm>>
        tpu.wait_dma2 semaphore(%run_scoped3A : memref<!tpu.dma_semaphore, #tpu.memory_space<semaphore_mem>>) src(%dma_wait3A_347 : memref<128xi32, #tpu.memory_space<hbm>>) dst(%arg8 : memref<128xi32, #tpu.memory_space<vmem>>)
        tpu.yield
      }) : () -> ()
      "tpu.region"() ({
        %run_scoped3A = tpu.sem_alloc : memref<!tpu.dma_semaphore, #tpu.memory_space<semaphore_mem>>
        %dma_start3A_344 = tpu.memref_slice %arg3[%add3A_24] : memref<802816xi32, #tpu.memory_space<hbm>> -> memref<128xi32, #tpu.memory_space<hbm>>
        %dma_start3A_345 = tpu.memref_slice %arg3[%add3A_24] : memref<802816xi32, #tpu.memory_space<hbm>> -> memref<128xi32, #tpu.memory_space<hbm>>
        tpu.enqueue_dma source(%dma_start3A_345 : memref<128xi32, #tpu.memory_space<hbm>>) target(%arg10 : memref<128xi32, #tpu.memory_space<vmem>>) target_semaphore(%run_scoped3A : memref<!tpu.dma_semaphore, #tpu.memory_space<semaphore_mem>>)
        %dma_wait3A_346 = tpu.memref_slice %arg3[%add3A_24] : memref<802816xi32, #tpu.memory_space<hbm>> -> memref<128xi32, #tpu.memory_space<hbm>>
        %dma_wait3A_347 = tpu.memref_slice %arg3[%add3A_24] : memref<802816xi32, #tpu.memory_space<hbm>> -> memref<128xi32, #tpu.memory_space<hbm>>
        tpu.wait_dma2 semaphore(%run_scoped3A : memref<!tpu.dma_semaphore, #tpu.memory_space<semaphore_mem>>) src(%dma_wait3A_347 : memref<128xi32, #tpu.memory_space<hbm>>) dst(%arg10 : memref<128xi32, #tpu.memory_space<vmem>>)
        tpu.yield
      }) : () -> ()
      "tpu.region"() ({
        %run_scoped3A = tpu.sem_alloc : memref<!tpu.dma_semaphore, #tpu.memory_space<semaphore_mem>>
        %dma_start3A_344 = arith.constant 0 : i32
        %dma_start3A_345 = tpu.memref_slice %arg4[%add3A_24, %dma_start3A_344] : memref<802816x16xf32, #tpu.memory_space<hbm>> -> memref<128x16xf32, #tpu.memory_space<hbm>>
        %dma_start3A_346 = arith.constant 0 : i32
        %dma_start3A_347 = tpu.memref_slice %arg4[%add3A_24, %dma_start3A_346] : memref<802816x16xf32, #tpu.memory_space<hbm>> -> memref<128x16xf32, #tpu.memory_space<hbm>>
        tpu.enqueue_dma source(%dma_start3A_347 : memref<128x16xf32, #tpu.memory_space<hbm>>) target(%arg14 : memref<128x16xf32, #tpu.memory_space<vmem>>) target_semaphore(%run_scoped3A : memref<!tpu.dma_semaphore, #tpu.memory_space<semaphore_mem>>)
        %dma_wait3A_348 = arith.constant 0 : i32
        %dma_wait3A_349 = tpu.memref_slice %arg4[%add3A_24, %dma_wait3A_348] : memref<802816x16xf32, #tpu.memory_space<hbm>> -> memref<128x16xf32, #tpu.memory_space<hbm>>
        %dma_wait3A_350 = arith.constant 0 : i32
        %dma_wait3A_351 = tpu.memref_slice %arg4[%add3A_24, %dma_wait3A_350] : memref<802816x16xf32, #tpu.memory_space<hbm>> -> memref<128x16xf32, #tpu.memory_space<hbm>>
        tpu.wait_dma2 semaphore(%run_scoped3A : memref<!tpu.dma_semaphore, #tpu.memory_space<semaphore_mem>>) src(%dma_wait3A_351 : memref<128x16xf32, #tpu.memory_space<hbm>>) dst(%arg14 : memref<128x16xf32, #tpu.memory_space<vmem>>)
        tpu.yield
      }) : () -> ()
      %dma_start3A = arith.constant 0 : i32
      %dma_start3A_27 = arith.constant 0 : i32
      %dma_start3A_28 = tpu.memref_slice %arg5[%dma_start3A, %dma_start3A_27] : memref<50000x64xf32, #tpu.memory_space<hbm>> -> memref<50000x64xf32, #tpu.memory_space<hbm>>
      tpu.enqueue_indirect_dma source(%dma_start3A_28 : memref<50000x64xf32, #tpu.memory_space<hbm>>) target(%arg16 : memref<128x64xf32, #tpu.memory_space<vmem>>) offsets(%arg8 : memref<128xi32, #tpu.memory_space<vmem>>) semaphore(%arg19 : memref<!tpu.dma_semaphore, #tpu.memory_space<semaphore_mem>>)
      "tpu.region"() ({
        %run_scoped3A = tpu.sem_alloc : memref<!tpu.dma_semaphore, #tpu.memory_space<semaphore_mem>>
        %dma_start3A_344 = tpu.memref_slice %arg2[%add3A_26] : memref<802816xi32, #tpu.memory_space<hbm>> -> memref<128xi32, #tpu.memory_space<hbm>>
        %dma_start3A_345 = tpu.memref_slice %arg2[%add3A_26] : memref<802816xi32, #tpu.memory_space<hbm>> -> memref<128xi32, #tpu.memory_space<hbm>>
        tpu.enqueue_dma source(%dma_start3A_345 : memref<128xi32, #tpu.memory_space<hbm>>) target(%arg9 : memref<128xi32, #tpu.memory_space<vmem>>) target_semaphore(%run_scoped3A : memref<!tpu.dma_semaphore, #tpu.memory_space<semaphore_mem>>)
        %dma_wait3A_346 = tpu.memref_slice %arg2[%add3A_26] : memref<802816xi32, #tpu.memory_space<hbm>> -> memref<128xi32, #tpu.memory_space<hbm>>
        %dma_wait3A_347 = tpu.memref_slice %arg2[%add3A_26] : memref<802816xi32, #tpu.memory_space<hbm>> -> memref<128xi32, #tpu.memory_space<hbm>>
        tpu.wait_dma2 semaphore(%run_scoped3A : memref<!tpu.dma_semaphore, #tpu.memory_space<semaphore_mem>>) src(%dma_wait3A_347 : memref<128xi32, #tpu.memory_space<hbm>>) dst(%arg9 : memref<128xi32, #tpu.memory_space<vmem>>)
        tpu.yield
      }) : () -> ()
      "tpu.region"() ({
        %run_scoped3A = tpu.sem_alloc : memref<!tpu.dma_semaphore, #tpu.memory_space<semaphore_mem>>
        %dma_start3A_344 = tpu.memref_slice %arg3[%add3A_26] : memref<802816xi32, #tpu.memory_space<hbm>> -> memref<128xi32, #tpu.memory_space<hbm>>
        %dma_start3A_345 = tpu.memref_slice %arg3[%add3A_26] : memref<802816xi32, #tpu.memory_space<hbm>> -> memref<128xi32, #tpu.memory_space<hbm>>
        tpu.enqueue_dma source(%dma_start3A_345 : memref<128xi32, #tpu.memory_space<hbm>>) target(%arg11 : memref<128xi32, #tpu.memory_space<vmem>>) target_semaphore(%run_scoped3A : memref<!tpu.dma_semaphore, #tpu.memory_space<semaphore_mem>>)
        %dma_wait3A_346 = tpu.memref_slice %arg3[%add3A_26] : memref<802816xi32, #tpu.memory_space<hbm>> -> memref<128xi32, #tpu.memory_space<hbm>>
        %dma_wait3A_347 = tpu.memref_slice %arg3[%add3A_26] : memref<802816xi32, #tpu.memory_space<hbm>> -> memref<128xi32, #tpu.memory_space<hbm>>
        tpu.wait_dma2 semaphore(%run_scoped3A : memref<!tpu.dma_semaphore, #tpu.memory_space<semaphore_mem>>) src(%dma_wait3A_347 : memref<128xi32, #tpu.memory_space<hbm>>) dst(%arg11 : memref<128xi32, #tpu.memory_space<vmem>>)
        tpu.yield
      }) : () -> ()
      "tpu.region"() ({
        %run_scoped3A = tpu.sem_alloc : memref<!tpu.dma_semaphore, #tpu.memory_space<semaphore_mem>>
        %dma_start3A_344 = arith.constant 0 : i32
        %dma_start3A_345 = tpu.memref_slice %arg4[%add3A_26, %dma_start3A_344] : memref<802816x16xf32, #tpu.memory_space<hbm>> -> memref<128x16xf32, #tpu.memory_space<hbm>>
        %dma_start3A_346 = arith.constant 0 : i32
        %dma_start3A_347 = tpu.memref_slice %arg4[%add3A_26, %dma_start3A_346] : memref<802816x16xf32, #tpu.memory_space<hbm>> -> memref<128x16xf32, #tpu.memory_space<hbm>>
        tpu.enqueue_dma source(%dma_start3A_347 : memref<128x16xf32, #tpu.memory_space<hbm>>) target(%arg15 : memref<128x16xf32, #tpu.memory_space<vmem>>) target_semaphore(%run_scoped3A : memref<!tpu.dma_semaphore, #tpu.memory_space<semaphore_mem>>)
        %dma_wait3A_348 = arith.constant 0 : i32
        %dma_wait3A_349 = tpu.memref_slice %arg4[%add3A_26, %dma_wait3A_348] : memref<802816x16xf32, #tpu.memory_space<hbm>> -> memref<128x16xf32, #tpu.memory_space<hbm>>
        %dma_wait3A_350 = arith.constant 0 : i32
        %dma_wait3A_351 = tpu.memref_slice %arg4[%add3A_26, %dma_wait3A_350] : memref<802816x16xf32, #tpu.memory_space<hbm>> -> memref<128x16xf32, #tpu.memory_space<hbm>>
        tpu.wait_dma2 semaphore(%run_scoped3A : memref<!tpu.dma_semaphore, #tpu.memory_space<semaphore_mem>>) src(%dma_wait3A_351 : memref<128x16xf32, #tpu.memory_space<hbm>>) dst(%arg15 : memref<128x16xf32, #tpu.memory_space<vmem>>)
        tpu.yield
      }) : () -> ()
      %dma_start3A_29 = arith.constant 0 : i32
      %dma_start3A_30 = arith.constant 0 : i32
      %dma_start3A_31 = tpu.memref_slice %arg5[%dma_start3A_29, %dma_start3A_30] : memref<50000x64xf32, #tpu.memory_space<hbm>> -> memref<50000x64xf32, #tpu.memory_space<hbm>>
      tpu.enqueue_indirect_dma source(%dma_start3A_31 : memref<50000x64xf32, #tpu.memory_space<hbm>>) target(%arg17 : memref<128x64xf32, #tpu.memory_space<vmem>>) offsets(%arg9 : memref<128xi32, #tpu.memory_space<vmem>>) semaphore(%arg20 : memref<!tpu.dma_semaphore, #tpu.memory_space<semaphore_mem>>)
      %get3A = arith.constant 0 : index
      %get3A_32 = tpu.vector_load %arg10[%get3A] {strides = array<i32>} : memref<128xi32, #tpu.memory_space<vmem>>, vector<16xi32>,
      %get3A_33 = vector.shape_cast %get3A_32 : vector<16xi32> to vector<16xi32>
      %sub3A = vector.broadcast %mul3A_4 : i32 to vector<16xi32>
      %sub3A_34 = arith.subi %get3A_33, %sub3A : vector<16xi32>
      %ge3A = arith.constant 0 : i32
      %ge3A_35 = vector.broadcast %ge3A : i32 to vector<16xi32>
      %ge3A_36 = arith.cmpi sge, %sub3A_34, %ge3A_35 : vector<16xi32>
      %lt3A = arith.constant 25000 : i32
      %lt3A_37 = vector.broadcast %lt3A : i32 to vector<16xi32>
      %lt3A_38 = arith.cmpi slt, %sub3A_34, %lt3A_37 : vector<16xi32>
      %and3A = arith.andi %ge3A_36, %lt3A_38 : vector<16xi1>
      %jit3A = arith.constant 25000 : i32
      %broadcast_in_dim3A = vector.broadcast %jit3A : i32 to vector<16xi32>
      %select_n3A = arith.select %and3A, %sub3A_34, %broadcast_in_dim3A : vector<16xi1>, vector<16xi32>
      %swap3A = arith.constant 0 : index
      %swap3A_39 = tpu.vector_load %arg12[%swap3A] {strides = array<i32>} : memref<128xi32, #tpu.memory_space<vmem>>, vector<16xi32>,
      %swap3A_40 = vector.shape_cast %swap3A_39 : vector<16xi32> to vector<16xi32>
      %swap3A_41 = vector.shape_cast %select_n3A : vector<16xi32> to vector<16xi32>
      tpu.vector_store %arg12[%swap3A], %swap3A_41 {strides = array<i32>} : memref<128xi32, #tpu.memory_space<vmem>>, vector<16xi32>,
      %get3A_42 = arith.constant 16 : index
      %get3A_43 = tpu.vector_load %arg10[%get3A_42] {strides = array<i32>} : memref<128xi32, #tpu.memory_space<vmem>>, vector<16xi32>,
      %get3A_44 = vector.shape_cast %get3A_43 : vector<16xi32> to vector<16xi32>
      %sub3A_45 = vector.broadcast %mul3A_4 : i32 to vector<16xi32>
      %sub3A_46 = arith.subi %get3A_44, %sub3A_45 : vector<16xi32>
      %ge3A_47 = arith.constant 0 : i32
      %ge3A_48 = vector.broadcast %ge3A_47 : i32 to vector<16xi32>
      %ge3A_49 = arith.cmpi sge, %sub3A_46, %ge3A_48 : vector<16xi32>
      %lt3A_50 = arith.constant 25000 : i32
      %lt3A_51 = vector.broadcast %lt3A_50 : i32 to vector<16xi32>
      %lt3A_52 = arith.cmpi slt, %sub3A_46, %lt3A_51 : vector<16xi32>
      %and3A_53 = arith.andi %ge3A_49, %lt3A_52 : vector<16xi1>
      %jit3A_54 = arith.constant 25000 : i32
      %broadcast_in_dim3A_55 = vector.broadcast %jit3A_54 : i32 to vector<16xi32>
      %select_n3A_56 = arith.select %and3A_53, %sub3A_46, %broadcast_in_dim3A_55 : vector<16xi1>, vector<16xi32>
      %swap3A_57 = arith.constant 16 : index
      %swap3A_58 = tpu.vector_load %arg12[%swap3A_57] {strides = array<i32>} : memref<128xi32, #tpu.memory_space<vmem>>, vector<16xi32>,
      %swap3A_59 = vector.shape_cast %swap3A_58 : vector<16xi32> to vector<16xi32>
      %swap3A_60 = vector.shape_cast %select_n3A_56 : vector<16xi32> to vector<16xi32>
      tpu.vector_store %arg12[%swap3A_57], %swap3A_60 {strides = array<i32>} : memref<128xi32, #tpu.memory_space<vmem>>, vector<16xi32>,
      %get3A_61 = arith.constant 32 : index
      %get3A_62 = tpu.vector_load %arg10[%get3A_61] {strides = array<i32>} : memref<128xi32, #tpu.memory_space<vmem>>, vector<16xi32>,
      %get3A_63 = vector.shape_cast %get3A_62 : vector<16xi32> to vector<16xi32>
      %sub3A_64 = vector.broadcast %mul3A_4 : i32 to vector<16xi32>
      %sub3A_65 = arith.subi %get3A_63, %sub3A_64 : vector<16xi32>
      %ge3A_66 = arith.constant 0 : i32
      %ge3A_67 = vector.broadcast %ge3A_66 : i32 to vector<16xi32>
      %ge3A_68 = arith.cmpi sge, %sub3A_65, %ge3A_67 : vector<16xi32>
      %lt3A_69 = arith.constant 25000 : i32
      %lt3A_70 = vector.broadcast %lt3A_69 : i32 to vector<16xi32>
      %lt3A_71 = arith.cmpi slt, %sub3A_65, %lt3A_70 : vector<16xi32>
      %and3A_72 = arith.andi %ge3A_68, %lt3A_71 : vector<16xi1>
      %jit3A_73 = arith.constant 25000 : i32
      %broadcast_in_dim3A_74 = vector.broadcast %jit3A_73 : i32 to vector<16xi32>
      %select_n3A_75 = arith.select %and3A_72, %sub3A_65, %broadcast_in_dim3A_74 : vector<16xi1>, vector<16xi32>
      %swap3A_76 = arith.constant 32 : index
      %swap3A_77 = tpu.vector_load %arg12[%swap3A_76] {strides = array<i32>} : memref<128xi32, #tpu.memory_space<vmem>>, vector<16xi32>,
      %swap3A_78 = vector.shape_cast %swap3A_77 : vector<16xi32> to vector<16xi32>
      %swap3A_79 = vector.shape_cast %select_n3A_75 : vector<16xi32> to vector<16xi32>
      tpu.vector_store %arg12[%swap3A_76], %swap3A_79 {strides = array<i32>} : memref<128xi32, #tpu.memory_space<vmem>>, vector<16xi32>,
      %get3A_80 = arith.constant 48 : index
      %get3A_81 = tpu.vector_load %arg10[%get3A_80] {strides = array<i32>} : memref<128xi32, #tpu.memory_space<vmem>>, vector<16xi32>,
      %get3A_82 = vector.shape_cast %get3A_81 : vector<16xi32> to vector<16xi32>
      %sub3A_83 = vector.broadcast %mul3A_4 : i32 to vector<16xi32>
      %sub3A_84 = arith.subi %get3A_82, %sub3A_83 : vector<16xi32>
      %ge3A_85 = arith.constant 0 : i32
      %ge3A_86 = vector.broadcast %ge3A_85 : i32 to vector<16xi32>
      %ge3A_87 = arith.cmpi sge, %sub3A_84, %ge3A_86 : vector<16xi32>
      %lt3A_88 = arith.constant 25000 : i32
      %lt3A_89 = vector.broadcast %lt3A_88 : i32 to vector<16xi32>
      %lt3A_90 = arith.cmpi slt, %sub3A_84, %lt3A_89 : vector<16xi32>
      %and3A_91 = arith.andi %ge3A_87, %lt3A_90 : vector<16xi1>
      %jit3A_92 = arith.constant 25000 : i32
      %broadcast_in_dim3A_93 = vector.broadcast %jit3A_92 : i32 to vector<16xi32>
      %select_n3A_94 = arith.select %and3A_91, %sub3A_84, %broadcast_in_dim3A_93 : vector<16xi1>, vector<16xi32>
      %swap3A_95 = arith.constant 48 : index
      %swap3A_96 = tpu.vector_load %arg12[%swap3A_95] {strides = array<i32>} : memref<128xi32, #tpu.memory_space<vmem>>, vector<16xi32>,
      %swap3A_97 = vector.shape_cast %swap3A_96 : vector<16xi32> to vector<16xi32>
      %swap3A_98 = vector.shape_cast %select_n3A_94 : vector<16xi32> to vector<16xi32>
      tpu.vector_store %arg12[%swap3A_95], %swap3A_98 {strides = array<i32>} : memref<128xi32, #tpu.memory_space<vmem>>, vector<16xi32>,
      %get3A_99 = arith.constant 64 : index
      %get3A_100 = tpu.vector_load %arg10[%get3A_99] {strides = array<i32>} : memref<128xi32, #tpu.memory_space<vmem>>, vector<16xi32>,
      %get3A_101 = vector.shape_cast %get3A_100 : vector<16xi32> to vector<16xi32>
      %sub3A_102 = vector.broadcast %mul3A_4 : i32 to vector<16xi32>
      %sub3A_103 = arith.subi %get3A_101, %sub3A_102 : vector<16xi32>
      %ge3A_104 = arith.constant 0 : i32
      %ge3A_105 = vector.broadcast %ge3A_104 : i32 to vector<16xi32>
      %ge3A_106 = arith.cmpi sge, %sub3A_103, %ge3A_105 : vector<16xi32>
      %lt3A_107 = arith.constant 25000 : i32
      %lt3A_108 = vector.broadcast %lt3A_107 : i32 to vector<16xi32>
      %lt3A_109 = arith.cmpi slt, %sub3A_103, %lt3A_108 : vector<16xi32>
      %and3A_110 = arith.andi %ge3A_106, %lt3A_109 : vector<16xi1>
      %jit3A_111 = arith.constant 25000 : i32
      %broadcast_in_dim3A_112 = vector.broadcast %jit3A_111 : i32 to vector<16xi32>
      %select_n3A_113 = arith.select %and3A_110, %sub3A_103, %broadcast_in_dim3A_112 : vector<16xi1>, vector<16xi32>
      %swap3A_114 = arith.constant 64 : index
      %swap3A_115 = tpu.vector_load %arg12[%swap3A_114] {strides = array<i32>} : memref<128xi32, #tpu.memory_space<vmem>>, vector<16xi32>,
      %swap3A_116 = vector.shape_cast %swap3A_115 : vector<16xi32> to vector<16xi32>
      %swap3A_117 = vector.shape_cast %select_n3A_113 : vector<16xi32> to vector<16xi32>
      tpu.vector_store %arg12[%swap3A_114], %swap3A_117 {strides = array<i32>} : memref<128xi32, #tpu.memory_space<vmem>>, vector<16xi32>,
      %get3A_118 = arith.constant 80 : index
      %get3A_119 = tpu.vector_load %arg10[%get3A_118] {strides = array<i32>} : memref<128xi32, #tpu.memory_space<vmem>>, vector<16xi32>,
      %get3A_120 = vector.shape_cast %get3A_119 : vector<16xi32> to vector<16xi32>
      %sub3A_121 = vector.broadcast %mul3A_4 : i32 to vector<16xi32>
      %sub3A_122 = arith.subi %get3A_120, %sub3A_121 : vector<16xi32>
      %ge3A_123 = arith.constant 0 : i32
      %ge3A_124 = vector.broadcast %ge3A_123 : i32 to vector<16xi32>
      %ge3A_125 = arith.cmpi sge, %sub3A_122, %ge3A_124 : vector<16xi32>
      %lt3A_126 = arith.constant 25000 : i32
      %lt3A_127 = vector.broadcast %lt3A_126 : i32 to vector<16xi32>
      %lt3A_128 = arith.cmpi slt, %sub3A_122, %lt3A_127 : vector<16xi32>
      %and3A_129 = arith.andi %ge3A_125, %lt3A_128 : vector<16xi1>
      %jit3A_130 = arith.constant 25000 : i32
      %broadcast_in_dim3A_131 = vector.broadcast %jit3A_130 : i32 to vector<16xi32>
      %select_n3A_132 = arith.select %and3A_129, %sub3A_122, %broadcast_in_dim3A_131 : vector<16xi1>, vector<16xi32>
      %swap3A_133 = arith.constant 80 : index
      %swap3A_134 = tpu.vector_load %arg12[%swap3A_133] {strides = array<i32>} : memref<128xi32, #tpu.memory_space<vmem>>, vector<16xi32>,
      %swap3A_135 = vector.shape_cast %swap3A_134 : vector<16xi32> to vector<16xi32>
      %swap3A_136 = vector.shape_cast %select_n3A_132 : vector<16xi32> to vector<16xi32>
      tpu.vector_store %arg12[%swap3A_133], %swap3A_136 {strides = array<i32>} : memref<128xi32, #tpu.memory_space<vmem>>, vector<16xi32>,
      %get3A_137 = arith.constant 96 : index
      %get3A_138 = tpu.vector_load %arg10[%get3A_137] {strides = array<i32>} : memref<128xi32, #tpu.memory_space<vmem>>, vector<16xi32>,
      %get3A_139 = vector.shape_cast %get3A_138 : vector<16xi32> to vector<16xi32>
      %sub3A_140 = vector.broadcast %mul3A_4 : i32 to vector<16xi32>
      %sub3A_141 = arith.subi %get3A_139, %sub3A_140 : vector<16xi32>
      %ge3A_142 = arith.constant 0 : i32
      %ge3A_143 = vector.broadcast %ge3A_142 : i32 to vector<16xi32>
      %ge3A_144 = arith.cmpi sge, %sub3A_141, %ge3A_143 : vector<16xi32>
      %lt3A_145 = arith.constant 25000 : i32
      %lt3A_146 = vector.broadcast %lt3A_145 : i32 to vector<16xi32>
      %lt3A_147 = arith.cmpi slt, %sub3A_141, %lt3A_146 : vector<16xi32>
      %and3A_148 = arith.andi %ge3A_144, %lt3A_147 : vector<16xi1>
      %jit3A_149 = arith.constant 25000 : i32
      %broadcast_in_dim3A_150 = vector.broadcast %jit3A_149 : i32 to vector<16xi32>
      %select_n3A_151 = arith.select %and3A_148, %sub3A_141, %broadcast_in_dim3A_150 : vector<16xi1>, vector<16xi32>
      %swap3A_152 = arith.constant 96 : index
      %swap3A_153 = tpu.vector_load %arg12[%swap3A_152] {strides = array<i32>} : memref<128xi32, #tpu.memory_space<vmem>>, vector<16xi32>,
      %swap3A_154 = vector.shape_cast %swap3A_153 : vector<16xi32> to vector<16xi32>
      %swap3A_155 = vector.shape_cast %select_n3A_151 : vector<16xi32> to vector<16xi32>
      tpu.vector_store %arg12[%swap3A_152], %swap3A_155 {strides = array<i32>} : memref<128xi32, #tpu.memory_space<vmem>>, vector<16xi32>,
      %get3A_156 = arith.constant 112 : index
      %get3A_157 = tpu.vector_load %arg10[%get3A_156] {strides = array<i32>} : memref<128xi32, #tpu.memory_space<vmem>>, vector<16xi32>,
      %get3A_158 = vector.shape_cast %get3A_157 : vector<16xi32> to vector<16xi32>
      %sub3A_159 = vector.broadcast %mul3A_4 : i32 to vector<16xi32>
      %sub3A_160 = arith.subi %get3A_158, %sub3A_159 : vector<16xi32>
      %ge3A_161 = arith.constant 0 : i32
      %ge3A_162 = vector.broadcast %ge3A_161 : i32 to vector<16xi32>
      %ge3A_163 = arith.cmpi sge, %sub3A_160, %ge3A_162 : vector<16xi32>
      %lt3A_164 = arith.constant 25000 : i32
      %lt3A_165 = vector.broadcast %lt3A_164 : i32 to vector<16xi32>
      %lt3A_166 = arith.cmpi slt, %sub3A_160, %lt3A_165 : vector<16xi32>
      %and3A_167 = arith.andi %ge3A_163, %lt3A_166 : vector<16xi1>
      %jit3A_168 = arith.constant 25000 : i32
      %broadcast_in_dim3A_169 = vector.broadcast %jit3A_168 : i32 to vector<16xi32>
      %select_n3A_170 = arith.select %and3A_167, %sub3A_160, %broadcast_in_dim3A_169 : vector<16xi1>, vector<16xi32>
      %swap3A_171 = arith.constant 112 : index
      %swap3A_172 = tpu.vector_load %arg12[%swap3A_171] {strides = array<i32>} : memref<128xi32, #tpu.memory_space<vmem>>, vector<16xi32>,
      %swap3A_173 = vector.shape_cast %swap3A_172 : vector<16xi32> to vector<16xi32>
      %swap3A_174 = vector.shape_cast %select_n3A_170 : vector<16xi32> to vector<16xi32>
      tpu.vector_store %arg12[%swap3A_171], %swap3A_174 {strides = array<i32>} : memref<128xi32, #tpu.memory_space<vmem>>, vector<16xi32>,
      %get3A_175 = arith.constant 0 : index
      %get3A_176 = tpu.vector_load %arg11[%get3A_175] {strides = array<i32>} : memref<128xi32, #tpu.memory_space<vmem>>, vector<16xi32>,
      %get3A_177 = vector.shape_cast %get3A_176 : vector<16xi32> to vector<16xi32>
      %sub3A_178 = vector.broadcast %mul3A_4 : i32 to vector<16xi32>
      %sub3A_179 = arith.subi %get3A_177, %sub3A_178 : vector<16xi32>
      %ge3A_180 = arith.constant 0 : i32
      %ge3A_181 = vector.broadcast %ge3A_180 : i32 to vector<16xi32>
      %ge3A_182 = arith.cmpi sge, %sub3A_179, %ge3A_181 : vector<16xi32>
      %lt3A_183 = arith.constant 25000 : i32
      %lt3A_184 = vector.broadcast %lt3A_183 : i32 to vector<16xi32>
      %lt3A_185 = arith.cmpi slt, %sub3A_179, %lt3A_184 : vector<16xi32>
      %and3A_186 = arith.andi %ge3A_182, %lt3A_185 : vector<16xi1>
      %jit3A_187 = arith.constant 25000 : i32
      %broadcast_in_dim3A_188 = vector.broadcast %jit3A_187 : i32 to vector<16xi32>
      %select_n3A_189 = arith.select %and3A_186, %sub3A_179, %broadcast_in_dim3A_188 : vector<16xi1>, vector<16xi32>
      %swap3A_190 = arith.constant 0 : index
      %swap3A_191 = tpu.vector_load %arg13[%swap3A_190] {strides = array<i32>} : memref<128xi32, #tpu.memory_space<vmem>>, vector<16xi32>,
      %swap3A_192 = vector.shape_cast %swap3A_191 : vector<16xi32> to vector<16xi32>
      %swap3A_193 = vector.shape_cast %select_n3A_189 : vector<16xi32> to vector<16xi32>
      tpu.vector_store %arg13[%swap3A_190], %swap3A_193 {strides = array<i32>} : memref<128xi32, #tpu.memory_space<vmem>>, vector<16xi32>,
      %get3A_194 = arith.constant 16 : index
      %get3A_195 = tpu.vector_load %arg11[%get3A_194] {strides = array<i32>} : memref<128xi32, #tpu.memory_space<vmem>>, vector<16xi32>,
      %get3A_196 = vector.shape_cast %get3A_195 : vector<16xi32> to vector<16xi32>
      %sub3A_197 = vector.broadcast %mul3A_4 : i32 to vector<16xi32>
      %sub3A_198 = arith.subi %get3A_196, %sub3A_197 : vector<16xi32>
      %ge3A_199 = arith.constant 0 : i32
      %ge3A_200 = vector.broadcast %ge3A_199 : i32 to vector<16xi32>
      %ge3A_201 = arith.cmpi sge, %sub3A_198, %ge3A_200 : vector<16xi32>
      %lt3A_202 = arith.constant 25000 : i32
      %lt3A_203 = vector.broadcast %lt3A_202 : i32 to vector<16xi32>
      %lt3A_204 = arith.cmpi slt, %sub3A_198, %lt3A_203 : vector<16xi32>
      %and3A_205 = arith.andi %ge3A_201, %lt3A_204 : vector<16xi1>
      %jit3A_206 = arith.constant 25000 : i32
      %broadcast_in_dim3A_207 = vector.broadcast %jit3A_206 : i32 to vector<16xi32>
      %select_n3A_208 = arith.select %and3A_205, %sub3A_198, %broadcast_in_dim3A_207 : vector<16xi1>, vector<16xi32>
      %swap3A_209 = arith.constant 16 : index
      %swap3A_210 = tpu.vector_load %arg13[%swap3A_209] {strides = array<i32>} : memref<128xi32, #tpu.memory_space<vmem>>, vector<16xi32>,
      %swap3A_211 = vector.shape_cast %swap3A_210 : vector<16xi32> to vector<16xi32>
      %swap3A_212 = vector.shape_cast %select_n3A_208 : vector<16xi32> to vector<16xi32>
      tpu.vector_store %arg13[%swap3A_209], %swap3A_212 {strides = array<i32>} : memref<128xi32, #tpu.memory_space<vmem>>, vector<16xi32>,
      %get3A_213 = arith.constant 32 : index
      %get3A_214 = tpu.vector_load %arg11[%get3A_213] {strides = array<i32>} : memref<128xi32, #tpu.memory_space<vmem>>, vector<16xi32>,
      %get3A_215 = vector.shape_cast %get3A_214 : vector<16xi32> to vector<16xi32>
      %sub3A_216 = vector.broadcast %mul3A_4 : i32 to vector<16xi32>
      %sub3A_217 = arith.subi %get3A_215, %sub3A_216 : vector<16xi32>
      %ge3A_218 = arith.constant 0 : i32
      %ge3A_219 = vector.broadcast %ge3A_218 : i32 to vector<16xi32>
      %ge3A_220 = arith.cmpi sge, %sub3A_217, %ge3A_219 : vector<16xi32>
      %lt3A_221 = arith.constant 25000 : i32
      %lt3A_222 = vector.broadcast %lt3A_221 : i32 to vector<16xi32>
      %lt3A_223 = arith.cmpi slt, %sub3A_217, %lt3A_222 : vector<16xi32>
      %and3A_224 = arith.andi %ge3A_220, %lt3A_223 : vector<16xi1>
      %jit3A_225 = arith.constant 25000 : i32
      %broadcast_in_dim3A_226 = vector.broadcast %jit3A_225 : i32 to vector<16xi32>
      %select_n3A_227 = arith.select %and3A_224, %sub3A_217, %broadcast_in_dim3A_226 : vector<16xi1>, vector<16xi32>
      %swap3A_228 = arith.constant 32 : index
      %swap3A_229 = tpu.vector_load %arg13[%swap3A_228] {strides = array<i32>} : memref<128xi32, #tpu.memory_space<vmem>>, vector<16xi32>,
      %swap3A_230 = vector.shape_cast %swap3A_229 : vector<16xi32> to vector<16xi32>
      %swap3A_231 = vector.shape_cast %select_n3A_227 : vector<16xi32> to vector<16xi32>
      tpu.vector_store %arg13[%swap3A_228], %swap3A_231 {strides = array<i32>} : memref<128xi32, #tpu.memory_space<vmem>>, vector<16xi32>,
      %get3A_232 = arith.constant 48 : index
      %get3A_233 = tpu.vector_load %arg11[%get3A_232] {strides = array<i32>} : memref<128xi32, #tpu.memory_space<vmem>>, vector<16xi32>,
      %get3A_234 = vector.shape_cast %get3A_233 : vector<16xi32> to vector<16xi32>
      %sub3A_235 = vector.broadcast %mul3A_4 : i32 to vector<16xi32>
      %sub3A_236 = arith.subi %get3A_234, %sub3A_235 : vector<16xi32>
      %ge3A_237 = arith.constant 0 : i32
      %ge3A_238 = vector.broadcast %ge3A_237 : i32 to vector<16xi32>
      %ge3A_239 = arith.cmpi sge, %sub3A_236, %ge3A_238 : vector<16xi32>
      %lt3A_240 = arith.constant 25000 : i32
      %lt3A_241 = vector.broadcast %lt3A_240 : i32 to vector<16xi32>
      %lt3A_242 = arith.cmpi slt, %sub3A_236, %lt3A_241 : vector<16xi32>
      %and3A_243 = arith.andi %ge3A_239, %lt3A_242 : vector<16xi1>
      %jit3A_244 = arith.constant 25000 : i32
      %broadcast_in_dim3A_245 = vector.broadcast %jit3A_244 : i32 to vector<16xi32>
      %select_n3A_246 = arith.select %and3A_243, %sub3A_236, %broadcast_in_dim3A_245 : vector<16xi1>, vector<16xi32>
      %swap3A_247 = arith.constant 48 : index
      %swap3A_248 = tpu.vector_load %arg13[%swap3A_247] {strides = array<i32>} : memref<128xi32, #tpu.memory_space<vmem>>, vector<16xi32>,
      %swap3A_249 = vector.shape_cast %swap3A_248 : vector<16xi32> to vector<16xi32>
      %swap3A_250 = vector.shape_cast %select_n3A_246 : vector<16xi32> to vector<16xi32>
      tpu.vector_store %arg13[%swap3A_247], %swap3A_250 {strides = array<i32>} : memref<128xi32, #tpu.memory_space<vmem>>, vector<16xi32>,
      %get3A_251 = arith.constant 64 : index
      %get3A_252 = tpu.vector_load %arg11[%get3A_251] {strides = array<i32>} : memref<128xi32, #tpu.memory_space<vmem>>, vector<16xi32>,
      %get3A_253 = vector.shape_cast %get3A_252 : vector<16xi32> to vector<16xi32>
      %sub3A_254 = vector.broadcast %mul3A_4 : i32 to vector<16xi32>
      %sub3A_255 = arith.subi %get3A_253, %sub3A_254 : vector<16xi32>
      %ge3A_256 = arith.constant 0 : i32
      %ge3A_257 = vector.broadcast %ge3A_256 : i32 to vector<16xi32>
      %ge3A_258 = arith.cmpi sge, %sub3A_255, %ge3A_257 : vector<16xi32>
      %lt3A_259 = arith.constant 25000 : i32
      %lt3A_260 = vector.broadcast %lt3A_259 : i32 to vector<16xi32>
      %lt3A_261 = arith.cmpi slt, %sub3A_255, %lt3A_260 : vector<16xi32>
      %and3A_262 = arith.andi %ge3A_258, %lt3A_261 : vector<16xi1>
      %jit3A_263 = arith.constant 25000 : i32
      %broadcast_in_dim3A_264 = vector.broadcast %jit3A_263 : i32 to vector<16xi32>
      %select_n3A_265 = arith.select %and3A_262, %sub3A_255, %broadcast_in_dim3A_264 : vector<16xi1>, vector<16xi32>
      %swap3A_266 = arith.constant 64 : index
      %swap3A_267 = tpu.vector_load %arg13[%swap3A_266] {strides = array<i32>} : memref<128xi32, #tpu.memory_space<vmem>>, vector<16xi32>,
      %swap3A_268 = vector.shape_cast %swap3A_267 : vector<16xi32> to vector<16xi32>
      %swap3A_269 = vector.shape_cast %select_n3A_265 : vector<16xi32> to vector<16xi32>
      tpu.vector_store %arg13[%swap3A_266], %swap3A_269 {strides = array<i32>} : memref<128xi32, #tpu.memory_space<vmem>>, vector<16xi32>,
      %get3A_270 = arith.constant 80 : index
      %get3A_271 = tpu.vector_load %arg11[%get3A_270] {strides = array<i32>} : memref<128xi32, #tpu.memory_space<vmem>>, vector<16xi32>,
      %get3A_272 = vector.shape_cast %get3A_271 : vector<16xi32> to vector<16xi32>
      %sub3A_273 = vector.broadcast %mul3A_4 : i32 to vector<16xi32>
      %sub3A_274 = arith.subi %get3A_272, %sub3A_273 : vector<16xi32>
      %ge3A_275 = arith.constant 0 : i32
      %ge3A_276 = vector.broadcast %ge3A_275 : i32 to vector<16xi32>
      %ge3A_277 = arith.cmpi sge, %sub3A_274, %ge3A_276 : vector<16xi32>
      %lt3A_278 = arith.constant 25000 : i32
      %lt3A_279 = vector.broadcast %lt3A_278 : i32 to vector<16xi32>
      %lt3A_280 = arith.cmpi slt, %sub3A_274, %lt3A_279 : vector<16xi32>
      %and3A_281 = arith.andi %ge3A_277, %lt3A_280 : vector<16xi1>
      %jit3A_282 = arith.constant 25000 : i32
      %broadcast_in_dim3A_283 = vector.broadcast %jit3A_282 : i32 to vector<16xi32>
      %select_n3A_284 = arith.select %and3A_281, %sub3A_274, %broadcast_in_dim3A_283 : vector<16xi1>, vector<16xi32>
      %swap3A_285 = arith.constant 80 : index
      %swap3A_286 = tpu.vector_load %arg13[%swap3A_285] {strides = array<i32>} : memref<128xi32, #tpu.memory_space<vmem>>, vector<16xi32>,
      %swap3A_287 = vector.shape_cast %swap3A_286 : vector<16xi32> to vector<16xi32>
      %swap3A_288 = vector.shape_cast %select_n3A_284 : vector<16xi32> to vector<16xi32>
      tpu.vector_store %arg13[%swap3A_285], %swap3A_288 {strides = array<i32>} : memref<128xi32, #tpu.memory_space<vmem>>, vector<16xi32>,
      %get3A_289 = arith.constant 96 : index
      %get3A_290 = tpu.vector_load %arg11[%get3A_289] {strides = array<i32>} : memref<128xi32, #tpu.memory_space<vmem>>, vector<16xi32>,
      %get3A_291 = vector.shape_cast %get3A_290 : vector<16xi32> to vector<16xi32>
      %sub3A_292 = vector.broadcast %mul3A_4 : i32 to vector<16xi32>
      %sub3A_293 = arith.subi %get3A_291, %sub3A_292 : vector<16xi32>
      %ge3A_294 = arith.constant 0 : i32
      %ge3A_295 = vector.broadcast %ge3A_294 : i32 to vector<16xi32>
      %ge3A_296 = arith.cmpi sge, %sub3A_293, %ge3A_295 : vector<16xi32>
      %lt3A_297 = arith.constant 25000 : i32
      %lt3A_298 = vector.broadcast %lt3A_297 : i32 to vector<16xi32>
      %lt3A_299 = arith.cmpi slt, %sub3A_293, %lt3A_298 : vector<16xi32>
      %and3A_300 = arith.andi %ge3A_296, %lt3A_299 : vector<16xi1>
      %jit3A_301 = arith.constant 25000 : i32
      %broadcast_in_dim3A_302 = vector.broadcast %jit3A_301 : i32 to vector<16xi32>
      %select_n3A_303 = arith.select %and3A_300, %sub3A_293, %broadcast_in_dim3A_302 : vector<16xi1>, vector<16xi32>
      %swap3A_304 = arith.constant 96 : index
      %swap3A_305 = tpu.vector_load %arg13[%swap3A_304] {strides = array<i32>} : memref<128xi32, #tpu.memory_space<vmem>>, vector<16xi32>,
      %swap3A_306 = vector.shape_cast %swap3A_305 : vector<16xi32> to vector<16xi32>
      %swap3A_307 = vector.shape_cast %select_n3A_303 : vector<16xi32> to vector<16xi32>
      tpu.vector_store %arg13[%swap3A_304], %swap3A_307 {strides = array<i32>} : memref<128xi32, #tpu.memory_space<vmem>>, vector<16xi32>,
      %get3A_308 = arith.constant 112 : index
      %get3A_309 = tpu.vector_load %arg11[%get3A_308] {strides = array<i32>} : memref<128xi32, #tpu.memory_space<vmem>>, vector<16xi32>,
      %get3A_310 = vector.shape_cast %get3A_309 : vector<16xi32> to vector<16xi32>
      %sub3A_311 = vector.broadcast %mul3A_4 : i32 to vector<16xi32>
      %sub3A_312 = arith.subi %get3A_310, %sub3A_311 : vector<16xi32>
      %ge3A_313 = arith.constant 0 : i32
      %ge3A_314 = vector.broadcast %ge3A_313 : i32 to vector<16xi32>
      %ge3A_315 = arith.cmpi sge, %sub3A_312, %ge3A_314 : vector<16xi32>
      %lt3A_316 = arith.constant 25000 : i32
      %lt3A_317 = vector.broadcast %lt3A_316 : i32 to vector<16xi32>
      %lt3A_318 = arith.cmpi slt, %sub3A_312, %lt3A_317 : vector<16xi32>
      %and3A_319 = arith.andi %ge3A_315, %lt3A_318 : vector<16xi1>
      %jit3A_320 = arith.constant 25000 : i32
      %broadcast_in_dim3A_321 = vector.broadcast %jit3A_320 : i32 to vector<16xi32>
      %select_n3A_322 = arith.select %and3A_319, %sub3A_312, %broadcast_in_dim3A_321 : vector<16xi1>, vector<16xi32>
      %swap3A_323 = arith.constant 112 : index
      %swap3A_324 = tpu.vector_load %arg13[%swap3A_323] {strides = array<i32>} : memref<128xi32, #tpu.memory_space<vmem>>, vector<16xi32>,
      %swap3A_325 = vector.shape_cast %swap3A_324 : vector<16xi32> to vector<16xi32>
      %swap3A_326 = vector.shape_cast %select_n3A_322 : vector<16xi32> to vector<16xi32>
      tpu.vector_store %arg13[%swap3A_323], %swap3A_326 {strides = array<i32>} : memref<128xi32, #tpu.memory_space<vmem>>, vector<16xi32>,
      %dma_wait3A = arith.constant 0 : i32
      %dma_wait3A_327 = arith.constant 0 : i32
      %dma_wait3A_328 = tpu.memref_slice %arg5[%dma_wait3A, %dma_wait3A_327] : memref<50000x64xf32, #tpu.memory_space<hbm>> -> memref<50000x64xf32, #tpu.memory_space<hbm>>
      tpu.wait_indirect_dma semaphore(%arg19 : memref<!tpu.dma_semaphore, #tpu.memory_space<semaphore_mem>>) src(%dma_wait3A_328 : memref<50000x64xf32, #tpu.memory_space<hbm>>) dst(%arg16 : memref<128x64xf32, #tpu.memory_space<vmem>>)
      %scan3A_329 = arith.constant 0 : i32
      %scan3A_330 = arith.constant 0 : i32
      %scan3A_331 = arith.constant 32 : i32
      %scan3A_332 = arith.addi %scan3A_330, %scan3A_331 : i32
      %scan3A_333 = arith.constant 1 : i32
      scf.for %scan3A_344 = %scan3A_330 to %scan3A_332 step %scan3A_333  : i32 {
        %mul3A_345 = arith.constant 4 : i32
        %mul3A_346 = arith.muli %scan3A_344, %mul3A_345 : i32
        %add3A_347 = arith.constant 0 : i32
        %add3A_348 = arith.addi %mul3A_346, %add3A_347 : i32
        %get3A_349 = arith.index_cast %add3A_348 : i32 to index
        %get3A_350 = arith.constant 0 : index
        %get3A_351 = tpu.vector_load %arg14[%get3A_349, %get3A_350] {strides = array<i32>} : memref<128x16xf32, #tpu.memory_space<vmem>>, vector<1x16xf32>,
        %get3A_352 = vector.shape_cast %get3A_351 : vector<1x16xf32> to vector<16xf32>
        %get3A_353 = arith.index_cast %add3A_348 : i32 to index
        %get3A_354 = arith.constant 0 : index
        %get3A_355 = tpu.vector_load %arg16[%get3A_353, %get3A_354] {strides = array<i32>} : memref<128x64xf32, #tpu.memory_space<vmem>>, vector<1x16xf32>,
        %get3A_356 = vector.shape_cast %get3A_355 : vector<1x16xf32> to vector<16xf32>
        %mul3A_357 = arith.mulf %get3A_356, %get3A_352 : vector<16xf32>
        %swap3A_358 = arith.index_cast %add3A_348 : i32 to index
        %swap3A_359 = arith.constant 0 : index
        %swap3A_360 = tpu.vector_load %arg16[%swap3A_358, %swap3A_359] {strides = array<i32>} : memref<128x64xf32, #tpu.memory_space<vmem>>, vector<1x16xf32>,
        %swap3A_361 = vector.shape_cast %swap3A_360 : vector<1x16xf32> to vector<16xf32>
        %swap3A_362 = vector.shape_cast %mul3A_357 : vector<16xf32> to vector<1x16xf32>
        tpu.vector_store %arg16[%swap3A_358, %swap3A_359], %swap3A_362 {strides = array<i32>} : memref<128x64xf32, #tpu.memory_space<vmem>>, vector<1x16xf32>,
        %get3A_363 = arith.index_cast %add3A_348 : i32 to index
        %get3A_364 = arith.constant 16 : index
        %get3A_365 = tpu.vector_load %arg16[%get3A_363, %get3A_364] {strides = array<i32>} : memref<128x64xf32, #tpu.memory_space<vmem>>, vector<1x16xf32>,
        %get3A_366 = vector.shape_cast %get3A_365 : vector<1x16xf32> to vector<16xf32>
        %mul3A_367 = arith.mulf %get3A_366, %get3A_352 : vector<16xf32>
        %swap3A_368 = arith.index_cast %add3A_348 : i32 to index
        %swap3A_369 = arith.constant 16 : index
        %swap3A_370 = tpu.vector_load %arg16[%swap3A_368, %swap3A_369] {strides = array<i32>} : memref<128x64xf32, #tpu.memory_space<vmem>>, vector<1x16xf32>,
        %swap3A_371 = vector.shape_cast %swap3A_370 : vector<1x16xf32> to vector<16xf32>
        %swap3A_372 = vector.shape_cast %mul3A_367 : vector<16xf32> to vector<1x16xf32>
        tpu.vector_store %arg16[%swap3A_368, %swap3A_369], %swap3A_372 {strides = array<i32>} : memref<128x64xf32, #tpu.memory_space<vmem>>, vector<1x16xf32>,
        %get3A_373 = arith.index_cast %add3A_348 : i32 to index
        %get3A_374 = arith.constant 32 : index
        %get3A_375 = tpu.vector_load %arg16[%get3A_373, %get3A_374] {strides = array<i32>} : memref<128x64xf32, #tpu.memory_space<vmem>>, vector<1x16xf32>,
        %get3A_376 = vector.shape_cast %get3A_375 : vector<1x16xf32> to vector<16xf32>
        %mul3A_377 = arith.mulf %get3A_376, %get3A_352 : vector<16xf32>
        %swap3A_378 = arith.index_cast %add3A_348 : i32 to index
        %swap3A_379 = arith.constant 32 : index
        %swap3A_380 = tpu.vector_load %arg16[%swap3A_378, %swap3A_379] {strides = array<i32>} : memref<128x64xf32, #tpu.memory_space<vmem>>, vector<1x16xf32>,
        %swap3A_381 = vector.shape_cast %swap3A_380 : vector<1x16xf32> to vector<16xf32>
        %swap3A_382 = vector.shape_cast %mul3A_377 : vector<16xf32> to vector<1x16xf32>
        tpu.vector_store %arg16[%swap3A_378, %swap3A_379], %swap3A_382 {strides = array<i32>} : memref<128x64xf32, #tpu.memory_space<vmem>>, vector<1x16xf32>,
        %get3A_383 = arith.index_cast %add3A_348 : i32 to index
        %get3A_384 = arith.constant 48 : index
        %get3A_385 = tpu.vector_load %arg16[%get3A_383, %get3A_384] {strides = array<i32>} : memref<128x64xf32, #tpu.memory_space<vmem>>, vector<1x16xf32>,
        %get3A_386 = vector.shape_cast %get3A_385 : vector<1x16xf32> to vector<16xf32>
        %mul3A_387 = arith.mulf %get3A_386, %get3A_352 : vector<16xf32>
        %swap3A_388 = arith.index_cast %add3A_348 : i32 to index
        %swap3A_389 = arith.constant 48 : index
        %swap3A_390 = tpu.vector_load %arg16[%swap3A_388, %swap3A_389] {strides = array<i32>} : memref<128x64xf32, #tpu.memory_space<vmem>>, vector<1x16xf32>,
        %swap3A_391 = vector.shape_cast %swap3A_390 : vector<1x16xf32> to vector<16xf32>
        %swap3A_392 = vector.shape_cast %mul3A_387 : vector<16xf32> to vector<1x16xf32>
        tpu.vector_store %arg16[%swap3A_388, %swap3A_389], %swap3A_392 {strides = array<i32>} : memref<128x64xf32, #tpu.memory_space<vmem>>, vector<1x16xf32>,
        %mul3A_393 = arith.constant 4 : i32
        %mul3A_394 = arith.muli %scan3A_344, %mul3A_393 : i32
        %add3A_395 = arith.constant 1 : i32
        %add3A_396 = arith.addi %mul3A_394, %add3A_395 : i32
        %get3A_397 = arith.index_cast %add3A_396 : i32 to index
        %get3A_398 = arith.constant 0 : index
        %get3A_399 = tpu.vector_load %arg14[%get3A_397, %get3A_398] {strides = array<i32>} : memref<128x16xf32, #tpu.memory_space<vmem>>, vector<1x16xf32>,
        %get3A_400 = vector.shape_cast %get3A_399 : vector<1x16xf32> to vector<16xf32>
        %get3A_401 = arith.index_cast %add3A_396 : i32 to index
        %get3A_402 = arith.constant 0 : index
        %get3A_403 = tpu.vector_load %arg16[%get3A_401, %get3A_402] {strides = array<i32>} : memref<128x64xf32, #tpu.memory_space<vmem>>, vector<1x16xf32>,
        %get3A_404 = vector.shape_cast %get3A_403 : vector<1x16xf32> to vector<16xf32>
        %mul3A_405 = arith.mulf %get3A_404, %get3A_400 : vector<16xf32>
        %swap3A_406 = arith.index_cast %add3A_396 : i32 to index
        %swap3A_407 = arith.constant 0 : index
        %swap3A_408 = tpu.vector_load %arg16[%swap3A_406, %swap3A_407] {strides = array<i32>} : memref<128x64xf32, #tpu.memory_space<vmem>>, vector<1x16xf32>,
        %swap3A_409 = vector.shape_cast %swap3A_408 : vector<1x16xf32> to vector<16xf32>
        %swap3A_410 = vector.shape_cast %mul3A_405 : vector<16xf32> to vector<1x16xf32>
        tpu.vector_store %arg16[%swap3A_406, %swap3A_407], %swap3A_410 {strides = array<i32>} : memref<128x64xf32, #tpu.memory_space<vmem>>, vector<1x16xf32>,
        %get3A_411 = arith.index_cast %add3A_396 : i32 to index
        %get3A_412 = arith.constant 16 : index
        %get3A_413 = tpu.vector_load %arg16[%get3A_411, %get3A_412] {strides = array<i32>} : memref<128x64xf32, #tpu.memory_space<vmem>>, vector<1x16xf32>,
        %get3A_414 = vector.shape_cast %get3A_413 : vector<1x16xf32> to vector<16xf32>
        %mul3A_415 = arith.mulf %get3A_414, %get3A_400 : vector<16xf32>
        %swap3A_416 = arith.index_cast %add3A_396 : i32 to index
        %swap3A_417 = arith.constant 16 : index
        %swap3A_418 = tpu.vector_load %arg16[%swap3A_416, %swap3A_417] {strides = array<i32>} : memref<128x64xf32, #tpu.memory_space<vmem>>, vector<1x16xf32>,
        %swap3A_419 = vector.shape_cast %swap3A_418 : vector<1x16xf32> to vector<16xf32>
        %swap3A_420 = vector.shape_cast %mul3A_415 : vector<16xf32> to vector<1x16xf32>
        tpu.vector_store %arg16[%swap3A_416, %swap3A_417], %swap3A_420 {strides = array<i32>} : memref<128x64xf32, #tpu.memory_space<vmem>>, vector<1x16xf32>,
        %get3A_421 = arith.index_cast %add3A_396 : i32 to index
        %get3A_422 = arith.constant 32 : index
        %get3A_423 = tpu.vector_load %arg16[%get3A_421, %get3A_422] {strides = array<i32>} : memref<128x64xf32, #tpu.memory_space<vmem>>, vector<1x16xf32>,
        %get3A_424 = vector.shape_cast %get3A_423 : vector<1x16xf32> to vector<16xf32>
        %mul3A_425 = arith.mulf %get3A_424, %get3A_400 : vector<16xf32>
        %swap3A_426 = arith.index_cast %add3A_396 : i32 to index
        %swap3A_427 = arith.constant 32 : index
        %swap3A_428 = tpu.vector_load %arg16[%swap3A_426, %swap3A_427] {strides = array<i32>} : memref<128x64xf32, #tpu.memory_space<vmem>>, vector<1x16xf32>,
        %swap3A_429 = vector.shape_cast %swap3A_428 : vector<1x16xf32> to vector<16xf32>
        %swap3A_430 = vector.shape_cast %mul3A_425 : vector<16xf32> to vector<1x16xf32>
        tpu.vector_store %arg16[%swap3A_426, %swap3A_427], %swap3A_430 {strides = array<i32>} : memref<128x64xf32, #tpu.memory_space<vmem>>, vector<1x16xf32>,
        %get3A_431 = arith.index_cast %add3A_396 : i32 to index
        %get3A_432 = arith.constant 48 : index
        %get3A_433 = tpu.vector_load %arg16[%get3A_431, %get3A_432] {strides = array<i32>} : memref<128x64xf32, #tpu.memory_space<vmem>>, vector<1x16xf32>,
        %get3A_434 = vector.shape_cast %get3A_433 : vector<1x16xf32> to vector<16xf32>
        %mul3A_435 = arith.mulf %get3A_434, %get3A_400 : vector<16xf32>
        %swap3A_436 = arith.index_cast %add3A_396 : i32 to index
        %swap3A_437 = arith.constant 48 : index
        %swap3A_438 = tpu.vector_load %arg16[%swap3A_436, %swap3A_437] {strides = array<i32>} : memref<128x64xf32, #tpu.memory_space<vmem>>, vector<1x16xf32>,
        %swap3A_439 = vector.shape_cast %swap3A_438 : vector<1x16xf32> to vector<16xf32>
        %swap3A_440 = vector.shape_cast %mul3A_435 : vector<16xf32> to vector<1x16xf32>
        tpu.vector_store %arg16[%swap3A_436, %swap3A_437], %swap3A_440 {strides = array<i32>} : memref<128x64xf32, #tpu.memory_space<vmem>>, vector<1x16xf32>,
        %mul3A_441 = arith.constant 4 : i32
        %mul3A_442 = arith.muli %scan3A_344, %mul3A_441 : i32
        %add3A_443 = arith.constant 2 : i32
        %add3A_444 = arith.addi %mul3A_442, %add3A_443 : i32
        %get3A_445 = arith.index_cast %add3A_444 : i32 to index
        %get3A_446 = arith.constant 0 : index
        %get3A_447 = tpu.vector_load %arg14[%get3A_445, %get3A_446] {strides = array<i32>} : memref<128x16xf32, #tpu.memory_space<vmem>>, vector<1x16xf32>,
        %get3A_448 = vector.shape_cast %get3A_447 : vector<1x16xf32> to vector<16xf32>
        %get3A_449 = arith.index_cast %add3A_444 : i32 to index
        %get3A_450 = arith.constant 0 : index
        %get3A_451 = tpu.vector_load %arg16[%get3A_449, %get3A_450] {strides = array<i32>} : memref<128x64xf32, #tpu.memory_space<vmem>>, vector<1x16xf32>,
        %get3A_452 = vector.shape_cast %get3A_451 : vector<1x16xf32> to vector<16xf32>
        %mul3A_453 = arith.mulf %get3A_452, %get3A_448 : vector<16xf32>
        %swap3A_454 = arith.index_cast %add3A_444 : i32 to index
        %swap3A_455 = arith.constant 0 : index
        %swap3A_456 = tpu.vector_load %arg16[%swap3A_454, %swap3A_455] {strides = array<i32>} : memref<128x64xf32, #tpu.memory_space<vmem>>, vector<1x16xf32>,
        %swap3A_457 = vector.shape_cast %swap3A_456 : vector<1x16xf32> to vector<16xf32>
        %swap3A_458 = vector.shape_cast %mul3A_453 : vector<16xf32> to vector<1x16xf32>
        tpu.vector_store %arg16[%swap3A_454, %swap3A_455], %swap3A_458 {strides = array<i32>} : memref<128x64xf32, #tpu.memory_space<vmem>>, vector<1x16xf32>,
        %get3A_459 = arith.index_cast %add3A_444 : i32 to index
        %get3A_460 = arith.constant 16 : index
        %get3A_461 = tpu.vector_load %arg16[%get3A_459, %get3A_460] {strides = array<i32>} : memref<128x64xf32, #tpu.memory_space<vmem>>, vector<1x16xf32>,
        %get3A_462 = vector.shape_cast %get3A_461 : vector<1x16xf32> to vector<16xf32>
        %mul3A_463 = arith.mulf %get3A_462, %get3A_448 : vector<16xf32>
        %swap3A_464 = arith.index_cast %add3A_444 : i32 to index
        %swap3A_465 = arith.constant 16 : index
        %swap3A_466 = tpu.vector_load %arg16[%swap3A_464, %swap3A_465] {strides = array<i32>} : memref<128x64xf32, #tpu.memory_space<vmem>>, vector<1x16xf32>,
        %swap3A_467 = vector.shape_cast %swap3A_466 : vector<1x16xf32> to vector<16xf32>
        %swap3A_468 = vector.shape_cast %mul3A_463 : vector<16xf32> to vector<1x16xf32>
        tpu.vector_store %arg16[%swap3A_464, %swap3A_465], %swap3A_468 {strides = array<i32>} : memref<128x64xf32, #tpu.memory_space<vmem>>, vector<1x16xf32>,
        %get3A_469 = arith.index_cast %add3A_444 : i32 to index
        %get3A_470 = arith.constant 32 : index
        %get3A_471 = tpu.vector_load %arg16[%get3A_469, %get3A_470] {strides = array<i32>} : memref<128x64xf32, #tpu.memory_space<vmem>>, vector<1x16xf32>,
        %get3A_472 = vector.shape_cast %get3A_471 : vector<1x16xf32> to vector<16xf32>
        %mul3A_473 = arith.mulf %get3A_472, %get3A_448 : vector<16xf32>
        %swap3A_474 = arith.index_cast %add3A_444 : i32 to index
        %swap3A_475 = arith.constant 32 : index
        %swap3A_476 = tpu.vector_load %arg16[%swap3A_474, %swap3A_475] {strides = array<i32>} : memref<128x64xf32, #tpu.memory_space<vmem>>, vector<1x16xf32>,
        %swap3A_477 = vector.shape_cast %swap3A_476 : vector<1x16xf32> to vector<16xf32>
        %swap3A_478 = vector.shape_cast %mul3A_473 : vector<16xf32> to vector<1x16xf32>
        tpu.vector_store %arg16[%swap3A_474, %swap3A_475], %swap3A_478 {strides = array<i32>} : memref<128x64xf32, #tpu.memory_space<vmem>>, vector<1x16xf32>,
        %get3A_479 = arith.index_cast %add3A_444 : i32 to index
        %get3A_480 = arith.constant 48 : index
        %get3A_481 = tpu.vector_load %arg16[%get3A_479, %get3A_480] {strides = array<i32>} : memref<128x64xf32, #tpu.memory_space<vmem>>, vector<1x16xf32>,
        %get3A_482 = vector.shape_cast %get3A_481 : vector<1x16xf32> to vector<16xf32>
        %mul3A_483 = arith.mulf %get3A_482, %get3A_448 : vector<16xf32>
        %swap3A_484 = arith.index_cast %add3A_444 : i32 to index
        %swap3A_485 = arith.constant 48 : index
        %swap3A_486 = tpu.vector_load %arg16[%swap3A_484, %swap3A_485] {strides = array<i32>} : memref<128x64xf32, #tpu.memory_space<vmem>>, vector<1x16xf32>,
        %swap3A_487 = vector.shape_cast %swap3A_486 : vector<1x16xf32> to vector<16xf32>
        %swap3A_488 = vector.shape_cast %mul3A_483 : vector<16xf32> to vector<1x16xf32>
        tpu.vector_store %arg16[%swap3A_484, %swap3A_485], %swap3A_488 {strides = array<i32>} : memref<128x64xf32, #tpu.memory_space<vmem>>, vector<1x16xf32>,
        %mul3A_489 = arith.constant 4 : i32
        %mul3A_490 = arith.muli %scan3A_344, %mul3A_489 : i32
        %add3A_491 = arith.constant 3 : i32
        %add3A_492 = arith.addi %mul3A_490, %add3A_491 : i32
        %get3A_493 = arith.index_cast %add3A_492 : i32 to index
        %get3A_494 = arith.constant 0 : index
        %get3A_495 = tpu.vector_load %arg14[%get3A_493, %get3A_494] {strides = array<i32>} : memref<128x16xf32, #tpu.memory_space<vmem>>, vector<1x16xf32>,
        %get3A_496 = vector.shape_cast %get3A_495 : vector<1x16xf32> to vector<16xf32>
        %get3A_497 = arith.index_cast %add3A_492 : i32 to index
        %get3A_498 = arith.constant 0 : index
        %get3A_499 = tpu.vector_load %arg16[%get3A_497, %get3A_498] {strides = array<i32>} : memref<128x64xf32, #tpu.memory_space<vmem>>, vector<1x16xf32>,
        %get3A_500 = vector.shape_cast %get3A_499 : vector<1x16xf32> to vector<16xf32>
        %mul3A_501 = arith.mulf %get3A_500, %get3A_496 : vector<16xf32>
        %swap3A_502 = arith.index_cast %add3A_492 : i32 to index
        %swap3A_503 = arith.constant 0 : index
        %swap3A_504 = tpu.vector_load %arg16[%swap3A_502, %swap3A_503] {strides = array<i32>} : memref<128x64xf32, #tpu.memory_space<vmem>>, vector<1x16xf32>,
        %swap3A_505 = vector.shape_cast %swap3A_504 : vector<1x16xf32> to vector<16xf32>
        %swap3A_506 = vector.shape_cast %mul3A_501 : vector<16xf32> to vector<1x16xf32>
        tpu.vector_store %arg16[%swap3A_502, %swap3A_503], %swap3A_506 {strides = array<i32>} : memref<128x64xf32, #tpu.memory_space<vmem>>, vector<1x16xf32>,
        %get3A_507 = arith.index_cast %add3A_492 : i32 to index
        %get3A_508 = arith.constant 16 : index
        %get3A_509 = tpu.vector_load %arg16[%get3A_507, %get3A_508] {strides = array<i32>} : memref<128x64xf32, #tpu.memory_space<vmem>>, vector<1x16xf32>,
        %get3A_510 = vector.shape_cast %get3A_509 : vector<1x16xf32> to vector<16xf32>
        %mul3A_511 = arith.mulf %get3A_510, %get3A_496 : vector<16xf32>
        %swap3A_512 = arith.index_cast %add3A_492 : i32 to index
        %swap3A_513 = arith.constant 16 : index
        %swap3A_514 = tpu.vector_load %arg16[%swap3A_512, %swap3A_513] {strides = array<i32>} : memref<128x64xf32, #tpu.memory_space<vmem>>, vector<1x16xf32>,
        %swap3A_515 = vector.shape_cast %swap3A_514 : vector<1x16xf32> to vector<16xf32>
        %swap3A_516 = vector.shape_cast %mul3A_511 : vector<16xf32> to vector<1x16xf32>
        tpu.vector_store %arg16[%swap3A_512, %swap3A_513], %swap3A_516 {strides = array<i32>} : memref<128x64xf32, #tpu.memory_space<vmem>>, vector<1x16xf32>,
        %get3A_517 = arith.index_cast %add3A_492 : i32 to index
        %get3A_518 = arith.constant 32 : index
        %get3A_519 = tpu.vector_load %arg16[%get3A_517, %get3A_518] {strides = array<i32>} : memref<128x64xf32, #tpu.memory_space<vmem>>, vector<1x16xf32>,
        %get3A_520 = vector.shape_cast %get3A_519 : vector<1x16xf32> to vector<16xf32>
        %mul3A_521 = arith.mulf %get3A_520, %get3A_496 : vector<16xf32>
        %swap3A_522 = arith.index_cast %add3A_492 : i32 to index
        %swap3A_523 = arith.constant 32 : index
        %swap3A_524 = tpu.vector_load %arg16[%swap3A_522, %swap3A_523] {strides = array<i32>} : memref<128x64xf32, #tpu.memory_space<vmem>>, vector<1x16xf32>,
        %swap3A_525 = vector.shape_cast %swap3A_524 : vector<1x16xf32> to vector<16xf32>
        %swap3A_526 = vector.shape_cast %mul3A_521 : vector<16xf32> to vector<1x16xf32>
        tpu.vector_store %arg16[%swap3A_522, %swap3A_523], %swap3A_526 {strides = array<i32>} : memref<128x64xf32, #tpu.memory_space<vmem>>, vector<1x16xf32>,
        %get3A_527 = arith.index_cast %add3A_492 : i32 to index
        %get3A_528 = arith.constant 48 : index
        %get3A_529 = tpu.vector_load %arg16[%get3A_527, %get3A_528] {strides = array<i32>} : memref<128x64xf32, #tpu.memory_space<vmem>>, vector<1x16xf32>,
        %get3A_530 = vector.shape_cast %get3A_529 : vector<1x16xf32> to vector<16xf32>
        %mul3A_531 = arith.mulf %get3A_530, %get3A_496 : vector<16xf32>
        %swap3A_532 = arith.index_cast %add3A_492 : i32 to index
        %swap3A_533 = arith.constant 48 : index
        %swap3A_534 = tpu.vector_load %arg16[%swap3A_532, %swap3A_533] {strides = array<i32>} : memref<128x64xf32, #tpu.memory_space<vmem>>, vector<1x16xf32>,
        %swap3A_535 = vector.shape_cast %swap3A_534 : vector<1x16xf32> to vector<16xf32>
        %swap3A_536 = vector.shape_cast %mul3A_531 : vector<16xf32> to vector<1x16xf32>
        tpu.vector_store %arg16[%swap3A_532, %swap3A_533], %swap3A_536 {strides = array<i32>} : memref<128x64xf32, #tpu.memory_space<vmem>>, vector<1x16xf32>,
      }
      %scan3A_334 = arith.constant 32 : i32
      "tpu.region"() ({
        %run_scoped3A = tpu.sem_alloc : memref<!tpu.dma_semaphore, #tpu.memory_space<semaphore_mem>>
        %dma_start3A_344 = arith.constant 0 : i32
        %dma_start3A_345 = arith.constant 0 : i32
        %dma_start3A_346 = tpu.memref_slice %arg18[%dma_start3A_344, %dma_start3A_345] : memref<25088x64xf32, #tpu.memory_space<vmem_shared>> -> memref<25088x64xf32, #tpu.memory_space<vmem_shared>>
        tpu.enqueue_indirect_dma source(%arg16 : memref<128x64xf32, #tpu.memory_space<vmem>>) target(%dma_start3A_346 : memref<25088x64xf32, #tpu.memory_space<vmem_shared>>) offsets(%arg12 : memref<128xi32, #tpu.memory_space<vmem>>) semaphore(%run_scoped3A : memref<!tpu.dma_semaphore, #tpu.memory_space<semaphore_mem>>) {add = true}
        %dma_wait3A_347 = arith.constant 0 : i32
        %dma_wait3A_348 = arith.constant 0 : i32
        %dma_wait3A_349 = tpu.memref_slice %arg18[%dma_wait3A_347, %dma_wait3A_348] : memref<25088x64xf32, #tpu.memory_space<vmem_shared>> -> memref<25088x64xf32, #tpu.memory_space<vmem_shared>>
        tpu.wait_indirect_dma semaphore(%run_scoped3A : memref<!tpu.dma_semaphore, #tpu.memory_space<semaphore_mem>>) src(%arg16 : memref<128x64xf32, #tpu.memory_space<vmem>>) dst(%dma_wait3A_349 : memref<25088x64xf32, #tpu.memory_space<vmem_shared>>)
        tpu.yield
      }) : () -> ()
      %dma_wait3A_335 = arith.constant 0 : i32
      %dma_wait3A_336 = arith.constant 0 : i32
      %dma_wait3A_337 = tpu.memref_slice %arg5[%dma_wait3A_335, %dma_wait3A_336] : memref<50000x64xf32, #tpu.memory_space<hbm>> -> memref<50000x64xf32, #tpu.memory_space<hbm>>
      tpu.wait_indirect_dma semaphore(%arg20 : memref<!tpu.dma_semaphore, #tpu.memory_space<semaphore_mem>>) src(%dma_wait3A_337 : memref<50000x64xf32, #tpu.memory_space<hbm>>) dst(%arg17 : memref<128x64xf32, #tpu.memory_space<vmem>>)
      %scan3A_338 = arith.constant 0 : i32
      %scan3A_339 = arith.constant 0 : i32
      %scan3A_340 = arith.constant 32 : i32
      %scan3A_341 = arith.addi %scan3A_339, %scan3A_340 : i32
      %scan3A_342 = arith.constant 1 : i32
      scf.for %scan3A_344 = %scan3A_339 to %scan3A_341 step %scan3A_342  : i32 {
        %mul3A_345 = arith.constant 4 : i32
        %mul3A_346 = arith.muli %scan3A_344, %mul3A_345 : i32
        %add3A_347 = arith.constant 0 : i32
        %add3A_348 = arith.addi %mul3A_346, %add3A_347 : i32
        %get3A_349 = arith.index_cast %add3A_348 : i32 to index
        %get3A_350 = arith.constant 0 : index
        %get3A_351 = tpu.vector_load %arg15[%get3A_349, %get3A_350] {strides = array<i32>} : memref<128x16xf32, #tpu.memory_space<vmem>>, vector<1x16xf32>,
        %get3A_352 = vector.shape_cast %get3A_351 : vector<1x16xf32> to vector<16xf32>
        %get3A_353 = arith.index_cast %add3A_348 : i32 to index
        %get3A_354 = arith.constant 0 : index
        %get3A_355 = tpu.vector_load %arg17[%get3A_353, %get3A_354] {strides = array<i32>} : memref<128x64xf32, #tpu.memory_space<vmem>>, vector<1x16xf32>,
        %get3A_356 = vector.shape_cast %get3A_355 : vector<1x16xf32> to vector<16xf32>
        %mul3A_357 = arith.mulf %get3A_356, %get3A_352 : vector<16xf32>
        %swap3A_358 = arith.index_cast %add3A_348 : i32 to index
        %swap3A_359 = arith.constant 0 : index
        %swap3A_360 = tpu.vector_load %arg17[%swap3A_358, %swap3A_359] {strides = array<i32>} : memref<128x64xf32, #tpu.memory_space<vmem>>, vector<1x16xf32>,
        %swap3A_361 = vector.shape_cast %swap3A_360 : vector<1x16xf32> to vector<16xf32>
        %swap3A_362 = vector.shape_cast %mul3A_357 : vector<16xf32> to vector<1x16xf32>
        tpu.vector_store %arg17[%swap3A_358, %swap3A_359], %swap3A_362 {strides = array<i32>} : memref<128x64xf32, #tpu.memory_space<vmem>>, vector<1x16xf32>,
        %get3A_363 = arith.index_cast %add3A_348 : i32 to index
        %get3A_364 = arith.constant 16 : index
        %get3A_365 = tpu.vector_load %arg17[%get3A_363, %get3A_364] {strides = array<i32>} : memref<128x64xf32, #tpu.memory_space<vmem>>, vector<1x16xf32>,
        %get3A_366 = vector.shape_cast %get3A_365 : vector<1x16xf32> to vector<16xf32>
        %mul3A_367 = arith.mulf %get3A_366, %get3A_352 : vector<16xf32>
        %swap3A_368 = arith.index_cast %add3A_348 : i32 to index
        %swap3A_369 = arith.constant 16 : index
        %swap3A_370 = tpu.vector_load %arg17[%swap3A_368, %swap3A_369] {strides = array<i32>} : memref<128x64xf32, #tpu.memory_space<vmem>>, vector<1x16xf32>,
        %swap3A_371 = vector.shape_cast %swap3A_370 : vector<1x16xf32> to vector<16xf32>
        %swap3A_372 = vector.shape_cast %mul3A_367 : vector<16xf32> to vector<1x16xf32>
        tpu.vector_store %arg17[%swap3A_368, %swap3A_369], %swap3A_372 {strides = array<i32>} : memref<128x64xf32, #tpu.memory_space<vmem>>, vector<1x16xf32>,
        %get3A_373 = arith.index_cast %add3A_348 : i32 to index
        %get3A_374 = arith.constant 32 : index
        %get3A_375 = tpu.vector_load %arg17[%get3A_373, %get3A_374] {strides = array<i32>} : memref<128x64xf32, #tpu.memory_space<vmem>>, vector<1x16xf32>,
        %get3A_376 = vector.shape_cast %get3A_375 : vector<1x16xf32> to vector<16xf32>
        %mul3A_377 = arith.mulf %get3A_376, %get3A_352 : vector<16xf32>
        %swap3A_378 = arith.index_cast %add3A_348 : i32 to index
        %swap3A_379 = arith.constant 32 : index
        %swap3A_380 = tpu.vector_load %arg17[%swap3A_378, %swap3A_379] {strides = array<i32>} : memref<128x64xf32, #tpu.memory_space<vmem>>, vector<1x16xf32>,
        %swap3A_381 = vector.shape_cast %swap3A_380 : vector<1x16xf32> to vector<16xf32>
        %swap3A_382 = vector.shape_cast %mul3A_377 : vector<16xf32> to vector<1x16xf32>
        tpu.vector_store %arg17[%swap3A_378, %swap3A_379], %swap3A_382 {strides = array<i32>} : memref<128x64xf32, #tpu.memory_space<vmem>>, vector<1x16xf32>,
        %get3A_383 = arith.index_cast %add3A_348 : i32 to index
        %get3A_384 = arith.constant 48 : index
        %get3A_385 = tpu.vector_load %arg17[%get3A_383, %get3A_384] {strides = array<i32>} : memref<128x64xf32, #tpu.memory_space<vmem>>, vector<1x16xf32>,
        %get3A_386 = vector.shape_cast %get3A_385 : vector<1x16xf32> to vector<16xf32>
        %mul3A_387 = arith.mulf %get3A_386, %get3A_352 : vector<16xf32>
        %swap3A_388 = arith.index_cast %add3A_348 : i32 to index
        %swap3A_389 = arith.constant 48 : index
        %swap3A_390 = tpu.vector_load %arg17[%swap3A_388, %swap3A_389] {strides = array<i32>} : memref<128x64xf32, #tpu.memory_space<vmem>>, vector<1x16xf32>,
        %swap3A_391 = vector.shape_cast %swap3A_390 : vector<1x16xf32> to vector<16xf32>
        %swap3A_392 = vector.shape_cast %mul3A_387 : vector<16xf32> to vector<1x16xf32>
        tpu.vector_store %arg17[%swap3A_388, %swap3A_389], %swap3A_392 {strides = array<i32>} : memref<128x64xf32, #tpu.memory_space<vmem>>, vector<1x16xf32>,
        %mul3A_393 = arith.constant 4 : i32
        %mul3A_394 = arith.muli %scan3A_344, %mul3A_393 : i32
        %add3A_395 = arith.constant 1 : i32
        %add3A_396 = arith.addi %mul3A_394, %add3A_395 : i32
        %get3A_397 = arith.index_cast %add3A_396 : i32 to index
        %get3A_398 = arith.constant 0 : index
        %get3A_399 = tpu.vector_load %arg15[%get3A_397, %get3A_398] {strides = array<i32>} : memref<128x16xf32, #tpu.memory_space<vmem>>, vector<1x16xf32>,
        %get3A_400 = vector.shape_cast %get3A_399 : vector<1x16xf32> to vector<16xf32>
        %get3A_401 = arith.index_cast %add3A_396 : i32 to index
        %get3A_402 = arith.constant 0 : index
        %get3A_403 = tpu.vector_load %arg17[%get3A_401, %get3A_402] {strides = array<i32>} : memref<128x64xf32, #tpu.memory_space<vmem>>, vector<1x16xf32>,
        %get3A_404 = vector.shape_cast %get3A_403 : vector<1x16xf32> to vector<16xf32>
        %mul3A_405 = arith.mulf %get3A_404, %get3A_400 : vector<16xf32>
        %swap3A_406 = arith.index_cast %add3A_396 : i32 to index
        %swap3A_407 = arith.constant 0 : index
        %swap3A_408 = tpu.vector_load %arg17[%swap3A_406, %swap3A_407] {strides = array<i32>} : memref<128x64xf32, #tpu.memory_space<vmem>>, vector<1x16xf32>,
        %swap3A_409 = vector.shape_cast %swap3A_408 : vector<1x16xf32> to vector<16xf32>
        %swap3A_410 = vector.shape_cast %mul3A_405 : vector<16xf32> to vector<1x16xf32>
        tpu.vector_store %arg17[%swap3A_406, %swap3A_407], %swap3A_410 {strides = array<i32>} : memref<128x64xf32, #tpu.memory_space<vmem>>, vector<1x16xf32>,
        %get3A_411 = arith.index_cast %add3A_396 : i32 to index
        %get3A_412 = arith.constant 16 : index
        %get3A_413 = tpu.vector_load %arg17[%get3A_411, %get3A_412] {strides = array<i32>} : memref<128x64xf32, #tpu.memory_space<vmem>>, vector<1x16xf32>,
        %get3A_414 = vector.shape_cast %get3A_413 : vector<1x16xf32> to vector<16xf32>
        %mul3A_415 = arith.mulf %get3A_414, %get3A_400 : vector<16xf32>
        %swap3A_416 = arith.index_cast %add3A_396 : i32 to index
        %swap3A_417 = arith.constant 16 : index
        %swap3A_418 = tpu.vector_load %arg17[%swap3A_416, %swap3A_417] {strides = array<i32>} : memref<128x64xf32, #tpu.memory_space<vmem>>, vector<1x16xf32>,
        %swap3A_419 = vector.shape_cast %swap3A_418 : vector<1x16xf32> to vector<16xf32>
        %swap3A_420 = vector.shape_cast %mul3A_415 : vector<16xf32> to vector<1x16xf32>
        tpu.vector_store %arg17[%swap3A_416, %swap3A_417], %swap3A_420 {strides = array<i32>} : memref<128x64xf32, #tpu.memory_space<vmem>>, vector<1x16xf32>,
        %get3A_421 = arith.index_cast %add3A_396 : i32 to index
        %get3A_422 = arith.constant 32 : index
        %get3A_423 = tpu.vector_load %arg17[%get3A_421, %get3A_422] {strides = array<i32>} : memref<128x64xf32, #tpu.memory_space<vmem>>, vector<1x16xf32>,
        %get3A_424 = vector.shape_cast %get3A_423 : vector<1x16xf32> to vector<16xf32>
        %mul3A_425 = arith.mulf %get3A_424, %get3A_400 : vector<16xf32>
        %swap3A_426 = arith.index_cast %add3A_396 : i32 to index
        %swap3A_427 = arith.constant 32 : index
        %swap3A_428 = tpu.vector_load %arg17[%swap3A_426, %swap3A_427] {strides = array<i32>} : memref<128x64xf32, #tpu.memory_space<vmem>>, vector<1x16xf32>,
        %swap3A_429 = vector.shape_cast %swap3A_428 : vector<1x16xf32> to vector<16xf32>
        %swap3A_430 = vector.shape_cast %mul3A_425 : vector<16xf32> to vector<1x16xf32>
        tpu.vector_store %arg17[%swap3A_426, %swap3A_427], %swap3A_430 {strides = array<i32>} : memref<128x64xf32, #tpu.memory_space<vmem>>, vector<1x16xf32>,
        %get3A_431 = arith.index_cast %add3A_396 : i32 to index
        %get3A_432 = arith.constant 48 : index
        %get3A_433 = tpu.vector_load %arg17[%get3A_431, %get3A_432] {strides = array<i32>} : memref<128x64xf32, #tpu.memory_space<vmem>>, vector<1x16xf32>,
        %get3A_434 = vector.shape_cast %get3A_433 : vector<1x16xf32> to vector<16xf32>
        %mul3A_435 = arith.mulf %get3A_434, %get3A_400 : vector<16xf32>
        %swap3A_436 = arith.index_cast %add3A_396 : i32 to index
        %swap3A_437 = arith.constant 48 : index
        %swap3A_438 = tpu.vector_load %arg17[%swap3A_436, %swap3A_437] {strides = array<i32>} : memref<128x64xf32, #tpu.memory_space<vmem>>, vector<1x16xf32>,
        %swap3A_439 = vector.shape_cast %swap3A_438 : vector<1x16xf32> to vector<16xf32>
        %swap3A_440 = vector.shape_cast %mul3A_435 : vector<16xf32> to vector<1x16xf32>
        tpu.vector_store %arg17[%swap3A_436, %swap3A_437], %swap3A_440 {strides = array<i32>} : memref<128x64xf32, #tpu.memory_space<vmem>>, vector<1x16xf32>,
        %mul3A_441 = arith.constant 4 : i32
        %mul3A_442 = arith.muli %scan3A_344, %mul3A_441 : i32
        %add3A_443 = arith.constant 2 : i32
        %add3A_444 = arith.addi %mul3A_442, %add3A_443 : i32
        %get3A_445 = arith.index_cast %add3A_444 : i32 to index
        %get3A_446 = arith.constant 0 : index
        %get3A_447 = tpu.vector_load %arg15[%get3A_445, %get3A_446] {strides = array<i32>} : memref<128x16xf32, #tpu.memory_space<vmem>>, vector<1x16xf32>,
        %get3A_448 = vector.shape_cast %get3A_447 : vector<1x16xf32> to vector<16xf32>
        %get3A_449 = arith.index_cast %add3A_444 : i32 to index
        %get3A_450 = arith.constant 0 : index
        %get3A_451 = tpu.vector_load %arg17[%get3A_449, %get3A_450] {strides = array<i32>} : memref<128x64xf32, #tpu.memory_space<vmem>>, vector<1x16xf32>,
        %get3A_452 = vector.shape_cast %get3A_451 : vector<1x16xf32> to vector<16xf32>
        %mul3A_453 = arith.mulf %get3A_452, %get3A_448 : vector<16xf32>
        %swap3A_454 = arith.index_cast %add3A_444 : i32 to index
        %swap3A_455 = arith.constant 0 : index
        %swap3A_456 = tpu.vector_load %arg17[%swap3A_454, %swap3A_455] {strides = array<i32>} : memref<128x64xf32, #tpu.memory_space<vmem>>, vector<1x16xf32>,
        %swap3A_457 = vector.shape_cast %swap3A_456 : vector<1x16xf32> to vector<16xf32>
        %swap3A_458 = vector.shape_cast %mul3A_453 : vector<16xf32> to vector<1x16xf32>
        tpu.vector_store %arg17[%swap3A_454, %swap3A_455], %swap3A_458 {strides = array<i32>} : memref<128x64xf32, #tpu.memory_space<vmem>>, vector<1x16xf32>,
        %get3A_459 = arith.index_cast %add3A_444 : i32 to index
        %get3A_460 = arith.constant 16 : index
        %get3A_461 = tpu.vector_load %arg17[%get3A_459, %get3A_460] {strides = array<i32>} : memref<128x64xf32, #tpu.memory_space<vmem>>, vector<1x16xf32>,
        %get3A_462 = vector.shape_cast %get3A_461 : vector<1x16xf32> to vector<16xf32>
        %mul3A_463 = arith.mulf %get3A_462, %get3A_448 : vector<16xf32>
        %swap3A_464 = arith.index_cast %add3A_444 : i32 to index
        %swap3A_465 = arith.constant 16 : index
        %swap3A_466 = tpu.vector_load %arg17[%swap3A_464, %swap3A_465] {strides = array<i32>} : memref<128x64xf32, #tpu.memory_space<vmem>>, vector<1x16xf32>,
        %swap3A_467 = vector.shape_cast %swap3A_466 : vector<1x16xf32> to vector<16xf32>
        %swap3A_468 = vector.shape_cast %mul3A_463 : vector<16xf32> to vector<1x16xf32>
        tpu.vector_store %arg17[%swap3A_464, %swap3A_465], %swap3A_468 {strides = array<i32>} : memref<128x64xf32, #tpu.memory_space<vmem>>, vector<1x16xf32>,
        %get3A_469 = arith.index_cast %add3A_444 : i32 to index
        %get3A_470 = arith.constant 32 : index
        %get3A_471 = tpu.vector_load %arg17[%get3A_469, %get3A_470] {strides = array<i32>} : memref<128x64xf32, #tpu.memory_space<vmem>>, vector<1x16xf32>,
        %get3A_472 = vector.shape_cast %get3A_471 : vector<1x16xf32> to vector<16xf32>
        %mul3A_473 = arith.mulf %get3A_472, %get3A_448 : vector<16xf32>
        %swap3A_474 = arith.index_cast %add3A_444 : i32 to index
        %swap3A_475 = arith.constant 32 : index
        %swap3A_476 = tpu.vector_load %arg17[%swap3A_474, %swap3A_475] {strides = array<i32>} : memref<128x64xf32, #tpu.memory_space<vmem>>, vector<1x16xf32>,
        %swap3A_477 = vector.shape_cast %swap3A_476 : vector<1x16xf32> to vector<16xf32>
        %swap3A_478 = vector.shape_cast %mul3A_473 : vector<16xf32> to vector<1x16xf32>
        tpu.vector_store %arg17[%swap3A_474, %swap3A_475], %swap3A_478 {strides = array<i32>} : memref<128x64xf32, #tpu.memory_space<vmem>>, vector<1x16xf32>,
        %get3A_479 = arith.index_cast %add3A_444 : i32 to index
        %get3A_480 = arith.constant 48 : index
        %get3A_481 = tpu.vector_load %arg17[%get3A_479, %get3A_480] {strides = array<i32>} : memref<128x64xf32, #tpu.memory_space<vmem>>, vector<1x16xf32>,
        %get3A_482 = vector.shape_cast %get3A_481 : vector<1x16xf32> to vector<16xf32>
        %mul3A_483 = arith.mulf %get3A_482, %get3A_448 : vector<16xf32>
        %swap3A_484 = arith.index_cast %add3A_444 : i32 to index
        %swap3A_485 = arith.constant 48 : index
        %swap3A_486 = tpu.vector_load %arg17[%swap3A_484, %swap3A_485] {strides = array<i32>} : memref<128x64xf32, #tpu.memory_space<vmem>>, vector<1x16xf32>,
        %swap3A_487 = vector.shape_cast %swap3A_486 : vector<1x16xf32> to vector<16xf32>
        %swap3A_488 = vector.shape_cast %mul3A_483 : vector<16xf32> to vector<1x16xf32>
        tpu.vector_store %arg17[%swap3A_484, %swap3A_485], %swap3A_488 {strides = array<i32>} : memref<128x64xf32, #tpu.memory_space<vmem>>, vector<1x16xf32>,
        %mul3A_489 = arith.constant 4 : i32
        %mul3A_490 = arith.muli %scan3A_344, %mul3A_489 : i32
        %add3A_491 = arith.constant 3 : i32
        %add3A_492 = arith.addi %mul3A_490, %add3A_491 : i32
        %get3A_493 = arith.index_cast %add3A_492 : i32 to index
        %get3A_494 = arith.constant 0 : index
        %get3A_495 = tpu.vector_load %arg15[%get3A_493, %get3A_494] {strides = array<i32>} : memref<128x16xf32, #tpu.memory_space<vmem>>, vector<1x16xf32>,
        %get3A_496 = vector.shape_cast %get3A_495 : vector<1x16xf32> to vector<16xf32>
        %get3A_497 = arith.index_cast %add3A_492 : i32 to index
        %get3A_498 = arith.constant 0 : index
        %get3A_499 = tpu.vector_load %arg17[%get3A_497, %get3A_498] {strides = array<i32>} : memref<128x64xf32, #tpu.memory_space<vmem>>, vector<1x16xf32>,
        %get3A_500 = vector.shape_cast %get3A_499 : vector<1x16xf32> to vector<16xf32>
        %mul3A_501 = arith.mulf %get3A_500, %get3A_496 : vector<16xf32>
        %swap3A_502 = arith.index_cast %add3A_492 : i32 to index
        %swap3A_503 = arith.constant 0 : index
        %swap3A_504 = tpu.vector_load %arg17[%swap3A_502, %swap3A_503] {strides = array<i32>} : memref<128x64xf32, #tpu.memory_space<vmem>>, vector<1x16xf32>,
        %swap3A_505 = vector.shape_cast %swap3A_504 : vector<1x16xf32> to vector<16xf32>
        %swap3A_506 = vector.shape_cast %mul3A_501 : vector<16xf32> to vector<1x16xf32>
        tpu.vector_store %arg17[%swap3A_502, %swap3A_503], %swap3A_506 {strides = array<i32>} : memref<128x64xf32, #tpu.memory_space<vmem>>, vector<1x16xf32>,
        %get3A_507 = arith.index_cast %add3A_492 : i32 to index
        %get3A_508 = arith.constant 16 : index
        %get3A_509 = tpu.vector_load %arg17[%get3A_507, %get3A_508] {strides = array<i32>} : memref<128x64xf32, #tpu.memory_space<vmem>>, vector<1x16xf32>,
        %get3A_510 = vector.shape_cast %get3A_509 : vector<1x16xf32> to vector<16xf32>
        %mul3A_511 = arith.mulf %get3A_510, %get3A_496 : vector<16xf32>
        %swap3A_512 = arith.index_cast %add3A_492 : i32 to index
        %swap3A_513 = arith.constant 16 : index
        %swap3A_514 = tpu.vector_load %arg17[%swap3A_512, %swap3A_513] {strides = array<i32>} : memref<128x64xf32, #tpu.memory_space<vmem>>, vector<1x16xf32>,
        %swap3A_515 = vector.shape_cast %swap3A_514 : vector<1x16xf32> to vector<16xf32>
        %swap3A_516 = vector.shape_cast %mul3A_511 : vector<16xf32> to vector<1x16xf32>
        tpu.vector_store %arg17[%swap3A_512, %swap3A_513], %swap3A_516 {strides = array<i32>} : memref<128x64xf32, #tpu.memory_space<vmem>>, vector<1x16xf32>,
        %get3A_517 = arith.index_cast %add3A_492 : i32 to index
        %get3A_518 = arith.constant 32 : index
        %get3A_519 = tpu.vector_load %arg17[%get3A_517, %get3A_518] {strides = array<i32>} : memref<128x64xf32, #tpu.memory_space<vmem>>, vector<1x16xf32>,
        %get3A_520 = vector.shape_cast %get3A_519 : vector<1x16xf32> to vector<16xf32>
        %mul3A_521 = arith.mulf %get3A_520, %get3A_496 : vector<16xf32>
        %swap3A_522 = arith.index_cast %add3A_492 : i32 to index
        %swap3A_523 = arith.constant 32 : index
        %swap3A_524 = tpu.vector_load %arg17[%swap3A_522, %swap3A_523] {strides = array<i32>} : memref<128x64xf32, #tpu.memory_space<vmem>>, vector<1x16xf32>,
        %swap3A_525 = vector.shape_cast %swap3A_524 : vector<1x16xf32> to vector<16xf32>
        %swap3A_526 = vector.shape_cast %mul3A_521 : vector<16xf32> to vector<1x16xf32>
        tpu.vector_store %arg17[%swap3A_522, %swap3A_523], %swap3A_526 {strides = array<i32>} : memref<128x64xf32, #tpu.memory_space<vmem>>, vector<1x16xf32>,
        %get3A_527 = arith.index_cast %add3A_492 : i32 to index
        %get3A_528 = arith.constant 48 : index
        %get3A_529 = tpu.vector_load %arg17[%get3A_527, %get3A_528] {strides = array<i32>} : memref<128x64xf32, #tpu.memory_space<vmem>>, vector<1x16xf32>,
        %get3A_530 = vector.shape_cast %get3A_529 : vector<1x16xf32> to vector<16xf32>
        %mul3A_531 = arith.mulf %get3A_530, %get3A_496 : vector<16xf32>
        %swap3A_532 = arith.index_cast %add3A_492 : i32 to index
        %swap3A_533 = arith.constant 48 : index
        %swap3A_534 = tpu.vector_load %arg17[%swap3A_532, %swap3A_533] {strides = array<i32>} : memref<128x64xf32, #tpu.memory_space<vmem>>, vector<1x16xf32>,
        %swap3A_535 = vector.shape_cast %swap3A_534 : vector<1x16xf32> to vector<16xf32>
        %swap3A_536 = vector.shape_cast %mul3A_531 : vector<16xf32> to vector<1x16xf32>
        tpu.vector_store %arg17[%swap3A_532, %swap3A_533], %swap3A_536 {strides = array<i32>} : memref<128x64xf32, #tpu.memory_space<vmem>>, vector<1x16xf32>,
      }
      %scan3A_343 = arith.constant 32 : i32
      "tpu.region"() ({
        %run_scoped3A = tpu.sem_alloc : memref<!tpu.dma_semaphore, #tpu.memory_space<semaphore_mem>>
        %dma_start3A_344 = arith.constant 0 : i32
        %dma_start3A_345 = arith.constant 0 : i32
        %dma_start3A_346 = tpu.memref_slice %arg18[%dma_start3A_344, %dma_start3A_345] : memref<25088x64xf32, #tpu.memory_space<vmem_shared>> -> memref<25088x64xf32, #tpu.memory_space<vmem_shared>>
        tpu.enqueue_indirect_dma source(%arg17 : memref<128x64xf32, #tpu.memory_space<vmem>>) target(%dma_start3A_346 : memref<25088x64xf32, #tpu.memory_space<vmem_shared>>) offsets(%arg13 : memref<128xi32, #tpu.memory_space<vmem>>) semaphore(%run_scoped3A : memref<!tpu.dma_semaphore, #tpu.memory_space<semaphore_mem>>) {add = true}
        %dma_wait3A_347 = arith.constant 0 : i32
        %dma_wait3A_348 = arith.constant 0 : i32
        %dma_wait3A_349 = tpu.memref_slice %arg18[%dma_wait3A_347, %dma_wait3A_348] : memref<25088x64xf32, #tpu.memory_space<vmem_shared>> -> memref<25088x64xf32, #tpu.memory_space<vmem_shared>>
        tpu.wait_indirect_dma semaphore(%run_scoped3A : memref<!tpu.dma_semaphore, #tpu.memory_space<semaphore_mem>>) src(%arg17 : memref<128x64xf32, #tpu.memory_space<vmem>>) dst(%dma_wait3A_349 : memref<25088x64xf32, #tpu.memory_space<vmem_shared>>)
        tpu.yield
      }) : () -> ()
    }
    %scan3A_11 = arith.constant 196 : i32
    %barrier3A_12 = arith.constant 0 : index
    tpu.barrier barrier_id(%barrier3A_12)
    %mul3A_13 = arith.constant 1568 : i32
    %mul3A_14 = arith.muli %arg1, %mul3A_13 : i32
    %mul3A_15 = arith.constant 25088 : i32
    %mul3A_16 = arith.muli %arg0, %mul3A_15 : i32
    %mul3A_17 = arith.constant 1568 : i32
    %mul3A_18 = arith.muli %arg1, %mul3A_17 : i32
    %add3A = arith.addi %mul3A_16, %mul3A_18 : i32
    "tpu.region"() ({
      %run_scoped3A = tpu.sem_alloc : memref<!tpu.dma_semaphore, #tpu.memory_space<semaphore_mem>>
      %dma_start3A = arith.constant 0 : i32
      %dma_start3A_19 = tpu.memref_slice %arg7[%add3A, %dma_start3A] : memref<50176x64xf32, #tpu.memory_space<hbm>> -> memref<1568x64xf32, #tpu.memory_space<hbm>>
      %dma_start3A_20 = arith.constant 0 : i32
      %dma_start3A_21 = tpu.memref_slice %arg18[%mul3A_14, %dma_start3A_20] : memref<25088x64xf32, #tpu.memory_space<vmem_shared>> -> memref<1568x64xf32, #tpu.memory_space<vmem_shared>>
      tpu.enqueue_dma source(%dma_start3A_21 : memref<1568x64xf32, #tpu.memory_space<vmem_shared>>) target(%dma_start3A_19 : memref<1568x64xf32, #tpu.memory_space<hbm>>) target_semaphore(%run_scoped3A : memref<!tpu.dma_semaphore, #tpu.memory_space<semaphore_mem>>)
      %dma_wait3A = arith.constant 0 : i32
      %dma_wait3A_22 = tpu.memref_slice %arg7[%add3A, %dma_wait3A] : memref<50176x64xf32, #tpu.memory_space<hbm>> -> memref<1568x64xf32, #tpu.memory_space<hbm>>
      %dma_wait3A_23 = arith.constant 0 : i32
      %dma_wait3A_24 = tpu.memref_slice %arg18[%mul3A_14, %dma_wait3A_23] : memref<25088x64xf32, #tpu.memory_space<vmem_shared>> -> memref<1568x64xf32, #tpu.memory_space<vmem_shared>>
      tpu.wait_dma2 semaphore(%run_scoped3A : memref<!tpu.dma_semaphore, #tpu.memory_space<semaphore_mem>>) src(%dma_wait3A_24 : memref<1568x64xf32, #tpu.memory_space<vmem_shared>>) dst(%dma_wait3A_22 : memref<1568x64xf32, #tpu.memory_space<hbm>>)
      tpu.yield
    }) : () -> ()
    return
  }
}

#map = affine_map<(d0, d1) -> (0)>
#map1 = affine_map<(d0, d1) -> (0, 0)>
module attributes {stable_mosaic.version = 14 : i64} {
  func.func @body(%arg0: i32, %arg1: i32, %arg2: memref<323584xi32, #tpu.memory_space<hbm>>, %arg3: memref<323584xi32, #tpu.memory_space<hbm>>, %arg4: memref<25000x80xf32, #tpu.memory_space<hbm>>, %arg5: memref<5120x80xf32, #tpu.memory_space<hbm>>, %arg6: memref<10240x80xf32, #tpu.memory_space<hbm>>, %arg7: memref<128xi32, #tpu.memory_space<vmem>>, %arg8: memref<128xi32, #tpu.memory_space<vmem>>, %arg9: memref<128xi32, #tpu.memory_space<vmem>>, %arg10: memref<128xi32, #tpu.memory_space<vmem>>, %arg11: memref<128xi32, #tpu.memory_space<vmem>>, %arg12: memref<128xi32, #tpu.memory_space<vmem>>, %arg13: memref<128x16xf32, #tpu.memory_space<vmem>>, %arg14: memref<128x16xf32, #tpu.memory_space<vmem>>, %arg15: memref<128x80xf32, #tpu.memory_space<vmem>>, %arg16: memref<128x80xf32, #tpu.memory_space<vmem>>, %arg17: memref<5120x80xf32, #tpu.memory_space<vmem_shared>>, %arg18: memref<!tpu.dma_semaphore, #tpu.memory_space<semaphore_mem>>, %arg19: memref<!tpu.dma_semaphore, #tpu.memory_space<semaphore_mem>>) attributes {dimension_semantics = [#tpu.dimension_semantics<core_parallel>, #tpu.dimension_semantics<subcore_parallel>], iteration_bounds = array<i64: 2, 16>, scalar_prefetch = 0 : i64, scratch_operands = 13 : i64, tpu.core_type = #tpu.core_type<sc_vector_subcore>, window_params = [{transform_indices = #map}, {transform_indices = #map}, {transform_indices = #map1}, {transform_indices = #map1}, {transform_indices = #map1}]} {
    %mul3A = arith.constant 320 : i32
    %mul3A_0 = arith.muli %arg1, %mul3A : i32
    %mul3A_1 = arith.constant 320 : i32
    %mul3A_2 = arith.muli %arg1, %mul3A_1 : i32
    "tpu.region"() ({
      %run_scoped3A = tpu.sem_alloc : memref<!tpu.dma_semaphore, #tpu.memory_space<semaphore_mem>>
      %dma_start3A = arith.constant 0 : i32
      %dma_start3A_19 = tpu.memref_slice %arg17[%mul3A_2, %dma_start3A] : memref<5120x80xf32, #tpu.memory_space<vmem_shared>> -> memref<320x80xf32, #tpu.memory_space<vmem_shared>>
      %dma_start3A_20 = arith.constant 0 : i32
      %dma_start3A_21 = tpu.memref_slice %arg5[%mul3A_0, %dma_start3A_20] : memref<5120x80xf32, #tpu.memory_space<hbm>> -> memref<320x80xf32, #tpu.memory_space<hbm>>
      tpu.enqueue_dma source(%dma_start3A_21 : memref<320x80xf32, #tpu.memory_space<hbm>>) target(%dma_start3A_19 : memref<320x80xf32, #tpu.memory_space<vmem_shared>>) target_semaphore(%run_scoped3A : memref<!tpu.dma_semaphore, #tpu.memory_space<semaphore_mem>>)
      %dma_wait3A = arith.constant 0 : i32
      %dma_wait3A_22 = tpu.memref_slice %arg17[%mul3A_2, %dma_wait3A] : memref<5120x80xf32, #tpu.memory_space<vmem_shared>> -> memref<320x80xf32, #tpu.memory_space<vmem_shared>>
      %dma_wait3A_23 = arith.constant 0 : i32
      %dma_wait3A_24 = tpu.memref_slice %arg5[%mul3A_0, %dma_wait3A_23] : memref<5120x80xf32, #tpu.memory_space<hbm>> -> memref<320x80xf32, #tpu.memory_space<hbm>>
      tpu.wait_dma2 semaphore(%run_scoped3A : memref<!tpu.dma_semaphore, #tpu.memory_space<semaphore_mem>>) src(%dma_wait3A_24 : memref<320x80xf32, #tpu.memory_space<hbm>>) dst(%dma_wait3A_22 : memref<320x80xf32, #tpu.memory_space<vmem_shared>>)
      tpu.yield
    }) : () -> ()
    %barrier3A = arith.constant 0 : index
    tpu.barrier barrier_id(%barrier3A)
    %mul3A_3 = arith.constant 5000 : i32
    %mul3A_4 = arith.muli %arg0, %mul3A_3 : i32
    %mul3A_5 = arith.constant 20224 : i32
    %mul3A_6 = arith.muli %arg1, %mul3A_5 : i32
    %scan3A = arith.constant 0 : i32
    %scan3A_7 = arith.constant 0 : i32
    %scan3A_8 = arith.constant 79 : i32
    %scan3A_9 = arith.addi %scan3A_7, %scan3A_8 : i32
    %scan3A_10 = arith.constant 1 : i32
    scf.for %scan3A_19 = %scan3A_7 to %scan3A_9 step %scan3A_10  : i32 {
      %mul3A_20 = arith.constant 2 : i32
      %mul3A_21 = arith.muli %mul3A_20, %scan3A_19 : i32
      %mul3A_22 = arith.constant 128 : i32
      %mul3A_23 = arith.muli %mul3A_21, %mul3A_22 : i32
      %add3A_24 = arith.addi %mul3A_6, %mul3A_23 : i32
      %add3A_25 = arith.constant 128 : i32
      %add3A_26 = arith.addi %add3A_24, %add3A_25 : i32
      "tpu.region"() ({
        %run_scoped3A = tpu.sem_alloc : memref<!tpu.dma_semaphore, #tpu.memory_space<semaphore_mem>>
        %dma_start3A_332 = tpu.memref_slice %arg2[%add3A_24] : memref<323584xi32, #tpu.memory_space<hbm>> -> memref<128xi32, #tpu.memory_space<hbm>>
        %dma_start3A_333 = tpu.memref_slice %arg2[%add3A_24] : memref<323584xi32, #tpu.memory_space<hbm>> -> memref<128xi32, #tpu.memory_space<hbm>>
        tpu.enqueue_dma source(%dma_start3A_333 : memref<128xi32, #tpu.memory_space<hbm>>) target(%arg7 : memref<128xi32, #tpu.memory_space<vmem>>) target_semaphore(%run_scoped3A : memref<!tpu.dma_semaphore, #tpu.memory_space<semaphore_mem>>)
        %dma_wait3A_334 = tpu.memref_slice %arg2[%add3A_24] : memref<323584xi32, #tpu.memory_space<hbm>> -> memref<128xi32, #tpu.memory_space<hbm>>
        %dma_wait3A_335 = tpu.memref_slice %arg2[%add3A_24] : memref<323584xi32, #tpu.memory_space<hbm>> -> memref<128xi32, #tpu.memory_space<hbm>>
        tpu.wait_dma2 semaphore(%run_scoped3A : memref<!tpu.dma_semaphore, #tpu.memory_space<semaphore_mem>>) src(%dma_wait3A_335 : memref<128xi32, #tpu.memory_space<hbm>>) dst(%arg7 : memref<128xi32, #tpu.memory_space<vmem>>)
        tpu.yield
      }) : () -> ()
      "tpu.region"() ({
        %run_scoped3A = tpu.sem_alloc : memref<!tpu.dma_semaphore, #tpu.memory_space<semaphore_mem>>
        %dma_start3A_332 = tpu.memref_slice %arg3[%add3A_24] : memref<323584xi32, #tpu.memory_space<hbm>> -> memref<128xi32, #tpu.memory_space<hbm>>
        %dma_start3A_333 = tpu.memref_slice %arg3[%add3A_24] : memref<323584xi32, #tpu.memory_space<hbm>> -> memref<128xi32, #tpu.memory_space<hbm>>
        tpu.enqueue_dma source(%dma_start3A_333 : memref<128xi32, #tpu.memory_space<hbm>>) target(%arg9 : memref<128xi32, #tpu.memory_space<vmem>>) target_semaphore(%run_scoped3A : memref<!tpu.dma_semaphore, #tpu.memory_space<semaphore_mem>>)
        %dma_wait3A_334 = tpu.memref_slice %arg3[%add3A_24] : memref<323584xi32, #tpu.memory_space<hbm>> -> memref<128xi32, #tpu.memory_space<hbm>>
        %dma_wait3A_335 = tpu.memref_slice %arg3[%add3A_24] : memref<323584xi32, #tpu.memory_space<hbm>> -> memref<128xi32, #tpu.memory_space<hbm>>
        tpu.wait_dma2 semaphore(%run_scoped3A : memref<!tpu.dma_semaphore, #tpu.memory_space<semaphore_mem>>) src(%dma_wait3A_335 : memref<128xi32, #tpu.memory_space<hbm>>) dst(%arg9 : memref<128xi32, #tpu.memory_space<vmem>>)
        tpu.yield
      }) : () -> ()
      %dma_start3A = arith.constant 0 : i32
      %dma_start3A_27 = arith.constant 0 : i32
      %dma_start3A_28 = tpu.memref_slice %arg4[%dma_start3A, %dma_start3A_27] : memref<25000x80xf32, #tpu.memory_space<hbm>> -> memref<25000x80xf32, #tpu.memory_space<hbm>>
      tpu.enqueue_indirect_dma source(%dma_start3A_28 : memref<25000x80xf32, #tpu.memory_space<hbm>>) target(%arg15 : memref<128x80xf32, #tpu.memory_space<vmem>>) offsets(%arg7 : memref<128xi32, #tpu.memory_space<vmem>>) semaphore(%arg18 : memref<!tpu.dma_semaphore, #tpu.memory_space<semaphore_mem>>)
      "tpu.region"() ({
        %run_scoped3A = tpu.sem_alloc : memref<!tpu.dma_semaphore, #tpu.memory_space<semaphore_mem>>
        %dma_start3A_332 = tpu.memref_slice %arg2[%add3A_26] : memref<323584xi32, #tpu.memory_space<hbm>> -> memref<128xi32, #tpu.memory_space<hbm>>
        %dma_start3A_333 = tpu.memref_slice %arg2[%add3A_26] : memref<323584xi32, #tpu.memory_space<hbm>> -> memref<128xi32, #tpu.memory_space<hbm>>
        tpu.enqueue_dma source(%dma_start3A_333 : memref<128xi32, #tpu.memory_space<hbm>>) target(%arg8 : memref<128xi32, #tpu.memory_space<vmem>>) target_semaphore(%run_scoped3A : memref<!tpu.dma_semaphore, #tpu.memory_space<semaphore_mem>>)
        %dma_wait3A_334 = tpu.memref_slice %arg2[%add3A_26] : memref<323584xi32, #tpu.memory_space<hbm>> -> memref<128xi32, #tpu.memory_space<hbm>>
        %dma_wait3A_335 = tpu.memref_slice %arg2[%add3A_26] : memref<323584xi32, #tpu.memory_space<hbm>> -> memref<128xi32, #tpu.memory_space<hbm>>
        tpu.wait_dma2 semaphore(%run_scoped3A : memref<!tpu.dma_semaphore, #tpu.memory_space<semaphore_mem>>) src(%dma_wait3A_335 : memref<128xi32, #tpu.memory_space<hbm>>) dst(%arg8 : memref<128xi32, #tpu.memory_space<vmem>>)
        tpu.yield
      }) : () -> ()
      "tpu.region"() ({
        %run_scoped3A = tpu.sem_alloc : memref<!tpu.dma_semaphore, #tpu.memory_space<semaphore_mem>>
        %dma_start3A_332 = tpu.memref_slice %arg3[%add3A_26] : memref<323584xi32, #tpu.memory_space<hbm>> -> memref<128xi32, #tpu.memory_space<hbm>>
        %dma_start3A_333 = tpu.memref_slice %arg3[%add3A_26] : memref<323584xi32, #tpu.memory_space<hbm>> -> memref<128xi32, #tpu.memory_space<hbm>>
        tpu.enqueue_dma source(%dma_start3A_333 : memref<128xi32, #tpu.memory_space<hbm>>) target(%arg10 : memref<128xi32, #tpu.memory_space<vmem>>) target_semaphore(%run_scoped3A : memref<!tpu.dma_semaphore, #tpu.memory_space<semaphore_mem>>)
        %dma_wait3A_334 = tpu.memref_slice %arg3[%add3A_26] : memref<323584xi32, #tpu.memory_space<hbm>> -> memref<128xi32, #tpu.memory_space<hbm>>
        %dma_wait3A_335 = tpu.memref_slice %arg3[%add3A_26] : memref<323584xi32, #tpu.memory_space<hbm>> -> memref<128xi32, #tpu.memory_space<hbm>>
        tpu.wait_dma2 semaphore(%run_scoped3A : memref<!tpu.dma_semaphore, #tpu.memory_space<semaphore_mem>>) src(%dma_wait3A_335 : memref<128xi32, #tpu.memory_space<hbm>>) dst(%arg10 : memref<128xi32, #tpu.memory_space<vmem>>)
        tpu.yield
      }) : () -> ()
      %dma_start3A_29 = arith.constant 0 : i32
      %dma_start3A_30 = arith.constant 0 : i32
      %dma_start3A_31 = tpu.memref_slice %arg4[%dma_start3A_29, %dma_start3A_30] : memref<25000x80xf32, #tpu.memory_space<hbm>> -> memref<25000x80xf32, #tpu.memory_space<hbm>>
      tpu.enqueue_indirect_dma source(%dma_start3A_31 : memref<25000x80xf32, #tpu.memory_space<hbm>>) target(%arg16 : memref<128x80xf32, #tpu.memory_space<vmem>>) offsets(%arg8 : memref<128xi32, #tpu.memory_space<vmem>>) semaphore(%arg19 : memref<!tpu.dma_semaphore, #tpu.memory_space<semaphore_mem>>)
      %get3A = arith.constant 0 : index
      %get3A_32 = tpu.vector_load %arg9[%get3A] {strides = array<i32>} : memref<128xi32, #tpu.memory_space<vmem>>, vector<16xi32>,
      %get3A_33 = vector.shape_cast %get3A_32 : vector<16xi32> to vector<16xi32>
      %sub3A = vector.broadcast %mul3A_4 : i32 to vector<16xi32>
      %sub3A_34 = arith.subi %get3A_33, %sub3A : vector<16xi32>
      %ge3A = arith.constant 0 : i32
      %ge3A_35 = vector.broadcast %ge3A : i32 to vector<16xi32>
      %ge3A_36 = arith.cmpi sge, %sub3A_34, %ge3A_35 : vector<16xi32>
      %lt3A = arith.constant 5000 : i32
      %lt3A_37 = vector.broadcast %lt3A : i32 to vector<16xi32>
      %lt3A_38 = arith.cmpi slt, %sub3A_34, %lt3A_37 : vector<16xi32>
      %and3A = arith.andi %ge3A_36, %lt3A_38 : vector<16xi1>
      %jit3A = arith.constant 5000 : i32
      %broadcast_in_dim3A = vector.broadcast %jit3A : i32 to vector<16xi32>
      %select_n3A = arith.select %and3A, %sub3A_34, %broadcast_in_dim3A : vector<16xi1>, vector<16xi32>
      %swap3A = arith.constant 0 : index
      %swap3A_39 = tpu.vector_load %arg11[%swap3A] {strides = array<i32>} : memref<128xi32, #tpu.memory_space<vmem>>, vector<16xi32>,
      %swap3A_40 = vector.shape_cast %swap3A_39 : vector<16xi32> to vector<16xi32>
      %swap3A_41 = vector.shape_cast %select_n3A : vector<16xi32> to vector<16xi32>
      tpu.vector_store %arg11[%swap3A], %swap3A_41 {strides = array<i32>} : memref<128xi32, #tpu.memory_space<vmem>>, vector<16xi32>,
      %get3A_42 = arith.constant 16 : index
      %get3A_43 = tpu.vector_load %arg9[%get3A_42] {strides = array<i32>} : memref<128xi32, #tpu.memory_space<vmem>>, vector<16xi32>,
      %get3A_44 = vector.shape_cast %get3A_43 : vector<16xi32> to vector<16xi32>
      %sub3A_45 = vector.broadcast %mul3A_4 : i32 to vector<16xi32>
      %sub3A_46 = arith.subi %get3A_44, %sub3A_45 : vector<16xi32>
      %ge3A_47 = arith.constant 0 : i32
      %ge3A_48 = vector.broadcast %ge3A_47 : i32 to vector<16xi32>
      %ge3A_49 = arith.cmpi sge, %sub3A_46, %ge3A_48 : vector<16xi32>
      %lt3A_50 = arith.constant 5000 : i32
      %lt3A_51 = vector.broadcast %lt3A_50 : i32 to vector<16xi32>
      %lt3A_52 = arith.cmpi slt, %sub3A_46, %lt3A_51 : vector<16xi32>
      %and3A_53 = arith.andi %ge3A_49, %lt3A_52 : vector<16xi1>
      %jit3A_54 = arith.constant 5000 : i32
      %broadcast_in_dim3A_55 = vector.broadcast %jit3A_54 : i32 to vector<16xi32>
      %select_n3A_56 = arith.select %and3A_53, %sub3A_46, %broadcast_in_dim3A_55 : vector<16xi1>, vector<16xi32>
      %swap3A_57 = arith.constant 16 : index
      %swap3A_58 = tpu.vector_load %arg11[%swap3A_57] {strides = array<i32>} : memref<128xi32, #tpu.memory_space<vmem>>, vector<16xi32>,
      %swap3A_59 = vector.shape_cast %swap3A_58 : vector<16xi32> to vector<16xi32>
      %swap3A_60 = vector.shape_cast %select_n3A_56 : vector<16xi32> to vector<16xi32>
      tpu.vector_store %arg11[%swap3A_57], %swap3A_60 {strides = array<i32>} : memref<128xi32, #tpu.memory_space<vmem>>, vector<16xi32>,
      %get3A_61 = arith.constant 32 : index
      %get3A_62 = tpu.vector_load %arg9[%get3A_61] {strides = array<i32>} : memref<128xi32, #tpu.memory_space<vmem>>, vector<16xi32>,
      %get3A_63 = vector.shape_cast %get3A_62 : vector<16xi32> to vector<16xi32>
      %sub3A_64 = vector.broadcast %mul3A_4 : i32 to vector<16xi32>
      %sub3A_65 = arith.subi %get3A_63, %sub3A_64 : vector<16xi32>
      %ge3A_66 = arith.constant 0 : i32
      %ge3A_67 = vector.broadcast %ge3A_66 : i32 to vector<16xi32>
      %ge3A_68 = arith.cmpi sge, %sub3A_65, %ge3A_67 : vector<16xi32>
      %lt3A_69 = arith.constant 5000 : i32
      %lt3A_70 = vector.broadcast %lt3A_69 : i32 to vector<16xi32>
      %lt3A_71 = arith.cmpi slt, %sub3A_65, %lt3A_70 : vector<16xi32>
      %and3A_72 = arith.andi %ge3A_68, %lt3A_71 : vector<16xi1>
      %jit3A_73 = arith.constant 5000 : i32
      %broadcast_in_dim3A_74 = vector.broadcast %jit3A_73 : i32 to vector<16xi32>
      %select_n3A_75 = arith.select %and3A_72, %sub3A_65, %broadcast_in_dim3A_74 : vector<16xi1>, vector<16xi32>
      %swap3A_76 = arith.constant 32 : index
      %swap3A_77 = tpu.vector_load %arg11[%swap3A_76] {strides = array<i32>} : memref<128xi32, #tpu.memory_space<vmem>>, vector<16xi32>,
      %swap3A_78 = vector.shape_cast %swap3A_77 : vector<16xi32> to vector<16xi32>
      %swap3A_79 = vector.shape_cast %select_n3A_75 : vector<16xi32> to vector<16xi32>
      tpu.vector_store %arg11[%swap3A_76], %swap3A_79 {strides = array<i32>} : memref<128xi32, #tpu.memory_space<vmem>>, vector<16xi32>,
      %get3A_80 = arith.constant 48 : index
      %get3A_81 = tpu.vector_load %arg9[%get3A_80] {strides = array<i32>} : memref<128xi32, #tpu.memory_space<vmem>>, vector<16xi32>,
      %get3A_82 = vector.shape_cast %get3A_81 : vector<16xi32> to vector<16xi32>
      %sub3A_83 = vector.broadcast %mul3A_4 : i32 to vector<16xi32>
      %sub3A_84 = arith.subi %get3A_82, %sub3A_83 : vector<16xi32>
      %ge3A_85 = arith.constant 0 : i32
      %ge3A_86 = vector.broadcast %ge3A_85 : i32 to vector<16xi32>
      %ge3A_87 = arith.cmpi sge, %sub3A_84, %ge3A_86 : vector<16xi32>
      %lt3A_88 = arith.constant 5000 : i32
      %lt3A_89 = vector.broadcast %lt3A_88 : i32 to vector<16xi32>
      %lt3A_90 = arith.cmpi slt, %sub3A_84, %lt3A_89 : vector<16xi32>
      %and3A_91 = arith.andi %ge3A_87, %lt3A_90 : vector<16xi1>
      %jit3A_92 = arith.constant 5000 : i32
      %broadcast_in_dim3A_93 = vector.broadcast %jit3A_92 : i32 to vector<16xi32>
      %select_n3A_94 = arith.select %and3A_91, %sub3A_84, %broadcast_in_dim3A_93 : vector<16xi1>, vector<16xi32>
      %swap3A_95 = arith.constant 48 : index
      %swap3A_96 = tpu.vector_load %arg11[%swap3A_95] {strides = array<i32>} : memref<128xi32, #tpu.memory_space<vmem>>, vector<16xi32>,
      %swap3A_97 = vector.shape_cast %swap3A_96 : vector<16xi32> to vector<16xi32>
      %swap3A_98 = vector.shape_cast %select_n3A_94 : vector<16xi32> to vector<16xi32>
      tpu.vector_store %arg11[%swap3A_95], %swap3A_98 {strides = array<i32>} : memref<128xi32, #tpu.memory_space<vmem>>, vector<16xi32>,
      %get3A_99 = arith.constant 64 : index
      %get3A_100 = tpu.vector_load %arg9[%get3A_99] {strides = array<i32>} : memref<128xi32, #tpu.memory_space<vmem>>, vector<16xi32>,
      %get3A_101 = vector.shape_cast %get3A_100 : vector<16xi32> to vector<16xi32>
      %sub3A_102 = vector.broadcast %mul3A_4 : i32 to vector<16xi32>
      %sub3A_103 = arith.subi %get3A_101, %sub3A_102 : vector<16xi32>
      %ge3A_104 = arith.constant 0 : i32
      %ge3A_105 = vector.broadcast %ge3A_104 : i32 to vector<16xi32>
      %ge3A_106 = arith.cmpi sge, %sub3A_103, %ge3A_105 : vector<16xi32>
      %lt3A_107 = arith.constant 5000 : i32
      %lt3A_108 = vector.broadcast %lt3A_107 : i32 to vector<16xi32>
      %lt3A_109 = arith.cmpi slt, %sub3A_103, %lt3A_108 : vector<16xi32>
      %and3A_110 = arith.andi %ge3A_106, %lt3A_109 : vector<16xi1>
      %jit3A_111 = arith.constant 5000 : i32
      %broadcast_in_dim3A_112 = vector.broadcast %jit3A_111 : i32 to vector<16xi32>
      %select_n3A_113 = arith.select %and3A_110, %sub3A_103, %broadcast_in_dim3A_112 : vector<16xi1>, vector<16xi32>
      %swap3A_114 = arith.constant 64 : index
      %swap3A_115 = tpu.vector_load %arg11[%swap3A_114] {strides = array<i32>} : memref<128xi32, #tpu.memory_space<vmem>>, vector<16xi32>,
      %swap3A_116 = vector.shape_cast %swap3A_115 : vector<16xi32> to vector<16xi32>
      %swap3A_117 = vector.shape_cast %select_n3A_113 : vector<16xi32> to vector<16xi32>
      tpu.vector_store %arg11[%swap3A_114], %swap3A_117 {strides = array<i32>} : memref<128xi32, #tpu.memory_space<vmem>>, vector<16xi32>,
      %get3A_118 = arith.constant 80 : index
      %get3A_119 = tpu.vector_load %arg9[%get3A_118] {strides = array<i32>} : memref<128xi32, #tpu.memory_space<vmem>>, vector<16xi32>,
      %get3A_120 = vector.shape_cast %get3A_119 : vector<16xi32> to vector<16xi32>
      %sub3A_121 = vector.broadcast %mul3A_4 : i32 to vector<16xi32>
      %sub3A_122 = arith.subi %get3A_120, %sub3A_121 : vector<16xi32>
      %ge3A_123 = arith.constant 0 : i32
      %ge3A_124 = vector.broadcast %ge3A_123 : i32 to vector<16xi32>
      %ge3A_125 = arith.cmpi sge, %sub3A_122, %ge3A_124 : vector<16xi32>
      %lt3A_126 = arith.constant 5000 : i32
      %lt3A_127 = vector.broadcast %lt3A_126 : i32 to vector<16xi32>
      %lt3A_128 = arith.cmpi slt, %sub3A_122, %lt3A_127 : vector<16xi32>
      %and3A_129 = arith.andi %ge3A_125, %lt3A_128 : vector<16xi1>
      %jit3A_130 = arith.constant 5000 : i32
      %broadcast_in_dim3A_131 = vector.broadcast %jit3A_130 : i32 to vector<16xi32>
      %select_n3A_132 = arith.select %and3A_129, %sub3A_122, %broadcast_in_dim3A_131 : vector<16xi1>, vector<16xi32>
      %swap3A_133 = arith.constant 80 : index
      %swap3A_134 = tpu.vector_load %arg11[%swap3A_133] {strides = array<i32>} : memref<128xi32, #tpu.memory_space<vmem>>, vector<16xi32>,
      %swap3A_135 = vector.shape_cast %swap3A_134 : vector<16xi32> to vector<16xi32>
      %swap3A_136 = vector.shape_cast %select_n3A_132 : vector<16xi32> to vector<16xi32>
      tpu.vector_store %arg11[%swap3A_133], %swap3A_136 {strides = array<i32>} : memref<128xi32, #tpu.memory_space<vmem>>, vector<16xi32>,
      %get3A_137 = arith.constant 96 : index
      %get3A_138 = tpu.vector_load %arg9[%get3A_137] {strides = array<i32>} : memref<128xi32, #tpu.memory_space<vmem>>, vector<16xi32>,
      %get3A_139 = vector.shape_cast %get3A_138 : vector<16xi32> to vector<16xi32>
      %sub3A_140 = vector.broadcast %mul3A_4 : i32 to vector<16xi32>
      %sub3A_141 = arith.subi %get3A_139, %sub3A_140 : vector<16xi32>
      %ge3A_142 = arith.constant 0 : i32
      %ge3A_143 = vector.broadcast %ge3A_142 : i32 to vector<16xi32>
      %ge3A_144 = arith.cmpi sge, %sub3A_141, %ge3A_143 : vector<16xi32>
      %lt3A_145 = arith.constant 5000 : i32
      %lt3A_146 = vector.broadcast %lt3A_145 : i32 to vector<16xi32>
      %lt3A_147 = arith.cmpi slt, %sub3A_141, %lt3A_146 : vector<16xi32>
      %and3A_148 = arith.andi %ge3A_144, %lt3A_147 : vector<16xi1>
      %jit3A_149 = arith.constant 5000 : i32
      %broadcast_in_dim3A_150 = vector.broadcast %jit3A_149 : i32 to vector<16xi32>
      %select_n3A_151 = arith.select %and3A_148, %sub3A_141, %broadcast_in_dim3A_150 : vector<16xi1>, vector<16xi32>
      %swap3A_152 = arith.constant 96 : index
      %swap3A_153 = tpu.vector_load %arg11[%swap3A_152] {strides = array<i32>} : memref<128xi32, #tpu.memory_space<vmem>>, vector<16xi32>,
      %swap3A_154 = vector.shape_cast %swap3A_153 : vector<16xi32> to vector<16xi32>
      %swap3A_155 = vector.shape_cast %select_n3A_151 : vector<16xi32> to vector<16xi32>
      tpu.vector_store %arg11[%swap3A_152], %swap3A_155 {strides = array<i32>} : memref<128xi32, #tpu.memory_space<vmem>>, vector<16xi32>,
      %get3A_156 = arith.constant 112 : index
      %get3A_157 = tpu.vector_load %arg9[%get3A_156] {strides = array<i32>} : memref<128xi32, #tpu.memory_space<vmem>>, vector<16xi32>,
      %get3A_158 = vector.shape_cast %get3A_157 : vector<16xi32> to vector<16xi32>
      %sub3A_159 = vector.broadcast %mul3A_4 : i32 to vector<16xi32>
      %sub3A_160 = arith.subi %get3A_158, %sub3A_159 : vector<16xi32>
      %ge3A_161 = arith.constant 0 : i32
      %ge3A_162 = vector.broadcast %ge3A_161 : i32 to vector<16xi32>
      %ge3A_163 = arith.cmpi sge, %sub3A_160, %ge3A_162 : vector<16xi32>
      %lt3A_164 = arith.constant 5000 : i32
      %lt3A_165 = vector.broadcast %lt3A_164 : i32 to vector<16xi32>
      %lt3A_166 = arith.cmpi slt, %sub3A_160, %lt3A_165 : vector<16xi32>
      %and3A_167 = arith.andi %ge3A_163, %lt3A_166 : vector<16xi1>
      %jit3A_168 = arith.constant 5000 : i32
      %broadcast_in_dim3A_169 = vector.broadcast %jit3A_168 : i32 to vector<16xi32>
      %select_n3A_170 = arith.select %and3A_167, %sub3A_160, %broadcast_in_dim3A_169 : vector<16xi1>, vector<16xi32>
      %swap3A_171 = arith.constant 112 : index
      %swap3A_172 = tpu.vector_load %arg11[%swap3A_171] {strides = array<i32>} : memref<128xi32, #tpu.memory_space<vmem>>, vector<16xi32>,
      %swap3A_173 = vector.shape_cast %swap3A_172 : vector<16xi32> to vector<16xi32>
      %swap3A_174 = vector.shape_cast %select_n3A_170 : vector<16xi32> to vector<16xi32>
      tpu.vector_store %arg11[%swap3A_171], %swap3A_174 {strides = array<i32>} : memref<128xi32, #tpu.memory_space<vmem>>, vector<16xi32>,
      %get3A_175 = arith.constant 0 : index
      %get3A_176 = tpu.vector_load %arg10[%get3A_175] {strides = array<i32>} : memref<128xi32, #tpu.memory_space<vmem>>, vector<16xi32>,
      %get3A_177 = vector.shape_cast %get3A_176 : vector<16xi32> to vector<16xi32>
      %sub3A_178 = vector.broadcast %mul3A_4 : i32 to vector<16xi32>
      %sub3A_179 = arith.subi %get3A_177, %sub3A_178 : vector<16xi32>
      %ge3A_180 = arith.constant 0 : i32
      %ge3A_181 = vector.broadcast %ge3A_180 : i32 to vector<16xi32>
      %ge3A_182 = arith.cmpi sge, %sub3A_179, %ge3A_181 : vector<16xi32>
      %lt3A_183 = arith.constant 5000 : i32
      %lt3A_184 = vector.broadcast %lt3A_183 : i32 to vector<16xi32>
      %lt3A_185 = arith.cmpi slt, %sub3A_179, %lt3A_184 : vector<16xi32>
      %and3A_186 = arith.andi %ge3A_182, %lt3A_185 : vector<16xi1>
      %jit3A_187 = arith.constant 5000 : i32
      %broadcast_in_dim3A_188 = vector.broadcast %jit3A_187 : i32 to vector<16xi32>
      %select_n3A_189 = arith.select %and3A_186, %sub3A_179, %broadcast_in_dim3A_188 : vector<16xi1>, vector<16xi32>
      %swap3A_190 = arith.constant 0 : index
      %swap3A_191 = tpu.vector_load %arg12[%swap3A_190] {strides = array<i32>} : memref<128xi32, #tpu.memory_space<vmem>>, vector<16xi32>,
      %swap3A_192 = vector.shape_cast %swap3A_191 : vector<16xi32> to vector<16xi32>
      %swap3A_193 = vector.shape_cast %select_n3A_189 : vector<16xi32> to vector<16xi32>
      tpu.vector_store %arg12[%swap3A_190], %swap3A_193 {strides = array<i32>} : memref<128xi32, #tpu.memory_space<vmem>>, vector<16xi32>,
      %get3A_194 = arith.constant 16 : index
      %get3A_195 = tpu.vector_load %arg10[%get3A_194] {strides = array<i32>} : memref<128xi32, #tpu.memory_space<vmem>>, vector<16xi32>,
      %get3A_196 = vector.shape_cast %get3A_195 : vector<16xi32> to vector<16xi32>
      %sub3A_197 = vector.broadcast %mul3A_4 : i32 to vector<16xi32>
      %sub3A_198 = arith.subi %get3A_196, %sub3A_197 : vector<16xi32>
      %ge3A_199 = arith.constant 0 : i32
      %ge3A_200 = vector.broadcast %ge3A_199 : i32 to vector<16xi32>
      %ge3A_201 = arith.cmpi sge, %sub3A_198, %ge3A_200 : vector<16xi32>
      %lt3A_202 = arith.constant 5000 : i32
      %lt3A_203 = vector.broadcast %lt3A_202 : i32 to vector<16xi32>
      %lt3A_204 = arith.cmpi slt, %sub3A_198, %lt3A_203 : vector<16xi32>
      %and3A_205 = arith.andi %ge3A_201, %lt3A_204 : vector<16xi1>
      %jit3A_206 = arith.constant 5000 : i32
      %broadcast_in_dim3A_207 = vector.broadcast %jit3A_206 : i32 to vector<16xi32>
      %select_n3A_208 = arith.select %and3A_205, %sub3A_198, %broadcast_in_dim3A_207 : vector<16xi1>, vector<16xi32>
      %swap3A_209 = arith.constant 16 : index
      %swap3A_210 = tpu.vector_load %arg12[%swap3A_209] {strides = array<i32>} : memref<128xi32, #tpu.memory_space<vmem>>, vector<16xi32>,
      %swap3A_211 = vector.shape_cast %swap3A_210 : vector<16xi32> to vector<16xi32>
      %swap3A_212 = vector.shape_cast %select_n3A_208 : vector<16xi32> to vector<16xi32>
      tpu.vector_store %arg12[%swap3A_209], %swap3A_212 {strides = array<i32>} : memref<128xi32, #tpu.memory_space<vmem>>, vector<16xi32>,
      %get3A_213 = arith.constant 32 : index
      %get3A_214 = tpu.vector_load %arg10[%get3A_213] {strides = array<i32>} : memref<128xi32, #tpu.memory_space<vmem>>, vector<16xi32>,
      %get3A_215 = vector.shape_cast %get3A_214 : vector<16xi32> to vector<16xi32>
      %sub3A_216 = vector.broadcast %mul3A_4 : i32 to vector<16xi32>
      %sub3A_217 = arith.subi %get3A_215, %sub3A_216 : vector<16xi32>
      %ge3A_218 = arith.constant 0 : i32
      %ge3A_219 = vector.broadcast %ge3A_218 : i32 to vector<16xi32>
      %ge3A_220 = arith.cmpi sge, %sub3A_217, %ge3A_219 : vector<16xi32>
      %lt3A_221 = arith.constant 5000 : i32
      %lt3A_222 = vector.broadcast %lt3A_221 : i32 to vector<16xi32>
      %lt3A_223 = arith.cmpi slt, %sub3A_217, %lt3A_222 : vector<16xi32>
      %and3A_224 = arith.andi %ge3A_220, %lt3A_223 : vector<16xi1>
      %jit3A_225 = arith.constant 5000 : i32
      %broadcast_in_dim3A_226 = vector.broadcast %jit3A_225 : i32 to vector<16xi32>
      %select_n3A_227 = arith.select %and3A_224, %sub3A_217, %broadcast_in_dim3A_226 : vector<16xi1>, vector<16xi32>
      %swap3A_228 = arith.constant 32 : index
      %swap3A_229 = tpu.vector_load %arg12[%swap3A_228] {strides = array<i32>} : memref<128xi32, #tpu.memory_space<vmem>>, vector<16xi32>,
      %swap3A_230 = vector.shape_cast %swap3A_229 : vector<16xi32> to vector<16xi32>
      %swap3A_231 = vector.shape_cast %select_n3A_227 : vector<16xi32> to vector<16xi32>
      tpu.vector_store %arg12[%swap3A_228], %swap3A_231 {strides = array<i32>} : memref<128xi32, #tpu.memory_space<vmem>>, vector<16xi32>,
      %get3A_232 = arith.constant 48 : index
      %get3A_233 = tpu.vector_load %arg10[%get3A_232] {strides = array<i32>} : memref<128xi32, #tpu.memory_space<vmem>>, vector<16xi32>,
      %get3A_234 = vector.shape_cast %get3A_233 : vector<16xi32> to vector<16xi32>
      %sub3A_235 = vector.broadcast %mul3A_4 : i32 to vector<16xi32>
      %sub3A_236 = arith.subi %get3A_234, %sub3A_235 : vector<16xi32>
      %ge3A_237 = arith.constant 0 : i32
      %ge3A_238 = vector.broadcast %ge3A_237 : i32 to vector<16xi32>
      %ge3A_239 = arith.cmpi sge, %sub3A_236, %ge3A_238 : vector<16xi32>
      %lt3A_240 = arith.constant 5000 : i32
      %lt3A_241 = vector.broadcast %lt3A_240 : i32 to vector<16xi32>
      %lt3A_242 = arith.cmpi slt, %sub3A_236, %lt3A_241 : vector<16xi32>
      %and3A_243 = arith.andi %ge3A_239, %lt3A_242 : vector<16xi1>
      %jit3A_244 = arith.constant 5000 : i32
      %broadcast_in_dim3A_245 = vector.broadcast %jit3A_244 : i32 to vector<16xi32>
      %select_n3A_246 = arith.select %and3A_243, %sub3A_236, %broadcast_in_dim3A_245 : vector<16xi1>, vector<16xi32>
      %swap3A_247 = arith.constant 48 : index
      %swap3A_248 = tpu.vector_load %arg12[%swap3A_247] {strides = array<i32>} : memref<128xi32, #tpu.memory_space<vmem>>, vector<16xi32>,
      %swap3A_249 = vector.shape_cast %swap3A_248 : vector<16xi32> to vector<16xi32>
      %swap3A_250 = vector.shape_cast %select_n3A_246 : vector<16xi32> to vector<16xi32>
      tpu.vector_store %arg12[%swap3A_247], %swap3A_250 {strides = array<i32>} : memref<128xi32, #tpu.memory_space<vmem>>, vector<16xi32>,
      %get3A_251 = arith.constant 64 : index
      %get3A_252 = tpu.vector_load %arg10[%get3A_251] {strides = array<i32>} : memref<128xi32, #tpu.memory_space<vmem>>, vector<16xi32>,
      %get3A_253 = vector.shape_cast %get3A_252 : vector<16xi32> to vector<16xi32>
      %sub3A_254 = vector.broadcast %mul3A_4 : i32 to vector<16xi32>
      %sub3A_255 = arith.subi %get3A_253, %sub3A_254 : vector<16xi32>
      %ge3A_256 = arith.constant 0 : i32
      %ge3A_257 = vector.broadcast %ge3A_256 : i32 to vector<16xi32>
      %ge3A_258 = arith.cmpi sge, %sub3A_255, %ge3A_257 : vector<16xi32>
      %lt3A_259 = arith.constant 5000 : i32
      %lt3A_260 = vector.broadcast %lt3A_259 : i32 to vector<16xi32>
      %lt3A_261 = arith.cmpi slt, %sub3A_255, %lt3A_260 : vector<16xi32>
      %and3A_262 = arith.andi %ge3A_258, %lt3A_261 : vector<16xi1>
      %jit3A_263 = arith.constant 5000 : i32
      %broadcast_in_dim3A_264 = vector.broadcast %jit3A_263 : i32 to vector<16xi32>
      %select_n3A_265 = arith.select %and3A_262, %sub3A_255, %broadcast_in_dim3A_264 : vector<16xi1>, vector<16xi32>
      %swap3A_266 = arith.constant 64 : index
      %swap3A_267 = tpu.vector_load %arg12[%swap3A_266] {strides = array<i32>} : memref<128xi32, #tpu.memory_space<vmem>>, vector<16xi32>,
      %swap3A_268 = vector.shape_cast %swap3A_267 : vector<16xi32> to vector<16xi32>
      %swap3A_269 = vector.shape_cast %select_n3A_265 : vector<16xi32> to vector<16xi32>
      tpu.vector_store %arg12[%swap3A_266], %swap3A_269 {strides = array<i32>} : memref<128xi32, #tpu.memory_space<vmem>>, vector<16xi32>,
      %get3A_270 = arith.constant 80 : index
      %get3A_271 = tpu.vector_load %arg10[%get3A_270] {strides = array<i32>} : memref<128xi32, #tpu.memory_space<vmem>>, vector<16xi32>,
      %get3A_272 = vector.shape_cast %get3A_271 : vector<16xi32> to vector<16xi32>
      %sub3A_273 = vector.broadcast %mul3A_4 : i32 to vector<16xi32>
      %sub3A_274 = arith.subi %get3A_272, %sub3A_273 : vector<16xi32>
      %ge3A_275 = arith.constant 0 : i32
      %ge3A_276 = vector.broadcast %ge3A_275 : i32 to vector<16xi32>
      %ge3A_277 = arith.cmpi sge, %sub3A_274, %ge3A_276 : vector<16xi32>
      %lt3A_278 = arith.constant 5000 : i32
      %lt3A_279 = vector.broadcast %lt3A_278 : i32 to vector<16xi32>
      %lt3A_280 = arith.cmpi slt, %sub3A_274, %lt3A_279 : vector<16xi32>
      %and3A_281 = arith.andi %ge3A_277, %lt3A_280 : vector<16xi1>
      %jit3A_282 = arith.constant 5000 : i32
      %broadcast_in_dim3A_283 = vector.broadcast %jit3A_282 : i32 to vector<16xi32>
      %select_n3A_284 = arith.select %and3A_281, %sub3A_274, %broadcast_in_dim3A_283 : vector<16xi1>, vector<16xi32>
      %swap3A_285 = arith.constant 80 : index
      %swap3A_286 = tpu.vector_load %arg12[%swap3A_285] {strides = array<i32>} : memref<128xi32, #tpu.memory_space<vmem>>, vector<16xi32>,
      %swap3A_287 = vector.shape_cast %swap3A_286 : vector<16xi32> to vector<16xi32>
      %swap3A_288 = vector.shape_cast %select_n3A_284 : vector<16xi32> to vector<16xi32>
      tpu.vector_store %arg12[%swap3A_285], %swap3A_288 {strides = array<i32>} : memref<128xi32, #tpu.memory_space<vmem>>, vector<16xi32>,
      %get3A_289 = arith.constant 96 : index
      %get3A_290 = tpu.vector_load %arg10[%get3A_289] {strides = array<i32>} : memref<128xi32, #tpu.memory_space<vmem>>, vector<16xi32>,
      %get3A_291 = vector.shape_cast %get3A_290 : vector<16xi32> to vector<16xi32>
      %sub3A_292 = vector.broadcast %mul3A_4 : i32 to vector<16xi32>
      %sub3A_293 = arith.subi %get3A_291, %sub3A_292 : vector<16xi32>
      %ge3A_294 = arith.constant 0 : i32
      %ge3A_295 = vector.broadcast %ge3A_294 : i32 to vector<16xi32>
      %ge3A_296 = arith.cmpi sge, %sub3A_293, %ge3A_295 : vector<16xi32>
      %lt3A_297 = arith.constant 5000 : i32
      %lt3A_298 = vector.broadcast %lt3A_297 : i32 to vector<16xi32>
      %lt3A_299 = arith.cmpi slt, %sub3A_293, %lt3A_298 : vector<16xi32>
      %and3A_300 = arith.andi %ge3A_296, %lt3A_299 : vector<16xi1>
      %jit3A_301 = arith.constant 5000 : i32
      %broadcast_in_dim3A_302 = vector.broadcast %jit3A_301 : i32 to vector<16xi32>
      %select_n3A_303 = arith.select %and3A_300, %sub3A_293, %broadcast_in_dim3A_302 : vector<16xi1>, vector<16xi32>
      %swap3A_304 = arith.constant 96 : index
      %swap3A_305 = tpu.vector_load %arg12[%swap3A_304] {strides = array<i32>} : memref<128xi32, #tpu.memory_space<vmem>>, vector<16xi32>,
      %swap3A_306 = vector.shape_cast %swap3A_305 : vector<16xi32> to vector<16xi32>
      %swap3A_307 = vector.shape_cast %select_n3A_303 : vector<16xi32> to vector<16xi32>
      tpu.vector_store %arg12[%swap3A_304], %swap3A_307 {strides = array<i32>} : memref<128xi32, #tpu.memory_space<vmem>>, vector<16xi32>,
      %get3A_308 = arith.constant 112 : index
      %get3A_309 = tpu.vector_load %arg10[%get3A_308] {strides = array<i32>} : memref<128xi32, #tpu.memory_space<vmem>>, vector<16xi32>,
      %get3A_310 = vector.shape_cast %get3A_309 : vector<16xi32> to vector<16xi32>
      %sub3A_311 = vector.broadcast %mul3A_4 : i32 to vector<16xi32>
      %sub3A_312 = arith.subi %get3A_310, %sub3A_311 : vector<16xi32>
      %ge3A_313 = arith.constant 0 : i32
      %ge3A_314 = vector.broadcast %ge3A_313 : i32 to vector<16xi32>
      %ge3A_315 = arith.cmpi sge, %sub3A_312, %ge3A_314 : vector<16xi32>
      %lt3A_316 = arith.constant 5000 : i32
      %lt3A_317 = vector.broadcast %lt3A_316 : i32 to vector<16xi32>
      %lt3A_318 = arith.cmpi slt, %sub3A_312, %lt3A_317 : vector<16xi32>
      %and3A_319 = arith.andi %ge3A_315, %lt3A_318 : vector<16xi1>
      %jit3A_320 = arith.constant 5000 : i32
      %broadcast_in_dim3A_321 = vector.broadcast %jit3A_320 : i32 to vector<16xi32>
      %select_n3A_322 = arith.select %and3A_319, %sub3A_312, %broadcast_in_dim3A_321 : vector<16xi1>, vector<16xi32>
      %swap3A_323 = arith.constant 112 : index
      %swap3A_324 = tpu.vector_load %arg12[%swap3A_323] {strides = array<i32>} : memref<128xi32, #tpu.memory_space<vmem>>, vector<16xi32>,
      %swap3A_325 = vector.shape_cast %swap3A_324 : vector<16xi32> to vector<16xi32>
      %swap3A_326 = vector.shape_cast %select_n3A_322 : vector<16xi32> to vector<16xi32>
      tpu.vector_store %arg12[%swap3A_323], %swap3A_326 {strides = array<i32>} : memref<128xi32, #tpu.memory_space<vmem>>, vector<16xi32>,
      %dma_wait3A = arith.constant 0 : i32
      %dma_wait3A_327 = arith.constant 0 : i32
      %dma_wait3A_328 = tpu.memref_slice %arg4[%dma_wait3A, %dma_wait3A_327] : memref<25000x80xf32, #tpu.memory_space<hbm>> -> memref<25000x80xf32, #tpu.memory_space<hbm>>
      tpu.wait_indirect_dma semaphore(%arg18 : memref<!tpu.dma_semaphore, #tpu.memory_space<semaphore_mem>>) src(%dma_wait3A_328 : memref<25000x80xf32, #tpu.memory_space<hbm>>) dst(%arg15 : memref<128x80xf32, #tpu.memory_space<vmem>>)
      "tpu.region"() ({
        %run_scoped3A = tpu.sem_alloc : memref<!tpu.dma_semaphore, #tpu.memory_space<semaphore_mem>>
        %dma_start3A_332 = arith.constant 0 : i32
        %dma_start3A_333 = arith.constant 0 : i32
        %dma_start3A_334 = tpu.memref_slice %arg17[%dma_start3A_332, %dma_start3A_333] : memref<5120x80xf32, #tpu.memory_space<vmem_shared>> -> memref<5120x80xf32, #tpu.memory_space<vmem_shared>>
        tpu.enqueue_indirect_dma source(%arg15 : memref<128x80xf32, #tpu.memory_space<vmem>>) target(%dma_start3A_334 : memref<5120x80xf32, #tpu.memory_space<vmem_shared>>) offsets(%arg11 : memref<128xi32, #tpu.memory_space<vmem>>) semaphore(%run_scoped3A : memref<!tpu.dma_semaphore, #tpu.memory_space<semaphore_mem>>) {add = true}
        %dma_wait3A_335 = arith.constant 0 : i32
        %dma_wait3A_336 = arith.constant 0 : i32
        %dma_wait3A_337 = tpu.memref_slice %arg17[%dma_wait3A_335, %dma_wait3A_336] : memref<5120x80xf32, #tpu.memory_space<vmem_shared>> -> memref<5120x80xf32, #tpu.memory_space<vmem_shared>>
        tpu.wait_indirect_dma semaphore(%run_scoped3A : memref<!tpu.dma_semaphore, #tpu.memory_space<semaphore_mem>>) src(%arg15 : memref<128x80xf32, #tpu.memory_space<vmem>>) dst(%dma_wait3A_337 : memref<5120x80xf32, #tpu.memory_space<vmem_shared>>)
        tpu.yield
      }) : () -> ()
      %dma_wait3A_329 = arith.constant 0 : i32
      %dma_wait3A_330 = arith.constant 0 : i32
      %dma_wait3A_331 = tpu.memref_slice %arg4[%dma_wait3A_329, %dma_wait3A_330] : memref<25000x80xf32, #tpu.memory_space<hbm>> -> memref<25000x80xf32, #tpu.memory_space<hbm>>
      tpu.wait_indirect_dma semaphore(%arg19 : memref<!tpu.dma_semaphore, #tpu.memory_space<semaphore_mem>>) src(%dma_wait3A_331 : memref<25000x80xf32, #tpu.memory_space<hbm>>) dst(%arg16 : memref<128x80xf32, #tpu.memory_space<vmem>>)
      "tpu.region"() ({
        %run_scoped3A = tpu.sem_alloc : memref<!tpu.dma_semaphore, #tpu.memory_space<semaphore_mem>>
        %dma_start3A_332 = arith.constant 0 : i32
        %dma_start3A_333 = arith.constant 0 : i32
        %dma_start3A_334 = tpu.memref_slice %arg17[%dma_start3A_332, %dma_start3A_333] : memref<5120x80xf32, #tpu.memory_space<vmem_shared>> -> memref<5120x80xf32, #tpu.memory_space<vmem_shared>>
        tpu.enqueue_indirect_dma source(%arg16 : memref<128x80xf32, #tpu.memory_space<vmem>>) target(%dma_start3A_334 : memref<5120x80xf32, #tpu.memory_space<vmem_shared>>) offsets(%arg12 : memref<128xi32, #tpu.memory_space<vmem>>) semaphore(%run_scoped3A : memref<!tpu.dma_semaphore, #tpu.memory_space<semaphore_mem>>) {add = true}
        %dma_wait3A_335 = arith.constant 0 : i32
        %dma_wait3A_336 = arith.constant 0 : i32
        %dma_wait3A_337 = tpu.memref_slice %arg17[%dma_wait3A_335, %dma_wait3A_336] : memref<5120x80xf32, #tpu.memory_space<vmem_shared>> -> memref<5120x80xf32, #tpu.memory_space<vmem_shared>>
        tpu.wait_indirect_dma semaphore(%run_scoped3A : memref<!tpu.dma_semaphore, #tpu.memory_space<semaphore_mem>>) src(%arg16 : memref<128x80xf32, #tpu.memory_space<vmem>>) dst(%dma_wait3A_337 : memref<5120x80xf32, #tpu.memory_space<vmem_shared>>)
        tpu.yield
      }) : () -> ()
    }
    %scan3A_11 = arith.constant 79 : i32
    %barrier3A_12 = arith.constant 0 : index
    tpu.barrier barrier_id(%barrier3A_12)
    %mul3A_13 = arith.constant 320 : i32
    %mul3A_14 = arith.muli %arg1, %mul3A_13 : i32
    %mul3A_15 = arith.constant 5120 : i32
    %mul3A_16 = arith.muli %arg0, %mul3A_15 : i32
    %mul3A_17 = arith.constant 320 : i32
    %mul3A_18 = arith.muli %arg1, %mul3A_17 : i32
    %add3A = arith.addi %mul3A_16, %mul3A_18 : i32
    "tpu.region"() ({
      %run_scoped3A = tpu.sem_alloc : memref<!tpu.dma_semaphore, #tpu.memory_space<semaphore_mem>>
      %dma_start3A = arith.constant 0 : i32
      %dma_start3A_19 = tpu.memref_slice %arg6[%add3A, %dma_start3A] : memref<10240x80xf32, #tpu.memory_space<hbm>> -> memref<320x80xf32, #tpu.memory_space<hbm>>
      %dma_start3A_20 = arith.constant 0 : i32
      %dma_start3A_21 = tpu.memref_slice %arg17[%mul3A_14, %dma_start3A_20] : memref<5120x80xf32, #tpu.memory_space<vmem_shared>> -> memref<320x80xf32, #tpu.memory_space<vmem_shared>>
      tpu.enqueue_dma source(%dma_start3A_21 : memref<320x80xf32, #tpu.memory_space<vmem_shared>>) target(%dma_start3A_19 : memref<320x80xf32, #tpu.memory_space<hbm>>) target_semaphore(%run_scoped3A : memref<!tpu.dma_semaphore, #tpu.memory_space<semaphore_mem>>)
      %dma_wait3A = arith.constant 0 : i32
      %dma_wait3A_22 = tpu.memref_slice %arg6[%add3A, %dma_wait3A] : memref<10240x80xf32, #tpu.memory_space<hbm>> -> memref<320x80xf32, #tpu.memory_space<hbm>>
      %dma_wait3A_23 = arith.constant 0 : i32
      %dma_wait3A_24 = tpu.memref_slice %arg17[%mul3A_14, %dma_wait3A_23] : memref<5120x80xf32, #tpu.memory_space<vmem_shared>> -> memref<320x80xf32, #tpu.memory_space<vmem_shared>>
      tpu.wait_dma2 semaphore(%run_scoped3A : memref<!tpu.dma_semaphore, #tpu.memory_space<semaphore_mem>>) src(%dma_wait3A_24 : memref<320x80xf32, #tpu.memory_space<vmem_shared>>) dst(%dma_wait3A_22 : memref<320x80xf32, #tpu.memory_space<hbm>>)
      tpu.yield
    }) : () -> ()
    return
  }
}

#map = affine_map<(d0, d1) -> (0)>
#map1 = affine_map<(d0, d1) -> (0, 0)>
module attributes {stable_mosaic.version = 14 : i64} {
  func.func @body(%arg0: i32, %arg1: i32, %arg2: memref<802816xi32, #tpu.memory_space<hbm>>, %arg3: memref<802816xi32, #tpu.memory_space<hbm>>, %arg4: memref<802816x16xf32, #tpu.memory_space<hbm>>, %arg5: memref<50000x64xf32, #tpu.memory_space<hbm>>, %arg6: memref<25088x64xf32, #tpu.memory_space<hbm>>, %arg7: memref<50176x64xf32, #tpu.memory_space<hbm>>, %arg8: memref<128xi32, #tpu.memory_space<vmem>>, %arg9: memref<128xi32, #tpu.memory_space<vmem>>, %arg10: memref<128xi32, #tpu.memory_space<vmem>>, %arg11: memref<128xi32, #tpu.memory_space<vmem>>, %arg12: memref<128xi32, #tpu.memory_space<vmem>>, %arg13: memref<128xi32, #tpu.memory_space<vmem>>, %arg14: memref<128x16xf32, #tpu.memory_space<vmem>>, %arg15: memref<128x16xf32, #tpu.memory_space<vmem>>, %arg16: memref<128x64xf32, #tpu.memory_space<vmem>>, %arg17: memref<128x64xf32, #tpu.memory_space<vmem>>, %arg18: memref<25088x64xf32, #tpu.memory_space<vmem_shared>>, %arg19: memref<!tpu.dma_semaphore, #tpu.memory_space<semaphore_mem>>, %arg20: memref<!tpu.dma_semaphore, #tpu.memory_space<semaphore_mem>>) attributes {dimension_semantics = [#tpu.dimension_semantics<core_parallel>, #tpu.dimension_semantics<subcore_parallel>], iteration_bounds = array<i64: 2, 16>, scalar_prefetch = 0 : i64, scratch_operands = 13 : i64, tpu.core_type = #tpu.core_type<sc_vector_subcore>, window_params = [{transform_indices = #map}, {transform_indices = #map}, {transform_indices = #map1}, {transform_indices = #map1}, {transform_indices = #map1}, {transform_indices = #map1}]} {
    %mul3A = arith.constant 1568 : i32
    %mul3A_0 = arith.muli %arg1, %mul3A : i32
    %mul3A_1 = arith.constant 1568 : i32
    %mul3A_2 = arith.muli %arg1, %mul3A_1 : i32
    "tpu.region"() ({
      %run_scoped3A = tpu.sem_alloc : memref<!tpu.dma_semaphore, #tpu.memory_space<semaphore_mem>>
      %dma_start3A = arith.constant 0 : i32
      %dma_start3A_19 = tpu.memref_slice %arg18[%mul3A_2, %dma_start3A] : memref<25088x64xf32, #tpu.memory_space<vmem_shared>> -> memref<1568x64xf32, #tpu.memory_space<vmem_shared>>
      %dma_start3A_20 = arith.constant 0 : i32
      %dma_start3A_21 = tpu.memref_slice %arg6[%mul3A_0, %dma_start3A_20] : memref<25088x64xf32, #tpu.memory_space<hbm>> -> memref<1568x64xf32, #tpu.memory_space<hbm>>
      tpu.enqueue_dma source(%dma_start3A_21 : memref<1568x64xf32, #tpu.memory_space<hbm>>) target(%dma_start3A_19 : memref<1568x64xf32, #tpu.memory_space<vmem_shared>>) target_semaphore(%run_scoped3A : memref<!tpu.dma_semaphore, #tpu.memory_space<semaphore_mem>>)
      %dma_wait3A = arith.constant 0 : i32
      %dma_wait3A_22 = tpu.memref_slice %arg18[%mul3A_2, %dma_wait3A] : memref<25088x64xf32, #tpu.memory_space<vmem_shared>> -> memref<1568x64xf32, #tpu.memory_space<vmem_shared>>
      %dma_wait3A_23 = arith.constant 0 : i32
      %dma_wait3A_24 = tpu.memref_slice %arg6[%mul3A_0, %dma_wait3A_23] : memref<25088x64xf32, #tpu.memory_space<hbm>> -> memref<1568x64xf32, #tpu.memory_space<hbm>>
      tpu.wait_dma2 semaphore(%run_scoped3A : memref<!tpu.dma_semaphore, #tpu.memory_space<semaphore_mem>>) src(%dma_wait3A_24 : memref<1568x64xf32, #tpu.memory_space<hbm>>) dst(%dma_wait3A_22 : memref<1568x64xf32, #tpu.memory_space<vmem_shared>>)
      tpu.yield
    }) : () -> ()
    %barrier3A = arith.constant 0 : index
    tpu.barrier barrier_id(%barrier3A)
    %mul3A_3 = arith.constant 25000 : i32
    %mul3A_4 = arith.muli %arg0, %mul3A_3 : i32
    %mul3A_5 = arith.constant 50176 : i32
    %mul3A_6 = arith.muli %arg1, %mul3A_5 : i32
    %scan3A = arith.constant 0 : i32
    %scan3A_7 = arith.constant 0 : i32
    %scan3A_8 = arith.constant 196 : i32
    %scan3A_9 = arith.addi %scan3A_7, %scan3A_8 : i32
    %scan3A_10 = arith.constant 1 : i32
    scf.for %scan3A_19 = %scan3A_7 to %scan3A_9 step %scan3A_10  : i32 {
      %mul3A_20 = arith.constant 2 : i32
      %mul3A_21 = arith.muli %mul3A_20, %scan3A_19 : i32
      %mul3A_22 = arith.constant 128 : i32
      %mul3A_23 = arith.muli %mul3A_21, %mul3A_22 : i32
      %add3A_24 = arith.addi %mul3A_6, %mul3A_23 : i32
      %add3A_25 = arith.constant 128 : i32
      %add3A_26 = arith.addi %add3A_24, %add3A_25 : i32
      "tpu.region"() ({
        %run_scoped3A = tpu.sem_alloc : memref<!tpu.dma_semaphore, #tpu.memory_space<semaphore_mem>>
        %dma_start3A_344 = tpu.memref_slice %arg2[%add3A_24] : memref<802816xi32, #tpu.memory_space<hbm>> -> memref<128xi32, #tpu.memory_space<hbm>>
        %dma_start3A_345 = tpu.memref_slice %arg2[%add3A_24] : memref<802816xi32, #tpu.memory_space<hbm>> -> memref<128xi32, #tpu.memory_space<hbm>>
        tpu.enqueue_dma source(%dma_start3A_345 : memref<128xi32, #tpu.memory_space<hbm>>) target(%arg8 : memref<128xi32, #tpu.memory_space<vmem>>) target_semaphore(%run_scoped3A : memref<!tpu.dma_semaphore, #tpu.memory_space<semaphore_mem>>)
        %dma_wait3A_346 = tpu.memref_slice %arg2[%add3A_24] : memref<802816xi32, #tpu.memory_space<hbm>> -> memref<128xi32, #tpu.memory_space<hbm>>
        %dma_wait3A_347 = tpu.memref_slice %arg2[%add3A_24] : memref<802816xi32, #tpu.memory_space<hbm>> -> memref<128xi32, #tpu.memory_space<hbm>>
        tpu.wait_dma2 semaphore(%run_scoped3A : memref<!tpu.dma_semaphore, #tpu.memory_space<semaphore_mem>>) src(%dma_wait3A_347 : memref<128xi32, #tpu.memory_space<hbm>>) dst(%arg8 : memref<128xi32, #tpu.memory_space<vmem>>)
        tpu.yield
      }) : () -> ()
      "tpu.region"() ({
        %run_scoped3A = tpu.sem_alloc : memref<!tpu.dma_semaphore, #tpu.memory_space<semaphore_mem>>
        %dma_start3A_344 = tpu.memref_slice %arg3[%add3A_24] : memref<802816xi32, #tpu.memory_space<hbm>> -> memref<128xi32, #tpu.memory_space<hbm>>
        %dma_start3A_345 = tpu.memref_slice %arg3[%add3A_24] : memref<802816xi32, #tpu.memory_space<hbm>> -> memref<128xi32, #tpu.memory_space<hbm>>
        tpu.enqueue_dma source(%dma_start3A_345 : memref<128xi32, #tpu.memory_space<hbm>>) target(%arg10 : memref<128xi32, #tpu.memory_space<vmem>>) target_semaphore(%run_scoped3A : memref<!tpu.dma_semaphore, #tpu.memory_space<semaphore_mem>>)
        %dma_wait3A_346 = tpu.memref_slice %arg3[%add3A_24] : memref<802816xi32, #tpu.memory_space<hbm>> -> memref<128xi32, #tpu.memory_space<hbm>>
        %dma_wait3A_347 = tpu.memref_slice %arg3[%add3A_24] : memref<802816xi32, #tpu.memory_space<hbm>> -> memref<128xi32, #tpu.memory_space<hbm>>
        tpu.wait_dma2 semaphore(%run_scoped3A : memref<!tpu.dma_semaphore, #tpu.memory_space<semaphore_mem>>) src(%dma_wait3A_347 : memref<128xi32, #tpu.memory_space<hbm>>) dst(%arg10 : memref<128xi32, #tpu.memory_space<vmem>>)
        tpu.yield
      }) : () -> ()
      "tpu.region"() ({
        %run_scoped3A = tpu.sem_alloc : memref<!tpu.dma_semaphore, #tpu.memory_space<semaphore_mem>>
        %dma_start3A_344 = arith.constant 0 : i32
        %dma_start3A_345 = tpu.memref_slice %arg4[%add3A_24, %dma_start3A_344] : memref<802816x16xf32, #tpu.memory_space<hbm>> -> memref<128x16xf32, #tpu.memory_space<hbm>>
        %dma_start3A_346 = arith.constant 0 : i32
        %dma_start3A_347 = tpu.memref_slice %arg4[%add3A_24, %dma_start3A_346] : memref<802816x16xf32, #tpu.memory_space<hbm>> -> memref<128x16xf32, #tpu.memory_space<hbm>>
        tpu.enqueue_dma source(%dma_start3A_347 : memref<128x16xf32, #tpu.memory_space<hbm>>) target(%arg14 : memref<128x16xf32, #tpu.memory_space<vmem>>) target_semaphore(%run_scoped3A : memref<!tpu.dma_semaphore, #tpu.memory_space<semaphore_mem>>)
        %dma_wait3A_348 = arith.constant 0 : i32
        %dma_wait3A_349 = tpu.memref_slice %arg4[%add3A_24, %dma_wait3A_348] : memref<802816x16xf32, #tpu.memory_space<hbm>> -> memref<128x16xf32, #tpu.memory_space<hbm>>
        %dma_wait3A_350 = arith.constant 0 : i32
        %dma_wait3A_351 = tpu.memref_slice %arg4[%add3A_24, %dma_wait3A_350] : memref<802816x16xf32, #tpu.memory_space<hbm>> -> memref<128x16xf32, #tpu.memory_space<hbm>>
        tpu.wait_dma2 semaphore(%run_scoped3A : memref<!tpu.dma_semaphore, #tpu.memory_space<semaphore_mem>>) src(%dma_wait3A_351 : memref<128x16xf32, #tpu.memory_space<hbm>>) dst(%arg14 : memref<128x16xf32, #tpu.memory_space<vmem>>)
        tpu.yield
      }) : () -> ()
      %dma_start3A = arith.constant 0 : i32
      %dma_start3A_27 = arith.constant 0 : i32
      %dma_start3A_28 = tpu.memref_slice %arg5[%dma_start3A, %dma_start3A_27] : memref<50000x64xf32, #tpu.memory_space<hbm>> -> memref<50000x64xf32, #tpu.memory_space<hbm>>
      tpu.enqueue_indirect_dma source(%dma_start3A_28 : memref<50000x64xf32, #tpu.memory_space<hbm>>) target(%arg16 : memref<128x64xf32, #tpu.memory_space<vmem>>) offsets(%arg8 : memref<128xi32, #tpu.memory_space<vmem>>) semaphore(%arg19 : memref<!tpu.dma_semaphore, #tpu.memory_space<semaphore_mem>>)
      "tpu.region"() ({
        %run_scoped3A = tpu.sem_alloc : memref<!tpu.dma_semaphore, #tpu.memory_space<semaphore_mem>>
        %dma_start3A_344 = tpu.memref_slice %arg2[%add3A_26] : memref<802816xi32, #tpu.memory_space<hbm>> -> memref<128xi32, #tpu.memory_space<hbm>>
        %dma_start3A_345 = tpu.memref_slice %arg2[%add3A_26] : memref<802816xi32, #tpu.memory_space<hbm>> -> memref<128xi32, #tpu.memory_space<hbm>>
        tpu.enqueue_dma source(%dma_start3A_345 : memref<128xi32, #tpu.memory_space<hbm>>) target(%arg9 : memref<128xi32, #tpu.memory_space<vmem>>) target_semaphore(%run_scoped3A : memref<!tpu.dma_semaphore, #tpu.memory_space<semaphore_mem>>)
        %dma_wait3A_346 = tpu.memref_slice %arg2[%add3A_26] : memref<802816xi32, #tpu.memory_space<hbm>> -> memref<128xi32, #tpu.memory_space<hbm>>
        %dma_wait3A_347 = tpu.memref_slice %arg2[%add3A_26] : memref<802816xi32, #tpu.memory_space<hbm>> -> memref<128xi32, #tpu.memory_space<hbm>>
        tpu.wait_dma2 semaphore(%run_scoped3A : memref<!tpu.dma_semaphore, #tpu.memory_space<semaphore_mem>>) src(%dma_wait3A_347 : memref<128xi32, #tpu.memory_space<hbm>>) dst(%arg9 : memref<128xi32, #tpu.memory_space<vmem>>)
        tpu.yield
      }) : () -> ()
      "tpu.region"() ({
        %run_scoped3A = tpu.sem_alloc : memref<!tpu.dma_semaphore, #tpu.memory_space<semaphore_mem>>
        %dma_start3A_344 = tpu.memref_slice %arg3[%add3A_26] : memref<802816xi32, #tpu.memory_space<hbm>> -> memref<128xi32, #tpu.memory_space<hbm>>
        %dma_start3A_345 = tpu.memref_slice %arg3[%add3A_26] : memref<802816xi32, #tpu.memory_space<hbm>> -> memref<128xi32, #tpu.memory_space<hbm>>
        tpu.enqueue_dma source(%dma_start3A_345 : memref<128xi32, #tpu.memory_space<hbm>>) target(%arg11 : memref<128xi32, #tpu.memory_space<vmem>>) target_semaphore(%run_scoped3A : memref<!tpu.dma_semaphore, #tpu.memory_space<semaphore_mem>>)
        %dma_wait3A_346 = tpu.memref_slice %arg3[%add3A_26] : memref<802816xi32, #tpu.memory_space<hbm>> -> memref<128xi32, #tpu.memory_space<hbm>>
        %dma_wait3A_347 = tpu.memref_slice %arg3[%add3A_26] : memref<802816xi32, #tpu.memory_space<hbm>> -> memref<128xi32, #tpu.memory_space<hbm>>
        tpu.wait_dma2 semaphore(%run_scoped3A : memref<!tpu.dma_semaphore, #tpu.memory_space<semaphore_mem>>) src(%dma_wait3A_347 : memref<128xi32, #tpu.memory_space<hbm>>) dst(%arg11 : memref<128xi32, #tpu.memory_space<vmem>>)
        tpu.yield
      }) : () -> ()
      "tpu.region"() ({
        %run_scoped3A = tpu.sem_alloc : memref<!tpu.dma_semaphore, #tpu.memory_space<semaphore_mem>>
        %dma_start3A_344 = arith.constant 0 : i32
        %dma_start3A_345 = tpu.memref_slice %arg4[%add3A_26, %dma_start3A_344] : memref<802816x16xf32, #tpu.memory_space<hbm>> -> memref<128x16xf32, #tpu.memory_space<hbm>>
        %dma_start3A_346 = arith.constant 0 : i32
        %dma_start3A_347 = tpu.memref_slice %arg4[%add3A_26, %dma_start3A_346] : memref<802816x16xf32, #tpu.memory_space<hbm>> -> memref<128x16xf32, #tpu.memory_space<hbm>>
        tpu.enqueue_dma source(%dma_start3A_347 : memref<128x16xf32, #tpu.memory_space<hbm>>) target(%arg15 : memref<128x16xf32, #tpu.memory_space<vmem>>) target_semaphore(%run_scoped3A : memref<!tpu.dma_semaphore, #tpu.memory_space<semaphore_mem>>)
        %dma_wait3A_348 = arith.constant 0 : i32
        %dma_wait3A_349 = tpu.memref_slice %arg4[%add3A_26, %dma_wait3A_348] : memref<802816x16xf32, #tpu.memory_space<hbm>> -> memref<128x16xf32, #tpu.memory_space<hbm>>
        %dma_wait3A_350 = arith.constant 0 : i32
        %dma_wait3A_351 = tpu.memref_slice %arg4[%add3A_26, %dma_wait3A_350] : memref<802816x16xf32, #tpu.memory_space<hbm>> -> memref<128x16xf32, #tpu.memory_space<hbm>>
        tpu.wait_dma2 semaphore(%run_scoped3A : memref<!tpu.dma_semaphore, #tpu.memory_space<semaphore_mem>>) src(%dma_wait3A_351 : memref<128x16xf32, #tpu.memory_space<hbm>>) dst(%arg15 : memref<128x16xf32, #tpu.memory_space<vmem>>)
        tpu.yield
      }) : () -> ()
      %dma_start3A_29 = arith.constant 0 : i32
      %dma_start3A_30 = arith.constant 0 : i32
      %dma_start3A_31 = tpu.memref_slice %arg5[%dma_start3A_29, %dma_start3A_30] : memref<50000x64xf32, #tpu.memory_space<hbm>> -> memref<50000x64xf32, #tpu.memory_space<hbm>>
      tpu.enqueue_indirect_dma source(%dma_start3A_31 : memref<50000x64xf32, #tpu.memory_space<hbm>>) target(%arg17 : memref<128x64xf32, #tpu.memory_space<vmem>>) offsets(%arg9 : memref<128xi32, #tpu.memory_space<vmem>>) semaphore(%arg20 : memref<!tpu.dma_semaphore, #tpu.memory_space<semaphore_mem>>)
      %get3A = arith.constant 0 : index
      %get3A_32 = tpu.vector_load %arg10[%get3A] {strides = array<i32>} : memref<128xi32, #tpu.memory_space<vmem>>, vector<16xi32>,
      %get3A_33 = vector.shape_cast %get3A_32 : vector<16xi32> to vector<16xi32>
      %sub3A = vector.broadcast %mul3A_4 : i32 to vector<16xi32>
      %sub3A_34 = arith.subi %get3A_33, %sub3A : vector<16xi32>
      %ge3A = arith.constant 0 : i32
      %ge3A_35 = vector.broadcast %ge3A : i32 to vector<16xi32>
      %ge3A_36 = arith.cmpi sge, %sub3A_34, %ge3A_35 : vector<16xi32>
      %lt3A = arith.constant 25000 : i32
      %lt3A_37 = vector.broadcast %lt3A : i32 to vector<16xi32>
      %lt3A_38 = arith.cmpi slt, %sub3A_34, %lt3A_37 : vector<16xi32>
      %and3A = arith.andi %ge3A_36, %lt3A_38 : vector<16xi1>
      %jit3A = arith.constant 25000 : i32
      %broadcast_in_dim3A = vector.broadcast %jit3A : i32 to vector<16xi32>
      %select_n3A = arith.select %and3A, %sub3A_34, %broadcast_in_dim3A : vector<16xi1>, vector<16xi32>
      %swap3A = arith.constant 0 : index
      %swap3A_39 = tpu.vector_load %arg12[%swap3A] {strides = array<i32>} : memref<128xi32, #tpu.memory_space<vmem>>, vector<16xi32>,
      %swap3A_40 = vector.shape_cast %swap3A_39 : vector<16xi32> to vector<16xi32>
      %swap3A_41 = vector.shape_cast %select_n3A : vector<16xi32> to vector<16xi32>
      tpu.vector_store %arg12[%swap3A], %swap3A_41 {strides = array<i32>} : memref<128xi32, #tpu.memory_space<vmem>>, vector<16xi32>,
      %get3A_42 = arith.constant 16 : index
      %get3A_43 = tpu.vector_load %arg10[%get3A_42] {strides = array<i32>} : memref<128xi32, #tpu.memory_space<vmem>>, vector<16xi32>,
      %get3A_44 = vector.shape_cast %get3A_43 : vector<16xi32> to vector<16xi32>
      %sub3A_45 = vector.broadcast %mul3A_4 : i32 to vector<16xi32>
      %sub3A_46 = arith.subi %get3A_44, %sub3A_45 : vector<16xi32>
      %ge3A_47 = arith.constant 0 : i32
      %ge3A_48 = vector.broadcast %ge3A_47 : i32 to vector<16xi32>
      %ge3A_49 = arith.cmpi sge, %sub3A_46, %ge3A_48 : vector<16xi32>
      %lt3A_50 = arith.constant 25000 : i32
      %lt3A_51 = vector.broadcast %lt3A_50 : i32 to vector<16xi32>
      %lt3A_52 = arith.cmpi slt, %sub3A_46, %lt3A_51 : vector<16xi32>
      %and3A_53 = arith.andi %ge3A_49, %lt3A_52 : vector<16xi1>
      %jit3A_54 = arith.constant 25000 : i32
      %broadcast_in_dim3A_55 = vector.broadcast %jit3A_54 : i32 to vector<16xi32>
      %select_n3A_56 = arith.select %and3A_53, %sub3A_46, %broadcast_in_dim3A_55 : vector<16xi1>, vector<16xi32>
      %swap3A_57 = arith.constant 16 : index
      %swap3A_58 = tpu.vector_load %arg12[%swap3A_57] {strides = array<i32>} : memref<128xi32, #tpu.memory_space<vmem>>, vector<16xi32>,
      %swap3A_59 = vector.shape_cast %swap3A_58 : vector<16xi32> to vector<16xi32>
      %swap3A_60 = vector.shape_cast %select_n3A_56 : vector<16xi32> to vector<16xi32>
      tpu.vector_store %arg12[%swap3A_57], %swap3A_60 {strides = array<i32>} : memref<128xi32, #tpu.memory_space<vmem>>, vector<16xi32>,
      %get3A_61 = arith.constant 32 : index
      %get3A_62 = tpu.vector_load %arg10[%get3A_61] {strides = array<i32>} : memref<128xi32, #tpu.memory_space<vmem>>, vector<16xi32>,
      %get3A_63 = vector.shape_cast %get3A_62 : vector<16xi32> to vector<16xi32>
      %sub3A_64 = vector.broadcast %mul3A_4 : i32 to vector<16xi32>
      %sub3A_65 = arith.subi %get3A_63, %sub3A_64 : vector<16xi32>
      %ge3A_66 = arith.constant 0 : i32
      %ge3A_67 = vector.broadcast %ge3A_66 : i32 to vector<16xi32>
      %ge3A_68 = arith.cmpi sge, %sub3A_65, %ge3A_67 : vector<16xi32>
      %lt3A_69 = arith.constant 25000 : i32
      %lt3A_70 = vector.broadcast %lt3A_69 : i32 to vector<16xi32>
      %lt3A_71 = arith.cmpi slt, %sub3A_65, %lt3A_70 : vector<16xi32>
      %and3A_72 = arith.andi %ge3A_68, %lt3A_71 : vector<16xi1>
      %jit3A_73 = arith.constant 25000 : i32
      %broadcast_in_dim3A_74 = vector.broadcast %jit3A_73 : i32 to vector<16xi32>
      %select_n3A_75 = arith.select %and3A_72, %sub3A_65, %broadcast_in_dim3A_74 : vector<16xi1>, vector<16xi32>
      %swap3A_76 = arith.constant 32 : index
      %swap3A_77 = tpu.vector_load %arg12[%swap3A_76] {strides = array<i32>} : memref<128xi32, #tpu.memory_space<vmem>>, vector<16xi32>,
      %swap3A_78 = vector.shape_cast %swap3A_77 : vector<16xi32> to vector<16xi32>
      %swap3A_79 = vector.shape_cast %select_n3A_75 : vector<16xi32> to vector<16xi32>
      tpu.vector_store %arg12[%swap3A_76], %swap3A_79 {strides = array<i32>} : memref<128xi32, #tpu.memory_space<vmem>>, vector<16xi32>,
      %get3A_80 = arith.constant 48 : index
      %get3A_81 = tpu.vector_load %arg10[%get3A_80] {strides = array<i32>} : memref<128xi32, #tpu.memory_space<vmem>>, vector<16xi32>,
      %get3A_82 = vector.shape_cast %get3A_81 : vector<16xi32> to vector<16xi32>
      %sub3A_83 = vector.broadcast %mul3A_4 : i32 to vector<16xi32>
      %sub3A_84 = arith.subi %get3A_82, %sub3A_83 : vector<16xi32>
      %ge3A_85 = arith.constant 0 : i32
      %ge3A_86 = vector.broadcast %ge3A_85 : i32 to vector<16xi32>
      %ge3A_87 = arith.cmpi sge, %sub3A_84, %ge3A_86 : vector<16xi32>
      %lt3A_88 = arith.constant 25000 : i32
      %lt3A_89 = vector.broadcast %lt3A_88 : i32 to vector<16xi32>
      %lt3A_90 = arith.cmpi slt, %sub3A_84, %lt3A_89 : vector<16xi32>
      %and3A_91 = arith.andi %ge3A_87, %lt3A_90 : vector<16xi1>
      %jit3A_92 = arith.constant 25000 : i32
      %broadcast_in_dim3A_93 = vector.broadcast %jit3A_92 : i32 to vector<16xi32>
      %select_n3A_94 = arith.select %and3A_91, %sub3A_84, %broadcast_in_dim3A_93 : vector<16xi1>, vector<16xi32>
      %swap3A_95 = arith.constant 48 : index
      %swap3A_96 = tpu.vector_load %arg12[%swap3A_95] {strides = array<i32>} : memref<128xi32, #tpu.memory_space<vmem>>, vector<16xi32>,
      %swap3A_97 = vector.shape_cast %swap3A_96 : vector<16xi32> to vector<16xi32>
      %swap3A_98 = vector.shape_cast %select_n3A_94 : vector<16xi32> to vector<16xi32>
      tpu.vector_store %arg12[%swap3A_95], %swap3A_98 {strides = array<i32>} : memref<128xi32, #tpu.memory_space<vmem>>, vector<16xi32>,
      %get3A_99 = arith.constant 64 : index
      %get3A_100 = tpu.vector_load %arg10[%get3A_99] {strides = array<i32>} : memref<128xi32, #tpu.memory_space<vmem>>, vector<16xi32>,
      %get3A_101 = vector.shape_cast %get3A_100 : vector<16xi32> to vector<16xi32>
      %sub3A_102 = vector.broadcast %mul3A_4 : i32 to vector<16xi32>
      %sub3A_103 = arith.subi %get3A_101, %sub3A_102 : vector<16xi32>
      %ge3A_104 = arith.constant 0 : i32
      %ge3A_105 = vector.broadcast %ge3A_104 : i32 to vector<16xi32>
      %ge3A_106 = arith.cmpi sge, %sub3A_103, %ge3A_105 : vector<16xi32>
      %lt3A_107 = arith.constant 25000 : i32
      %lt3A_108 = vector.broadcast %lt3A_107 : i32 to vector<16xi32>
      %lt3A_109 = arith.cmpi slt, %sub3A_103, %lt3A_108 : vector<16xi32>
      %and3A_110 = arith.andi %ge3A_106, %lt3A_109 : vector<16xi1>
      %jit3A_111 = arith.constant 25000 : i32
      %broadcast_in_dim3A_112 = vector.broadcast %jit3A_111 : i32 to vector<16xi32>
      %select_n3A_113 = arith.select %and3A_110, %sub3A_103, %broadcast_in_dim3A_112 : vector<16xi1>, vector<16xi32>
      %swap3A_114 = arith.constant 64 : index
      %swap3A_115 = tpu.vector_load %arg12[%swap3A_114] {strides = array<i32>} : memref<128xi32, #tpu.memory_space<vmem>>, vector<16xi32>,
      %swap3A_116 = vector.shape_cast %swap3A_115 : vector<16xi32> to vector<16xi32>
      %swap3A_117 = vector.shape_cast %select_n3A_113 : vector<16xi32> to vector<16xi32>
      tpu.vector_store %arg12[%swap3A_114], %swap3A_117 {strides = array<i32>} : memref<128xi32, #tpu.memory_space<vmem>>, vector<16xi32>,
      %get3A_118 = arith.constant 80 : index
      %get3A_119 = tpu.vector_load %arg10[%get3A_118] {strides = array<i32>} : memref<128xi32, #tpu.memory_space<vmem>>, vector<16xi32>,
      %get3A_120 = vector.shape_cast %get3A_119 : vector<16xi32> to vector<16xi32>
      %sub3A_121 = vector.broadcast %mul3A_4 : i32 to vector<16xi32>
      %sub3A_122 = arith.subi %get3A_120, %sub3A_121 : vector<16xi32>
      %ge3A_123 = arith.constant 0 : i32
      %ge3A_124 = vector.broadcast %ge3A_123 : i32 to vector<16xi32>
      %ge3A_125 = arith.cmpi sge, %sub3A_122, %ge3A_124 : vector<16xi32>
      %lt3A_126 = arith.constant 25000 : i32
      %lt3A_127 = vector.broadcast %lt3A_126 : i32 to vector<16xi32>
      %lt3A_128 = arith.cmpi slt, %sub3A_122, %lt3A_127 : vector<16xi32>
      %and3A_129 = arith.andi %ge3A_125, %lt3A_128 : vector<16xi1>
      %jit3A_130 = arith.constant 25000 : i32
      %broadcast_in_dim3A_131 = vector.broadcast %jit3A_130 : i32 to vector<16xi32>
      %select_n3A_132 = arith.select %and3A_129, %sub3A_122, %broadcast_in_dim3A_131 : vector<16xi1>, vector<16xi32>
      %swap3A_133 = arith.constant 80 : index
      %swap3A_134 = tpu.vector_load %arg12[%swap3A_133] {strides = array<i32>} : memref<128xi32, #tpu.memory_space<vmem>>, vector<16xi32>,
      %swap3A_135 = vector.shape_cast %swap3A_134 : vector<16xi32> to vector<16xi32>
      %swap3A_136 = vector.shape_cast %select_n3A_132 : vector<16xi32> to vector<16xi32>
      tpu.vector_store %arg12[%swap3A_133], %swap3A_136 {strides = array<i32>} : memref<128xi32, #tpu.memory_space<vmem>>, vector<16xi32>,
      %get3A_137 = arith.constant 96 : index
      %get3A_138 = tpu.vector_load %arg10[%get3A_137] {strides = array<i32>} : memref<128xi32, #tpu.memory_space<vmem>>, vector<16xi32>,
      %get3A_139 = vector.shape_cast %get3A_138 : vector<16xi32> to vector<16xi32>
      %sub3A_140 = vector.broadcast %mul3A_4 : i32 to vector<16xi32>
      %sub3A_141 = arith.subi %get3A_139, %sub3A_140 : vector<16xi32>
      %ge3A_142 = arith.constant 0 : i32
      %ge3A_143 = vector.broadcast %ge3A_142 : i32 to vector<16xi32>
      %ge3A_144 = arith.cmpi sge, %sub3A_141, %ge3A_143 : vector<16xi32>
      %lt3A_145 = arith.constant 25000 : i32
      %lt3A_146 = vector.broadcast %lt3A_145 : i32 to vector<16xi32>
      %lt3A_147 = arith.cmpi slt, %sub3A_141, %lt3A_146 : vector<16xi32>
      %and3A_148 = arith.andi %ge3A_144, %lt3A_147 : vector<16xi1>
      %jit3A_149 = arith.constant 25000 : i32
      %broadcast_in_dim3A_150 = vector.broadcast %jit3A_149 : i32 to vector<16xi32>
      %select_n3A_151 = arith.select %and3A_148, %sub3A_141, %broadcast_in_dim3A_150 : vector<16xi1>, vector<16xi32>
      %swap3A_152 = arith.constant 96 : index
      %swap3A_153 = tpu.vector_load %arg12[%swap3A_152] {strides = array<i32>} : memref<128xi32, #tpu.memory_space<vmem>>, vector<16xi32>,
      %swap3A_154 = vector.shape_cast %swap3A_153 : vector<16xi32> to vector<16xi32>
      %swap3A_155 = vector.shape_cast %select_n3A_151 : vector<16xi32> to vector<16xi32>
      tpu.vector_store %arg12[%swap3A_152], %swap3A_155 {strides = array<i32>} : memref<128xi32, #tpu.memory_space<vmem>>, vector<16xi32>,
      %get3A_156 = arith.constant 112 : index
      %get3A_157 = tpu.vector_load %arg10[%get3A_156] {strides = array<i32>} : memref<128xi32, #tpu.memory_space<vmem>>, vector<16xi32>,
      %get3A_158 = vector.shape_cast %get3A_157 : vector<16xi32> to vector<16xi32>
      %sub3A_159 = vector.broadcast %mul3A_4 : i32 to vector<16xi32>
      %sub3A_160 = arith.subi %get3A_158, %sub3A_159 : vector<16xi32>
      %ge3A_161 = arith.constant 0 : i32
      %ge3A_162 = vector.broadcast %ge3A_161 : i32 to vector<16xi32>
      %ge3A_163 = arith.cmpi sge, %sub3A_160, %ge3A_162 : vector<16xi32>
      %lt3A_164 = arith.constant 25000 : i32
      %lt3A_165 = vector.broadcast %lt3A_164 : i32 to vector<16xi32>
      %lt3A_166 = arith.cmpi slt, %sub3A_160, %lt3A_165 : vector<16xi32>
      %and3A_167 = arith.andi %ge3A_163, %lt3A_166 : vector<16xi1>
      %jit3A_168 = arith.constant 25000 : i32
      %broadcast_in_dim3A_169 = vector.broadcast %jit3A_168 : i32 to vector<16xi32>
      %select_n3A_170 = arith.select %and3A_167, %sub3A_160, %broadcast_in_dim3A_169 : vector<16xi1>, vector<16xi32>
      %swap3A_171 = arith.constant 112 : index
      %swap3A_172 = tpu.vector_load %arg12[%swap3A_171] {strides = array<i32>} : memref<128xi32, #tpu.memory_space<vmem>>, vector<16xi32>,
      %swap3A_173 = vector.shape_cast %swap3A_172 : vector<16xi32> to vector<16xi32>
      %swap3A_174 = vector.shape_cast %select_n3A_170 : vector<16xi32> to vector<16xi32>
      tpu.vector_store %arg12[%swap3A_171], %swap3A_174 {strides = array<i32>} : memref<128xi32, #tpu.memory_space<vmem>>, vector<16xi32>,
      %get3A_175 = arith.constant 0 : index
      %get3A_176 = tpu.vector_load %arg11[%get3A_175] {strides = array<i32>} : memref<128xi32, #tpu.memory_space<vmem>>, vector<16xi32>,
      %get3A_177 = vector.shape_cast %get3A_176 : vector<16xi32> to vector<16xi32>
      %sub3A_178 = vector.broadcast %mul3A_4 : i32 to vector<16xi32>
      %sub3A_179 = arith.subi %get3A_177, %sub3A_178 : vector<16xi32>
      %ge3A_180 = arith.constant 0 : i32
      %ge3A_181 = vector.broadcast %ge3A_180 : i32 to vector<16xi32>
      %ge3A_182 = arith.cmpi sge, %sub3A_179, %ge3A_181 : vector<16xi32>
      %lt3A_183 = arith.constant 25000 : i32
      %lt3A_184 = vector.broadcast %lt3A_183 : i32 to vector<16xi32>
      %lt3A_185 = arith.cmpi slt, %sub3A_179, %lt3A_184 : vector<16xi32>
      %and3A_186 = arith.andi %ge3A_182, %lt3A_185 : vector<16xi1>
      %jit3A_187 = arith.constant 25000 : i32
      %broadcast_in_dim3A_188 = vector.broadcast %jit3A_187 : i32 to vector<16xi32>
      %select_n3A_189 = arith.select %and3A_186, %sub3A_179, %broadcast_in_dim3A_188 : vector<16xi1>, vector<16xi32>
      %swap3A_190 = arith.constant 0 : index
      %swap3A_191 = tpu.vector_load %arg13[%swap3A_190] {strides = array<i32>} : memref<128xi32, #tpu.memory_space<vmem>>, vector<16xi32>,
      %swap3A_192 = vector.shape_cast %swap3A_191 : vector<16xi32> to vector<16xi32>
      %swap3A_193 = vector.shape_cast %select_n3A_189 : vector<16xi32> to vector<16xi32>
      tpu.vector_store %arg13[%swap3A_190], %swap3A_193 {strides = array<i32>} : memref<128xi32, #tpu.memory_space<vmem>>, vector<16xi32>,
      %get3A_194 = arith.constant 16 : index
      %get3A_195 = tpu.vector_load %arg11[%get3A_194] {strides = array<i32>} : memref<128xi32, #tpu.memory_space<vmem>>, vector<16xi32>,
      %get3A_196 = vector.shape_cast %get3A_195 : vector<16xi32> to vector<16xi32>
      %sub3A_197 = vector.broadcast %mul3A_4 : i32 to vector<16xi32>
      %sub3A_198 = arith.subi %get3A_196, %sub3A_197 : vector<16xi32>
      %ge3A_199 = arith.constant 0 : i32
      %ge3A_200 = vector.broadcast %ge3A_199 : i32 to vector<16xi32>
      %ge3A_201 = arith.cmpi sge, %sub3A_198, %ge3A_200 : vector<16xi32>
      %lt3A_202 = arith.constant 25000 : i32
      %lt3A_203 = vector.broadcast %lt3A_202 : i32 to vector<16xi32>
      %lt3A_204 = arith.cmpi slt, %sub3A_198, %lt3A_203 : vector<16xi32>
      %and3A_205 = arith.andi %ge3A_201, %lt3A_204 : vector<16xi1>
      %jit3A_206 = arith.constant 25000 : i32
      %broadcast_in_dim3A_207 = vector.broadcast %jit3A_206 : i32 to vector<16xi32>
      %select_n3A_208 = arith.select %and3A_205, %sub3A_198, %broadcast_in_dim3A_207 : vector<16xi1>, vector<16xi32>
      %swap3A_209 = arith.constant 16 : index
      %swap3A_210 = tpu.vector_load %arg13[%swap3A_209] {strides = array<i32>} : memref<128xi32, #tpu.memory_space<vmem>>, vector<16xi32>,
      %swap3A_211 = vector.shape_cast %swap3A_210 : vector<16xi32> to vector<16xi32>
      %swap3A_212 = vector.shape_cast %select_n3A_208 : vector<16xi32> to vector<16xi32>
      tpu.vector_store %arg13[%swap3A_209], %swap3A_212 {strides = array<i32>} : memref<128xi32, #tpu.memory_space<vmem>>, vector<16xi32>,
      %get3A_213 = arith.constant 32 : index
      %get3A_214 = tpu.vector_load %arg11[%get3A_213] {strides = array<i32>} : memref<128xi32, #tpu.memory_space<vmem>>, vector<16xi32>,
      %get3A_215 = vector.shape_cast %get3A_214 : vector<16xi32> to vector<16xi32>
      %sub3A_216 = vector.broadcast %mul3A_4 : i32 to vector<16xi32>
      %sub3A_217 = arith.subi %get3A_215, %sub3A_216 : vector<16xi32>
      %ge3A_218 = arith.constant 0 : i32
      %ge3A_219 = vector.broadcast %ge3A_218 : i32 to vector<16xi32>
      %ge3A_220 = arith.cmpi sge, %sub3A_217, %ge3A_219 : vector<16xi32>
      %lt3A_221 = arith.constant 25000 : i32
      %lt3A_222 = vector.broadcast %lt3A_221 : i32 to vector<16xi32>
      %lt3A_223 = arith.cmpi slt, %sub3A_217, %lt3A_222 : vector<16xi32>
      %and3A_224 = arith.andi %ge3A_220, %lt3A_223 : vector<16xi1>
      %jit3A_225 = arith.constant 25000 : i32
      %broadcast_in_dim3A_226 = vector.broadcast %jit3A_225 : i32 to vector<16xi32>
      %select_n3A_227 = arith.select %and3A_224, %sub3A_217, %broadcast_in_dim3A_226 : vector<16xi1>, vector<16xi32>
      %swap3A_228 = arith.constant 32 : index
      %swap3A_229 = tpu.vector_load %arg13[%swap3A_228] {strides = array<i32>} : memref<128xi32, #tpu.memory_space<vmem>>, vector<16xi32>,
      %swap3A_230 = vector.shape_cast %swap3A_229 : vector<16xi32> to vector<16xi32>
      %swap3A_231 = vector.shape_cast %select_n3A_227 : vector<16xi32> to vector<16xi32>
      tpu.vector_store %arg13[%swap3A_228], %swap3A_231 {strides = array<i32>} : memref<128xi32, #tpu.memory_space<vmem>>, vector<16xi32>,
      %get3A_232 = arith.constant 48 : index
      %get3A_233 = tpu.vector_load %arg11[%get3A_232] {strides = array<i32>} : memref<128xi32, #tpu.memory_space<vmem>>, vector<16xi32>,
      %get3A_234 = vector.shape_cast %get3A_233 : vector<16xi32> to vector<16xi32>
      %sub3A_235 = vector.broadcast %mul3A_4 : i32 to vector<16xi32>
      %sub3A_236 = arith.subi %get3A_234, %sub3A_235 : vector<16xi32>
      %ge3A_237 = arith.constant 0 : i32
      %ge3A_238 = vector.broadcast %ge3A_237 : i32 to vector<16xi32>
      %ge3A_239 = arith.cmpi sge, %sub3A_236, %ge3A_238 : vector<16xi32>
      %lt3A_240 = arith.constant 25000 : i32
      %lt3A_241 = vector.broadcast %lt3A_240 : i32 to vector<16xi32>
      %lt3A_242 = arith.cmpi slt, %sub3A_236, %lt3A_241 : vector<16xi32>
      %and3A_243 = arith.andi %ge3A_239, %lt3A_242 : vector<16xi1>
      %jit3A_244 = arith.constant 25000 : i32
      %broadcast_in_dim3A_245 = vector.broadcast %jit3A_244 : i32 to vector<16xi32>
      %select_n3A_246 = arith.select %and3A_243, %sub3A_236, %broadcast_in_dim3A_245 : vector<16xi1>, vector<16xi32>
      %swap3A_247 = arith.constant 48 : index
      %swap3A_248 = tpu.vector_load %arg13[%swap3A_247] {strides = array<i32>} : memref<128xi32, #tpu.memory_space<vmem>>, vector<16xi32>,
      %swap3A_249 = vector.shape_cast %swap3A_248 : vector<16xi32> to vector<16xi32>
      %swap3A_250 = vector.shape_cast %select_n3A_246 : vector<16xi32> to vector<16xi32>
      tpu.vector_store %arg13[%swap3A_247], %swap3A_250 {strides = array<i32>} : memref<128xi32, #tpu.memory_space<vmem>>, vector<16xi32>,
      %get3A_251 = arith.constant 64 : index
      %get3A_252 = tpu.vector_load %arg11[%get3A_251] {strides = array<i32>} : memref<128xi32, #tpu.memory_space<vmem>>, vector<16xi32>,
      %get3A_253 = vector.shape_cast %get3A_252 : vector<16xi32> to vector<16xi32>
      %sub3A_254 = vector.broadcast %mul3A_4 : i32 to vector<16xi32>
      %sub3A_255 = arith.subi %get3A_253, %sub3A_254 : vector<16xi32>
      %ge3A_256 = arith.constant 0 : i32
      %ge3A_257 = vector.broadcast %ge3A_256 : i32 to vector<16xi32>
      %ge3A_258 = arith.cmpi sge, %sub3A_255, %ge3A_257 : vector<16xi32>
      %lt3A_259 = arith.constant 25000 : i32
      %lt3A_260 = vector.broadcast %lt3A_259 : i32 to vector<16xi32>
      %lt3A_261 = arith.cmpi slt, %sub3A_255, %lt3A_260 : vector<16xi32>
      %and3A_262 = arith.andi %ge3A_258, %lt3A_261 : vector<16xi1>
      %jit3A_263 = arith.constant 25000 : i32
      %broadcast_in_dim3A_264 = vector.broadcast %jit3A_263 : i32 to vector<16xi32>
      %select_n3A_265 = arith.select %and3A_262, %sub3A_255, %broadcast_in_dim3A_264 : vector<16xi1>, vector<16xi32>
      %swap3A_266 = arith.constant 64 : index
      %swap3A_267 = tpu.vector_load %arg13[%swap3A_266] {strides = array<i32>} : memref<128xi32, #tpu.memory_space<vmem>>, vector<16xi32>,
      %swap3A_268 = vector.shape_cast %swap3A_267 : vector<16xi32> to vector<16xi32>
      %swap3A_269 = vector.shape_cast %select_n3A_265 : vector<16xi32> to vector<16xi32>
      tpu.vector_store %arg13[%swap3A_266], %swap3A_269 {strides = array<i32>} : memref<128xi32, #tpu.memory_space<vmem>>, vector<16xi32>,
      %get3A_270 = arith.constant 80 : index
      %get3A_271 = tpu.vector_load %arg11[%get3A_270] {strides = array<i32>} : memref<128xi32, #tpu.memory_space<vmem>>, vector<16xi32>,
      %get3A_272 = vector.shape_cast %get3A_271 : vector<16xi32> to vector<16xi32>
      %sub3A_273 = vector.broadcast %mul3A_4 : i32 to vector<16xi32>
      %sub3A_274 = arith.subi %get3A_272, %sub3A_273 : vector<16xi32>
      %ge3A_275 = arith.constant 0 : i32
      %ge3A_276 = vector.broadcast %ge3A_275 : i32 to vector<16xi32>
      %ge3A_277 = arith.cmpi sge, %sub3A_274, %ge3A_276 : vector<16xi32>
      %lt3A_278 = arith.constant 25000 : i32
      %lt3A_279 = vector.broadcast %lt3A_278 : i32 to vector<16xi32>
      %lt3A_280 = arith.cmpi slt, %sub3A_274, %lt3A_279 : vector<16xi32>
      %and3A_281 = arith.andi %ge3A_277, %lt3A_280 : vector<16xi1>
      %jit3A_282 = arith.constant 25000 : i32
      %broadcast_in_dim3A_283 = vector.broadcast %jit3A_282 : i32 to vector<16xi32>
      %select_n3A_284 = arith.select %and3A_281, %sub3A_274, %broadcast_in_dim3A_283 : vector<16xi1>, vector<16xi32>
      %swap3A_285 = arith.constant 80 : index
      %swap3A_286 = tpu.vector_load %arg13[%swap3A_285] {strides = array<i32>} : memref<128xi32, #tpu.memory_space<vmem>>, vector<16xi32>,
      %swap3A_287 = vector.shape_cast %swap3A_286 : vector<16xi32> to vector<16xi32>
      %swap3A_288 = vector.shape_cast %select_n3A_284 : vector<16xi32> to vector<16xi32>
      tpu.vector_store %arg13[%swap3A_285], %swap3A_288 {strides = array<i32>} : memref<128xi32, #tpu.memory_space<vmem>>, vector<16xi32>,
      %get3A_289 = arith.constant 96 : index
      %get3A_290 = tpu.vector_load %arg11[%get3A_289] {strides = array<i32>} : memref<128xi32, #tpu.memory_space<vmem>>, vector<16xi32>,
      %get3A_291 = vector.shape_cast %get3A_290 : vector<16xi32> to vector<16xi32>
      %sub3A_292 = vector.broadcast %mul3A_4 : i32 to vector<16xi32>
      %sub3A_293 = arith.subi %get3A_291, %sub3A_292 : vector<16xi32>
      %ge3A_294 = arith.constant 0 : i32
      %ge3A_295 = vector.broadcast %ge3A_294 : i32 to vector<16xi32>
      %ge3A_296 = arith.cmpi sge, %sub3A_293, %ge3A_295 : vector<16xi32>
      %lt3A_297 = arith.constant 25000 : i32
      %lt3A_298 = vector.broadcast %lt3A_297 : i32 to vector<16xi32>
      %lt3A_299 = arith.cmpi slt, %sub3A_293, %lt3A_298 : vector<16xi32>
      %and3A_300 = arith.andi %ge3A_296, %lt3A_299 : vector<16xi1>
      %jit3A_301 = arith.constant 25000 : i32
      %broadcast_in_dim3A_302 = vector.broadcast %jit3A_301 : i32 to vector<16xi32>
      %select_n3A_303 = arith.select %and3A_300, %sub3A_293, %broadcast_in_dim3A_302 : vector<16xi1>, vector<16xi32>
      %swap3A_304 = arith.constant 96 : index
      %swap3A_305 = tpu.vector_load %arg13[%swap3A_304] {strides = array<i32>} : memref<128xi32, #tpu.memory_space<vmem>>, vector<16xi32>,
      %swap3A_306 = vector.shape_cast %swap3A_305 : vector<16xi32> to vector<16xi32>
      %swap3A_307 = vector.shape_cast %select_n3A_303 : vector<16xi32> to vector<16xi32>
      tpu.vector_store %arg13[%swap3A_304], %swap3A_307 {strides = array<i32>} : memref<128xi32, #tpu.memory_space<vmem>>, vector<16xi32>,
      %get3A_308 = arith.constant 112 : index
      %get3A_309 = tpu.vector_load %arg11[%get3A_308] {strides = array<i32>} : memref<128xi32, #tpu.memory_space<vmem>>, vector<16xi32>,
      %get3A_310 = vector.shape_cast %get3A_309 : vector<16xi32> to vector<16xi32>
      %sub3A_311 = vector.broadcast %mul3A_4 : i32 to vector<16xi32>
      %sub3A_312 = arith.subi %get3A_310, %sub3A_311 : vector<16xi32>
      %ge3A_313 = arith.constant 0 : i32
      %ge3A_314 = vector.broadcast %ge3A_313 : i32 to vector<16xi32>
      %ge3A_315 = arith.cmpi sge, %sub3A_312, %ge3A_314 : vector<16xi32>
      %lt3A_316 = arith.constant 25000 : i32
      %lt3A_317 = vector.broadcast %lt3A_316 : i32 to vector<16xi32>
      %lt3A_318 = arith.cmpi slt, %sub3A_312, %lt3A_317 : vector<16xi32>
      %and3A_319 = arith.andi %ge3A_315, %lt3A_318 : vector<16xi1>
      %jit3A_320 = arith.constant 25000 : i32
      %broadcast_in_dim3A_321 = vector.broadcast %jit3A_320 : i32 to vector<16xi32>
      %select_n3A_322 = arith.select %and3A_319, %sub3A_312, %broadcast_in_dim3A_321 : vector<16xi1>, vector<16xi32>
      %swap3A_323 = arith.constant 112 : index
      %swap3A_324 = tpu.vector_load %arg13[%swap3A_323] {strides = array<i32>} : memref<128xi32, #tpu.memory_space<vmem>>, vector<16xi32>,
      %swap3A_325 = vector.shape_cast %swap3A_324 : vector<16xi32> to vector<16xi32>
      %swap3A_326 = vector.shape_cast %select_n3A_322 : vector<16xi32> to vector<16xi32>
      tpu.vector_store %arg13[%swap3A_323], %swap3A_326 {strides = array<i32>} : memref<128xi32, #tpu.memory_space<vmem>>, vector<16xi32>,
      %dma_wait3A = arith.constant 0 : i32
      %dma_wait3A_327 = arith.constant 0 : i32
      %dma_wait3A_328 = tpu.memref_slice %arg5[%dma_wait3A, %dma_wait3A_327] : memref<50000x64xf32, #tpu.memory_space<hbm>> -> memref<50000x64xf32, #tpu.memory_space<hbm>>
      tpu.wait_indirect_dma semaphore(%arg19 : memref<!tpu.dma_semaphore, #tpu.memory_space<semaphore_mem>>) src(%dma_wait3A_328 : memref<50000x64xf32, #tpu.memory_space<hbm>>) dst(%arg16 : memref<128x64xf32, #tpu.memory_space<vmem>>)
      %scan3A_329 = arith.constant 0 : i32
      %scan3A_330 = arith.constant 0 : i32
      %scan3A_331 = arith.constant 32 : i32
      %scan3A_332 = arith.addi %scan3A_330, %scan3A_331 : i32
      %scan3A_333 = arith.constant 1 : i32
      scf.for %scan3A_344 = %scan3A_330 to %scan3A_332 step %scan3A_333  : i32 {
        %mul3A_345 = arith.constant 4 : i32
        %mul3A_346 = arith.muli %scan3A_344, %mul3A_345 : i32
        %add3A_347 = arith.constant 0 : i32
        %add3A_348 = arith.addi %mul3A_346, %add3A_347 : i32
        %get3A_349 = arith.index_cast %add3A_348 : i32 to index
        %get3A_350 = arith.constant 0 : index
        %get3A_351 = tpu.vector_load %arg14[%get3A_349, %get3A_350] {strides = array<i32>} : memref<128x16xf32, #tpu.memory_space<vmem>>, vector<1x16xf32>,
        %get3A_352 = vector.shape_cast %get3A_351 : vector<1x16xf32> to vector<16xf32>
        %get3A_353 = arith.index_cast %add3A_348 : i32 to index
        %get3A_354 = arith.constant 0 : index
        %get3A_355 = tpu.vector_load %arg16[%get3A_353, %get3A_354] {strides = array<i32>} : memref<128x64xf32, #tpu.memory_space<vmem>>, vector<1x16xf32>,
        %get3A_356 = vector.shape_cast %get3A_355 : vector<1x16xf32> to vector<16xf32>
        %mul3A_357 = arith.mulf %get3A_356, %get3A_352 : vector<16xf32>
        %swap3A_358 = arith.index_cast %add3A_348 : i32 to index
        %swap3A_359 = arith.constant 0 : index
        %swap3A_360 = tpu.vector_load %arg16[%swap3A_358, %swap3A_359] {strides = array<i32>} : memref<128x64xf32, #tpu.memory_space<vmem>>, vector<1x16xf32>,
        %swap3A_361 = vector.shape_cast %swap3A_360 : vector<1x16xf32> to vector<16xf32>
        %swap3A_362 = vector.shape_cast %mul3A_357 : vector<16xf32> to vector<1x16xf32>
        tpu.vector_store %arg16[%swap3A_358, %swap3A_359], %swap3A_362 {strides = array<i32>} : memref<128x64xf32, #tpu.memory_space<vmem>>, vector<1x16xf32>,
        %get3A_363 = arith.index_cast %add3A_348 : i32 to index
        %get3A_364 = arith.constant 16 : index
        %get3A_365 = tpu.vector_load %arg16[%get3A_363, %get3A_364] {strides = array<i32>} : memref<128x64xf32, #tpu.memory_space<vmem>>, vector<1x16xf32>,
        %get3A_366 = vector.shape_cast %get3A_365 : vector<1x16xf32> to vector<16xf32>
        %mul3A_367 = arith.mulf %get3A_366, %get3A_352 : vector<16xf32>
        %swap3A_368 = arith.index_cast %add3A_348 : i32 to index
        %swap3A_369 = arith.constant 16 : index
        %swap3A_370 = tpu.vector_load %arg16[%swap3A_368, %swap3A_369] {strides = array<i32>} : memref<128x64xf32, #tpu.memory_space<vmem>>, vector<1x16xf32>,
        %swap3A_371 = vector.shape_cast %swap3A_370 : vector<1x16xf32> to vector<16xf32>
        %swap3A_372 = vector.shape_cast %mul3A_367 : vector<16xf32> to vector<1x16xf32>
        tpu.vector_store %arg16[%swap3A_368, %swap3A_369], %swap3A_372 {strides = array<i32>} : memref<128x64xf32, #tpu.memory_space<vmem>>, vector<1x16xf32>,
        %get3A_373 = arith.index_cast %add3A_348 : i32 to index
        %get3A_374 = arith.constant 32 : index
        %get3A_375 = tpu.vector_load %arg16[%get3A_373, %get3A_374] {strides = array<i32>} : memref<128x64xf32, #tpu.memory_space<vmem>>, vector<1x16xf32>,
        %get3A_376 = vector.shape_cast %get3A_375 : vector<1x16xf32> to vector<16xf32>
        %mul3A_377 = arith.mulf %get3A_376, %get3A_352 : vector<16xf32>
        %swap3A_378 = arith.index_cast %add3A_348 : i32 to index
        %swap3A_379 = arith.constant 32 : index
        %swap3A_380 = tpu.vector_load %arg16[%swap3A_378, %swap3A_379] {strides = array<i32>} : memref<128x64xf32, #tpu.memory_space<vmem>>, vector<1x16xf32>,
        %swap3A_381 = vector.shape_cast %swap3A_380 : vector<1x16xf32> to vector<16xf32>
        %swap3A_382 = vector.shape_cast %mul3A_377 : vector<16xf32> to vector<1x16xf32>
        tpu.vector_store %arg16[%swap3A_378, %swap3A_379], %swap3A_382 {strides = array<i32>} : memref<128x64xf32, #tpu.memory_space<vmem>>, vector<1x16xf32>,
        %get3A_383 = arith.index_cast %add3A_348 : i32 to index
        %get3A_384 = arith.constant 48 : index
        %get3A_385 = tpu.vector_load %arg16[%get3A_383, %get3A_384] {strides = array<i32>} : memref<128x64xf32, #tpu.memory_space<vmem>>, vector<1x16xf32>,
        %get3A_386 = vector.shape_cast %get3A_385 : vector<1x16xf32> to vector<16xf32>
        %mul3A_387 = arith.mulf %get3A_386, %get3A_352 : vector<16xf32>
        %swap3A_388 = arith.index_cast %add3A_348 : i32 to index
        %swap3A_389 = arith.constant 48 : index
        %swap3A_390 = tpu.vector_load %arg16[%swap3A_388, %swap3A_389] {strides = array<i32>} : memref<128x64xf32, #tpu.memory_space<vmem>>, vector<1x16xf32>,
        %swap3A_391 = vector.shape_cast %swap3A_390 : vector<1x16xf32> to vector<16xf32>
        %swap3A_392 = vector.shape_cast %mul3A_387 : vector<16xf32> to vector<1x16xf32>
        tpu.vector_store %arg16[%swap3A_388, %swap3A_389], %swap3A_392 {strides = array<i32>} : memref<128x64xf32, #tpu.memory_space<vmem>>, vector<1x16xf32>,
        %mul3A_393 = arith.constant 4 : i32
        %mul3A_394 = arith.muli %scan3A_344, %mul3A_393 : i32
        %add3A_395 = arith.constant 1 : i32
        %add3A_396 = arith.addi %mul3A_394, %add3A_395 : i32
        %get3A_397 = arith.index_cast %add3A_396 : i32 to index
        %get3A_398 = arith.constant 0 : index
        %get3A_399 = tpu.vector_load %arg14[%get3A_397, %get3A_398] {strides = array<i32>} : memref<128x16xf32, #tpu.memory_space<vmem>>, vector<1x16xf32>,
        %get3A_400 = vector.shape_cast %get3A_399 : vector<1x16xf32> to vector<16xf32>
        %get3A_401 = arith.index_cast %add3A_396 : i32 to index
        %get3A_402 = arith.constant 0 : index
        %get3A_403 = tpu.vector_load %arg16[%get3A_401, %get3A_402] {strides = array<i32>} : memref<128x64xf32, #tpu.memory_space<vmem>>, vector<1x16xf32>,
        %get3A_404 = vector.shape_cast %get3A_403 : vector<1x16xf32> to vector<16xf32>
        %mul3A_405 = arith.mulf %get3A_404, %get3A_400 : vector<16xf32>
        %swap3A_406 = arith.index_cast %add3A_396 : i32 to index
        %swap3A_407 = arith.constant 0 : index
        %swap3A_408 = tpu.vector_load %arg16[%swap3A_406, %swap3A_407] {strides = array<i32>} : memref<128x64xf32, #tpu.memory_space<vmem>>, vector<1x16xf32>,
        %swap3A_409 = vector.shape_cast %swap3A_408 : vector<1x16xf32> to vector<16xf32>
        %swap3A_410 = vector.shape_cast %mul3A_405 : vector<16xf32> to vector<1x16xf32>
        tpu.vector_store %arg16[%swap3A_406, %swap3A_407], %swap3A_410 {strides = array<i32>} : memref<128x64xf32, #tpu.memory_space<vmem>>, vector<1x16xf32>,
        %get3A_411 = arith.index_cast %add3A_396 : i32 to index
        %get3A_412 = arith.constant 16 : index
        %get3A_413 = tpu.vector_load %arg16[%get3A_411, %get3A_412] {strides = array<i32>} : memref<128x64xf32, #tpu.memory_space<vmem>>, vector<1x16xf32>,
        %get3A_414 = vector.shape_cast %get3A_413 : vector<1x16xf32> to vector<16xf32>
        %mul3A_415 = arith.mulf %get3A_414, %get3A_400 : vector<16xf32>
        %swap3A_416 = arith.index_cast %add3A_396 : i32 to index
        %swap3A_417 = arith.constant 16 : index
        %swap3A_418 = tpu.vector_load %arg16[%swap3A_416, %swap3A_417] {strides = array<i32>} : memref<128x64xf32, #tpu.memory_space<vmem>>, vector<1x16xf32>,
        %swap3A_419 = vector.shape_cast %swap3A_418 : vector<1x16xf32> to vector<16xf32>
        %swap3A_420 = vector.shape_cast %mul3A_415 : vector<16xf32> to vector<1x16xf32>
        tpu.vector_store %arg16[%swap3A_416, %swap3A_417], %swap3A_420 {strides = array<i32>} : memref<128x64xf32, #tpu.memory_space<vmem>>, vector<1x16xf32>,
        %get3A_421 = arith.index_cast %add3A_396 : i32 to index
        %get3A_422 = arith.constant 32 : index
        %get3A_423 = tpu.vector_load %arg16[%get3A_421, %get3A_422] {strides = array<i32>} : memref<128x64xf32, #tpu.memory_space<vmem>>, vector<1x16xf32>,
        %get3A_424 = vector.shape_cast %get3A_423 : vector<1x16xf32> to vector<16xf32>
        %mul3A_425 = arith.mulf %get3A_424, %get3A_400 : vector<16xf32>
        %swap3A_426 = arith.index_cast %add3A_396 : i32 to index
        %swap3A_427 = arith.constant 32 : index
        %swap3A_428 = tpu.vector_load %arg16[%swap3A_426, %swap3A_427] {strides = array<i32>} : memref<128x64xf32, #tpu.memory_space<vmem>>, vector<1x16xf32>,
        %swap3A_429 = vector.shape_cast %swap3A_428 : vector<1x16xf32> to vector<16xf32>
        %swap3A_430 = vector.shape_cast %mul3A_425 : vector<16xf32> to vector<1x16xf32>
        tpu.vector_store %arg16[%swap3A_426, %swap3A_427], %swap3A_430 {strides = array<i32>} : memref<128x64xf32, #tpu.memory_space<vmem>>, vector<1x16xf32>,
        %get3A_431 = arith.index_cast %add3A_396 : i32 to index
        %get3A_432 = arith.constant 48 : index
        %get3A_433 = tpu.vector_load %arg16[%get3A_431, %get3A_432] {strides = array<i32>} : memref<128x64xf32, #tpu.memory_space<vmem>>, vector<1x16xf32>,
        %get3A_434 = vector.shape_cast %get3A_433 : vector<1x16xf32> to vector<16xf32>
        %mul3A_435 = arith.mulf %get3A_434, %get3A_400 : vector<16xf32>
        %swap3A_436 = arith.index_cast %add3A_396 : i32 to index
        %swap3A_437 = arith.constant 48 : index
        %swap3A_438 = tpu.vector_load %arg16[%swap3A_436, %swap3A_437] {strides = array<i32>} : memref<128x64xf32, #tpu.memory_space<vmem>>, vector<1x16xf32>,
        %swap3A_439 = vector.shape_cast %swap3A_438 : vector<1x16xf32> to vector<16xf32>
        %swap3A_440 = vector.shape_cast %mul3A_435 : vector<16xf32> to vector<1x16xf32>
        tpu.vector_store %arg16[%swap3A_436, %swap3A_437], %swap3A_440 {strides = array<i32>} : memref<128x64xf32, #tpu.memory_space<vmem>>, vector<1x16xf32>,
        %mul3A_441 = arith.constant 4 : i32
        %mul3A_442 = arith.muli %scan3A_344, %mul3A_441 : i32
        %add3A_443 = arith.constant 2 : i32
        %add3A_444 = arith.addi %mul3A_442, %add3A_443 : i32
        %get3A_445 = arith.index_cast %add3A_444 : i32 to index
        %get3A_446 = arith.constant 0 : index
        %get3A_447 = tpu.vector_load %arg14[%get3A_445, %get3A_446] {strides = array<i32>} : memref<128x16xf32, #tpu.memory_space<vmem>>, vector<1x16xf32>,
        %get3A_448 = vector.shape_cast %get3A_447 : vector<1x16xf32> to vector<16xf32>
        %get3A_449 = arith.index_cast %add3A_444 : i32 to index
        %get3A_450 = arith.constant 0 : index
        %get3A_451 = tpu.vector_load %arg16[%get3A_449, %get3A_450] {strides = array<i32>} : memref<128x64xf32, #tpu.memory_space<vmem>>, vector<1x16xf32>,
        %get3A_452 = vector.shape_cast %get3A_451 : vector<1x16xf32> to vector<16xf32>
        %mul3A_453 = arith.mulf %get3A_452, %get3A_448 : vector<16xf32>
        %swap3A_454 = arith.index_cast %add3A_444 : i32 to index
        %swap3A_455 = arith.constant 0 : index
        %swap3A_456 = tpu.vector_load %arg16[%swap3A_454, %swap3A_455] {strides = array<i32>} : memref<128x64xf32, #tpu.memory_space<vmem>>, vector<1x16xf32>,
        %swap3A_457 = vector.shape_cast %swap3A_456 : vector<1x16xf32> to vector<16xf32>
        %swap3A_458 = vector.shape_cast %mul3A_453 : vector<16xf32> to vector<1x16xf32>
        tpu.vector_store %arg16[%swap3A_454, %swap3A_455], %swap3A_458 {strides = array<i32>} : memref<128x64xf32, #tpu.memory_space<vmem>>, vector<1x16xf32>,
        %get3A_459 = arith.index_cast %add3A_444 : i32 to index
        %get3A_460 = arith.constant 16 : index
        %get3A_461 = tpu.vector_load %arg16[%get3A_459, %get3A_460] {strides = array<i32>} : memref<128x64xf32, #tpu.memory_space<vmem>>, vector<1x16xf32>,
        %get3A_462 = vector.shape_cast %get3A_461 : vector<1x16xf32> to vector<16xf32>
        %mul3A_463 = arith.mulf %get3A_462, %get3A_448 : vector<16xf32>
        %swap3A_464 = arith.index_cast %add3A_444 : i32 to index
        %swap3A_465 = arith.constant 16 : index
        %swap3A_466 = tpu.vector_load %arg16[%swap3A_464, %swap3A_465] {strides = array<i32>} : memref<128x64xf32, #tpu.memory_space<vmem>>, vector<1x16xf32>,
        %swap3A_467 = vector.shape_cast %swap3A_466 : vector<1x16xf32> to vector<16xf32>
        %swap3A_468 = vector.shape_cast %mul3A_463 : vector<16xf32> to vector<1x16xf32>
        tpu.vector_store %arg16[%swap3A_464, %swap3A_465], %swap3A_468 {strides = array<i32>} : memref<128x64xf32, #tpu.memory_space<vmem>>, vector<1x16xf32>,
        %get3A_469 = arith.index_cast %add3A_444 : i32 to index
        %get3A_470 = arith.constant 32 : index
        %get3A_471 = tpu.vector_load %arg16[%get3A_469, %get3A_470] {strides = array<i32>} : memref<128x64xf32, #tpu.memory_space<vmem>>, vector<1x16xf32>,
        %get3A_472 = vector.shape_cast %get3A_471 : vector<1x16xf32> to vector<16xf32>
        %mul3A_473 = arith.mulf %get3A_472, %get3A_448 : vector<16xf32>
        %swap3A_474 = arith.index_cast %add3A_444 : i32 to index
        %swap3A_475 = arith.constant 32 : index
        %swap3A_476 = tpu.vector_load %arg16[%swap3A_474, %swap3A_475] {strides = array<i32>} : memref<128x64xf32, #tpu.memory_space<vmem>>, vector<1x16xf32>,
        %swap3A_477 = vector.shape_cast %swap3A_476 : vector<1x16xf32> to vector<16xf32>
        %swap3A_478 = vector.shape_cast %mul3A_473 : vector<16xf32> to vector<1x16xf32>
        tpu.vector_store %arg16[%swap3A_474, %swap3A_475], %swap3A_478 {strides = array<i32>} : memref<128x64xf32, #tpu.memory_space<vmem>>, vector<1x16xf32>,
        %get3A_479 = arith.index_cast %add3A_444 : i32 to index
        %get3A_480 = arith.constant 48 : index
        %get3A_481 = tpu.vector_load %arg16[%get3A_479, %get3A_480] {strides = array<i32>} : memref<128x64xf32, #tpu.memory_space<vmem>>, vector<1x16xf32>,
        %get3A_482 = vector.shape_cast %get3A_481 : vector<1x16xf32> to vector<16xf32>
        %mul3A_483 = arith.mulf %get3A_482, %get3A_448 : vector<16xf32>
        %swap3A_484 = arith.index_cast %add3A_444 : i32 to index
        %swap3A_485 = arith.constant 48 : index
        %swap3A_486 = tpu.vector_load %arg16[%swap3A_484, %swap3A_485] {strides = array<i32>} : memref<128x64xf32, #tpu.memory_space<vmem>>, vector<1x16xf32>,
        %swap3A_487 = vector.shape_cast %swap3A_486 : vector<1x16xf32> to vector<16xf32>
        %swap3A_488 = vector.shape_cast %mul3A_483 : vector<16xf32> to vector<1x16xf32>
        tpu.vector_store %arg16[%swap3A_484, %swap3A_485], %swap3A_488 {strides = array<i32>} : memref<128x64xf32, #tpu.memory_space<vmem>>, vector<1x16xf32>,
        %mul3A_489 = arith.constant 4 : i32
        %mul3A_490 = arith.muli %scan3A_344, %mul3A_489 : i32
        %add3A_491 = arith.constant 3 : i32
        %add3A_492 = arith.addi %mul3A_490, %add3A_491 : i32
        %get3A_493 = arith.index_cast %add3A_492 : i32 to index
        %get3A_494 = arith.constant 0 : index
        %get3A_495 = tpu.vector_load %arg14[%get3A_493, %get3A_494] {strides = array<i32>} : memref<128x16xf32, #tpu.memory_space<vmem>>, vector<1x16xf32>,
        %get3A_496 = vector.shape_cast %get3A_495 : vector<1x16xf32> to vector<16xf32>
        %get3A_497 = arith.index_cast %add3A_492 : i32 to index
        %get3A_498 = arith.constant 0 : index
        %get3A_499 = tpu.vector_load %arg16[%get3A_497, %get3A_498] {strides = array<i32>} : memref<128x64xf32, #tpu.memory_space<vmem>>, vector<1x16xf32>,
        %get3A_500 = vector.shape_cast %get3A_499 : vector<1x16xf32> to vector<16xf32>
        %mul3A_501 = arith.mulf %get3A_500, %get3A_496 : vector<16xf32>
        %swap3A_502 = arith.index_cast %add3A_492 : i32 to index
        %swap3A_503 = arith.constant 0 : index
        %swap3A_504 = tpu.vector_load %arg16[%swap3A_502, %swap3A_503] {strides = array<i32>} : memref<128x64xf32, #tpu.memory_space<vmem>>, vector<1x16xf32>,
        %swap3A_505 = vector.shape_cast %swap3A_504 : vector<1x16xf32> to vector<16xf32>
        %swap3A_506 = vector.shape_cast %mul3A_501 : vector<16xf32> to vector<1x16xf32>
        tpu.vector_store %arg16[%swap3A_502, %swap3A_503], %swap3A_506 {strides = array<i32>} : memref<128x64xf32, #tpu.memory_space<vmem>>, vector<1x16xf32>,
        %get3A_507 = arith.index_cast %add3A_492 : i32 to index
        %get3A_508 = arith.constant 16 : index
        %get3A_509 = tpu.vector_load %arg16[%get3A_507, %get3A_508] {strides = array<i32>} : memref<128x64xf32, #tpu.memory_space<vmem>>, vector<1x16xf32>,
        %get3A_510 = vector.shape_cast %get3A_509 : vector<1x16xf32> to vector<16xf32>
        %mul3A_511 = arith.mulf %get3A_510, %get3A_496 : vector<16xf32>
        %swap3A_512 = arith.index_cast %add3A_492 : i32 to index
        %swap3A_513 = arith.constant 16 : index
        %swap3A_514 = tpu.vector_load %arg16[%swap3A_512, %swap3A_513] {strides = array<i32>} : memref<128x64xf32, #tpu.memory_space<vmem>>, vector<1x16xf32>,
        %swap3A_515 = vector.shape_cast %swap3A_514 : vector<1x16xf32> to vector<16xf32>
        %swap3A_516 = vector.shape_cast %mul3A_511 : vector<16xf32> to vector<1x16xf32>
        tpu.vector_store %arg16[%swap3A_512, %swap3A_513], %swap3A_516 {strides = array<i32>} : memref<128x64xf32, #tpu.memory_space<vmem>>, vector<1x16xf32>,
        %get3A_517 = arith.index_cast %add3A_492 : i32 to index
        %get3A_518 = arith.constant 32 : index
        %get3A_519 = tpu.vector_load %arg16[%get3A_517, %get3A_518] {strides = array<i32>} : memref<128x64xf32, #tpu.memory_space<vmem>>, vector<1x16xf32>,
        %get3A_520 = vector.shape_cast %get3A_519 : vector<1x16xf32> to vector<16xf32>
        %mul3A_521 = arith.mulf %get3A_520, %get3A_496 : vector<16xf32>
        %swap3A_522 = arith.index_cast %add3A_492 : i32 to index
        %swap3A_523 = arith.constant 32 : index
        %swap3A_524 = tpu.vector_load %arg16[%swap3A_522, %swap3A_523] {strides = array<i32>} : memref<128x64xf32, #tpu.memory_space<vmem>>, vector<1x16xf32>,
        %swap3A_525 = vector.shape_cast %swap3A_524 : vector<1x16xf32> to vector<16xf32>
        %swap3A_526 = vector.shape_cast %mul3A_521 : vector<16xf32> to vector<1x16xf32>
        tpu.vector_store %arg16[%swap3A_522, %swap3A_523], %swap3A_526 {strides = array<i32>} : memref<128x64xf32, #tpu.memory_space<vmem>>, vector<1x16xf32>,
        %get3A_527 = arith.index_cast %add3A_492 : i32 to index
        %get3A_528 = arith.constant 48 : index
        %get3A_529 = tpu.vector_load %arg16[%get3A_527, %get3A_528] {strides = array<i32>} : memref<128x64xf32, #tpu.memory_space<vmem>>, vector<1x16xf32>,
        %get3A_530 = vector.shape_cast %get3A_529 : vector<1x16xf32> to vector<16xf32>
        %mul3A_531 = arith.mulf %get3A_530, %get3A_496 : vector<16xf32>
        %swap3A_532 = arith.index_cast %add3A_492 : i32 to index
        %swap3A_533 = arith.constant 48 : index
        %swap3A_534 = tpu.vector_load %arg16[%swap3A_532, %swap3A_533] {strides = array<i32>} : memref<128x64xf32, #tpu.memory_space<vmem>>, vector<1x16xf32>,
        %swap3A_535 = vector.shape_cast %swap3A_534 : vector<1x16xf32> to vector<16xf32>
        %swap3A_536 = vector.shape_cast %mul3A_531 : vector<16xf32> to vector<1x16xf32>
        tpu.vector_store %arg16[%swap3A_532, %swap3A_533], %swap3A_536 {strides = array<i32>} : memref<128x64xf32, #tpu.memory_space<vmem>>, vector<1x16xf32>,
      }
      %scan3A_334 = arith.constant 32 : i32
      "tpu.region"() ({
        %run_scoped3A = tpu.sem_alloc : memref<!tpu.dma_semaphore, #tpu.memory_space<semaphore_mem>>
        %dma_start3A_344 = arith.constant 0 : i32
        %dma_start3A_345 = arith.constant 0 : i32
        %dma_start3A_346 = tpu.memref_slice %arg18[%dma_start3A_344, %dma_start3A_345] : memref<25088x64xf32, #tpu.memory_space<vmem_shared>> -> memref<25088x64xf32, #tpu.memory_space<vmem_shared>>
        tpu.enqueue_indirect_dma source(%arg16 : memref<128x64xf32, #tpu.memory_space<vmem>>) target(%dma_start3A_346 : memref<25088x64xf32, #tpu.memory_space<vmem_shared>>) offsets(%arg12 : memref<128xi32, #tpu.memory_space<vmem>>) semaphore(%run_scoped3A : memref<!tpu.dma_semaphore, #tpu.memory_space<semaphore_mem>>) {add = true}
        %dma_wait3A_347 = arith.constant 0 : i32
        %dma_wait3A_348 = arith.constant 0 : i32
        %dma_wait3A_349 = tpu.memref_slice %arg18[%dma_wait3A_347, %dma_wait3A_348] : memref<25088x64xf32, #tpu.memory_space<vmem_shared>> -> memref<25088x64xf32, #tpu.memory_space<vmem_shared>>
        tpu.wait_indirect_dma semaphore(%run_scoped3A : memref<!tpu.dma_semaphore, #tpu.memory_space<semaphore_mem>>) src(%arg16 : memref<128x64xf32, #tpu.memory_space<vmem>>) dst(%dma_wait3A_349 : memref<25088x64xf32, #tpu.memory_space<vmem_shared>>)
        tpu.yield
      }) : () -> ()
      %dma_wait3A_335 = arith.constant 0 : i32
      %dma_wait3A_336 = arith.constant 0 : i32
      %dma_wait3A_337 = tpu.memref_slice %arg5[%dma_wait3A_335, %dma_wait3A_336] : memref<50000x64xf32, #tpu.memory_space<hbm>> -> memref<50000x64xf32, #tpu.memory_space<hbm>>
      tpu.wait_indirect_dma semaphore(%arg20 : memref<!tpu.dma_semaphore, #tpu.memory_space<semaphore_mem>>) src(%dma_wait3A_337 : memref<50000x64xf32, #tpu.memory_space<hbm>>) dst(%arg17 : memref<128x64xf32, #tpu.memory_space<vmem>>)
      %scan3A_338 = arith.constant 0 : i32
      %scan3A_339 = arith.constant 0 : i32
      %scan3A_340 = arith.constant 32 : i32
      %scan3A_341 = arith.addi %scan3A_339, %scan3A_340 : i32
      %scan3A_342 = arith.constant 1 : i32
      scf.for %scan3A_344 = %scan3A_339 to %scan3A_341 step %scan3A_342  : i32 {
        %mul3A_345 = arith.constant 4 : i32
        %mul3A_346 = arith.muli %scan3A_344, %mul3A_345 : i32
        %add3A_347 = arith.constant 0 : i32
        %add3A_348 = arith.addi %mul3A_346, %add3A_347 : i32
        %get3A_349 = arith.index_cast %add3A_348 : i32 to index
        %get3A_350 = arith.constant 0 : index
        %get3A_351 = tpu.vector_load %arg15[%get3A_349, %get3A_350] {strides = array<i32>} : memref<128x16xf32, #tpu.memory_space<vmem>>, vector<1x16xf32>,
        %get3A_352 = vector.shape_cast %get3A_351 : vector<1x16xf32> to vector<16xf32>
        %get3A_353 = arith.index_cast %add3A_348 : i32 to index
        %get3A_354 = arith.constant 0 : index
        %get3A_355 = tpu.vector_load %arg17[%get3A_353, %get3A_354] {strides = array<i32>} : memref<128x64xf32, #tpu.memory_space<vmem>>, vector<1x16xf32>,
        %get3A_356 = vector.shape_cast %get3A_355 : vector<1x16xf32> to vector<16xf32>
        %mul3A_357 = arith.mulf %get3A_356, %get3A_352 : vector<16xf32>
        %swap3A_358 = arith.index_cast %add3A_348 : i32 to index
        %swap3A_359 = arith.constant 0 : index
        %swap3A_360 = tpu.vector_load %arg17[%swap3A_358, %swap3A_359] {strides = array<i32>} : memref<128x64xf32, #tpu.memory_space<vmem>>, vector<1x16xf32>,
        %swap3A_361 = vector.shape_cast %swap3A_360 : vector<1x16xf32> to vector<16xf32>
        %swap3A_362 = vector.shape_cast %mul3A_357 : vector<16xf32> to vector<1x16xf32>
        tpu.vector_store %arg17[%swap3A_358, %swap3A_359], %swap3A_362 {strides = array<i32>} : memref<128x64xf32, #tpu.memory_space<vmem>>, vector<1x16xf32>,
        %get3A_363 = arith.index_cast %add3A_348 : i32 to index
        %get3A_364 = arith.constant 16 : index
        %get3A_365 = tpu.vector_load %arg17[%get3A_363, %get3A_364] {strides = array<i32>} : memref<128x64xf32, #tpu.memory_space<vmem>>, vector<1x16xf32>,
        %get3A_366 = vector.shape_cast %get3A_365 : vector<1x16xf32> to vector<16xf32>
        %mul3A_367 = arith.mulf %get3A_366, %get3A_352 : vector<16xf32>
        %swap3A_368 = arith.index_cast %add3A_348 : i32 to index
        %swap3A_369 = arith.constant 16 : index
        %swap3A_370 = tpu.vector_load %arg17[%swap3A_368, %swap3A_369] {strides = array<i32>} : memref<128x64xf32, #tpu.memory_space<vmem>>, vector<1x16xf32>,
        %swap3A_371 = vector.shape_cast %swap3A_370 : vector<1x16xf32> to vector<16xf32>
        %swap3A_372 = vector.shape_cast %mul3A_367 : vector<16xf32> to vector<1x16xf32>
        tpu.vector_store %arg17[%swap3A_368, %swap3A_369], %swap3A_372 {strides = array<i32>} : memref<128x64xf32, #tpu.memory_space<vmem>>, vector<1x16xf32>,
        %get3A_373 = arith.index_cast %add3A_348 : i32 to index
        %get3A_374 = arith.constant 32 : index
        %get3A_375 = tpu.vector_load %arg17[%get3A_373, %get3A_374] {strides = array<i32>} : memref<128x64xf32, #tpu.memory_space<vmem>>, vector<1x16xf32>,
        %get3A_376 = vector.shape_cast %get3A_375 : vector<1x16xf32> to vector<16xf32>
        %mul3A_377 = arith.mulf %get3A_376, %get3A_352 : vector<16xf32>
        %swap3A_378 = arith.index_cast %add3A_348 : i32 to index
        %swap3A_379 = arith.constant 32 : index
        %swap3A_380 = tpu.vector_load %arg17[%swap3A_378, %swap3A_379] {strides = array<i32>} : memref<128x64xf32, #tpu.memory_space<vmem>>, vector<1x16xf32>,
        %swap3A_381 = vector.shape_cast %swap3A_380 : vector<1x16xf32> to vector<16xf32>
        %swap3A_382 = vector.shape_cast %mul3A_377 : vector<16xf32> to vector<1x16xf32>
        tpu.vector_store %arg17[%swap3A_378, %swap3A_379], %swap3A_382 {strides = array<i32>} : memref<128x64xf32, #tpu.memory_space<vmem>>, vector<1x16xf32>,
        %get3A_383 = arith.index_cast %add3A_348 : i32 to index
        %get3A_384 = arith.constant 48 : index
        %get3A_385 = tpu.vector_load %arg17[%get3A_383, %get3A_384] {strides = array<i32>} : memref<128x64xf32, #tpu.memory_space<vmem>>, vector<1x16xf32>,
        %get3A_386 = vector.shape_cast %get3A_385 : vector<1x16xf32> to vector<16xf32>
        %mul3A_387 = arith.mulf %get3A_386, %get3A_352 : vector<16xf32>
        %swap3A_388 = arith.index_cast %add3A_348 : i32 to index
        %swap3A_389 = arith.constant 48 : index
        %swap3A_390 = tpu.vector_load %arg17[%swap3A_388, %swap3A_389] {strides = array<i32>} : memref<128x64xf32, #tpu.memory_space<vmem>>, vector<1x16xf32>,
        %swap3A_391 = vector.shape_cast %swap3A_390 : vector<1x16xf32> to vector<16xf32>
        %swap3A_392 = vector.shape_cast %mul3A_387 : vector<16xf32> to vector<1x16xf32>
        tpu.vector_store %arg17[%swap3A_388, %swap3A_389], %swap3A_392 {strides = array<i32>} : memref<128x64xf32, #tpu.memory_space<vmem>>, vector<1x16xf32>,
        %mul3A_393 = arith.constant 4 : i32
        %mul3A_394 = arith.muli %scan3A_344, %mul3A_393 : i32
        %add3A_395 = arith.constant 1 : i32
        %add3A_396 = arith.addi %mul3A_394, %add3A_395 : i32
        %get3A_397 = arith.index_cast %add3A_396 : i32 to index
        %get3A_398 = arith.constant 0 : index
        %get3A_399 = tpu.vector_load %arg15[%get3A_397, %get3A_398] {strides = array<i32>} : memref<128x16xf32, #tpu.memory_space<vmem>>, vector<1x16xf32>,
        %get3A_400 = vector.shape_cast %get3A_399 : vector<1x16xf32> to vector<16xf32>
        %get3A_401 = arith.index_cast %add3A_396 : i32 to index
        %get3A_402 = arith.constant 0 : index
        %get3A_403 = tpu.vector_load %arg17[%get3A_401, %get3A_402] {strides = array<i32>} : memref<128x64xf32, #tpu.memory_space<vmem>>, vector<1x16xf32>,
        %get3A_404 = vector.shape_cast %get3A_403 : vector<1x16xf32> to vector<16xf32>
        %mul3A_405 = arith.mulf %get3A_404, %get3A_400 : vector<16xf32>
        %swap3A_406 = arith.index_cast %add3A_396 : i32 to index
        %swap3A_407 = arith.constant 0 : index
        %swap3A_408 = tpu.vector_load %arg17[%swap3A_406, %swap3A_407] {strides = array<i32>} : memref<128x64xf32, #tpu.memory_space<vmem>>, vector<1x16xf32>,
        %swap3A_409 = vector.shape_cast %swap3A_408 : vector<1x16xf32> to vector<16xf32>
        %swap3A_410 = vector.shape_cast %mul3A_405 : vector<16xf32> to vector<1x16xf32>
        tpu.vector_store %arg17[%swap3A_406, %swap3A_407], %swap3A_410 {strides = array<i32>} : memref<128x64xf32, #tpu.memory_space<vmem>>, vector<1x16xf32>,
        %get3A_411 = arith.index_cast %add3A_396 : i32 to index
        %get3A_412 = arith.constant 16 : index
        %get3A_413 = tpu.vector_load %arg17[%get3A_411, %get3A_412] {strides = array<i32>} : memref<128x64xf32, #tpu.memory_space<vmem>>, vector<1x16xf32>,
        %get3A_414 = vector.shape_cast %get3A_413 : vector<1x16xf32> to vector<16xf32>
        %mul3A_415 = arith.mulf %get3A_414, %get3A_400 : vector<16xf32>
        %swap3A_416 = arith.index_cast %add3A_396 : i32 to index
        %swap3A_417 = arith.constant 16 : index
        %swap3A_418 = tpu.vector_load %arg17[%swap3A_416, %swap3A_417] {strides = array<i32>} : memref<128x64xf32, #tpu.memory_space<vmem>>, vector<1x16xf32>,
        %swap3A_419 = vector.shape_cast %swap3A_418 : vector<1x16xf32> to vector<16xf32>
        %swap3A_420 = vector.shape_cast %mul3A_415 : vector<16xf32> to vector<1x16xf32>
        tpu.vector_store %arg17[%swap3A_416, %swap3A_417], %swap3A_420 {strides = array<i32>} : memref<128x64xf32, #tpu.memory_space<vmem>>, vector<1x16xf32>,
        %get3A_421 = arith.index_cast %add3A_396 : i32 to index
        %get3A_422 = arith.constant 32 : index
        %get3A_423 = tpu.vector_load %arg17[%get3A_421, %get3A_422] {strides = array<i32>} : memref<128x64xf32, #tpu.memory_space<vmem>>, vector<1x16xf32>,
        %get3A_424 = vector.shape_cast %get3A_423 : vector<1x16xf32> to vector<16xf32>
        %mul3A_425 = arith.mulf %get3A_424, %get3A_400 : vector<16xf32>
        %swap3A_426 = arith.index_cast %add3A_396 : i32 to index
        %swap3A_427 = arith.constant 32 : index
        %swap3A_428 = tpu.vector_load %arg17[%swap3A_426, %swap3A_427] {strides = array<i32>} : memref<128x64xf32, #tpu.memory_space<vmem>>, vector<1x16xf32>,
        %swap3A_429 = vector.shape_cast %swap3A_428 : vector<1x16xf32> to vector<16xf32>
        %swap3A_430 = vector.shape_cast %mul3A_425 : vector<16xf32> to vector<1x16xf32>
        tpu.vector_store %arg17[%swap3A_426, %swap3A_427], %swap3A_430 {strides = array<i32>} : memref<128x64xf32, #tpu.memory_space<vmem>>, vector<1x16xf32>,
        %get3A_431 = arith.index_cast %add3A_396 : i32 to index
        %get3A_432 = arith.constant 48 : index
        %get3A_433 = tpu.vector_load %arg17[%get3A_431, %get3A_432] {strides = array<i32>} : memref<128x64xf32, #tpu.memory_space<vmem>>, vector<1x16xf32>,
        %get3A_434 = vector.shape_cast %get3A_433 : vector<1x16xf32> to vector<16xf32>
        %mul3A_435 = arith.mulf %get3A_434, %get3A_400 : vector<16xf32>
        %swap3A_436 = arith.index_cast %add3A_396 : i32 to index
        %swap3A_437 = arith.constant 48 : index
        %swap3A_438 = tpu.vector_load %arg17[%swap3A_436, %swap3A_437] {strides = array<i32>} : memref<128x64xf32, #tpu.memory_space<vmem>>, vector<1x16xf32>,
        %swap3A_439 = vector.shape_cast %swap3A_438 : vector<1x16xf32> to vector<16xf32>
        %swap3A_440 = vector.shape_cast %mul3A_435 : vector<16xf32> to vector<1x16xf32>
        tpu.vector_store %arg17[%swap3A_436, %swap3A_437], %swap3A_440 {strides = array<i32>} : memref<128x64xf32, #tpu.memory_space<vmem>>, vector<1x16xf32>,
        %mul3A_441 = arith.constant 4 : i32
        %mul3A_442 = arith.muli %scan3A_344, %mul3A_441 : i32
        %add3A_443 = arith.constant 2 : i32
        %add3A_444 = arith.addi %mul3A_442, %add3A_443 : i32
        %get3A_445 = arith.index_cast %add3A_444 : i32 to index
        %get3A_446 = arith.constant 0 : index
        %get3A_447 = tpu.vector_load %arg15[%get3A_445, %get3A_446] {strides = array<i32>} : memref<128x16xf32, #tpu.memory_space<vmem>>, vector<1x16xf32>,
        %get3A_448 = vector.shape_cast %get3A_447 : vector<1x16xf32> to vector<16xf32>
        %get3A_449 = arith.index_cast %add3A_444 : i32 to index
        %get3A_450 = arith.constant 0 : index
        %get3A_451 = tpu.vector_load %arg17[%get3A_449, %get3A_450] {strides = array<i32>} : memref<128x64xf32, #tpu.memory_space<vmem>>, vector<1x16xf32>,
        %get3A_452 = vector.shape_cast %get3A_451 : vector<1x16xf32> to vector<16xf32>
        %mul3A_453 = arith.mulf %get3A_452, %get3A_448 : vector<16xf32>
        %swap3A_454 = arith.index_cast %add3A_444 : i32 to index
        %swap3A_455 = arith.constant 0 : index
        %swap3A_456 = tpu.vector_load %arg17[%swap3A_454, %swap3A_455] {strides = array<i32>} : memref<128x64xf32, #tpu.memory_space<vmem>>, vector<1x16xf32>,
        %swap3A_457 = vector.shape_cast %swap3A_456 : vector<1x16xf32> to vector<16xf32>
        %swap3A_458 = vector.shape_cast %mul3A_453 : vector<16xf32> to vector<1x16xf32>
        tpu.vector_store %arg17[%swap3A_454, %swap3A_455], %swap3A_458 {strides = array<i32>} : memref<128x64xf32, #tpu.memory_space<vmem>>, vector<1x16xf32>,
        %get3A_459 = arith.index_cast %add3A_444 : i32 to index
        %get3A_460 = arith.constant 16 : index
        %get3A_461 = tpu.vector_load %arg17[%get3A_459, %get3A_460] {strides = array<i32>} : memref<128x64xf32, #tpu.memory_space<vmem>>, vector<1x16xf32>,
        %get3A_462 = vector.shape_cast %get3A_461 : vector<1x16xf32> to vector<16xf32>
        %mul3A_463 = arith.mulf %get3A_462, %get3A_448 : vector<16xf32>
        %swap3A_464 = arith.index_cast %add3A_444 : i32 to index
        %swap3A_465 = arith.constant 16 : index
        %swap3A_466 = tpu.vector_load %arg17[%swap3A_464, %swap3A_465] {strides = array<i32>} : memref<128x64xf32, #tpu.memory_space<vmem>>, vector<1x16xf32>,
        %swap3A_467 = vector.shape_cast %swap3A_466 : vector<1x16xf32> to vector<16xf32>
        %swap3A_468 = vector.shape_cast %mul3A_463 : vector<16xf32> to vector<1x16xf32>
        tpu.vector_store %arg17[%swap3A_464, %swap3A_465], %swap3A_468 {strides = array<i32>} : memref<128x64xf32, #tpu.memory_space<vmem>>, vector<1x16xf32>,
        %get3A_469 = arith.index_cast %add3A_444 : i32 to index
        %get3A_470 = arith.constant 32 : index
        %get3A_471 = tpu.vector_load %arg17[%get3A_469, %get3A_470] {strides = array<i32>} : memref<128x64xf32, #tpu.memory_space<vmem>>, vector<1x16xf32>,
        %get3A_472 = vector.shape_cast %get3A_471 : vector<1x16xf32> to vector<16xf32>
        %mul3A_473 = arith.mulf %get3A_472, %get3A_448 : vector<16xf32>
        %swap3A_474 = arith.index_cast %add3A_444 : i32 to index
        %swap3A_475 = arith.constant 32 : index
        %swap3A_476 = tpu.vector_load %arg17[%swap3A_474, %swap3A_475] {strides = array<i32>} : memref<128x64xf32, #tpu.memory_space<vmem>>, vector<1x16xf32>,
        %swap3A_477 = vector.shape_cast %swap3A_476 : vector<1x16xf32> to vector<16xf32>
        %swap3A_478 = vector.shape_cast %mul3A_473 : vector<16xf32> to vector<1x16xf32>
        tpu.vector_store %arg17[%swap3A_474, %swap3A_475], %swap3A_478 {strides = array<i32>} : memref<128x64xf32, #tpu.memory_space<vmem>>, vector<1x16xf32>,
        %get3A_479 = arith.index_cast %add3A_444 : i32 to index
        %get3A_480 = arith.constant 48 : index
        %get3A_481 = tpu.vector_load %arg17[%get3A_479, %get3A_480] {strides = array<i32>} : memref<128x64xf32, #tpu.memory_space<vmem>>, vector<1x16xf32>,
        %get3A_482 = vector.shape_cast %get3A_481 : vector<1x16xf32> to vector<16xf32>
        %mul3A_483 = arith.mulf %get3A_482, %get3A_448 : vector<16xf32>
        %swap3A_484 = arith.index_cast %add3A_444 : i32 to index
        %swap3A_485 = arith.constant 48 : index
        %swap3A_486 = tpu.vector_load %arg17[%swap3A_484, %swap3A_485] {strides = array<i32>} : memref<128x64xf32, #tpu.memory_space<vmem>>, vector<1x16xf32>,
        %swap3A_487 = vector.shape_cast %swap3A_486 : vector<1x16xf32> to vector<16xf32>
        %swap3A_488 = vector.shape_cast %mul3A_483 : vector<16xf32> to vector<1x16xf32>
        tpu.vector_store %arg17[%swap3A_484, %swap3A_485], %swap3A_488 {strides = array<i32>} : memref<128x64xf32, #tpu.memory_space<vmem>>, vector<1x16xf32>,
        %mul3A_489 = arith.constant 4 : i32
        %mul3A_490 = arith.muli %scan3A_344, %mul3A_489 : i32
        %add3A_491 = arith.constant 3 : i32
        %add3A_492 = arith.addi %mul3A_490, %add3A_491 : i32
        %get3A_493 = arith.index_cast %add3A_492 : i32 to index
        %get3A_494 = arith.constant 0 : index
        %get3A_495 = tpu.vector_load %arg15[%get3A_493, %get3A_494] {strides = array<i32>} : memref<128x16xf32, #tpu.memory_space<vmem>>, vector<1x16xf32>,
        %get3A_496 = vector.shape_cast %get3A_495 : vector<1x16xf32> to vector<16xf32>
        %get3A_497 = arith.index_cast %add3A_492 : i32 to index
        %get3A_498 = arith.constant 0 : index
        %get3A_499 = tpu.vector_load %arg17[%get3A_497, %get3A_498] {strides = array<i32>} : memref<128x64xf32, #tpu.memory_space<vmem>>, vector<1x16xf32>,
        %get3A_500 = vector.shape_cast %get3A_499 : vector<1x16xf32> to vector<16xf32>
        %mul3A_501 = arith.mulf %get3A_500, %get3A_496 : vector<16xf32>
        %swap3A_502 = arith.index_cast %add3A_492 : i32 to index
        %swap3A_503 = arith.constant 0 : index
        %swap3A_504 = tpu.vector_load %arg17[%swap3A_502, %swap3A_503] {strides = array<i32>} : memref<128x64xf32, #tpu.memory_space<vmem>>, vector<1x16xf32>,
        %swap3A_505 = vector.shape_cast %swap3A_504 : vector<1x16xf32> to vector<16xf32>
        %swap3A_506 = vector.shape_cast %mul3A_501 : vector<16xf32> to vector<1x16xf32>
        tpu.vector_store %arg17[%swap3A_502, %swap3A_503], %swap3A_506 {strides = array<i32>} : memref<128x64xf32, #tpu.memory_space<vmem>>, vector<1x16xf32>,
        %get3A_507 = arith.index_cast %add3A_492 : i32 to index
        %get3A_508 = arith.constant 16 : index
        %get3A_509 = tpu.vector_load %arg17[%get3A_507, %get3A_508] {strides = array<i32>} : memref<128x64xf32, #tpu.memory_space<vmem>>, vector<1x16xf32>,
        %get3A_510 = vector.shape_cast %get3A_509 : vector<1x16xf32> to vector<16xf32>
        %mul3A_511 = arith.mulf %get3A_510, %get3A_496 : vector<16xf32>
        %swap3A_512 = arith.index_cast %add3A_492 : i32 to index
        %swap3A_513 = arith.constant 16 : index
        %swap3A_514 = tpu.vector_load %arg17[%swap3A_512, %swap3A_513] {strides = array<i32>} : memref<128x64xf32, #tpu.memory_space<vmem>>, vector<1x16xf32>,
        %swap3A_515 = vector.shape_cast %swap3A_514 : vector<1x16xf32> to vector<16xf32>
        %swap3A_516 = vector.shape_cast %mul3A_511 : vector<16xf32> to vector<1x16xf32>
        tpu.vector_store %arg17[%swap3A_512, %swap3A_513], %swap3A_516 {strides = array<i32>} : memref<128x64xf32, #tpu.memory_space<vmem>>, vector<1x16xf32>,
        %get3A_517 = arith.index_cast %add3A_492 : i32 to index
        %get3A_518 = arith.constant 32 : index
        %get3A_519 = tpu.vector_load %arg17[%get3A_517, %get3A_518] {strides = array<i32>} : memref<128x64xf32, #tpu.memory_space<vmem>>, vector<1x16xf32>,
        %get3A_520 = vector.shape_cast %get3A_519 : vector<1x16xf32> to vector<16xf32>
        %mul3A_521 = arith.mulf %get3A_520, %get3A_496 : vector<16xf32>
        %swap3A_522 = arith.index_cast %add3A_492 : i32 to index
        %swap3A_523 = arith.constant 32 : index
        %swap3A_524 = tpu.vector_load %arg17[%swap3A_522, %swap3A_523] {strides = array<i32>} : memref<128x64xf32, #tpu.memory_space<vmem>>, vector<1x16xf32>,
        %swap3A_525 = vector.shape_cast %swap3A_524 : vector<1x16xf32> to vector<16xf32>
        %swap3A_526 = vector.shape_cast %mul3A_521 : vector<16xf32> to vector<1x16xf32>
        tpu.vector_store %arg17[%swap3A_522, %swap3A_523], %swap3A_526 {strides = array<i32>} : memref<128x64xf32, #tpu.memory_space<vmem>>, vector<1x16xf32>,
        %get3A_527 = arith.index_cast %add3A_492 : i32 to index
        %get3A_528 = arith.constant 48 : index
        %get3A_529 = tpu.vector_load %arg17[%get3A_527, %get3A_528] {strides = array<i32>} : memref<128x64xf32, #tpu.memory_space<vmem>>, vector<1x16xf32>,
        %get3A_530 = vector.shape_cast %get3A_529 : vector<1x16xf32> to vector<16xf32>
        %mul3A_531 = arith.mulf %get3A_530, %get3A_496 : vector<16xf32>
        %swap3A_532 = arith.index_cast %add3A_492 : i32 to index
        %swap3A_533 = arith.constant 48 : index
        %swap3A_534 = tpu.vector_load %arg17[%swap3A_532, %swap3A_533] {strides = array<i32>} : memref<128x64xf32, #tpu.memory_space<vmem>>, vector<1x16xf32>,
        %swap3A_535 = vector.shape_cast %swap3A_534 : vector<1x16xf32> to vector<16xf32>
        %swap3A_536 = vector.shape_cast %mul3A_531 : vector<16xf32> to vector<1x16xf32>
        tpu.vector_store %arg17[%swap3A_532, %swap3A_533], %swap3A_536 {strides = array<i32>} : memref<128x64xf32, #tpu.memory_space<vmem>>, vector<1x16xf32>,
      }
      %scan3A_343 = arith.constant 32 : i32
      "tpu.region"() ({
        %run_scoped3A = tpu.sem_alloc : memref<!tpu.dma_semaphore, #tpu.memory_space<semaphore_mem>>
        %dma_start3A_344 = arith.constant 0 : i32
        %dma_start3A_345 = arith.constant 0 : i32
        %dma_start3A_346 = tpu.memref_slice %arg18[%dma_start3A_344, %dma_start3A_345] : memref<25088x64xf32, #tpu.memory_space<vmem_shared>> -> memref<25088x64xf32, #tpu.memory_space<vmem_shared>>
        tpu.enqueue_indirect_dma source(%arg17 : memref<128x64xf32, #tpu.memory_space<vmem>>) target(%dma_start3A_346 : memref<25088x64xf32, #tpu.memory_space<vmem_shared>>) offsets(%arg13 : memref<128xi32, #tpu.memory_space<vmem>>) semaphore(%run_scoped3A : memref<!tpu.dma_semaphore, #tpu.memory_space<semaphore_mem>>) {add = true}
        %dma_wait3A_347 = arith.constant 0 : i32
        %dma_wait3A_348 = arith.constant 0 : i32
        %dma_wait3A_349 = tpu.memref_slice %arg18[%dma_wait3A_347, %dma_wait3A_348] : memref<25088x64xf32, #tpu.memory_space<vmem_shared>> -> memref<25088x64xf32, #tpu.memory_space<vmem_shared>>
        tpu.wait_indirect_dma semaphore(%run_scoped3A : memref<!tpu.dma_semaphore, #tpu.memory_space<semaphore_mem>>) src(%arg17 : memref<128x64xf32, #tpu.memory_space<vmem>>) dst(%dma_wait3A_349 : memref<25088x64xf32, #tpu.memory_space<vmem_shared>>)
        tpu.yield
      }) : () -> ()
    }
    %scan3A_11 = arith.constant 196 : i32
    %barrier3A_12 = arith.constant 0 : index
    tpu.barrier barrier_id(%barrier3A_12)
    %mul3A_13 = arith.constant 1568 : i32
    %mul3A_14 = arith.muli %arg1, %mul3A_13 : i32
    %mul3A_15 = arith.constant 25088 : i32
    %mul3A_16 = arith.muli %arg0, %mul3A_15 : i32
    %mul3A_17 = arith.constant 1568 : i32
    %mul3A_18 = arith.muli %arg1, %mul3A_17 : i32
    %add3A = arith.addi %mul3A_16, %mul3A_18 : i32
    "tpu.region"() ({
      %run_scoped3A = tpu.sem_alloc : memref<!tpu.dma_semaphore, #tpu.memory_space<semaphore_mem>>
      %dma_start3A = arith.constant 0 : i32
      %dma_start3A_19 = tpu.memref_slice %arg7[%add3A, %dma_start3A] : memref<50176x64xf32, #tpu.memory_space<hbm>> -> memref<1568x64xf32, #tpu.memory_space<hbm>>
      %dma_start3A_20 = arith.constant 0 : i32
      %dma_start3A_21 = tpu.memref_slice %arg18[%mul3A_14, %dma_start3A_20] : memref<25088x64xf32, #tpu.memory_space<vmem_shared>> -> memref<1568x64xf32, #tpu.memory_space<vmem_shared>>
      tpu.enqueue_dma source(%dma_start3A_21 : memref<1568x64xf32, #tpu.memory_space<vmem_shared>>) target(%dma_start3A_19 : memref<1568x64xf32, #tpu.memory_space<hbm>>) target_semaphore(%run_scoped3A : memref<!tpu.dma_semaphore, #tpu.memory_space<semaphore_mem>>)
      %dma_wait3A = arith.constant 0 : i32
      %dma_wait3A_22 = tpu.memref_slice %arg7[%add3A, %dma_wait3A] : memref<50176x64xf32, #tpu.memory_space<hbm>> -> memref<1568x64xf32, #tpu.memory_space<hbm>>
      %dma_wait3A_23 = arith.constant 0 : i32
      %dma_wait3A_24 = tpu.memref_slice %arg18[%mul3A_14, %dma_wait3A_23] : memref<25088x64xf32, #tpu.memory_space<vmem_shared>> -> memref<1568x64xf32, #tpu.memory_space<vmem_shared>>
      tpu.wait_dma2 semaphore(%run_scoped3A : memref<!tpu.dma_semaphore, #tpu.memory_space<semaphore_mem>>) src(%dma_wait3A_24 : memref<1568x64xf32, #tpu.memory_space<vmem_shared>>) dst(%dma_wait3A_22 : memref<1568x64xf32, #tpu.memory_space<hbm>>)
      tpu.yield
    }) : () -> ()
    return
  }
}

module attributes {stable_mosaic.version = 14 : i64} {
  func.func @f(%arg0: i32, %arg1: memref<1000x80xf32, #tpu.memory_space<vmem>>, %arg2: memref<1000x80xf32, #tpu.memory_space<vmem>>) attributes {dimension_semantics = [#tpu.dimension_semantics<arbitrary>], iteration_bounds = array<i64: 10>, scalar_prefetch = 0 : i64, scratch_operands = 0 : i64, tpu.core_type = #tpu.core_type<tc>, window_params = [{transform_indices = @transform_0, window_bounds = array<i64: 1000, 80>}, {transform_indices = @transform_1, window_bounds = array<i64: 1000, 80>}]} {
    %get3A = arith.constant 0 : index
    %get3A_0 = arith.constant 0 : index
    %get3A_1 = vector.load %arg1[%get3A, %get3A_0] : memref<1000x80xf32, #tpu.memory_space<vmem>>, vector<1000x80xf32>
    %slice3A = vector.extract_strided_slice %get3A_1 {offsets = [0, 64], sizes = [1000, 1], strides = [1, 1]} : vector<1000x80xf32> to vector<1000x1xf32>
    %max3A = arith.constant 1.000000e+00 : f32
    %max3A_2 = vector.broadcast %max3A : f32 to vector<1000x1xf32>
    %max3A_3 = arith.maximumf %slice3A, %max3A_2 : vector<1000x1xf32>
    %slice3A_4 = vector.extract_strided_slice %get3A_1 {offsets = [0, 0], sizes = [1000, 64], strides = [1, 1]} : vector<1000x80xf32> to vector<1000x64xf32>
    %div3A = vector.broadcast %max3A_3 : vector<1000x1xf32> to vector<1000x64xf32>
    %div3A_5 = arith.divf %slice3A_4, %div3A : vector<1000x64xf32>
    %broadcast_in_dim3A = arith.constant 1.000000e+00 : f32
    %broadcast_in_dim3A_6 = vector.broadcast %broadcast_in_dim3A : f32 to vector<1000x1xf32>
    %broadcast_in_dim3A_7 = arith.constant 0.000000e+00 : f32
    %broadcast_in_dim3A_8 = vector.broadcast %broadcast_in_dim3A_7 : f32 to vector<1000x15xf32>
    %concatenate3A = tpu.concatenate %div3A_5, %broadcast_in_dim3A_6, %broadcast_in_dim3A_8 in 1 : vector<1000x64xf32>, vector<1000x1xf32>, vector<1000x15xf32> -> vector<1000x80xf32>
    %swap3A = arith.constant 0 : index
    %swap3A_9 = arith.constant 0 : index
    %swap3A_10 = vector.load %arg2[%swap3A, %swap3A_9] : memref<1000x80xf32, #tpu.memory_space<vmem>>, vector<1000x80xf32>
    tpu.vector_store %arg2[%swap3A, %swap3A_9], %concatenate3A {strides = array<i32>} : memref<1000x80xf32, #tpu.memory_space<vmem>>, vector<1000x80xf32>,
    return
  }
  func.func @transform_0(%arg0: i32) -> (i32, i32) {
    %c0_i32 = arith.constant 0 : i32
    %c0_i32_0 = arith.constant 0 : i32
    return %arg0, %c0_i32 : i32, i32
  }
  func.func @transform_1(%arg0: i32) -> (i32, i32) {
    %c0_i32 = arith.constant 0 : i32
    %c0_i32_0 = arith.constant 0 : i32
    return %arg0, %c0_i32 : i32, i32
  }
}

module attributes {stable_mosaic.version = 14 : i64} {
  func.func @f(%arg0: i32, %arg1: memref<1000x64xf32, #tpu.memory_space<vmem>>, %arg2: memref<1000x64xf32, #tpu.memory_space<vmem>>, %arg3: memref<1000x64xf32, #tpu.memory_space<vmem>>, %arg4: memref<1000x64xf32, #tpu.memory_space<vmem>>, %arg5: memref<1000x64xf32, #tpu.memory_space<vmem>>) attributes {dimension_semantics = [#tpu.dimension_semantics<arbitrary>], iteration_bounds = array<i64: 50>, scalar_prefetch = 0 : i64, scratch_operands = 0 : i64, tpu.core_type = #tpu.core_type<tc>, window_params = [{transform_indices = @transform_0, window_bounds = array<i64: 1000, 64>}, {transform_indices = @transform_1, window_bounds = array<i64: 1000, 64>}, {transform_indices = @transform_2, window_bounds = array<i64: 1000, 64>}, {transform_indices = @transform_3, window_bounds = array<i64: 1000, 64>}, {transform_indices = @transform_4, window_bounds = array<i64: 1000, 64>}]} {
    %get3A = arith.constant 0 : index
    %get3A_0 = arith.constant 0 : index
    %get3A_1 = vector.load %arg1[%get3A, %get3A_0] : memref<1000x64xf32, #tpu.memory_space<vmem>>, vector<1000x64xf32>
    %get3A_2 = arith.constant 0 : index
    %get3A_3 = arith.constant 0 : index
    %get3A_4 = vector.load %arg2[%get3A_2, %get3A_3] : memref<1000x64xf32, #tpu.memory_space<vmem>>, vector<1000x64xf32>
    %add3A = arith.addf %get3A_1, %get3A_4 : vector<1000x64xf32>
    %get3A_5 = arith.constant 0 : index
    %get3A_6 = arith.constant 0 : index
    %get3A_7 = vector.load %arg3[%get3A_5, %get3A_6] : memref<1000x64xf32, #tpu.memory_space<vmem>>, vector<1000x64xf32>
    %add3A_8 = arith.addf %add3A, %get3A_7 : vector<1000x64xf32>
    %get3A_9 = arith.constant 0 : index
    %get3A_10 = arith.constant 0 : index
    %get3A_11 = vector.load %arg4[%get3A_9, %get3A_10] : memref<1000x64xf32, #tpu.memory_space<vmem>>, vector<1000x64xf32>
    %add3A_12 = arith.addf %add3A_8, %get3A_11 : vector<1000x64xf32>
    %mul3A = arith.constant 2.500000e-01 : f32
    %mul3A_13 = vector.broadcast %mul3A : f32 to vector<1000x64xf32>
    %mul3A_14 = arith.mulf %add3A_12, %mul3A_13 : vector<1000x64xf32>
    %swap3A = arith.constant 0 : index
    %swap3A_15 = arith.constant 0 : index
    %swap3A_16 = vector.load %arg5[%swap3A, %swap3A_15] : memref<1000x64xf32, #tpu.memory_space<vmem>>, vector<1000x64xf32>
    tpu.vector_store %arg5[%swap3A, %swap3A_15], %mul3A_14 {strides = array<i32>} : memref<1000x64xf32, #tpu.memory_space<vmem>>, vector<1000x64xf32>,
    return
  }
  func.func @transform_0(%arg0: i32) -> (i32, i32) {
    %c0_i32 = arith.constant 0 : i32
    %c0_i32_0 = arith.constant 0 : i32
    return %arg0, %c0_i32 : i32, i32
  }
  func.func @transform_1(%arg0: i32) -> (i32, i32) {
    %c0_i32 = arith.constant 0 : i32
    %c0_i32_0 = arith.constant 0 : i32
    return %arg0, %c0_i32 : i32, i32
  }
  func.func @transform_2(%arg0: i32) -> (i32, i32) {
    %c0_i32 = arith.constant 0 : i32
    %c0_i32_0 = arith.constant 0 : i32
    return %arg0, %c0_i32 : i32, i32
  }
  func.func @transform_3(%arg0: i32) -> (i32, i32) {
    %c0_i32 = arith.constant 0 : i32
    %c0_i32_0 = arith.constant 0 : i32
    return %arg0, %c0_i32 : i32, i32
  }
  func.func @transform_4(%arg0: i32) -> (i32, i32) {
    %c0_i32 = arith.constant 0 : i32
    %c0_i32_0 = arith.constant 0 : i32
    return %arg0, %c0_i32 : i32, i32
  }
}

module attributes {stable_mosaic.version = 14 : i64} {
  func.func @f(%arg0: i32, %arg1: memref<1000x64xf32, #tpu.memory_space<vmem>>, %arg2: memref<1000x80xf32, #tpu.memory_space<vmem>>, %arg3: memref<1000x64xf32, #tpu.memory_space<vmem>>) attributes {dimension_semantics = [#tpu.dimension_semantics<arbitrary>], iteration_bounds = array<i64: 25>, scalar_prefetch = 0 : i64, scratch_operands = 0 : i64, tpu.core_type = #tpu.core_type<tc>, window_params = [{transform_indices = @transform_0, window_bounds = array<i64: 1000, 64>}, {transform_indices = @transform_1, window_bounds = array<i64: 1000, 80>}, {transform_indices = @transform_2, window_bounds = array<i64: 1000, 64>}]} {
    %get3A = arith.constant 0 : index
    %get3A_0 = arith.constant 0 : index
    %get3A_1 = vector.load %arg2[%get3A, %get3A_0] : memref<1000x80xf32, #tpu.memory_space<vmem>>, vector<1000x80xf32>
    %slice3A = vector.extract_strided_slice %get3A_1 {offsets = [0, 64], sizes = [1000, 1], strides = [1, 1]} : vector<1000x80xf32> to vector<1000x1xf32>
    %max3A = arith.constant 1.000000e+00 : f32
    %max3A_2 = vector.broadcast %max3A : f32 to vector<1000x1xf32>
    %max3A_3 = arith.maximumf %slice3A, %max3A_2 : vector<1000x1xf32>
    %get3A_4 = arith.constant 0 : index
    %get3A_5 = arith.constant 0 : index
    %get3A_6 = vector.load %arg1[%get3A_4, %get3A_5] : memref<1000x64xf32, #tpu.memory_space<vmem>>, vector<1000x64xf32>
    %slice3A_7 = vector.extract_strided_slice %get3A_1 {offsets = [0, 0], sizes = [1000, 64], strides = [1, 1]} : vector<1000x80xf32> to vector<1000x64xf32>
    %div3A = vector.broadcast %max3A_3 : vector<1000x1xf32> to vector<1000x64xf32>
    %div3A_8 = arith.divf %slice3A_7, %div3A : vector<1000x64xf32>
    %add3A = arith.addf %get3A_6, %div3A_8 : vector<1000x64xf32>
    %swap3A = arith.constant 0 : index
    %swap3A_9 = arith.constant 0 : index
    %swap3A_10 = vector.load %arg3[%swap3A, %swap3A_9] : memref<1000x64xf32, #tpu.memory_space<vmem>>, vector<1000x64xf32>
    tpu.vector_store %arg3[%swap3A, %swap3A_9], %add3A {strides = array<i32>} : memref<1000x64xf32, #tpu.memory_space<vmem>>, vector<1000x64xf32>,
    return
  }
  func.func @transform_0(%arg0: i32) -> (i32, i32) {
    %c0_i32 = arith.constant 0 : i32
    %c0_i32_0 = arith.constant 0 : i32
    return %arg0, %c0_i32 : i32, i32
  }
  func.func @transform_1(%arg0: i32) -> (i32, i32) {
    %c0_i32 = arith.constant 0 : i32
    %c0_i32_0 = arith.constant 0 : i32
    return %arg0, %c0_i32 : i32, i32
  }
  func.func @transform_2(%arg0: i32) -> (i32, i32) {
    %c0_i32 = arith.constant 0 : i32
    %c0_i32_0 = arith.constant 0 : i32
    return %arg0, %c0_i32 : i32, i32
  }
}

</mosaic_0001>

<sc_bundles>
// kernel: kernel.10.cloned.1.call-start
scs
__scs_entry_jumppad:
0x0: {  	(pc) =	sbr.rel $0x88, $3  }
0x1: {  	(tag) =	ssettag $0x0;
	lr =	simm.s32 $0x1  }
0x2: {  	[smem:$0x3F99] =	sst lr;
	_ =	strace $0xD0000000  }
0x3: {  	_ = 	snop  }
0x4: {  	_ = 	snop  }
0x5: {  	_ = 	snop  }
0x6: {  	_ = 	snop  }
0x7: {  	_ = 	snop  }
__scs_overlays_trampoline_lowered:
0x8: {  	[smem:$0x3FA8] =	sst s0  }
0x9: {  	[smem:$0x3FA9] =	sst s1  }
0xa: {  	[smem:$0x3FAA] =	sst s2  }
0xb: {  	[smem:$0x3FAB] =	sst s3  }
0xc: {  	[smem:$0x3FAC] =	sst s4  }
0xd: {  	[smem:$0x3FAD] =	sst s5  }
0xe: {  	[smem:$0x3FAE] =	sst s6  }
0xf: {  	[smem:$0x3FAF] =	sst s7  }
0x10: {  	[smem:$0x3FB0] =	sst s8  }
0x11: {  	[smem:$0x3FB1] =	sst s9;
	s0 =	simm.s32 @!p0 $0x0  }
0x12: {  	s1 =	sld [smem:$0x3F97];
	s0 =	simm.s32 @p0 $0x1  }
0x13: {  	[smem:$0x3FB2] =	sst s0;
	s0 =	simm.s32 @!p1 $0x0  }
0x14: {  	s2 =	sld [smem:$0x3F96];
	s0 =	simm.s32 @p1 $0x1  }
0x15: {  	[smem:$0x3FB3] =	sst s0;
	s0 =	simm.s32 @!p2 $0x0  }
0x16: {  	s3 =	sld [smem:$0x3FDB];
	s0 =	simm.s32 @p2 $0x1  }
0x17: {  	s4 =	simm.s32 $0x1BF5;
	[smem:$0x3FB5] =	sst s0  }
0x18: {  	s0 =	sld [smem:$0x3F98];
	_ =	swait.ge [sflag:s4], $0x0  }
0x19: {  	s7 =	sld [smem:$0x3F99]  }
0x1a: {  	s8 =	sadd.s32 $0xFFFFE003, lr  }
0x1b: {  	s9 =	sadd.s32 $0xFFFFFEF7, lr;
	s5 =	simm.s32 $0xFFFFFFFF;
	p2 =	slt.u32 s8, $0xFFFFF086  }
0x1c: {  	p1 =	slt.u32 s9, $0xF7A;
	s5 =	simm.s32 @!p2 $0x0  }
0x1d: {  	s5 =	simm.s32 @p1 $0x1;
	p0 =	seq.s32 s7, s2  }
0x1e: {  	s7 =	smul.u32 @!p0 $0xF7A, s2;
	p2 =	seq.s32 @!p0 s5, $0x0  }
0x1f: {  	s9 =	smul.u32 $0xF7A, s1;
	s8 =	simm.s32 @!p0 $0x1BF5;
	p2 =	por !p2, p0  }
0x20: {  	[sflag:s8] =	ssyncset.s32 @!p0 $0xFFFFF086;
	s6 =	sadd.s32 @!p0 s3, s7;
	s7 =	simm.s32 @!p0 $0x108  }
0x21: {  	s3 =	sadd.s32 s3, s9;
	s6 =	sadd.s32 @!p0 $0x88, s6;
	s7 =	simm.s32 @p2 $0x1082  }
0x22: {  	[simem:s7], [sflag:s8] =	dma.local @!p0 [hbm:s6], $0xF7A  }
0x23: {  	s9 =	sor.u32 $0xD0000000, s2;
	s6 =	simm.s32 $0x108;
	_ =	swait.ge @!p0 [sflag:s8], $0x0  }
0x24: {  	s3 =	sadd.s32 $0x88, s3;
	s6 =	simm.s32 @!p1 $0x1082;
	[sflag:s4] =	ssyncset.s32 $0xFFFFF086  }
0x25: {  	[simem:s6], [sflag:s4] =	dma.local [hbm:s3], $0xF7A  }
0x26: {  	[smem:$0x3F99] =	sst s1;
	(tag) =	ssettag s2;
	_ =	strace s9  }
0x27: {  	s1 =	sld [smem:$0x3FA9]  }
0x28: {  	s2 =	sld [smem:$0x3FAA]  }
0x29: {  	s4 =	sld [smem:$0x3FAC]  }
0x2a: {  	p0 =	seq.s32 s5, $0x0;
	s5 =	sld [smem:$0x3FAD]  }
0x2b: {  	s6 =	sld [smem:$0x3FAE]  }
0x2c: {  	s7 =	sld [smem:$0x3FAF]  }
0x2d: {  	s3 =	simm.s32 $0x108;
	s8 =	sld [smem:$0x3FB0]  }
0x2e: {  	s3 =	simm.s32 @!p0 $0x1082;
	s9 =	sld [smem:$0x3FB1]  }
0x2f: {  	lr =	sadd.s32 s0, s3;
	s0 =	sld [smem:$0x3FA8]  }
0x30: {  	s3 =	sld [smem:$0x3FAB]  }
0x31: {  	[smem:$0x3FB4] =	sst s10  }
0x32: {  	s10 =	sld [smem:$0x3FB2];
	_ =	sdelay $0x3  }
0x33: {  	p0 =	seq.s32 s10, $0x1;
	s10 =	sld [smem:$0x3FB4];
	_ =	sdelay $0x3  }
0x34: {  	[smem:$0x3FB4] =	sst s10  }
0x35: {  	s10 =	sld [smem:$0x3FB3];
	_ =	sdelay $0x3  }
0x36: {  	p1 =	seq.s32 s10, $0x1;
	s10 =	sld [smem:$0x3FB4];
	_ =	sdelay $0x3  }
0x37: {  	[smem:$0x3FB4] =	sst s10  }
0x38: {  	s10 =	sld [smem:$0x3FB5]  }
0x39: {  	_ = 	snop;
	(pc) =	sbr.ind lr, $3  }
0x3a: {  	_ = 	snop  }
0x3b: {  	_ = 	snop  }
0x3c: {  	p2 =	seq.s32 s10, $0x1;
	s10 =	sld [smem:$0x3FB4]  }
0x3d: {  	_ =	shalt  }
0x3e: {  	_ =	shalt  }
0x3f: {  	_ =	shalt  }
0x40: {  	_ =	shalt  }
0x41: {  	_ =	shalt  }
0x42: {  	_ =	shalt  }
0x43: {  	_ =	shalt  }
0x44: {  	_ =	shalt  }
0x45: {  	_ =	shalt  }
0x46: {  	_ =	shalt  }
0x47: {  	_ =	shalt  }
0x48: {  	_ =	shalt  }
0x49: {  	_ =	shalt  }
0x4a: {  	_ =	shalt  }
0x4b: {  	_ =	shalt  }
0x4c: {  	_ =	shalt  }
0x4d: {  	_ =	shalt  }
0x4e: {  	_ =	shalt  }
0x4f: {  	_ =	shalt  }
0x50: {  	_ =	shalt  }
0x51: {  	_ =	shalt  }
0x52: {  	_ =	shalt  }
0x53: {  	_ =	shalt  }
0x54: {  	_ =	shalt  }
0x55: {  	_ =	shalt  }
0x56: {  	_ =	shalt  }
0x57: {  	_ =	shalt  }
0x58: {  	_ =	shalt  }
0x59: {  	_ =	shalt  }
0x5a: {  	_ =	shalt  }
0x5b: {  	_ =	shalt  }
0x5c: {  	_ =	shalt  }
0x5d: {  	_ =	shalt  }
0x5e: {  	_ =	shalt  }
0x5f: {  	_ =	shalt  }
0x60: {  	_ =	shalt  }
0x61: {  	_ =	shalt  }
0x62: {  	_ =	shalt  }
0x63: {  	_ =	shalt  }
0x64: {  	_ =	shalt  }
0x65: {  	_ =	shalt  }
0x66: {  	_ =	shalt  }
0x67: {  	_ =	shalt  }
0x68: {  	_ =	shalt  }
0x69: {  	_ =	shalt  }
0x6a: {  	_ =	shalt  }
0x6b: {  	_ =	shalt  }
0x6c: {  	_ =	shalt  }
0x6d: {  	_ =	shalt  }
0x6e: {  	_ =	shalt  }
0x6f: {  	_ =	shalt  }
0x70: {  	_ =	shalt  }
0x71: {  	_ =	shalt  }
0x72: {  	_ =	shalt  }
0x73: {  	_ =	shalt  }
0x74: {  	_ =	shalt  }
0x75: {  	_ =	shalt  }
0x76: {  	_ =	shalt  }
0x77: {  	_ =	shalt  }
0x78: {  	_ =	shalt  }
0x79: {  	_ =	shalt  }
0x7a: {  	_ =	shalt  }
0x7b: {  	_ =	shalt  }
0x7c: {  	_ =	shalt  }
0x7d: {  	_ =	shalt  }
0x7e: {  	_ =	shalt  }
0x7f: {  	_ =	shalt  }
0x80: {  	_ =	shalt  }
0x81: {  	_ =	shalt  }
0x82: {  	_ =	shalt  }
0x83: {  	_ =	shalt  }
0x84: {  	_ =	shalt  }
0x85: {  	_ =	shalt  }
0x86: {  	_ =	shalt  }
0x87: {  	_ =	shalt  }
.Lfunc_end0:
.L_simem_size_0:
called_computation_lowered:
.L_overlay_start_0:
0x88: {  	s2 =	sld [smem:$0x3FD9]  }
0x89: {  	s3 =	sld [smem:$0x3FFE];
	_ =	sdelay $0x1  }
0x8a: {  	s1 =	srdreg.scid  }
0x8b: {  	s0 =	sand.u32 $0x1, s1  }
0x8c: {  	s14 =	sshll.u32 s0, $0xA;
	s2 =	sadd.s32 s3, s2  }
0x8d: {  	s2 =	sadd.s32 s2, s14  }
0x8e: {  	[smem:$0x3FC0] =	sst s2  }
0x8f: {  	_ = 	snop  }
0x90: {  	s2 =	sld [smem:$0x3FD0];
	_ =	sdelay $0x2  }
0x91: {  	s15 =	simm.s32 $0xB;
	s4 =	simm.s32 $0x10  }
0x92: {  	[smem:s4], [sflag:s15] =	dma.local [hbm:s2], $0x1  }
0x93: {  	_ =	swait.eq [sflag:s15], $0x1  }
0x94: {  	[sflag:s15] =	ssyncset.done $0x0  }
0x95: {  	[sflag:s15] =	ssyncadd.s32 $0xFFFFFFFF  }
0x96: {  	s16 =	sld [smem:$0x11];
	(tm) =	ssettm $0x1  }
0x97: {  	s17 =	sld [smem:$0x3FFB];
	_ =	sdelay $0x3  }
0x98: {  	_ =	strace s17  }
0x99: {  	s3 =	sld [smem:$0x3FFC];
	_ =	sdelay $0x3  }
0x9a: {  	_ =	strace s3  }
0x9b: {  	s3 =	sld [smem:$0x3FFD];
	_ =	sdelay $0x3  }
0x9c: {  	_ =	strace s3  }
0x9d: {  	_ =	strace $0x8FFFFFFF  }
0x9e: {  	s18 =	sld [smem:$0x3FDB];
	_ =	sdelay $0x1  }
0x9f: {  	s19 =	simm.s32 $_scs_section_size  }
0xa0: {  	s5 =	simm.s32 $_size__tile_overlayer_lowered;
	s6 =	simm.s32 $_tile_overlayer_lowered  }
0xa1: {  	s22 =	simm.s32 $0x1BFF;
	s21 =	sshll.u32 s6, $0x1;
	s3 =	sadd.s32 s19, s18  }
0xa2: {  	s7 =	simm.s32 $0x0;
	s20 =	sshll.u32 s5, $0x1;
	s5 =	sadd.s32 s21, s3  }
0xa3: {  	[timem:s7], [sflag:s22] =	dma.local [hbm:s5], s20  }
0xa4: {  	_ =	swait.ge [sflag:s22], s20  }
0xa5: {  	s4 =	ssub.s32 $0x0, s20;
	[sflag:s22] =	ssyncset.done $0x0  }
0xa6: {  	[sflag:s22] =	ssyncadd.s32 s4;
	_ =	sdelay $0x1  }
0xa7: {  	s23 =	simm.s32 $0x1B8B  }
0xa8: {  	_ =	swait.ge [sflag:s23], $0x1  }
0xa9: {  	[sflag:s23] =	ssyncset.done $0x0  }
0xaa: {  	s25 =	simm.s32 $0x1B8E;
	s24 =	sld [smem:$0x3FFE];
	[sflag:s23] =	ssyncadd.s32 $0xFFFFFFFF  }
0xab: {  	s26 =	simm.s32 $execute0_lowered;
	[smem:$0x3FD2] =	sst s25  }
0xac: {  	s5 =	sshll.u32 s26, $0x1;
	_ =	strace $0x80000046;
	[dreg:$0x1] =	wrdreg $0xFFFFFFFF  }
0xad: {  	s28 =	simm.s32 $_size_execute0_lowered;
	s3 =	sadd.s32 s3, s5;
	[dreg:$0x0] =	wrdreg $0x0  }
0xae: {  	s5 =	sshll.u32 s28, $0x1;
	[dreg:$0x2] =	wrdreg s3  }
0xaf: {  	[dreg:$0x3] =	wrdreg s5  }
0xb0: {  	[dreg:$0x4] =	wrdreg $0xC0  }
0xb1: {  	_ =	task [dreg:s7], $0x5FFFF  }
0xb2: {  	[dreg:$0x1] =	wrdreg $0xFFFFFFFF  }
0xb3: {  	[dreg:$0x0] =	wrdreg $0x60  }
0xb4: {  	[dreg:$0x2] =	wrdreg s24  }
0xb5: {  	[dreg:$0x3] =	wrdreg s16  }
0xb6: {  	[dreg:$0x4] =	wrdreg $0x53000  }
0xb7: {  	[dreg:$0x5] =	wrdreg $0x9  }
0xb8: {  	_ =	task.clear_ibuf [dreg:s7], $0x6FFFF;
	_ =	strace $0x90000046  }
0xb9: {  	s29 =	simm.s32 $0x9;
	_ =	strace $0x80000048  }
0xba: {  	_ =	swait.ge [sflag:s29], $0x1  }
0xbb: {  	[sflag:s29] =	ssyncadd.s32 $0xFFFFFFFF  }
0xbc: {  	_ =	strace $0x90000048  }
0xbd: {  	_ =	sfence  }
0xbe: {  	s30 =	sld [smem:$0x0];
	_ =	sdelay $0x2  }
0xbf: {  	s31 =	sshll.u32 s1, $0xD;
	s1 =	sshrl.u32 s1, $0x2  }
0xc0: {  	s3 =	sand.u32 $0x4000, s31;
	s1 =	sadd.s32 s1, s30  }
0xc1: {  	s0 =	sor.u32 s3, s0;
	s1 =	sshll.u32 s1, $0x11  }
0xc2: {  	s0 =	sor.u32 s1, s0  }
0xc3: {  	s0 =	sadd.s32 $0x8F2B, s0  }
0xc4: {  	[sflag:s0] =	ssyncadd.remote.s32 $0x1  }
0xc5: {  	_ =	sfence.sel $0xFFFF  }
0xc6: {  	[dreg:$0x0] =	wrdreg $0xFFFFFFFF;
	(pc) =	sbr.abs _section_cstart, $3  }
0xc7: {  	[dreg:$0x1] =	wrdreg $0xFFFFFFFF  }
0xc8: {  	_ =	task.clear_ibuf [dreg:s7], $0x2FFFF;
	_ =	strace $0x9FFFFFFF  }
0xc9: {  	(tm) =	ssettm $0x7FFFFFFF  }
tec
execute0_lowered:
.L_overlay_start_1:
0x0: {  	(tag) =	ssettag $0x1  }
0x1: {  	s8 =	rddreg [dreg:$0x0]  }
0x2: {  	s9 =	rddreg [dreg:$0x1]  }
0x3: {  	s1 =	rddreg [dreg:$0x2];
	s3 =	simm.s32 $0x0  }
0x4: {  	s5 =	srdreg.scid;
	s2 =	stileid.u32;
	s15 =	simm.s32 $0x100  }
0x5: {  	s16 =	simm.s32 $0x300;
	s17 =	simm.s32 $0x80;
	s18 =	simm.s32 $0x1300  }
0x6: {  	s19 =	simm.s32 $0x180;
	s20 =	simm.s32 $0xB00;
	s21 =	simm.s32 $0x3300  }
0x7: {  	s22 =	simm.s32 $0x1;
	s24 =	simm.s32 $0x2;
	s25 =	simm.s32 $0x280  }
0x8: {  	[smem:$0x7FF] =	sst s3;
	s4 =	sadd.s32 $0x1A3600, s8;
	s11 =	smul.u32 $0x3100, s2  }
0x9: {  	s10 =	sand.u32 $0x1, s5;
	s5 =	sadd.s32 $0x18AE00, s8;
	s14 =	smul.u32 $0x18800, s2  }
0xa: {  	s6 =	sadd.s32 $0xC44000, s8;
	s7 =	sadd.s32 $0x129200, s8;
	s12 =	smul.u32 $0x31000, s10  }
0xb: {  	s31 =	sshll.u32 s2, $0x6;
	s13 =	ssub.s32 $0x2, s10;
	s23 =	smul.u32 $0x61A8, s10  }
0xc: {  	_ =	strace $0x80000047;
	s10 =	smul.u32 $0xC400, s2;
	s28 =	sshrl.u32 s13, $0x1  }
0xd: {  	s29 =	sadd.s32 s14, s1;
	s30 =	sshrl.u32 s14, $0x3;
	s14 =	simm.s32 $0x3  }
0xe: {  	s11 =	sadd.s32 s11, s12;
	s12 =	ssub.s32 s13, s28;
	s13 =	sshrl.u32 s29, $0x3  }
0xf: {  	v0 =	vmov s23;
	s23 =	simm.s32 $0x200;
	s11 =	sadd.s32 s11, s8;
	s8 =	sadd.s32 s9, s30  }
0x10: {  	s9 =	sor.u32 $0x1C03, s31;
	s12 =	smax.u32 s12, $0x1;
	s11 =	sadd.s32 $0x1BBE00, s11  }
.LBB2_1:
0x11: {  	[spmem:s13], [sflag:s9] =	dma.local [hbm:s8], $0x3100  }
0x12: {  	_ =	swait.ge [sflag:s14], $0x3100  }
0x13: {  	[sflag:s14] =	ssyncset.done $0x0  }
0x14: {  	[sflag:s14] =	ssyncadd.s32 $0xFFFFCF00  }
0x15: {  	s26 =	simm.s32 $0x0;
	[bflag:$0x0] =	sbarrier.arrive $0xFFFF  }
.LBB2_2:
0x16: {  	s28 =	sshll.u32 s26, $0x8  }
0x17: {  	s28 =	sadd.s32 s10, s28  }
0x18: {  	s29 =	sshrl.u32 s28, $0x3  }
0x19: {  	s31 =	simm.s32 $0x0;
	s30 =	sadd.s32 s4, s29  }
0x1a: {  	[tilespmem:s31], [sflag:$0x3] =	stream.linear.gather [hbm4b:s30+s31], $0x80, $0x38;
	[tilespmem:$0x1DB00] =	vst v63  }
0x1b: {  	_ =	swait.ge [sflag:s14], $0x80  }
0x1c: {  	[sflag:s14] =	ssyncset.done $0x0  }
0x1d: {  	s29 =	sadd.s32 s5, s29;
	[sflag:s14] =	ssyncadd.s32 $0xFFFFFF80  }
0x1e: {  	[tilespmem:s15], [sflag:$0x3] =	stream.linear.gather [hbm4b:s29+s31], $0x80, $0x38;
	[tilespmem:$0x1DB00] =	vst v63  }
0x1f: {  	_ =	swait.ge [sflag:s14], $0x80  }
0x20: {  	s29 =	sshll.u32 s28, $0x1;
	[sflag:s14] =	ssyncset.done $0x0  }
0x21: {  	s29 =	sadd.s32 s6, s29;
	[sflag:s14] =	ssyncadd.s32 $0xFFFFFF80  }
0x22: {  	[tilespmem:s16], [sflag:$0x3] =	stream.linear.gather [hbm4b:s29+s31], $0x800, $0x38;
	[tilespmem:$0x1DB00] =	vst v63  }
0x23: {  	_ =	swait.ge [sflag:s14], $0x800  }
0x24: {  	s28 =	sor.u32 $0x80, s28;
	[sflag:s14] =	ssyncset.done $0x0  }
0x25: {  	s29 =	sshrl.u32 s28, $0x3;
	[sflag:s14] =	ssyncadd.s32 $0xFFFFF800  }
0x26: {  	[tilespmem:s18], [sflag:$0x1] =	stream.indirect.gather [hbm4b:s7+s17], $0x40, s31, s17, $0xb8;
	[tilespmem:$0x1DB00] =	vst v63  }
0x27: {  	s30 =	sadd.s32 s4, s29  }
0x28: {  	[tilespmem:s17], [sflag:$0x3] =	stream.linear.gather [hbm4b:s30+s31], $0x80, $0x38;
	[tilespmem:$0x1DB00] =	vst v63  }
0x29: {  	_ =	swait.ge [sflag:s14], $0x80  }
0x2a: {  	[sflag:s14] =	ssyncset.done $0x0  }
0x2b: {  	s29 =	sadd.s32 s5, s29;
	[sflag:s14] =	ssyncadd.s32 $0xFFFFFF80  }
0x2c: {  	[tilespmem:s19], [sflag:$0x3] =	stream.linear.gather [hbm4b:s29+s31], $0x80, $0x38;
	[tilespmem:$0x1DB00] =	vst v63  }
0x2d: {  	_ =	swait.ge [sflag:s14], $0x80  }
0x2e: {  	s28 =	sshll.u32 s28, $0x1;
	[sflag:s14] =	ssyncset.done $0x0  }
0x2f: {  	s28 =	sadd.s32 s6, s28;
	[sflag:s14] =	ssyncadd.s32 $0xFFFFFF80  }
0x30: {  	[tilespmem:s20], [sflag:$0x3] =	stream.linear.gather [hbm4b:s28+s31], $0x800, $0x38;
	[tilespmem:$0x1DB00] =	vst v63  }
0x31: {  	_ =	swait.ge [sflag:s14], $0x800  }
0x32: {  	[sflag:s14] =	ssyncset.done $0x0  }
0x33: {  	[sflag:s14] =	ssyncadd.s32 $0xFFFFF800  }
0x34: {  	[tilespmem:s21], [sflag:$0x2] =	stream.indirect.gather [hbm4b:s7+s17], $0x40, s17, s17, $0xb8;
	[tilespmem:$0x1DB00] =	vst v63  }
0x35: {  	v1 =	vld [tilespmem:$0x100]  }
0x36: {  	v2 =	vld [tilespmem:$0x110]  }
0x37: {  	v3 =	vld [tilespmem:$0x120]  }
0x38: {  	v4 =	vld [tilespmem:$0x130]  }
0x39: {  	v5 =	vld [tilespmem:$0x140]  }
0x3a: {  	v6 =	vld [tilespmem:$0x150];
	v1 =	vsub.s32 v1, v0  }
0x3b: {  	v7 =	vld [tilespmem:$0x160];
	v2 =	vsub.s32 v2, v0;
	v1 =	vmin.u32 v1, $0x61A8  }
0x3c: {  	[tilespmem:$0x200] =	vst v1;
	v1 =	vmin.u32 v2, $0x61A8;
	v2 =	vsub.s32 v3, v0;
	v3 =	vld [tilespmem:$0x170]  }
0x3d: {  	[tilespmem:$0x210] =	vst v1;
	v1 =	vmin.u32 v2, $0x61A8;
	v2 =	vsub.s32 v4, v0;
	v4 =	vld [tilespmem:$0x180]  }
0x3e: {  	[tilespmem:$0x220] =	vst v1;
	v1 =	vmin.u32 v2, $0x61A8;
	v2 =	vsub.s32 v5, v0;
	v5 =	vld [tilespmem:$0x190]  }
0x3f: {  	v60 =	vld [tilespmem:$0x1A0];
	[tilespmem:$0x230] =	vst v1;
	v1 =	vmin.u32 v2, $0x61A8;
	v2 =	vsub.s32 v6, v0  }
0x40: {  	v61 =	vld [tilespmem:$0x1B0];
	[tilespmem:$0x240] =	vst v1;
	v1 =	vmin.u32 v2, $0x61A8;
	v2 =	vsub.s32 v7, v0  }
0x41: {  	[tilespmem:$0x250] =	vst v1;
	v1 =	vmin.u32 v2, $0x61A8;
	v2 =	vsub.s32 v3, v0;
	v3 =	vld [tilespmem:$0x1C0]  }
0x42: {  	[tilespmem:$0x260] =	vst v1;
	v1 =	vmin.u32 v2, $0x61A8;
	v2 =	vsub.s32 v4, v0;
	v4 =	vld [tilespmem:$0x1D0]  }
0x43: {  	[tilespmem:$0x270] =	vst v1;
	v1 =	vmin.u32 v2, $0x61A8;
	v2 =	vsub.s32 v5, v0;
	v5 =	vld [tilespmem:$0x1E0]  }
0x44: {  	v62 =	vld [tilespmem:$0x1F0];
	[tilespmem:$0x280] =	vst v1;
	v1 =	vmin.u32 v2, $0x61A8;
	v2 =	vsub.s32 v60, v0  }
0x45: {  	[tilespmem:$0x290] =	vst v1;
	v1 =	vmin.u32 v2, $0x61A8;
	v2 =	vsub.s32 v61, v0  }
0x46: {  	[tilespmem:$0x2A0] =	vst v1;
	v1 =	vmin.u32 v2, $0x61A8;
	v2 =	vsub.s32 v3, v0  }
0x47: {  	[tilespmem:$0x2B0] =	vst v1;
	v1 =	vmin.u32 v2, $0x61A8;
	v2 =	vsub.s32 v4, v0  }
0x48: {  	[tilespmem:$0x2C0] =	vst v1;
	v1 =	vmin.u32 v2, $0x61A8;
	v2 =	vsub.s32 v5, v0  }
0x49: {  	[tilespmem:$0x2D0] =	vst v1;
	v1 =	vmin.u32 v2, $0x61A8;
	v2 =	vsub.s32 v62, v0  }
0x4a: {  	[tilespmem:$0x2E0] =	vst v1;
	v1 =	vmin.u32 v2, $0x61A8  }
0x4b: {  	[tilespmem:$0x2F0] =	vst v1  }
0x4c: {  	_ =	swait.ge [sflag:s22], $0x2000  }
0x4d: {  	[sflag:s22] =	ssyncset.done $0x0  }
0x4e: {  	s28 =	simm.s32 $0x1380;
	[sflag:s22] =	ssyncadd.s32 $0xFFFFE000  }
0x4f: {  	s29 =	simm.s32 $0x0;
	v1 =	vld [tilespmem:s28+$0xFFFFFFB0]  }
0x50: {  	v2 =	vld [tilespmem:s29+$0x300]  }
0x51: {  	v3 =	vld [tilespmem:s28+$0xFFFFFF80]  }
0x52: {  	v4 =	vld [tilespmem:s28+$0xFFFFFF90]  }
0x53: {  	v5 =	vld [tilespmem:s28+$0xFFFFFFA0];
	_ =	sdelay $0x1  }
0x54: {  	v1 =	vmul.f32 v1, v2  }
0x55: {  	v3 =	vmul.f32 v3, v2  }
0x56: {  	v4 =	vmul.f32 v4, v2;
	[tilespmem:s28+$0xFFFFFFB0] =	vst v1  }
0x57: {  	v1 =	vmul.f32 v5, v2;
	[tilespmem:s28+$0xFFFFFF80] =	vst v3  }
0x58: {  	[tilespmem:s28+$0xFFFFFF90] =	vst v4  }
0x59: {  	[tilespmem:s28+$0xFFFFFFA0] =	vst v1;
	v1 =	vld [tilespmem:s28+$0xFFFFFFC0]  }
0x5a: {  	v3 =	vld [tilespmem:s29+$0x310]  }
0x5b: {  	v2 =	vld [tilespmem:s28+$0xFFFFFFD0]  }
0x5c: {  	v4 =	vld [tilespmem:s28+$0xFFFFFFF0]  }
0x5d: {  	v5 =	vld [tilespmem:s28+$0xFFFFFFE0];
	_ =	sdelay $0x1  }
0x5e: {  	v1 =	vmul.f32 v1, v3  }
0x5f: {  	v2 =	vmul.f32 v2, v3  }
0x60: {  	v4 =	vmul.f32 v4, v3;
	[tilespmem:s28+$0xFFFFFFC0] =	vst v1  }
0x61: {  	[tilespmem:s28+$0xFFFFFFD0] =	vst v2;
	v1 =	vmul.f32 v5, v3  }
0x62: {  	[tilespmem:s28+$0xFFFFFFF0] =	vst v4  }
0x63: {  	v2 =	vld [tilespmem:s28+$0x0];
	[tilespmem:s28+$0xFFFFFFE0] =	vst v1  }
0x64: {  	v1 =	vld [tilespmem:s29+$0x320]  }
0x65: {  	v3 =	vld [tilespmem:s28+$0x30]  }
0x66: {  	v4 =	vld [tilespmem:s28+$0x10]  }
0x67: {  	v5 =	vld [tilespmem:s28+$0x20];
	_ =	sdelay $0x1  }
0x68: {  	v2 =	vmul.f32 v2, v1  }
0x69: {  	v63 =	vmul.f32 v3, v1  }
0x6a: {  	[tilespmem:s28+$0x0] =	vst v2  }
0x6b: {  	s30 =	simm.s32 $0x100;
	s31 =	simm.s32 $0x1380;
	v3 =	vmul.f32 v4, v1;
	v2 =	vmul.f32 v5, v1;
	[tilespmem:s28+$0x30] =	vst v63;
	v1 =	vld [tilespmem:s28+$0x70]  }
.LBB2_3:
0x6c: {  	p0 =	sne.s32 s30, $0x1F00  }
0x6d: {  	[tilespmem:s28+$0x10] =	vst v3;
	v3 =	vld [tilespmem:s28+$0x40];
	s31 =	sadd.s32 $0x100, s31;
	s0 =	smov.u32 s30;
	s30 =	sadd.s32 $0x100, s30  }
0x6e: {  	[tilespmem:s28+$0x20] =	vst v2;
	v2 =	vld [tilespmem:s28+$0x50]  }
0x6f: {  	v4 =	vld [tilespmem:s29+$0x330]  }
0x70: {  	v5 =	vld [tilespmem:s28+$0x60];
	_ =	sdelay $0x3  }
0x71: {  	v3 =	vmul.f32 v3, v4;
	v2 =	vmul.f32 v2, v4  }
0x72: {  	v1 =	vmul.f32 v1, v4;
	v5 =	vmul.f32 v5, v4  }
0x73: {  	[tilespmem:s28+$0x40] =	vst v3  }
0x74: {  	v3 =	vld [tilespmem:s31+$0xFFFFFFA0];
	[tilespmem:s28+$0x70] =	vst v1  }
0x75: {  	v1 =	vld [tilespmem:s31+$0xFFFFFFB0];
	[tilespmem:s28+$0x50] =	vst v2  }
0x76: {  	s29 =	sshra.s32 s0, $0x2;
	v2 =	vld [tilespmem:s31+$0xFFFFFF80];
	[tilespmem:s28+$0x60] =	vst v5;
	s28 =	smov.u32 s31  }
0x77: {  	v4 =	vld [tilespmem:s29+$0x300]  }
0x78: {  	v5 =	vld [tilespmem:s31+$0xFFFFFF90];
	_ =	sdelay $0x3  }
0x79: {  	v2 =	vmul.f32 v2, v4;
	v1 =	vmul.f32 v1, v4  }
0x7a: {  	v3 =	vmul.f32 v3, v4;
	v5 =	vmul.f32 v5, v4  }
0x7b: {  	[tilespmem:s31+$0xFFFFFFB0] =	vst v1  }
0x7c: {  	[tilespmem:s31+$0xFFFFFF80] =	vst v2;
	v1 =	vld [tilespmem:s31+$0xFFFFFFF0]  }
0x7d: {  	[tilespmem:s31+$0xFFFFFF90] =	vst v5;
	v2 =	vld [tilespmem:s31+$0xFFFFFFD0]  }
0x7e: {  	[tilespmem:s31+$0xFFFFFFA0] =	vst v3;
	v3 =	vld [tilespmem:s31+$0xFFFFFFC0]  }
0x7f: {  	v4 =	vld [tilespmem:s29+$0x310]  }
0x80: {  	v5 =	vld [tilespmem:s31+$0xFFFFFFE0];
	_ =	sdelay $0x3  }
0x81: {  	v3 =	vmul.f32 v3, v4;
	v2 =	vmul.f32 v2, v4  }
0x82: {  	v1 =	vmul.f32 v1, v4;
	v5 =	vmul.f32 v5, v4  }
0x83: {  	[tilespmem:s31+$0xFFFFFFC0] =	vst v3  }
0x84: {  	[tilespmem:s31+$0xFFFFFFD0] =	vst v2;
	v4 =	vld [tilespmem:s31+$0x30]  }
0x85: {  	[tilespmem:s31+$0xFFFFFFF0] =	vst v1;
	v1 =	vld [tilespmem:s31+$0x0]  }
0x86: {  	[tilespmem:s31+$0xFFFFFFE0] =	vst v5;
	v2 =	vld [tilespmem:s31+$0x10]  }
0x87: {  	v5 =	vld [tilespmem:s29+$0x320]  }
0x88: {  	v6 =	vld [tilespmem:s31+$0x20];
	_ =	sdelay $0x2  }
.Ltmp0:
0x89: {  	(pc) =	sbr.rel @p0 .LBB2_3-.Ltmp0, $4  }
0x8a: {  	v1 =	vmul.f32 v1, v5;
	v3 =	vmul.f32 v2, v5  }
0x8b: {  	v4 =	vmul.f32 v4, v5;
	v2 =	vmul.f32 v6, v5  }
0x8c: {  	[tilespmem:s31+$0x0] =	vst v1  }
0x8d: {  	[tilespmem:s31+$0x30] =	vst v4;
	v1 =	vld [tilespmem:s31+$0x70]  }
0x8e: {  	[tilespmem:s28+$0x10] =	vst v3  }
0x8f: {  	v3 =	vld [tilespmem:s28+$0x40];
	[tilespmem:s28+$0x20] =	vst v2  }
0x90: {  	v2 =	vld [tilespmem:s29+$0x330];
	_ =	sdelay $0x1  }
0x91: {  	v4 =	vld [tilespmem:s28+$0x50]  }
0x92: {  	v5 =	vld [tilespmem:s28+$0x60];
	_ =	sdelay $0x1  }
0x93: {  	v3 =	vmul.f32 v3, v2  }
0x94: {  	v1 =	vmul.f32 v1, v2  }
0x95: {  	v4 =	vmul.f32 v4, v2;
	[tilespmem:s28+$0x40] =	vst v3  }
0x96: {  	v2 =	vmul.f32 v5, v2;
	[tilespmem:s28+$0x70] =	vst v1  }
0x97: {  	[tilespmem:s28+$0x50] =	vst v4  }
0x98: {  	[tilespmem:s28+$0x60] =	vst v2  }
0x99: {  	[spmem:s1] =	stream.indirect.scatter.add.f32 [tilespmem:s18], [sflag:$0x3], $0x40, s23, s17, $0xb8;
	[tilespmem:$0x1DB00] =	vst v63  }
0x9a: {  	_ =	swait.ge [sflag:s14], $0x2000  }
0x9b: {  	[sflag:s14] =	ssyncset.done $0x0  }
0x9c: {  	[sflag:s14] =	ssyncadd.s32 $0xFFFFE000  }
0x9d: {  	_ =	swait.ge [sflag:s24], $0x2000  }
0x9e: {  	[sflag:s24] =	ssyncset.done $0x0  }
0x9f: {  	s28 =	simm.s32 $0x3380;
	[sflag:s24] =	ssyncadd.s32 $0xFFFFE000  }
0xa0: {  	s29 =	simm.s32 $0x0;
	v1 =	vld [tilespmem:s28+$0xFFFFFFB0]  }
0xa1: {  	v2 =	vld [tilespmem:s29+$0xB00]  }
0xa2: {  	v3 =	vld [tilespmem:s28+$0xFFFFFF80]  }
0xa3: {  	v4 =	vld [tilespmem:s28+$0xFFFFFF90]  }
0xa4: {  	v5 =	vld [tilespmem:s28+$0xFFFFFFA0];
	_ =	sdelay $0x1  }
0xa5: {  	v1 =	vmul.f32 v1, v2  }
0xa6: {  	v3 =	vmul.f32 v3, v2  }
0xa7: {  	v4 =	vmul.f32 v4, v2;
	[tilespmem:s28+$0xFFFFFFB0] =	vst v1  }
0xa8: {  	v1 =	vmul.f32 v5, v2;
	[tilespmem:s28+$0xFFFFFF80] =	vst v3  }
0xa9: {  	[tilespmem:s28+$0xFFFFFF90] =	vst v4  }
0xaa: {  	[tilespmem:s28+$0xFFFFFFA0] =	vst v1;
	v1 =	vld [tilespmem:s28+$0xFFFFFFC0]  }
0xab: {  	v3 =	vld [tilespmem:s29+$0xB10]  }
0xac: {  	v2 =	vld [tilespmem:s28+$0xFFFFFFD0]  }
0xad: {  	v4 =	vld [tilespmem:s28+$0xFFFFFFF0]  }
0xae: {  	v5 =	vld [tilespmem:s28+$0xFFFFFFE0];
	_ =	sdelay $0x1  }
0xaf: {  	v1 =	vmul.f32 v1, v3  }
0xb0: {  	v2 =	vmul.f32 v2, v3  }
0xb1: {  	v4 =	vmul.f32 v4, v3;
	[tilespmem:s28+$0xFFFFFFC0] =	vst v1  }
0xb2: {  	[tilespmem:s28+$0xFFFFFFD0] =	vst v2;
	v1 =	vmul.f32 v5, v3  }
0xb3: {  	[tilespmem:s28+$0xFFFFFFF0] =	vst v4  }
0xb4: {  	v2 =	vld [tilespmem:s28+$0x0];
	[tilespmem:s28+$0xFFFFFFE0] =	vst v1  }
0xb5: {  	v1 =	vld [tilespmem:s29+$0xB20]  }
0xb6: {  	v3 =	vld [tilespmem:s28+$0x30]  }
0xb7: {  	v4 =	vld [tilespmem:s28+$0x10]  }
0xb8: {  	v5 =	vld [tilespmem:s28+$0x20];
	_ =	sdelay $0x1  }
0xb9: {  	v2 =	vmul.f32 v2, v1  }
0xba: {  	v6 =	vmul.f32 v3, v1  }
0xbb: {  	[tilespmem:s28+$0x0] =	vst v2  }
0xbc: {  	s30 =	simm.s32 $0x100;
	s31 =	simm.s32 $0x3380;
	v3 =	vmul.f32 v4, v1;
	v2 =	vmul.f32 v5, v1;
	[tilespmem:s28+$0x30] =	vst v6;
	v1 =	vld [tilespmem:s28+$0x70]  }
.LBB2_5:
0xbd: {  	p0 =	sne.s32 s30, $0x1F00  }
0xbe: {  	[tilespmem:s28+$0x10] =	vst v3;
	v3 =	vld [tilespmem:s28+$0x40];
	s31 =	sadd.s32 $0x100, s31;
	s0 =	smov.u32 s30;
	s30 =	sadd.s32 $0x100, s30  }
0xbf: {  	[tilespmem:s28+$0x20] =	vst v2;
	v2 =	vld [tilespmem:s28+$0x50]  }
0xc0: {  	v4 =	vld [tilespmem:s29+$0xB30]  }
0xc1: {  	v5 =	vld [tilespmem:s28+$0x60];
	_ =	sdelay $0x3  }
0xc2: {  	v3 =	vmul.f32 v3, v4;
	v2 =	vmul.f32 v2, v4  }
0xc3: {  	v1 =	vmul.f32 v1, v4;
	v5 =	vmul.f32 v5, v4  }
0xc4: {  	[tilespmem:s28+$0x40] =	vst v3  }
0xc5: {  	v3 =	vld [tilespmem:s31+$0xFFFFFFA0];
	[tilespmem:s28+$0x70] =	vst v1  }
0xc6: {  	v1 =	vld [tilespmem:s31+$0xFFFFFFB0];
	[tilespmem:s28+$0x50] =	vst v2  }
0xc7: {  	s29 =	sshra.s32 s0, $0x2;
	v2 =	vld [tilespmem:s31+$0xFFFFFF80];
	[tilespmem:s28+$0x60] =	vst v5;
	s28 =	smov.u32 s31  }
0xc8: {  	v4 =	vld [tilespmem:s29+$0xB00]  }
0xc9: {  	v5 =	vld [tilespmem:s31+$0xFFFFFF90];
	_ =	sdelay $0x3  }
0xca: {  	v2 =	vmul.f32 v2, v4;
	v1 =	vmul.f32 v1, v4  }
0xcb: {  	v3 =	vmul.f32 v3, v4;
	v5 =	vmul.f32 v5, v4  }
0xcc: {  	[tilespmem:s31+$0xFFFFFFB0] =	vst v1  }
0xcd: {  	[tilespmem:s31+$0xFFFFFF80] =	vst v2;
	v1 =	vld [tilespmem:s31+$0xFFFFFFF0]  }
0xce: {  	[tilespmem:s31+$0xFFFFFF90] =	vst v5;
	v2 =	vld [tilespmem:s31+$0xFFFFFFD0]  }
0xcf: {  	[tilespmem:s31+$0xFFFFFFA0] =	vst v3;
	v3 =	vld [tilespmem:s31+$0xFFFFFFC0]  }
0xd0: {  	v4 =	vld [tilespmem:s29+$0xB10]  }
0xd1: {  	v5 =	vld [tilespmem:s31+$0xFFFFFFE0];
	_ =	sdelay $0x3  }
0xd2: {  	v3 =	vmul.f32 v3, v4;
	v2 =	vmul.f32 v2, v4  }
0xd3: {  	v1 =	vmul.f32 v1, v4;
	v5 =	vmul.f32 v5, v4  }
0xd4: {  	[tilespmem:s31+$0xFFFFFFC0] =	vst v3  }
0xd5: {  	[tilespmem:s31+$0xFFFFFFD0] =	vst v2;
	v4 =	vld [tilespmem:s31+$0x30]  }
0xd6: {  	[tilespmem:s31+$0xFFFFFFF0] =	vst v1;
	v1 =	vld [tilespmem:s31+$0x0]  }
0xd7: {  	[tilespmem:s31+$0xFFFFFFE0] =	vst v5;
	v2 =	vld [tilespmem:s31+$0x10]  }
0xd8: {  	v5 =	vld [tilespmem:s29+$0xB20]  }
0xd9: {  	v6 =	vld [tilespmem:s31+$0x20];
	_ =	sdelay $0x2  }
.Ltmp1:
0xda: {  	(pc) =	sbr.rel @p0 .LBB2_5-.Ltmp1, $4  }
0xdb: {  	v1 =	vmul.f32 v1, v5;
	v3 =	vmul.f32 v2, v5  }
0xdc: {  	v4 =	vmul.f32 v4, v5;
	v2 =	vmul.f32 v6, v5  }
0xdd: {  	[tilespmem:s31+$0x0] =	vst v1  }
0xde: {  	[tilespmem:s31+$0x30] =	vst v4;
	v1 =	vld [tilespmem:s31+$0x70]  }
0xdf: {  	[tilespmem:s28+$0x10] =	vst v3  }
0xe0: {  	v3 =	vld [tilespmem:s28+$0x40];
	[tilespmem:s28+$0x20] =	vst v2  }
0xe1: {  	v2 =	vld [tilespmem:s29+$0xB30];
	_ =	sdelay $0x1  }
0xe2: {  	v4 =	vld [tilespmem:s28+$0x50]  }
0xe3: {  	v5 =	vld [tilespmem:s28+$0x60];
	_ =	sdelay $0x1  }
0xe4: {  	v3 =	vmul.f32 v3, v2  }
0xe5: {  	v1 =	vmul.f32 v1, v2  }
0xe6: {  	v4 =	vmul.f32 v4, v2;
	[tilespmem:s28+$0x40] =	vst v3  }
0xe7: {  	s26 =	sadd.s32 $0x1, s26;
	v2 =	vmul.f32 v5, v2;
	[tilespmem:s28+$0x70] =	vst v1  }
0xe8: {  	p0 =	sne.s32 s26, $0xC4;
	[tilespmem:s28+$0x50] =	vst v4  }
.Ltmp2:
0xe9: {  	[tilespmem:s28+$0x60] =	vst v2;
	(pc) =	sbr.rel @p0 .LBB2_2-.Ltmp2, $4  }
0xea: {  	[spmem:s1] =	stream.indirect.scatter.add.f32 [tilespmem:s21], [sflag:$0x3], $0x40, s25, s17, $0xb8;
	[tilespmem:$0x1DB00] =	vst v63  }
0xeb: {  	_ =	swait.ge [sflag:s14], $0x2000  }
0xec: {  	[sflag:s14] =	ssyncset.done $0x0  }
0xed: {  	[sflag:s14] =	ssyncadd.s32 $0xFFFFE000  }
0xee: {  	s3 =	sadd.s32 $0x1, s3  }
0xef: {  	p0 =	sne.s32 s3, s12  }
.Ltmp3:
0xf0: {  	[bflag:$0x0] =	sbarrier.arrive $0xFFFF;
	(pc) =	sbr.rel @p0 .LBB2_1-.Ltmp3, $4  }
0xf1: {  	[hbm:s11], [sflag:s9] =	dma.local [spmem:s13], $0x3100  }
0xf2: {  	_ =	swait.ge [sflag:s14], $0x3100  }
0xf3: {  	[sflag:s14] =	ssyncset.done $0x0  }
0xf4: {  	[sflag:s14] =	ssyncadd.s32 $0xFFFFCF00  }
0xf5: {  	_ =	sfence.sel $0x180000  }
0xf6: {  	[bflag:$0x0] =	sbarrier.arrive $0xFFFF  }
0xf7: {  	_ =	strace $0x90000047  }
0xf8: {  	[bflag:$0x2] =	sbarrier.arrive $0xFFFF  }
0xf9: {  	p0 =	sne.s32 s2, $0x0;
	s0 =	rddreg [dreg:$0x3]  }
0xfa: {  	s0 =	sadd.s32 @!p0 $0x100000, s0  }
0xfb: {  	[sflag:s0] =	ssyncadd.tile.s32 @!p0 $0x1;
	_ =	shalt  }
.Lfunc_end2:
_tile_overlayer_lowered:
.L_overlay_start_2:
0xfc: {  	(tag) =	ssettag $0x2  }
0xfd: {  	s0 =	rddreg [dreg:$0x0];
	s2 =	stileid.u32  }
0xfe: {  	s1 =	rddreg [dreg:$0x1];
	p0 =	sne.s32 s2, $0x0  }
0xff: {  	s3 =	rddreg [dreg:$0x2];
	[bflag:$0x3] =	sbarrier.arrive $0xFFFF;
	s2 =	simm.s32 @!p0 $0x1C03  }
0x100: {  	[timem:s3], [sflag:s2] =	dma.local @!p0 [hbm:s0], s1  }
0x101: {  	s0 =	simm.s32 @!p0 $0x3  }
0x102: {  	_ =	swait.ge @!p0 [sflag:s0], s1  }
0x103: {  	s1 =	ssub.s32 @!p0 $0x0, s1;
	[sflag:s0] =	ssyncset.done @!p0 $0x0  }
0x104: {  	[sflag:s0] =	ssyncadd.s32 @!p0 s1  }
0x105: {  	[bflag:$0x3] =	sbarrier.arrive $0xFFFF  }
0x106: {  	_ =	shalt  }

// kernel: kernel.13.cloned.1.call-start
scs
__scs_entry_jumppad:
0x0: {  	(pc) =	sbr.rel $0x88, $3  }
0x1: {  	(tag) =	ssettag $0x0;
	lr =	simm.s32 $0x1  }
0x2: {  	[smem:$0x3F99] =	sst lr;
	_ =	strace $0xD0000000  }
0x3: {  	_ = 	snop  }
0x4: {  	_ = 	snop  }
0x5: {  	_ = 	snop  }
0x6: {  	_ = 	snop  }
0x7: {  	_ = 	snop  }
__scs_overlays_trampoline_lowered:
0x8: {  	[smem:$0x3FA8] =	sst s0  }
0x9: {  	[smem:$0x3FA9] =	sst s1  }
0xa: {  	[smem:$0x3FAA] =	sst s2  }
0xb: {  	[smem:$0x3FAB] =	sst s3  }
0xc: {  	[smem:$0x3FAC] =	sst s4  }
0xd: {  	[smem:$0x3FAD] =	sst s5  }
0xe: {  	[smem:$0x3FAE] =	sst s6  }
0xf: {  	[smem:$0x3FAF] =	sst s7  }
0x10: {  	[smem:$0x3FB0] =	sst s8  }
0x11: {  	[smem:$0x3FB1] =	sst s9;
	s0 =	simm.s32 @!p0 $0x0  }
0x12: {  	s1 =	sld [smem:$0x3F97];
	s0 =	simm.s32 @p0 $0x1  }
0x13: {  	[smem:$0x3FB2] =	sst s0;
	s0 =	simm.s32 @!p1 $0x0  }
0x14: {  	s2 =	sld [smem:$0x3F96];
	s0 =	simm.s32 @p1 $0x1  }
0x15: {  	[smem:$0x3FB3] =	sst s0;
	s0 =	simm.s32 @!p2 $0x0  }
0x16: {  	s3 =	sld [smem:$0x3FDB];
	s0 =	simm.s32 @p2 $0x1  }
0x17: {  	s4 =	simm.s32 $0x1BF5;
	[smem:$0x3FB5] =	sst s0  }
0x18: {  	s0 =	sld [smem:$0x3F98];
	_ =	swait.ge [sflag:s4], $0x0  }
0x19: {  	s7 =	sld [smem:$0x3F99]  }
0x1a: {  	s8 =	sadd.s32 $0xFFFFE003, lr  }
0x1b: {  	s9 =	sadd.s32 $0xFFFFFEF7, lr;
	s5 =	simm.s32 $0xFFFFFFFF;
	p2 =	slt.u32 s8, $0xFFFFF086  }
0x1c: {  	p1 =	slt.u32 s9, $0xF7A;
	s5 =	simm.s32 @!p2 $0x0  }
0x1d: {  	s5 =	simm.s32 @p1 $0x1;
	p0 =	seq.s32 s7, s2  }
0x1e: {  	s7 =	smul.u32 @!p0 $0xF7A, s2;
	p2 =	seq.s32 @!p0 s5, $0x0  }
0x1f: {  	s9 =	smul.u32 $0xF7A, s1;
	s8 =	simm.s32 @!p0 $0x1BF5;
	p2 =	por !p2, p0  }
0x20: {  	[sflag:s8] =	ssyncset.s32 @!p0 $0xFFFFF086;
	s6 =	sadd.s32 @!p0 s3, s7;
	s7 =	simm.s32 @!p0 $0x108  }
0x21: {  	s3 =	sadd.s32 s3, s9;
	s6 =	sadd.s32 @!p0 $0x88, s6;
	s7 =	simm.s32 @p2 $0x1082  }
0x22: {  	[simem:s7], [sflag:s8] =	dma.local @!p0 [hbm:s6], $0xF7A  }
0x23: {  	s9 =	sor.u32 $0xD0000000, s2;
	s6 =	simm.s32 $0x108;
	_ =	swait.ge @!p0 [sflag:s8], $0x0  }
0x24: {  	s3 =	sadd.s32 $0x88, s3;
	s6 =	simm.s32 @!p1 $0x1082;
	[sflag:s4] =	ssyncset.s32 $0xFFFFF086  }
0x25: {  	[simem:s6], [sflag:s4] =	dma.local [hbm:s3], $0xF7A  }
0x26: {  	[smem:$0x3F99] =	sst s1;
	(tag) =	ssettag s2;
	_ =	strace s9  }
0x27: {  	s1 =	sld [smem:$0x3FA9]  }
0x28: {  	s2 =	sld [smem:$0x3FAA]  }
0x29: {  	s4 =	sld [smem:$0x3FAC]  }
0x2a: {  	p0 =	seq.s32 s5, $0x0;
	s5 =	sld [smem:$0x3FAD]  }
0x2b: {  	s6 =	sld [smem:$0x3FAE]  }
0x2c: {  	s7 =	sld [smem:$0x3FAF]  }
0x2d: {  	s3 =	simm.s32 $0x108;
	s8 =	sld [smem:$0x3FB0]  }
0x2e: {  	s3 =	simm.s32 @!p0 $0x1082;
	s9 =	sld [smem:$0x3FB1]  }
0x2f: {  	lr =	sadd.s32 s0, s3;
	s0 =	sld [smem:$0x3FA8]  }
0x30: {  	s3 =	sld [smem:$0x3FAB]  }
0x31: {  	[smem:$0x3FB4] =	sst s10  }
0x32: {  	s10 =	sld [smem:$0x3FB2];
	_ =	sdelay $0x3  }
0x33: {  	p0 =	seq.s32 s10, $0x1;
	s10 =	sld [smem:$0x3FB4];
	_ =	sdelay $0x3  }
0x34: {  	[smem:$0x3FB4] =	sst s10  }
0x35: {  	s10 =	sld [smem:$0x3FB3];
	_ =	sdelay $0x3  }
0x36: {  	p1 =	seq.s32 s10, $0x1;
	s10 =	sld [smem:$0x3FB4];
	_ =	sdelay $0x3  }
0x37: {  	[smem:$0x3FB4] =	sst s10  }
0x38: {  	s10 =	sld [smem:$0x3FB5]  }
0x39: {  	_ = 	snop;
	(pc) =	sbr.ind lr, $3  }
0x3a: {  	_ = 	snop  }
0x3b: {  	_ = 	snop  }
0x3c: {  	p2 =	seq.s32 s10, $0x1;
	s10 =	sld [smem:$0x3FB4]  }
0x3d: {  	_ =	shalt  }
0x3e: {  	_ =	shalt  }
0x3f: {  	_ =	shalt  }
0x40: {  	_ =	shalt  }
0x41: {  	_ =	shalt  }
0x42: {  	_ =	shalt  }
0x43: {  	_ =	shalt  }
0x44: {  	_ =	shalt  }
0x45: {  	_ =	shalt  }
0x46: {  	_ =	shalt  }
0x47: {  	_ =	shalt  }
0x48: {  	_ =	shalt  }
0x49: {  	_ =	shalt  }
0x4a: {  	_ =	shalt  }
0x4b: {  	_ =	shalt  }
0x4c: {  	_ =	shalt  }
0x4d: {  	_ =	shalt  }
0x4e: {  	_ =	shalt  }
0x4f: {  	_ =	shalt  }
0x50: {  	_ =	shalt  }
0x51: {  	_ =	shalt  }
0x52: {  	_ =	shalt  }
0x53: {  	_ =	shalt  }
0x54: {  	_ =	shalt  }
0x55: {  	_ =	shalt  }
0x56: {  	_ =	shalt  }
0x57: {  	_ =	shalt  }
0x58: {  	_ =	shalt  }
0x59: {  	_ =	shalt  }
0x5a: {  	_ =	shalt  }
0x5b: {  	_ =	shalt  }
0x5c: {  	_ =	shalt  }
0x5d: {  	_ =	shalt  }
0x5e: {  	_ =	shalt  }
0x5f: {  	_ =	shalt  }
0x60: {  	_ =	shalt  }
0x61: {  	_ =	shalt  }
0x62: {  	_ =	shalt  }
0x63: {  	_ =	shalt  }
0x64: {  	_ =	shalt  }
0x65: {  	_ =	shalt  }
0x66: {  	_ =	shalt  }
0x67: {  	_ =	shalt  }
0x68: {  	_ =	shalt  }
0x69: {  	_ =	shalt  }
0x6a: {  	_ =	shalt  }
0x6b: {  	_ =	shalt  }
0x6c: {  	_ =	shalt  }
0x6d: {  	_ =	shalt  }
0x6e: {  	_ =	shalt  }
0x6f: {  	_ =	shalt  }
0x70: {  	_ =	shalt  }
0x71: {  	_ =	shalt  }
0x72: {  	_ =	shalt  }
0x73: {  	_ =	shalt  }
0x74: {  	_ =	shalt  }
0x75: {  	_ =	shalt  }
0x76: {  	_ =	shalt  }
0x77: {  	_ =	shalt  }
0x78: {  	_ =	shalt  }
0x79: {  	_ =	shalt  }
0x7a: {  	_ =	shalt  }
0x7b: {  	_ =	shalt  }
0x7c: {  	_ =	shalt  }
0x7d: {  	_ =	shalt  }
0x7e: {  	_ =	shalt  }
0x7f: {  	_ =	shalt  }
0x80: {  	_ =	shalt  }
0x81: {  	_ =	shalt  }
0x82: {  	_ =	shalt  }
0x83: {  	_ =	shalt  }
0x84: {  	_ =	shalt  }
0x85: {  	_ =	shalt  }
0x86: {  	_ =	shalt  }
0x87: {  	_ =	shalt  }
.Lfunc_end0:
.L_simem_size_0:
called_computation.1_lowered:
.L_overlay_start_0:
0x88: {  	s2 =	sld [smem:$0x3FD9]  }
0x89: {  	s3 =	sld [smem:$0x3FFE];
	_ =	sdelay $0x1  }
0x8a: {  	s1 =	srdreg.scid  }
0x8b: {  	s0 =	sand.u32 $0x1, s1  }
0x8c: {  	s15 =	sshll.u32 s0, $0xA;
	s2 =	sadd.s32 s3, s2  }
0x8d: {  	s2 =	sadd.s32 s2, s15  }
0x8e: {  	[smem:$0x3FC0] =	sst s2  }
0x8f: {  	_ = 	snop  }
0x90: {  	s2 =	sld [smem:$0x3FD0];
	_ =	sdelay $0x2  }
0x91: {  	s16 =	simm.s32 $0xB;
	s4 =	simm.s32 $0x10  }
0x92: {  	[smem:s4], [sflag:s16] =	dma.local [hbm:s2], $0x1  }
0x93: {  	_ =	swait.eq [sflag:s16], $0x1  }
0x94: {  	[sflag:s16] =	ssyncset.done $0x0  }
0x95: {  	[sflag:s16] =	ssyncadd.s32 $0xFFFFFFFF  }
0x96: {  	s17 =	sld [smem:$0x11];
	(tm) =	ssettm $0x1  }
0x97: {  	s18 =	sld [smem:$0x3FFB];
	_ =	sdelay $0x3  }
0x98: {  	_ =	strace s18  }
0x99: {  	s2 =	sld [smem:$0x3FFC];
	_ =	sdelay $0x3  }
0x9a: {  	_ =	strace s2  }
0x9b: {  	s2 =	sld [smem:$0x3FFD];
	_ =	sdelay $0x3  }
0x9c: {  	_ =	strace s2  }
0x9d: {  	_ =	strace $0x8FFFFFFF  }
0x9e: {  	s19 =	sld [smem:$0x3FDB];
	_ =	sdelay $0x1  }
0x9f: {  	s20 =	simm.s32 $_scs_section_size  }
0xa0: {  	s5 =	simm.s32 $_size__tile_overlayer_lowered;
	s6 =	simm.s32 $_tile_overlayer_lowered  }
0xa1: {  	s7 =	simm.s32 $0x1BFF;
	s21 =	sshll.u32 s6, $0x1;
	s4 =	sadd.s32 s20, s19  }
0xa2: {  	s22 =	simm.s32 $0x0;
	s5 =	sshll.u32 s5, $0x1;
	s6 =	sadd.s32 s21, s4  }
0xa3: {  	[timem:s22], [sflag:s7] =	dma.local [hbm:s6], s5  }
0xa4: {  	_ =	swait.ge [sflag:s7], s5  }
0xa5: {  	s5 =	ssub.s32 $0x0, s5;
	[sflag:s7] =	ssyncset.done $0x0  }
0xa6: {  	[sflag:s7] =	ssyncadd.s32 s5;
	_ =	sdelay $0x1  }
0xa7: {  	s23 =	simm.s32 $0x1B8B  }
0xa8: {  	_ =	swait.ge [sflag:s23], $0x1  }
0xa9: {  	[sflag:s23] =	ssyncset.done $0x0  }
0xaa: {  	[sflag:s23] =	ssyncadd.s32 $0xFFFFFFFF  }
0xab: {  	s5 =	sld [smem:$0x0]  }
0xac: {  	s6 =	sand.u32 $0xFFFFFFFE, s1  }
0xad: {  	p0 =	sne.s32 s1, s6  }
0xae: {  	s6 =	sshll.u32 @p0 s6, $0xE  }
0xaf: {  	s6 =	sadd.s32 @p0 $0x11B8D, s6;
	s7 =	sshll.u32 @p0 s5, $0x11  }
0xb0: {  	s6 =	sor.u32 @p0 s7, s6  }
0xb1: {  	[sflag:s6] =	ssyncadd.remote.s32 @p0 $0x1;
	_ =	sdelay $0x1  }
0xb2: {  	s6 =	simm.s32 @p0 $0x1B8D  }
0xb3: {  	_ =	swait.eq @p0 [sflag:s6], $0x1  }
0xb4: {  	[sflag:s6] =	ssyncadd.s32 @p0 $0xFFFFFFFF  }
0xb5: {  	s7 =	sshll.u32 @!p0 s1, $0xE  }
0xb6: {  	s7 =	sor.u32 @!p0 $0x4000, s7;
	s6 =	simm.s32 @!p0 $0x1B8D  }
0xb7: {  	s5 =	sshll.u32 @!p0 s5, $0x11;
	s7 =	sadd.s32 @!p0 $0x11B8D, s7;
	_ =	swait.eq @!p0 [sflag:s6], $0x1  }
0xb8: {  	s5 =	sor.u32 @!p0 s5, s7;
	[sflag:s6] =	ssyncadd.s32 @!p0 $0xFFFFFFFF  }
0xb9: {  	s25 =	simm.s32 $0x1B8E;
	s24 =	sld [smem:$0x3FFE];
	[sflag:s5] =	ssyncadd.remote.s32 @!p0 $0x1  }
0xba: {  	s26 =	simm.s32 $execute0_lowered;
	[smem:$0x3FD2] =	sst s25  }
0xbb: {  	s6 =	sshll.u32 s26, $0x1;
	_ =	strace $0x8000004C;
	[dreg:$0x1] =	wrdreg $0xFFFFFFFF  }
0xbc: {  	s28 =	simm.s32 $_size_execute0_lowered;
	s4 =	sadd.s32 s4, s6;
	[dreg:$0x0] =	wrdreg $0x0  }
0xbd: {  	s6 =	sshll.u32 s28, $0x1;
	[dreg:$0x2] =	wrdreg s4  }
0xbe: {  	[dreg:$0x3] =	wrdreg s6  }
0xbf: {  	[dreg:$0x4] =	wrdreg $0xC0  }
0xc0: {  	_ =	task [dreg:s22], $0x5FFFF  }
0xc1: {  	[dreg:$0x1] =	wrdreg $0xFFFFFFFF  }
0xc2: {  	[dreg:$0x0] =	wrdreg $0x60  }
0xc3: {  	[dreg:$0x2] =	wrdreg s24  }
0xc4: {  	[dreg:$0x3] =	wrdreg s17  }
0xc5: {  	[dreg:$0x4] =	wrdreg $0x53000  }
0xc6: {  	[dreg:$0x5] =	wrdreg $0x9  }
0xc7: {  	_ =	task.clear_ibuf [dreg:s22], $0x6FFFF;
	_ =	strace $0x9000004C  }
0xc8: {  	s29 =	simm.s32 $0x9;
	_ =	strace $0x8000004E  }
0xc9: {  	_ =	swait.ge [sflag:s29], $0x1  }
0xca: {  	[sflag:s29] =	ssyncadd.s32 $0xFFFFFFFF  }
0xcb: {  	_ =	strace $0x9000004E  }
0xcc: {  	_ =	sfence  }
0xcd: {  	s30 =	sld [smem:$0x0];
	_ =	sdelay $0x2  }
0xce: {  	s31 =	sshll.u32 s1, $0xD;
	s1 =	sshrl.u32 s1, $0x2  }
0xcf: {  	s4 =	sand.u32 $0x4000, s31;
	s1 =	sadd.s32 s1, s30  }
0xd0: {  	s0 =	sor.u32 s4, s0;
	s1 =	sshll.u32 s1, $0x11  }
0xd1: {  	s0 =	sor.u32 s1, s0  }
0xd2: {  	s0 =	sadd.s32 $0x8F2B, s0  }
0xd3: {  	[sflag:s0] =	ssyncadd.remote.s32 $0x1  }
0xd4: {  	_ =	sfence.sel $0xFFFF  }
0xd5: {  	[dreg:$0x0] =	wrdreg $0xFFFFFFFF;
	(pc) =	sbr.abs _section_cstart, $3  }
0xd6: {  	[dreg:$0x1] =	wrdreg $0xFFFFFFFF  }
0xd7: {  	_ =	task.clear_ibuf [dreg:s22], $0x2FFFF;
	_ =	strace $0x9FFFFFFF  }
0xd8: {  	(tm) =	ssettm $0x7FFFFFFF  }
0xd9: {  	_ =	shalt  }
tec
execute0_lowered:
.L_overlay_start_1:
0x0: {  	(tag) =	ssettag $0x1  }
0x1: {  	s8 =	rddreg [dreg:$0x0]  }
0x2: {  	s9 =	rddreg [dreg:$0x1]  }
0x3: {  	s1 =	rddreg [dreg:$0x2];
	s3 =	simm.s32 $0x0  }
0x4: {  	s5 =	srdreg.scid;
	s2 =	stileid.u32;
	s15 =	simm.s32 $0x100  }
0x5: {  	s16 =	simm.s32 $0x300;
	s17 =	simm.s32 $0x80;
	s18 =	simm.s32 $0x1300  }
0x6: {  	s19 =	simm.s32 $0x180;
	s20 =	simm.s32 $0xB00;
	s21 =	simm.s32 $0x3300  }
0x7: {  	s22 =	simm.s32 $0x1;
	s24 =	simm.s32 $0x2;
	s25 =	simm.s32 $0x280  }
0x8: {  	[smem:$0x7FF] =	sst s3;
	s4 =	sadd.s32 $0x1A3600, s8;
	s11 =	smul.u32 $0x3100, s2  }
0x9: {  	s10 =	sand.u32 $0x1, s5;
	s5 =	sadd.s32 $0x18AE00, s8;
	s14 =	smul.u32 $0x18800, s2  }
0xa: {  	s6 =	sadd.s32 $0xC44000, s8;
	s7 =	sadd.s32 $0x129200, s8;
	s12 =	smul.u32 $0x31000, s10  }
0xb: {  	s31 =	sshll.u32 s2, $0x6;
	s13 =	ssub.s32 $0x2, s10;
	s23 =	smul.u32 $0x61A8, s10  }
0xc: {  	_ =	strace $0x8000004D;
	s10 =	smul.u32 $0xC400, s2;
	s28 =	sshrl.u32 s13, $0x1  }
0xd: {  	s29 =	sadd.s32 s14, s1;
	s30 =	sshrl.u32 s14, $0x3;
	s14 =	simm.s32 $0x3  }
0xe: {  	s11 =	sadd.s32 s11, s12;
	s12 =	ssub.s32 s13, s28;
	s13 =	sshrl.u32 s29, $0x3  }
0xf: {  	v0 =	vmov s23;
	s23 =	simm.s32 $0x200;
	s11 =	sadd.s32 s11, s8;
	s8 =	sadd.s32 s9, s30  }
0x10: {  	s9 =	sor.u32 $0x1C03, s31;
	s12 =	smax.u32 s12, $0x1;
	s11 =	sadd.s32 $0x27F400, s11  }
.LBB2_1:
0x11: {  	[spmem:s13], [sflag:s9] =	dma.local [hbm:s8], $0x3100  }
0x12: {  	_ =	swait.ge [sflag:s14], $0x3100  }
0x13: {  	[sflag:s14] =	ssyncset.done $0x0  }
0x14: {  	[sflag:s14] =	ssyncadd.s32 $0xFFFFCF00  }
0x15: {  	s26 =	simm.s32 $0x0;
	[bflag:$0x0] =	sbarrier.arrive $0xFFFF  }
.LBB2_2:
0x16: {  	s28 =	sshll.u32 s26, $0x8  }
0x17: {  	s28 =	sadd.s32 s10, s28  }
0x18: {  	s29 =	sshrl.u32 s28, $0x3  }
0x19: {  	s31 =	simm.s32 $0x0;
	s30 =	sadd.s32 s4, s29  }
0x1a: {  	[tilespmem:s31], [sflag:$0x3] =	stream.linear.gather [hbm4b:s30+s31], $0x80, $0x38;
	[tilespmem:$0x1DB00] =	vst v63  }
0x1b: {  	_ =	swait.ge [sflag:s14], $0x80  }
0x1c: {  	[sflag:s14] =	ssyncset.done $0x0  }
0x1d: {  	s29 =	sadd.s32 s5, s29;
	[sflag:s14] =	ssyncadd.s32 $0xFFFFFF80  }
0x1e: {  	[tilespmem:s15], [sflag:$0x3] =	stream.linear.gather [hbm4b:s29+s31], $0x80, $0x38;
	[tilespmem:$0x1DB00] =	vst v63  }
0x1f: {  	_ =	swait.ge [sflag:s14], $0x80  }
0x20: {  	s29 =	sshll.u32 s28, $0x1;
	[sflag:s14] =	ssyncset.done $0x0  }
0x21: {  	s29 =	sadd.s32 s6, s29;
	[sflag:s14] =	ssyncadd.s32 $0xFFFFFF80  }
0x22: {  	[tilespmem:s16], [sflag:$0x3] =	stream.linear.gather [hbm4b:s29+s31], $0x800, $0x38;
	[tilespmem:$0x1DB00] =	vst v63  }
0x23: {  	_ =	swait.ge [sflag:s14], $0x800  }
0x24: {  	s28 =	sor.u32 $0x80, s28;
	[sflag:s14] =	ssyncset.done $0x0  }
0x25: {  	s29 =	sshrl.u32 s28, $0x3;
	[sflag:s14] =	ssyncadd.s32 $0xFFFFF800  }
0x26: {  	[tilespmem:s18], [sflag:$0x1] =	stream.indirect.gather [hbm4b:s7+s17], $0x40, s31, s17, $0xb8;
	[tilespmem:$0x1DB00] =	vst v63  }
0x27: {  	s30 =	sadd.s32 s4, s29  }
0x28: {  	[tilespmem:s17], [sflag:$0x3] =	stream.linear.gather [hbm4b:s30+s31], $0x80, $0x38;
	[tilespmem:$0x1DB00] =	vst v63  }
0x29: {  	_ =	swait.ge [sflag:s14], $0x80  }
0x2a: {  	[sflag:s14] =	ssyncset.done $0x0  }
0x2b: {  	s29 =	sadd.s32 s5, s29;
	[sflag:s14] =	ssyncadd.s32 $0xFFFFFF80  }
0x2c: {  	[tilespmem:s19], [sflag:$0x3] =	stream.linear.gather [hbm4b:s29+s31], $0x80, $0x38;
	[tilespmem:$0x1DB00] =	vst v63  }
0x2d: {  	_ =	swait.ge [sflag:s14], $0x80  }
0x2e: {  	s28 =	sshll.u32 s28, $0x1;
	[sflag:s14] =	ssyncset.done $0x0  }
0x2f: {  	s28 =	sadd.s32 s6, s28;
	[sflag:s14] =	ssyncadd.s32 $0xFFFFFF80  }
0x30: {  	[tilespmem:s20], [sflag:$0x3] =	stream.linear.gather [hbm4b:s28+s31], $0x800, $0x38;
	[tilespmem:$0x1DB00] =	vst v63  }
0x31: {  	_ =	swait.ge [sflag:s14], $0x800  }
0x32: {  	[sflag:s14] =	ssyncset.done $0x0  }
0x33: {  	[sflag:s14] =	ssyncadd.s32 $0xFFFFF800  }
0x34: {  	[tilespmem:s21], [sflag:$0x2] =	stream.indirect.gather [hbm4b:s7+s17], $0x40, s17, s17, $0xb8;
	[tilespmem:$0x1DB00] =	vst v63  }
0x35: {  	v1 =	vld [tilespmem:$0x100]  }
0x36: {  	v2 =	vld [tilespmem:$0x110]  }
0x37: {  	v3 =	vld [tilespmem:$0x120]  }
0x38: {  	v4 =	vld [tilespmem:$0x130]  }
0x39: {  	v5 =	vld [tilespmem:$0x140]  }
0x3a: {  	v6 =	vld [tilespmem:$0x150];
	v1 =	vsub.s32 v1, v0  }
0x3b: {  	v7 =	vld [tilespmem:$0x160];
	v2 =	vsub.s32 v2, v0;
	v1 =	vmin.u32 v1, $0x61A8  }
0x3c: {  	[tilespmem:$0x200] =	vst v1;
	v1 =	vmin.u32 v2, $0x61A8;
	v2 =	vsub.s32 v3, v0;
	v3 =	vld [tilespmem:$0x170]  }
0x3d: {  	[tilespmem:$0x210] =	vst v1;
	v1 =	vmin.u32 v2, $0x61A8;
	v2 =	vsub.s32 v4, v0;
	v4 =	vld [tilespmem:$0x180]  }
0x3e: {  	[tilespmem:$0x220] =	vst v1;
	v1 =	vmin.u32 v2, $0x61A8;
	v2 =	vsub.s32 v5, v0;
	v5 =	vld [tilespmem:$0x190]  }
0x3f: {  	v60 =	vld [tilespmem:$0x1A0];
	[tilespmem:$0x230] =	vst v1;
	v1 =	vmin.u32 v2, $0x61A8;
	v2 =	vsub.s32 v6, v0  }
0x40: {  	v61 =	vld [tilespmem:$0x1B0];
	[tilespmem:$0x240] =	vst v1;
	v1 =	vmin.u32 v2, $0x61A8;
	v2 =	vsub.s32 v7, v0  }
0x41: {  	[tilespmem:$0x250] =	vst v1;
	v1 =	vmin.u32 v2, $0x61A8;
	v2 =	vsub.s32 v3, v0;
	v3 =	vld [tilespmem:$0x1C0]  }
0x42: {  	[tilespmem:$0x260] =	vst v1;
	v1 =	vmin.u32 v2, $0x61A8;
	v2 =	vsub.s32 v4, v0;
	v4 =	vld [tilespmem:$0x1D0]  }
0x43: {  	[tilespmem:$0x270] =	vst v1;
	v1 =	vmin.u32 v2, $0x61A8;
	v2 =	vsub.s32 v5, v0;
	v5 =	vld [tilespmem:$0x1E0]  }
0x44: {  	v62 =	vld [tilespmem:$0x1F0];
	[tilespmem:$0x280] =	vst v1;
	v1 =	vmin.u32 v2, $0x61A8;
	v2 =	vsub.s32 v60, v0  }
0x45: {  	[tilespmem:$0x290] =	vst v1;
	v1 =	vmin.u32 v2, $0x61A8;
	v2 =	vsub.s32 v61, v0  }
0x46: {  	[tilespmem:$0x2A0] =	vst v1;
	v1 =	vmin.u32 v2, $0x61A8;
	v2 =	vsub.s32 v3, v0  }
0x47: {  	[tilespmem:$0x2B0] =	vst v1;
	v1 =	vmin.u32 v2, $0x61A8;
	v2 =	vsub.s32 v4, v0  }
0x48: {  	[tilespmem:$0x2C0] =	vst v1;
	v1 =	vmin.u32 v2, $0x61A8;
	v2 =	vsub.s32 v5, v0  }
0x49: {  	[tilespmem:$0x2D0] =	vst v1;
	v1 =	vmin.u32 v2, $0x61A8;
	v2 =	vsub.s32 v62, v0  }
0x4a: {  	[tilespmem:$0x2E0] =	vst v1;
	v1 =	vmin.u32 v2, $0x61A8  }
0x4b: {  	[tilespmem:$0x2F0] =	vst v1  }
0x4c: {  	_ =	swait.ge [sflag:s22], $0x2000  }
0x4d: {  	[sflag:s22] =	ssyncset.done $0x0  }
0x4e: {  	s28 =	simm.s32 $0x1380;
	[sflag:s22] =	ssyncadd.s32 $0xFFFFE000  }
0x4f: {  	s29 =	simm.s32 $0x0;
	v1 =	vld [tilespmem:s28+$0xFFFFFFB0]  }
0x50: {  	v2 =	vld [tilespmem:s29+$0x300]  }
0x51: {  	v3 =	vld [tilespmem:s28+$0xFFFFFF80]  }
0x52: {  	v4 =	vld [tilespmem:s28+$0xFFFFFF90]  }
0x53: {  	v5 =	vld [tilespmem:s28+$0xFFFFFFA0];
	_ =	sdelay $0x1  }
0x54: {  	v1 =	vmul.f32 v1, v2  }
0x55: {  	v3 =	vmul.f32 v3, v2  }
0x56: {  	v4 =	vmul.f32 v4, v2;
	[tilespmem:s28+$0xFFFFFFB0] =	vst v1  }
0x57: {  	v1 =	vmul.f32 v5, v2;
	[tilespmem:s28+$0xFFFFFF80] =	vst v3  }
0x58: {  	[tilespmem:s28+$0xFFFFFF90] =	vst v4  }
0x59: {  	[tilespmem:s28+$0xFFFFFFA0] =	vst v1;
	v1 =	vld [tilespmem:s28+$0xFFFFFFC0]  }
0x5a: {  	v3 =	vld [tilespmem:s29+$0x310]  }
0x5b: {  	v2 =	vld [tilespmem:s28+$0xFFFFFFD0]  }
0x5c: {  	v4 =	vld [tilespmem:s28+$0xFFFFFFF0]  }
0x5d: {  	v5 =	vld [tilespmem:s28+$0xFFFFFFE0];
	_ =	sdelay $0x1  }
0x5e: {  	v1 =	vmul.f32 v1, v3  }
0x5f: {  	v2 =	vmul.f32 v2, v3  }
0x60: {  	v4 =	vmul.f32 v4, v3;
	[tilespmem:s28+$0xFFFFFFC0] =	vst v1  }
0x61: {  	[tilespmem:s28+$0xFFFFFFD0] =	vst v2;
	v1 =	vmul.f32 v5, v3  }
0x62: {  	[tilespmem:s28+$0xFFFFFFF0] =	vst v4  }
0x63: {  	v2 =	vld [tilespmem:s28+$0x0];
	[tilespmem:s28+$0xFFFFFFE0] =	vst v1  }
0x64: {  	v1 =	vld [tilespmem:s29+$0x320]  }
0x65: {  	v3 =	vld [tilespmem:s28+$0x30]  }
0x66: {  	v4 =	vld [tilespmem:s28+$0x10]  }
0x67: {  	v5 =	vld [tilespmem:s28+$0x20];
	_ =	sdelay $0x1  }
0x68: {  	v2 =	vmul.f32 v2, v1  }
0x69: {  	v63 =	vmul.f32 v3, v1  }
0x6a: {  	[tilespmem:s28+$0x0] =	vst v2  }
0x6b: {  	s30 =	simm.s32 $0x100;
	s31 =	simm.s32 $0x1380;
	v3 =	vmul.f32 v4, v1;
	v2 =	vmul.f32 v5, v1;
	[tilespmem:s28+$0x30] =	vst v63;
	v1 =	vld [tilespmem:s28+$0x70]  }
.LBB2_3:
0x6c: {  	p0 =	sne.s32 s30, $0x1F00  }
0x6d: {  	[tilespmem:s28+$0x10] =	vst v3;
	v3 =	vld [tilespmem:s28+$0x40];
	s31 =	sadd.s32 $0x100, s31;
	s0 =	smov.u32 s30;
	s30 =	sadd.s32 $0x100, s30  }
0x6e: {  	[tilespmem:s28+$0x20] =	vst v2;
	v2 =	vld [tilespmem:s28+$0x50]  }
0x6f: {  	v4 =	vld [tilespmem:s29+$0x330]  }
0x70: {  	v5 =	vld [tilespmem:s28+$0x60];
	_ =	sdelay $0x3  }
0x71: {  	v3 =	vmul.f32 v3, v4;
	v2 =	vmul.f32 v2, v4  }
0x72: {  	v1 =	vmul.f32 v1, v4;
	v5 =	vmul.f32 v5, v4  }
0x73: {  	[tilespmem:s28+$0x40] =	vst v3  }
0x74: {  	v3 =	vld [tilespmem:s31+$0xFFFFFFA0];
	[tilespmem:s28+$0x70] =	vst v1  }
0x75: {  	v1 =	vld [tilespmem:s31+$0xFFFFFFB0];
	[tilespmem:s28+$0x50] =	vst v2  }
0x76: {  	s29 =	sshra.s32 s0, $0x2;
	v2 =	vld [tilespmem:s31+$0xFFFFFF80];
	[tilespmem:s28+$0x60] =	vst v5;
	s28 =	smov.u32 s31  }
0x77: {  	v4 =	vld [tilespmem:s29+$0x300]  }
0x78: {  	v5 =	vld [tilespmem:s31+$0xFFFFFF90];
	_ =	sdelay $0x3  }
0x79: {  	v2 =	vmul.f32 v2, v4;
	v1 =	vmul.f32 v1, v4  }
0x7a: {  	v3 =	vmul.f32 v3, v4;
	v5 =	vmul.f32 v5, v4  }
0x7b: {  	[tilespmem:s31+$0xFFFFFFB0] =	vst v1  }
0x7c: {  	[tilespmem:s31+$0xFFFFFF80] =	vst v2;
	v1 =	vld [tilespmem:s31+$0xFFFFFFF0]  }
0x7d: {  	[tilespmem:s31+$0xFFFFFF90] =	vst v5;
	v2 =	vld [tilespmem:s31+$0xFFFFFFD0]  }
0x7e: {  	[tilespmem:s31+$0xFFFFFFA0] =	vst v3;
	v3 =	vld [tilespmem:s31+$0xFFFFFFC0]  }
0x7f: {  	v4 =	vld [tilespmem:s29+$0x310]  }
0x80: {  	v5 =	vld [tilespmem:s31+$0xFFFFFFE0];
	_ =	sdelay $0x3  }
0x81: {  	v3 =	vmul.f32 v3, v4;
	v2 =	vmul.f32 v2, v4  }
0x82: {  	v1 =	vmul.f32 v1, v4;
	v5 =	vmul.f32 v5, v4  }
0x83: {  	[tilespmem:s31+$0xFFFFFFC0] =	vst v3  }
0x84: {  	[tilespmem:s31+$0xFFFFFFD0] =	vst v2;
	v4 =	vld [tilespmem:s31+$0x30]  }
0x85: {  	[tilespmem:s31+$0xFFFFFFF0] =	vst v1;
	v1 =	vld [tilespmem:s31+$0x0]  }
0x86: {  	[tilespmem:s31+$0xFFFFFFE0] =	vst v5;
	v2 =	vld [tilespmem:s31+$0x10]  }
0x87: {  	v5 =	vld [tilespmem:s29+$0x320]  }
0x88: {  	v6 =	vld [tilespmem:s31+$0x20];
	_ =	sdelay $0x2  }
.Ltmp0:
0x89: {  	(pc) =	sbr.rel @p0 .LBB2_3-.Ltmp0, $4  }
0x8a: {  	v1 =	vmul.f32 v1, v5;
	v3 =	vmul.f32 v2, v5  }
0x8b: {  	v4 =	vmul.f32 v4, v5;
	v2 =	vmul.f32 v6, v5  }
0x8c: {  	[tilespmem:s31+$0x0] =	vst v1  }
0x8d: {  	[tilespmem:s31+$0x30] =	vst v4;
	v1 =	vld [tilespmem:s31+$0x70]  }
0x8e: {  	[tilespmem:s28+$0x10] =	vst v3  }
0x8f: {  	v3 =	vld [tilespmem:s28+$0x40];
	[tilespmem:s28+$0x20] =	vst v2  }
0x90: {  	v2 =	vld [tilespmem:s29+$0x330];
	_ =	sdelay $0x1  }
0x91: {  	v4 =	vld [tilespmem:s28+$0x50]  }
0x92: {  	v5 =	vld [tilespmem:s28+$0x60];
	_ =	sdelay $0x1  }
0x93: {  	v3 =	vmul.f32 v3, v2  }
0x94: {  	v1 =	vmul.f32 v1, v2  }
0x95: {  	v4 =	vmul.f32 v4, v2;
	[tilespmem:s28+$0x40] =	vst v3  }
0x96: {  	v2 =	vmul.f32 v5, v2;
	[tilespmem:s28+$0x70] =	vst v1  }
0x97: {  	[tilespmem:s28+$0x50] =	vst v4  }
0x98: {  	[tilespmem:s28+$0x60] =	vst v2  }
0x99: {  	[spmem:s1] =	stream.indirect.scatter.add.f32 [tilespmem:s18], [sflag:$0x3], $0x40, s23, s17, $0xb8;
	[tilespmem:$0x1DB00] =	vst v63  }
0x9a: {  	_ =	swait.ge [sflag:s14], $0x2000  }
0x9b: {  	[sflag:s14] =	ssyncset.done $0x0  }
0x9c: {  	[sflag:s14] =	ssyncadd.s32 $0xFFFFE000  }
0x9d: {  	_ =	swait.ge [sflag:s24], $0x2000  }
0x9e: {  	[sflag:s24] =	ssyncset.done $0x0  }
0x9f: {  	s28 =	simm.s32 $0x3380;
	[sflag:s24] =	ssyncadd.s32 $0xFFFFE000  }
0xa0: {  	s29 =	simm.s32 $0x0;
	v1 =	vld [tilespmem:s28+$0xFFFFFFB0]  }
0xa1: {  	v2 =	vld [tilespmem:s29+$0xB00]  }
0xa2: {  	v3 =	vld [tilespmem:s28+$0xFFFFFF80]  }
0xa3: {  	v4 =	vld [tilespmem:s28+$0xFFFFFF90]  }
0xa4: {  	v5 =	vld [tilespmem:s28+$0xFFFFFFA0];
	_ =	sdelay $0x1  }
0xa5: {  	v1 =	vmul.f32 v1, v2  }
0xa6: {  	v3 =	vmul.f32 v3, v2  }
0xa7: {  	v4 =	vmul.f32 v4, v2;
	[tilespmem:s28+$0xFFFFFFB0] =	vst v1  }
0xa8: {  	v1 =	vmul.f32 v5, v2;
	[tilespmem:s28+$0xFFFFFF80] =	vst v3  }
0xa9: {  	[tilespmem:s28+$0xFFFFFF90] =	vst v4  }
0xaa: {  	[tilespmem:s28+$0xFFFFFFA0] =	vst v1;
	v1 =	vld [tilespmem:s28+$0xFFFFFFC0]  }
0xab: {  	v3 =	vld [tilespmem:s29+$0xB10]  }
0xac: {  	v2 =	vld [tilespmem:s28+$0xFFFFFFD0]  }
0xad: {  	v4 =	vld [tilespmem:s28+$0xFFFFFFF0]  }
0xae: {  	v5 =	vld [tilespmem:s28+$0xFFFFFFE0];
	_ =	sdelay $0x1  }
0xaf: {  	v1 =	vmul.f32 v1, v3  }
0xb0: {  	v2 =	vmul.f32 v2, v3  }
0xb1: {  	v4 =	vmul.f32 v4, v3;
	[tilespmem:s28+$0xFFFFFFC0] =	vst v1  }
0xb2: {  	[tilespmem:s28+$0xFFFFFFD0] =	vst v2;
	v1 =	vmul.f32 v5, v3  }
0xb3: {  	[tilespmem:s28+$0xFFFFFFF0] =	vst v4  }
0xb4: {  	v2 =	vld [tilespmem:s28+$0x0];
	[tilespmem:s28+$0xFFFFFFE0] =	vst v1  }
0xb5: {  	v1 =	vld [tilespmem:s29+$0xB20]  }
0xb6: {  	v3 =	vld [tilespmem:s28+$0x30]  }
0xb7: {  	v4 =	vld [tilespmem:s28+$0x10]  }
0xb8: {  	v5 =	vld [tilespmem:s28+$0x20];
	_ =	sdelay $0x1  }
0xb9: {  	v2 =	vmul.f32 v2, v1  }
0xba: {  	v6 =	vmul.f32 v3, v1  }
0xbb: {  	[tilespmem:s28+$0x0] =	vst v2  }
0xbc: {  	s30 =	simm.s32 $0x100;
	s31 =	simm.s32 $0x3380;
	v3 =	vmul.f32 v4, v1;
	v2 =	vmul.f32 v5, v1;
	[tilespmem:s28+$0x30] =	vst v6;
	v1 =	vld [tilespmem:s28+$0x70]  }
.LBB2_5:
0xbd: {  	p0 =	sne.s32 s30, $0x1F00  }
0xbe: {  	[tilespmem:s28+$0x10] =	vst v3;
	v3 =	vld [tilespmem:s28+$0x40];
	s31 =	sadd.s32 $0x100, s31;
	s0 =	smov.u32 s30;
	s30 =	sadd.s32 $0x100, s30  }
0xbf: {  	[tilespmem:s28+$0x20] =	vst v2;
	v2 =	vld [tilespmem:s28+$0x50]  }
0xc0: {  	v4 =	vld [tilespmem:s29+$0xB30]  }
0xc1: {  	v5 =	vld [tilespmem:s28+$0x60];
	_ =	sdelay $0x3  }
0xc2: {  	v3 =	vmul.f32 v3, v4;
	v2 =	vmul.f32 v2, v4  }
0xc3: {  	v1 =	vmul.f32 v1, v4;
	v5 =	vmul.f32 v5, v4  }
0xc4: {  	[tilespmem:s28+$0x40] =	vst v3  }
0xc5: {  	v3 =	vld [tilespmem:s31+$0xFFFFFFA0];
	[tilespmem:s28+$0x70] =	vst v1  }
0xc6: {  	v1 =	vld [tilespmem:s31+$0xFFFFFFB0];
	[tilespmem:s28+$0x50] =	vst v2  }
0xc7: {  	s29 =	sshra.s32 s0, $0x2;
	v2 =	vld [tilespmem:s31+$0xFFFFFF80];
	[tilespmem:s28+$0x60] =	vst v5;
	s28 =	smov.u32 s31  }
0xc8: {  	v4 =	vld [tilespmem:s29+$0xB00]  }
0xc9: {  	v5 =	vld [tilespmem:s31+$0xFFFFFF90];
	_ =	sdelay $0x3  }
0xca: {  	v2 =	vmul.f32 v2, v4;
	v1 =	vmul.f32 v1, v4  }
0xcb: {  	v3 =	vmul.f32 v3, v4;
	v5 =	vmul.f32 v5, v4  }
0xcc: {  	[tilespmem:s31+$0xFFFFFFB0] =	vst v1  }
0xcd: {  	[tilespmem:s31+$0xFFFFFF80] =	vst v2;
	v1 =	vld [tilespmem:s31+$0xFFFFFFF0]  }
0xce: {  	[tilespmem:s31+$0xFFFFFF90] =	vst v5;
	v2 =	vld [tilespmem:s31+$0xFFFFFFD0]  }
0xcf: {  	[tilespmem:s31+$0xFFFFFFA0] =	vst v3;
	v3 =	vld [tilespmem:s31+$0xFFFFFFC0]  }
0xd0: {  	v4 =	vld [tilespmem:s29+$0xB10]  }
0xd1: {  	v5 =	vld [tilespmem:s31+$0xFFFFFFE0];
	_ =	sdelay $0x3  }
0xd2: {  	v3 =	vmul.f32 v3, v4;
	v2 =	vmul.f32 v2, v4  }
0xd3: {  	v1 =	vmul.f32 v1, v4;
	v5 =	vmul.f32 v5, v4  }
0xd4: {  	[tilespmem:s31+$0xFFFFFFC0] =	vst v3  }
0xd5: {  	[tilespmem:s31+$0xFFFFFFD0] =	vst v2;
	v4 =	vld [tilespmem:s31+$0x30]  }
0xd6: {  	[tilespmem:s31+$0xFFFFFFF0] =	vst v1;
	v1 =	vld [tilespmem:s31+$0x0]  }
0xd7: {  	[tilespmem:s31+$0xFFFFFFE0] =	vst v5;
	v2 =	vld [tilespmem:s31+$0x10]  }
0xd8: {  	v5 =	vld [tilespmem:s29+$0xB20]  }
0xd9: {  	v6 =	vld [tilespmem:s31+$0x20];
	_ =	sdelay $0x2  }
.Ltmp1:
0xda: {  	(pc) =	sbr.rel @p0 .LBB2_5-.Ltmp1, $4  }
0xdb: {  	v1 =	vmul.f32 v1, v5;
	v3 =	vmul.f32 v2, v5  }
0xdc: {  	v4 =	vmul.f32 v4, v5;
	v2 =	vmul.f32 v6, v5  }
0xdd: {  	[tilespmem:s31+$0x0] =	vst v1  }
0xde: {  	[tilespmem:s31+$0x30] =	vst v4;
	v1 =	vld [tilespmem:s31+$0x70]  }
0xdf: {  	[tilespmem:s28+$0x10] =	vst v3  }
0xe0: {  	v3 =	vld [tilespmem:s28+$0x40];
	[tilespmem:s28+$0x20] =	vst v2  }
0xe1: {  	v2 =	vld [tilespmem:s29+$0xB30];
	_ =	sdelay $0x1  }
0xe2: {  	v4 =	vld [tilespmem:s28+$0x50]  }
0xe3: {  	v5 =	vld [tilespmem:s28+$0x60];
	_ =	sdelay $0x1  }
0xe4: {  	v3 =	vmul.f32 v3, v2  }
0xe5: {  	v1 =	vmul.f32 v1, v2  }
0xe6: {  	v4 =	vmul.f32 v4, v2;
	[tilespmem:s28+$0x40] =	vst v3  }
0xe7: {  	s26 =	sadd.s32 $0x1, s26;
	v2 =	vmul.f32 v5, v2;
	[tilespmem:s28+$0x70] =	vst v1  }
0xe8: {  	p0 =	sne.s32 s26, $0xC4;
	[tilespmem:s28+$0x50] =	vst v4  }
.Ltmp2:
0xe9: {  	[tilespmem:s28+$0x60] =	vst v2;
	(pc) =	sbr.rel @p0 .LBB2_2-.Ltmp2, $4  }
0xea: {  	[spmem:s1] =	stream.indirect.scatter.add.f32 [tilespmem:s21], [sflag:$0x3], $0x40, s25, s17, $0xb8;
	[tilespmem:$0x1DB00] =	vst v63  }
0xeb: {  	_ =	swait.ge [sflag:s14], $0x2000  }
0xec: {  	[sflag:s14] =	ssyncset.done $0x0  }
0xed: {  	[sflag:s14] =	ssyncadd.s32 $0xFFFFE000  }
0xee: {  	s3 =	sadd.s32 $0x1, s3  }
0xef: {  	p0 =	sne.s32 s3, s12  }
.Ltmp3:
0xf0: {  	[bflag:$0x0] =	sbarrier.arrive $0xFFFF;
	(pc) =	sbr.rel @p0 .LBB2_1-.Ltmp3, $4  }
0xf1: {  	[hbm:s11], [sflag:s9] =	dma.local [spmem:s13], $0x3100  }
0xf2: {  	_ =	swait.ge [sflag:s14], $0x3100  }
0xf3: {  	[sflag:s14] =	ssyncset.done $0x0  }
0xf4: {  	[sflag:s14] =	ssyncadd.s32 $0xFFFFCF00  }
0xf5: {  	_ =	sfence.sel $0x180000  }
0xf6: {  	[bflag:$0x0] =	sbarrier.arrive $0xFFFF  }
0xf7: {  	_ =	strace $0x9000004D  }
0xf8: {  	[bflag:$0x2] =	sbarrier.arrive $0xFFFF  }
0xf9: {  	p0 =	sne.s32 s2, $0x0;
	s0 =	rddreg [dreg:$0x3]  }
0xfa: {  	s0 =	sadd.s32 @!p0 $0x100000, s0  }
0xfb: {  	[sflag:s0] =	ssyncadd.tile.s32 @!p0 $0x1;
	_ =	shalt  }
.Lfunc_end2:
_tile_overlayer_lowered:
.L_overlay_start_2:
0xfc: {  	(tag) =	ssettag $0x2  }
0xfd: {  	s0 =	rddreg [dreg:$0x0];
	s2 =	stileid.u32  }
0xfe: {  	s1 =	rddreg [dreg:$0x1];
	p0 =	sne.s32 s2, $0x0  }
0xff: {  	s3 =	rddreg [dreg:$0x2];
	[bflag:$0x3] =	sbarrier.arrive $0xFFFF;
	s2 =	simm.s32 @!p0 $0x1C03  }
0x100: {  	[timem:s3], [sflag:s2] =	dma.local @!p0 [hbm:s0], s1  }
0x101: {  	s0 =	simm.s32 @!p0 $0x3  }
0x102: {  	_ =	swait.ge @!p0 [sflag:s0], s1  }
0x103: {  	s1 =	ssub.s32 @!p0 $0x0, s1;
	[sflag:s0] =	ssyncset.done @!p0 $0x0  }
0x104: {  	[sflag:s0] =	ssyncadd.s32 @!p0 s1  }
0x105: {  	[bflag:$0x3] =	sbarrier.arrive $0xFFFF  }
0x106: {  	_ =	shalt  }

// kernel: kernel.16.cloned.1.call-start
scs
__scs_entry_jumppad:
0x0: {  	(pc) =	sbr.rel $0x88, $3  }
0x1: {  	(tag) =	ssettag $0x0;
	lr =	simm.s32 $0x1  }
0x2: {  	[smem:$0x3F99] =	sst lr;
	_ =	strace $0xD0000000  }
0x3: {  	_ = 	snop  }
0x4: {  	_ = 	snop  }
0x5: {  	_ = 	snop  }
0x6: {  	_ = 	snop  }
0x7: {  	_ = 	snop  }
__scs_overlays_trampoline_lowered:
0x8: {  	[smem:$0x3FA8] =	sst s0  }
0x9: {  	[smem:$0x3FA9] =	sst s1  }
0xa: {  	[smem:$0x3FAA] =	sst s2  }
0xb: {  	[smem:$0x3FAB] =	sst s3  }
0xc: {  	[smem:$0x3FAC] =	sst s4  }
0xd: {  	[smem:$0x3FAD] =	sst s5  }
0xe: {  	[smem:$0x3FAE] =	sst s6  }
0xf: {  	[smem:$0x3FAF] =	sst s7  }
0x10: {  	[smem:$0x3FB0] =	sst s8  }
0x11: {  	[smem:$0x3FB1] =	sst s9;
	s0 =	simm.s32 @!p0 $0x0  }
0x12: {  	s1 =	sld [smem:$0x3F97];
	s0 =	simm.s32 @p0 $0x1  }
0x13: {  	[smem:$0x3FB2] =	sst s0;
	s0 =	simm.s32 @!p1 $0x0  }
0x14: {  	s2 =	sld [smem:$0x3F96];
	s0 =	simm.s32 @p1 $0x1  }
0x15: {  	[smem:$0x3FB3] =	sst s0;
	s0 =	simm.s32 @!p2 $0x0  }
0x16: {  	s3 =	sld [smem:$0x3FDB];
	s0 =	simm.s32 @p2 $0x1  }
0x17: {  	s4 =	simm.s32 $0x1BF5;
	[smem:$0x3FB5] =	sst s0  }
0x18: {  	s0 =	sld [smem:$0x3F98];
	_ =	swait.ge [sflag:s4], $0x0  }
0x19: {  	s7 =	sld [smem:$0x3F99]  }
0x1a: {  	s8 =	sadd.s32 $0xFFFFE003, lr  }
0x1b: {  	s9 =	sadd.s32 $0xFFFFFEF7, lr;
	s5 =	simm.s32 $0xFFFFFFFF;
	p2 =	slt.u32 s8, $0xFFFFF086  }
0x1c: {  	p1 =	slt.u32 s9, $0xF7A;
	s5 =	simm.s32 @!p2 $0x0  }
0x1d: {  	s5 =	simm.s32 @p1 $0x1;
	p0 =	seq.s32 s7, s2  }
0x1e: {  	s7 =	smul.u32 @!p0 $0xF7A, s2;
	p2 =	seq.s32 @!p0 s5, $0x0  }
0x1f: {  	s9 =	smul.u32 $0xF7A, s1;
	s8 =	simm.s32 @!p0 $0x1BF5;
	p2 =	por !p2, p0  }
0x20: {  	[sflag:s8] =	ssyncset.s32 @!p0 $0xFFFFF086;
	s6 =	sadd.s32 @!p0 s3, s7;
	s7 =	simm.s32 @!p0 $0x108  }
0x21: {  	s3 =	sadd.s32 s3, s9;
	s6 =	sadd.s32 @!p0 $0x88, s6;
	s7 =	simm.s32 @p2 $0x1082  }
0x22: {  	[simem:s7], [sflag:s8] =	dma.local @!p0 [hbm:s6], $0xF7A  }
0x23: {  	s9 =	sor.u32 $0xD0000000, s2;
	s6 =	simm.s32 $0x108;
	_ =	swait.ge @!p0 [sflag:s8], $0x0  }
0x24: {  	s3 =	sadd.s32 $0x88, s3;
	s6 =	simm.s32 @!p1 $0x1082;
	[sflag:s4] =	ssyncset.s32 $0xFFFFF086  }
0x25: {  	[simem:s6], [sflag:s4] =	dma.local [hbm:s3], $0xF7A  }
0x26: {  	[smem:$0x3F99] =	sst s1;
	(tag) =	ssettag s2;
	_ =	strace s9  }
0x27: {  	s1 =	sld [smem:$0x3FA9]  }
0x28: {  	s2 =	sld [smem:$0x3FAA]  }
0x29: {  	s4 =	sld [smem:$0x3FAC]  }
0x2a: {  	p0 =	seq.s32 s5, $0x0;
	s5 =	sld [smem:$0x3FAD]  }
0x2b: {  	s6 =	sld [smem:$0x3FAE]  }
0x2c: {  	s7 =	sld [smem:$0x3FAF]  }
0x2d: {  	s3 =	simm.s32 $0x108;
	s8 =	sld [smem:$0x3FB0]  }
0x2e: {  	s3 =	simm.s32 @!p0 $0x1082;
	s9 =	sld [smem:$0x3FB1]  }
0x2f: {  	lr =	sadd.s32 s0, s3;
	s0 =	sld [smem:$0x3FA8]  }
0x30: {  	s3 =	sld [smem:$0x3FAB]  }
0x31: {  	[smem:$0x3FB4] =	sst s10  }
0x32: {  	s10 =	sld [smem:$0x3FB2];
	_ =	sdelay $0x3  }
0x33: {  	p0 =	seq.s32 s10, $0x1;
	s10 =	sld [smem:$0x3FB4];
	_ =	sdelay $0x3  }
0x34: {  	[smem:$0x3FB4] =	sst s10  }
0x35: {  	s10 =	sld [smem:$0x3FB3];
	_ =	sdelay $0x3  }
0x36: {  	p1 =	seq.s32 s10, $0x1;
	s10 =	sld [smem:$0x3FB4];
	_ =	sdelay $0x3  }
0x37: {  	[smem:$0x3FB4] =	sst s10  }
0x38: {  	s10 =	sld [smem:$0x3FB5]  }
0x39: {  	_ = 	snop;
	(pc) =	sbr.ind lr, $3  }
0x3a: {  	_ = 	snop  }
0x3b: {  	_ = 	snop  }
0x3c: {  	p2 =	seq.s32 s10, $0x1;
	s10 =	sld [smem:$0x3FB4]  }
0x3d: {  	_ =	shalt  }
0x3e: {  	_ =	shalt  }
0x3f: {  	_ =	shalt  }
0x40: {  	_ =	shalt  }
0x41: {  	_ =	shalt  }
0x42: {  	_ =	shalt  }
0x43: {  	_ =	shalt  }
0x44: {  	_ =	shalt  }
0x45: {  	_ =	shalt  }
0x46: {  	_ =	shalt  }
0x47: {  	_ =	shalt  }
0x48: {  	_ =	shalt  }
0x49: {  	_ =	shalt  }
0x4a: {  	_ =	shalt  }
0x4b: {  	_ =	shalt  }
0x4c: {  	_ =	shalt  }
0x4d: {  	_ =	shalt  }
0x4e: {  	_ =	shalt  }
0x4f: {  	_ =	shalt  }
0x50: {  	_ =	shalt  }
0x51: {  	_ =	shalt  }
0x52: {  	_ =	shalt  }
0x53: {  	_ =	shalt  }
0x54: {  	_ =	shalt  }
0x55: {  	_ =	shalt  }
0x56: {  	_ =	shalt  }
0x57: {  	_ =	shalt  }
0x58: {  	_ =	shalt  }
0x59: {  	_ =	shalt  }
0x5a: {  	_ =	shalt  }
0x5b: {  	_ =	shalt  }
0x5c: {  	_ =	shalt  }
0x5d: {  	_ =	shalt  }
0x5e: {  	_ =	shalt  }
0x5f: {  	_ =	shalt  }
0x60: {  	_ =	shalt  }
0x61: {  	_ =	shalt  }
0x62: {  	_ =	shalt  }
0x63: {  	_ =	shalt  }
0x64: {  	_ =	shalt  }
0x65: {  	_ =	shalt  }
0x66: {  	_ =	shalt  }
0x67: {  	_ =	shalt  }
0x68: {  	_ =	shalt  }
0x69: {  	_ =	shalt  }
0x6a: {  	_ =	shalt  }
0x6b: {  	_ =	shalt  }
0x6c: {  	_ =	shalt  }
0x6d: {  	_ =	shalt  }
0x6e: {  	_ =	shalt  }
0x6f: {  	_ =	shalt  }
0x70: {  	_ =	shalt  }
0x71: {  	_ =	shalt  }
0x72: {  	_ =	shalt  }
0x73: {  	_ =	shalt  }
0x74: {  	_ =	shalt  }
0x75: {  	_ =	shalt  }
0x76: {  	_ =	shalt  }
0x77: {  	_ =	shalt  }
0x78: {  	_ =	shalt  }
0x79: {  	_ =	shalt  }
0x7a: {  	_ =	shalt  }
0x7b: {  	_ =	shalt  }
0x7c: {  	_ =	shalt  }
0x7d: {  	_ =	shalt  }
0x7e: {  	_ =	shalt  }
0x7f: {  	_ =	shalt  }
0x80: {  	_ =	shalt  }
0x81: {  	_ =	shalt  }
0x82: {  	_ =	shalt  }
0x83: {  	_ =	shalt  }
0x84: {  	_ =	shalt  }
0x85: {  	_ =	shalt  }
0x86: {  	_ =	shalt  }
0x87: {  	_ =	shalt  }
.Lfunc_end0:
.L_simem_size_0:
called_computation.2_lowered:
.L_overlay_start_0:
0x88: {  	s2 =	sld [smem:$0x3FD9]  }
0x89: {  	s3 =	sld [smem:$0x3FFE];
	_ =	sdelay $0x1  }
0x8a: {  	s1 =	srdreg.scid  }
0x8b: {  	s0 =	sand.u32 $0x1, s1  }
0x8c: {  	s15 =	sshll.u32 s0, $0xA;
	s2 =	sadd.s32 s3, s2  }
0x8d: {  	s2 =	sadd.s32 s2, s15  }
0x8e: {  	[smem:$0x3FC0] =	sst s2  }
0x8f: {  	_ = 	snop  }
0x90: {  	s2 =	sld [smem:$0x3FD0];
	_ =	sdelay $0x2  }
0x91: {  	s16 =	simm.s32 $0xB;
	s4 =	simm.s32 $0x10  }
0x92: {  	[smem:s4], [sflag:s16] =	dma.local [hbm:s2], $0x1  }
0x93: {  	_ =	swait.eq [sflag:s16], $0x1  }
0x94: {  	[sflag:s16] =	ssyncset.done $0x0  }
0x95: {  	[sflag:s16] =	ssyncadd.s32 $0xFFFFFFFF  }
0x96: {  	s17 =	sld [smem:$0x11];
	(tm) =	ssettm $0x1  }
0x97: {  	s18 =	sld [smem:$0x3FFB];
	_ =	sdelay $0x3  }
0x98: {  	_ =	strace s18  }
0x99: {  	s2 =	sld [smem:$0x3FFC];
	_ =	sdelay $0x3  }
0x9a: {  	_ =	strace s2  }
0x9b: {  	s2 =	sld [smem:$0x3FFD];
	_ =	sdelay $0x3  }
0x9c: {  	_ =	strace s2  }
0x9d: {  	_ =	strace $0x8FFFFFFF  }
0x9e: {  	s19 =	sld [smem:$0x3FDB];
	_ =	sdelay $0x1  }
0x9f: {  	s20 =	simm.s32 $_scs_section_size  }
0xa0: {  	s5 =	simm.s32 $_size__tile_overlayer_lowered;
	s6 =	simm.s32 $_tile_overlayer_lowered  }
0xa1: {  	s7 =	simm.s32 $0x1BFF;
	s21 =	sshll.u32 s6, $0x1;
	s4 =	sadd.s32 s20, s19  }
0xa2: {  	s22 =	simm.s32 $0x0;
	s5 =	sshll.u32 s5, $0x1;
	s6 =	sadd.s32 s21, s4  }
0xa3: {  	[timem:s22], [sflag:s7] =	dma.local [hbm:s6], s5  }
0xa4: {  	_ =	swait.ge [sflag:s7], s5  }
0xa5: {  	s5 =	ssub.s32 $0x0, s5;
	[sflag:s7] =	ssyncset.done $0x0  }
0xa6: {  	[sflag:s7] =	ssyncadd.s32 s5;
	_ =	sdelay $0x1  }
0xa7: {  	s23 =	simm.s32 $0x1B8B  }
0xa8: {  	_ =	swait.ge [sflag:s23], $0x1  }
0xa9: {  	[sflag:s23] =	ssyncset.done $0x0  }
0xaa: {  	[sflag:s23] =	ssyncadd.s32 $0xFFFFFFFF  }
0xab: {  	s5 =	sld [smem:$0x0]  }
0xac: {  	s6 =	sand.u32 $0xFFFFFFFE, s1  }
0xad: {  	p0 =	sne.s32 s1, s6  }
0xae: {  	s6 =	sshll.u32 @p0 s6, $0xE  }
0xaf: {  	s6 =	sadd.s32 @p0 $0x11B8D, s6;
	s7 =	sshll.u32 @p0 s5, $0x11  }
0xb0: {  	s6 =	sor.u32 @p0 s7, s6  }
0xb1: {  	[sflag:s6] =	ssyncadd.remote.s32 @p0 $0x1;
	_ =	sdelay $0x1  }
0xb2: {  	s6 =	simm.s32 @p0 $0x1B8D  }
0xb3: {  	_ =	swait.eq @p0 [sflag:s6], $0x1  }
0xb4: {  	[sflag:s6] =	ssyncadd.s32 @p0 $0xFFFFFFFF  }
0xb5: {  	s7 =	sshll.u32 @!p0 s1, $0xE  }
0xb6: {  	s7 =	sor.u32 @!p0 $0x4000, s7;
	s6 =	simm.s32 @!p0 $0x1B8D  }
0xb7: {  	s5 =	sshll.u32 @!p0 s5, $0x11;
	s7 =	sadd.s32 @!p0 $0x11B8D, s7;
	_ =	swait.eq @!p0 [sflag:s6], $0x1  }
0xb8: {  	s5 =	sor.u32 @!p0 s5, s7;
	[sflag:s6] =	ssyncadd.s32 @!p0 $0xFFFFFFFF  }
0xb9: {  	s25 =	simm.s32 $0x1B8E;
	s24 =	sld [smem:$0x3FFE];
	[sflag:s5] =	ssyncadd.remote.s32 @!p0 $0x1  }
0xba: {  	s26 =	simm.s32 $execute0_lowered;
	[smem:$0x3FD2] =	sst s25  }
0xbb: {  	s6 =	sshll.u32 s26, $0x1;
	_ =	strace $0x80000052;
	[dreg:$0x1] =	wrdreg $0xFFFFFFFF  }
0xbc: {  	s28 =	simm.s32 $_size_execute0_lowered;
	s4 =	sadd.s32 s4, s6;
	[dreg:$0x0] =	wrdreg $0x0  }
0xbd: {  	s6 =	sshll.u32 s28, $0x1;
	[dreg:$0x2] =	wrdreg s4  }
0xbe: {  	[dreg:$0x3] =	wrdreg s6  }
0xbf: {  	[dreg:$0x4] =	wrdreg $0xC0  }
0xc0: {  	_ =	task [dreg:s22], $0x5FFFF  }
0xc1: {  	[dreg:$0x1] =	wrdreg $0xFFFFFFFF  }
0xc2: {  	[dreg:$0x0] =	wrdreg $0x60  }
0xc3: {  	[dreg:$0x2] =	wrdreg s24  }
0xc4: {  	[dreg:$0x3] =	wrdreg s17  }
0xc5: {  	[dreg:$0x4] =	wrdreg $0x53000  }
0xc6: {  	[dreg:$0x5] =	wrdreg $0x9  }
0xc7: {  	_ =	task.clear_ibuf [dreg:s22], $0x6FFFF;
	_ =	strace $0x90000052  }
0xc8: {  	s29 =	simm.s32 $0x9;
	_ =	strace $0x80000054  }
0xc9: {  	_ =	swait.ge [sflag:s29], $0x1  }
0xca: {  	[sflag:s29] =	ssyncadd.s32 $0xFFFFFFFF  }
0xcb: {  	_ =	strace $0x90000054  }
0xcc: {  	_ =	sfence  }
0xcd: {  	s30 =	sld [smem:$0x0];
	_ =	sdelay $0x2  }
0xce: {  	s31 =	sshll.u32 s1, $0xD;
	s1 =	sshrl.u32 s1, $0x2  }
0xcf: {  	s4 =	sand.u32 $0x4000, s31;
	s1 =	sadd.s32 s1, s30  }
0xd0: {  	s0 =	sor.u32 s4, s0;
	s1 =	sshll.u32 s1, $0x11  }
0xd1: {  	s0 =	sor.u32 s1, s0  }
0xd2: {  	s0 =	sadd.s32 $0x8F2B, s0  }
0xd3: {  	[sflag:s0] =	ssyncadd.remote.s32 $0x1  }
0xd4: {  	_ =	sfence.sel $0xFFFF  }
0xd5: {  	[dreg:$0x0] =	wrdreg $0xFFFFFFFF;
	(pc) =	sbr.abs _section_cstart, $3  }
0xd6: {  	[dreg:$0x1] =	wrdreg $0xFFFFFFFF  }
0xd7: {  	_ =	task.clear_ibuf [dreg:s22], $0x2FFFF;
	_ =	strace $0x9FFFFFFF  }
0xd8: {  	(tm) =	ssettm $0x7FFFFFFF  }
0xd9: {  	_ =	shalt  }
tec
execute0_lowered:
.L_overlay_start_1:
0x0: {  	(tag) =	ssettag $0x1  }
0x1: {  	s8 =	rddreg [dreg:$0x0]  }
0x2: {  	s9 =	rddreg [dreg:$0x1]  }
0x3: {  	s1 =	rddreg [dreg:$0x2];
	s3 =	simm.s32 $0x0  }
0x4: {  	s5 =	srdreg.scid;
	s2 =	stileid.u32;
	s15 =	simm.s32 $0x100  }
0x5: {  	s16 =	simm.s32 $0x300;
	s17 =	simm.s32 $0x80;
	s18 =	simm.s32 $0x1300  }
0x6: {  	s19 =	simm.s32 $0x180;
	s20 =	simm.s32 $0xB00;
	s21 =	simm.s32 $0x3300  }
0x7: {  	s22 =	simm.s32 $0x1;
	s24 =	simm.s32 $0x2;
	s25 =	simm.s32 $0x280  }
0x8: {  	[smem:$0x7FF] =	sst s3;
	s4 =	sadd.s32 $0x1A3600, s8;
	s11 =	smul.u32 $0x3100, s2  }
0x9: {  	s10 =	sand.u32 $0x1, s5;
	s5 =	sadd.s32 $0x18AE00, s8;
	s14 =	smul.u32 $0x18800, s2  }
0xa: {  	s6 =	sadd.s32 $0xC44000, s8;
	s7 =	sadd.s32 $0x129200, s8;
	s12 =	smul.u32 $0x31000, s10  }
0xb: {  	s31 =	sshll.u32 s2, $0x6;
	s13 =	ssub.s32 $0x2, s10;
	s23 =	smul.u32 $0x61A8, s10  }
0xc: {  	_ =	strace $0x80000053;
	s10 =	smul.u32 $0xC400, s2;
	s28 =	sshrl.u32 s13, $0x1  }
0xd: {  	s29 =	sadd.s32 s14, s1;
	s30 =	sshrl.u32 s14, $0x3;
	s14 =	simm.s32 $0x3  }
0xe: {  	s11 =	sadd.s32 s11, s12;
	s12 =	ssub.s32 s13, s28;
	s13 =	sshrl.u32 s29, $0x3  }
0xf: {  	v0 =	vmov s23;
	s23 =	simm.s32 $0x200;
	s11 =	sadd.s32 s11, s8;
	s8 =	sadd.s32 s9, s30  }
0x10: {  	s9 =	sor.u32 $0x1C03, s31;
	s12 =	smax.u32 s12, $0x1;
	s11 =	sadd.s32 $0x27F400, s11  }
.LBB2_1:
0x11: {  	[spmem:s13], [sflag:s9] =	dma.local [hbm:s8], $0x3100  }
0x12: {  	_ =	swait.ge [sflag:s14], $0x3100  }
0x13: {  	[sflag:s14] =	ssyncset.done $0x0  }
0x14: {  	[sflag:s14] =	ssyncadd.s32 $0xFFFFCF00  }
0x15: {  	s26 =	simm.s32 $0x0;
	[bflag:$0x0] =	sbarrier.arrive $0xFFFF  }
.LBB2_2:
0x16: {  	s28 =	sshll.u32 s26, $0x8  }
0x17: {  	s28 =	sadd.s32 s10, s28  }
0x18: {  	s29 =	sshrl.u32 s28, $0x3  }
0x19: {  	s31 =	simm.s32 $0x0;
	s30 =	sadd.s32 s4, s29  }
0x1a: {  	[tilespmem:s31], [sflag:$0x3] =	stream.linear.gather [hbm4b:s30+s31], $0x80, $0x38;
	[tilespmem:$0x1DB00] =	vst v63  }
0x1b: {  	_ =	swait.ge [sflag:s14], $0x80  }
0x1c: {  	[sflag:s14] =	ssyncset.done $0x0  }
0x1d: {  	s29 =	sadd.s32 s5, s29;
	[sflag:s14] =	ssyncadd.s32 $0xFFFFFF80  }
0x1e: {  	[tilespmem:s15], [sflag:$0x3] =	stream.linear.gather [hbm4b:s29+s31], $0x80, $0x38;
	[tilespmem:$0x1DB00] =	vst v63  }
0x1f: {  	_ =	swait.ge [sflag:s14], $0x80  }
0x20: {  	s29 =	sshll.u32 s28, $0x1;
	[sflag:s14] =	ssyncset.done $0x0  }
0x21: {  	s29 =	sadd.s32 s6, s29;
	[sflag:s14] =	ssyncadd.s32 $0xFFFFFF80  }
0x22: {  	[tilespmem:s16], [sflag:$0x3] =	stream.linear.gather [hbm4b:s29+s31], $0x800, $0x38;
	[tilespmem:$0x1DB00] =	vst v63  }
0x23: {  	_ =	swait.ge [sflag:s14], $0x800  }
0x24: {  	s28 =	sor.u32 $0x80, s28;
	[sflag:s14] =	ssyncset.done $0x0  }
0x25: {  	s29 =	sshrl.u32 s28, $0x3;
	[sflag:s14] =	ssyncadd.s32 $0xFFFFF800  }
0x26: {  	[tilespmem:s18], [sflag:$0x1] =	stream.indirect.gather [hbm4b:s7+s17], $0x40, s31, s17, $0xb8;
	[tilespmem:$0x1DB00] =	vst v63  }
0x27: {  	s30 =	sadd.s32 s4, s29  }
0x28: {  	[tilespmem:s17], [sflag:$0x3] =	stream.linear.gather [hbm4b:s30+s31], $0x80, $0x38;
	[tilespmem:$0x1DB00] =	vst v63  }
0x29: {  	_ =	swait.ge [sflag:s14], $0x80  }
0x2a: {  	[sflag:s14] =	ssyncset.done $0x0  }
0x2b: {  	s29 =	sadd.s32 s5, s29;
	[sflag:s14] =	ssyncadd.s32 $0xFFFFFF80  }
0x2c: {  	[tilespmem:s19], [sflag:$0x3] =	stream.linear.gather [hbm4b:s29+s31], $0x80, $0x38;
	[tilespmem:$0x1DB00] =	vst v63  }
0x2d: {  	_ =	swait.ge [sflag:s14], $0x80  }
0x2e: {  	s28 =	sshll.u32 s28, $0x1;
	[sflag:s14] =	ssyncset.done $0x0  }
0x2f: {  	s28 =	sadd.s32 s6, s28;
	[sflag:s14] =	ssyncadd.s32 $0xFFFFFF80  }
0x30: {  	[tilespmem:s20], [sflag:$0x3] =	stream.linear.gather [hbm4b:s28+s31], $0x800, $0x38;
	[tilespmem:$0x1DB00] =	vst v63  }
0x31: {  	_ =	swait.ge [sflag:s14], $0x800  }
0x32: {  	[sflag:s14] =	ssyncset.done $0x0  }
0x33: {  	[sflag:s14] =	ssyncadd.s32 $0xFFFFF800  }
0x34: {  	[tilespmem:s21], [sflag:$0x2] =	stream.indirect.gather [hbm4b:s7+s17], $0x40, s17, s17, $0xb8;
	[tilespmem:$0x1DB00] =	vst v63  }
0x35: {  	v1 =	vld [tilespmem:$0x100]  }
0x36: {  	v2 =	vld [tilespmem:$0x110]  }
0x37: {  	v3 =	vld [tilespmem:$0x120]  }
0x38: {  	v4 =	vld [tilespmem:$0x130]  }
0x39: {  	v5 =	vld [tilespmem:$0x140]  }
0x3a: {  	v6 =	vld [tilespmem:$0x150];
	v1 =	vsub.s32 v1, v0  }
0x3b: {  	v7 =	vld [tilespmem:$0x160];
	v2 =	vsub.s32 v2, v0;
	v1 =	vmin.u32 v1, $0x61A8  }
0x3c: {  	[tilespmem:$0x200] =	vst v1;
	v1 =	vmin.u32 v2, $0x61A8;
	v2 =	vsub.s32 v3, v0;
	v3 =	vld [tilespmem:$0x170]  }
0x3d: {  	[tilespmem:$0x210] =	vst v1;
	v1 =	vmin.u32 v2, $0x61A8;
	v2 =	vsub.s32 v4, v0;
	v4 =	vld [tilespmem:$0x180]  }
0x3e: {  	[tilespmem:$0x220] =	vst v1;
	v1 =	vmin.u32 v2, $0x61A8;
	v2 =	vsub.s32 v5, v0;
	v5 =	vld [tilespmem:$0x190]  }
0x3f: {  	v60 =	vld [tilespmem:$0x1A0];
	[tilespmem:$0x230] =	vst v1;
	v1 =	vmin.u32 v2, $0x61A8;
	v2 =	vsub.s32 v6, v0  }
0x40: {  	v61 =	vld [tilespmem:$0x1B0];
	[tilespmem:$0x240] =	vst v1;
	v1 =	vmin.u32 v2, $0x61A8;
	v2 =	vsub.s32 v7, v0  }
0x41: {  	[tilespmem:$0x250] =	vst v1;
	v1 =	vmin.u32 v2, $0x61A8;
	v2 =	vsub.s32 v3, v0;
	v3 =	vld [tilespmem:$0x1C0]  }
0x42: {  	[tilespmem:$0x260] =	vst v1;
	v1 =	vmin.u32 v2, $0x61A8;
	v2 =	vsub.s32 v4, v0;
	v4 =	vld [tilespmem:$0x1D0]  }
0x43: {  	[tilespmem:$0x270] =	vst v1;
	v1 =	vmin.u32 v2, $0x61A8;
	v2 =	vsub.s32 v5, v0;
	v5 =	vld [tilespmem:$0x1E0]  }
0x44: {  	v62 =	vld [tilespmem:$0x1F0];
	[tilespmem:$0x280] =	vst v1;
	v1 =	vmin.u32 v2, $0x61A8;
	v2 =	vsub.s32 v60, v0  }
0x45: {  	[tilespmem:$0x290] =	vst v1;
	v1 =	vmin.u32 v2, $0x61A8;
	v2 =	vsub.s32 v61, v0  }
0x46: {  	[tilespmem:$0x2A0] =	vst v1;
	v1 =	vmin.u32 v2, $0x61A8;
	v2 =	vsub.s32 v3, v0  }
0x47: {  	[tilespmem:$0x2B0] =	vst v1;
	v1 =	vmin.u32 v2, $0x61A8;
	v2 =	vsub.s32 v4, v0  }
0x48: {  	[tilespmem:$0x2C0] =	vst v1;
	v1 =	vmin.u32 v2, $0x61A8;
	v2 =	vsub.s32 v5, v0  }
0x49: {  	[tilespmem:$0x2D0] =	vst v1;
	v1 =	vmin.u32 v2, $0x61A8;
	v2 =	vsub.s32 v62, v0  }
0x4a: {  	[tilespmem:$0x2E0] =	vst v1;
	v1 =	vmin.u32 v2, $0x61A8  }
0x4b: {  	[tilespmem:$0x2F0] =	vst v1  }
0x4c: {  	_ =	swait.ge [sflag:s22], $0x2000  }
0x4d: {  	[sflag:s22] =	ssyncset.done $0x0  }
0x4e: {  	s28 =	simm.s32 $0x1380;
	[sflag:s22] =	ssyncadd.s32 $0xFFFFE000  }
0x4f: {  	s29 =	simm.s32 $0x0;
	v1 =	vld [tilespmem:s28+$0xFFFFFFB0]  }
0x50: {  	v2 =	vld [tilespmem:s29+$0x300]  }
0x51: {  	v3 =	vld [tilespmem:s28+$0xFFFFFF80]  }
0x52: {  	v4 =	vld [tilespmem:s28+$0xFFFFFF90]  }
0x53: {  	v5 =	vld [tilespmem:s28+$0xFFFFFFA0];
	_ =	sdelay $0x1  }
0x54: {  	v1 =	vmul.f32 v1, v2  }
0x55: {  	v3 =	vmul.f32 v3, v2  }
0x56: {  	v4 =	vmul.f32 v4, v2;
	[tilespmem:s28+$0xFFFFFFB0] =	vst v1  }
0x57: {  	v1 =	vmul.f32 v5, v2;
	[tilespmem:s28+$0xFFFFFF80] =	vst v3  }
0x58: {  	[tilespmem:s28+$0xFFFFFF90] =	vst v4  }
0x59: {  	[tilespmem:s28+$0xFFFFFFA0] =	vst v1;
	v1 =	vld [tilespmem:s28+$0xFFFFFFC0]  }
0x5a: {  	v3 =	vld [tilespmem:s29+$0x310]  }
0x5b: {  	v2 =	vld [tilespmem:s28+$0xFFFFFFD0]  }
0x5c: {  	v4 =	vld [tilespmem:s28+$0xFFFFFFF0]  }
0x5d: {  	v5 =	vld [tilespmem:s28+$0xFFFFFFE0];
	_ =	sdelay $0x1  }
0x5e: {  	v1 =	vmul.f32 v1, v3  }
0x5f: {  	v2 =	vmul.f32 v2, v3  }
0x60: {  	v4 =	vmul.f32 v4, v3;
	[tilespmem:s28+$0xFFFFFFC0] =	vst v1  }
0x61: {  	[tilespmem:s28+$0xFFFFFFD0] =	vst v2;
	v1 =	vmul.f32 v5, v3  }
0x62: {  	[tilespmem:s28+$0xFFFFFFF0] =	vst v4  }
0x63: {  	v2 =	vld [tilespmem:s28+$0x0];
	[tilespmem:s28+$0xFFFFFFE0] =	vst v1  }
0x64: {  	v1 =	vld [tilespmem:s29+$0x320]  }
0x65: {  	v3 =	vld [tilespmem:s28+$0x30]  }
0x66: {  	v4 =	vld [tilespmem:s28+$0x10]  }
0x67: {  	v5 =	vld [tilespmem:s28+$0x20];
	_ =	sdelay $0x1  }
0x68: {  	v2 =	vmul.f32 v2, v1  }
0x69: {  	v63 =	vmul.f32 v3, v1  }
0x6a: {  	[tilespmem:s28+$0x0] =	vst v2  }
0x6b: {  	s30 =	simm.s32 $0x100;
	s31 =	simm.s32 $0x1380;
	v3 =	vmul.f32 v4, v1;
	v2 =	vmul.f32 v5, v1;
	[tilespmem:s28+$0x30] =	vst v63;
	v1 =	vld [tilespmem:s28+$0x70]  }
.LBB2_3:
0x6c: {  	p0 =	sne.s32 s30, $0x1F00  }
0x6d: {  	[tilespmem:s28+$0x10] =	vst v3;
	v3 =	vld [tilespmem:s28+$0x40];
	s31 =	sadd.s32 $0x100, s31;
	s0 =	smov.u32 s30;
	s30 =	sadd.s32 $0x100, s30  }
0x6e: {  	[tilespmem:s28+$0x20] =	vst v2;
	v2 =	vld [tilespmem:s28+$0x50]  }
0x6f: {  	v4 =	vld [tilespmem:s29+$0x330]  }
0x70: {  	v5 =	vld [tilespmem:s28+$0x60];
	_ =	sdelay $0x3  }
0x71: {  	v3 =	vmul.f32 v3, v4;
	v2 =	vmul.f32 v2, v4  }
0x72: {  	v1 =	vmul.f32 v1, v4;
	v5 =	vmul.f32 v5, v4  }
0x73: {  	[tilespmem:s28+$0x40] =	vst v3  }
0x74: {  	v3 =	vld [tilespmem:s31+$0xFFFFFFA0];
	[tilespmem:s28+$0x70] =	vst v1  }
0x75: {  	v1 =	vld [tilespmem:s31+$0xFFFFFFB0];
	[tilespmem:s28+$0x50] =	vst v2  }
0x76: {  	s29 =	sshra.s32 s0, $0x2;
	v2 =	vld [tilespmem:s31+$0xFFFFFF80];
	[tilespmem:s28+$0x60] =	vst v5;
	s28 =	smov.u32 s31  }
0x77: {  	v4 =	vld [tilespmem:s29+$0x300]  }
0x78: {  	v5 =	vld [tilespmem:s31+$0xFFFFFF90];
	_ =	sdelay $0x3  }
0x79: {  	v2 =	vmul.f32 v2, v4;
	v1 =	vmul.f32 v1, v4  }
0x7a: {  	v3 =	vmul.f32 v3, v4;
	v5 =	vmul.f32 v5, v4  }
0x7b: {  	[tilespmem:s31+$0xFFFFFFB0] =	vst v1  }
0x7c: {  	[tilespmem:s31+$0xFFFFFF80] =	vst v2;
	v1 =	vld [tilespmem:s31+$0xFFFFFFF0]  }
0x7d: {  	[tilespmem:s31+$0xFFFFFF90] =	vst v5;
	v2 =	vld [tilespmem:s31+$0xFFFFFFD0]  }
0x7e: {  	[tilespmem:s31+$0xFFFFFFA0] =	vst v3;
	v3 =	vld [tilespmem:s31+$0xFFFFFFC0]  }
0x7f: {  	v4 =	vld [tilespmem:s29+$0x310]  }
0x80: {  	v5 =	vld [tilespmem:s31+$0xFFFFFFE0];
	_ =	sdelay $0x3  }
0x81: {  	v3 =	vmul.f32 v3, v4;
	v2 =	vmul.f32 v2, v4  }
0x82: {  	v1 =	vmul.f32 v1, v4;
	v5 =	vmul.f32 v5, v4  }
0x83: {  	[tilespmem:s31+$0xFFFFFFC0] =	vst v3  }
0x84: {  	[tilespmem:s31+$0xFFFFFFD0] =	vst v2;
	v4 =	vld [tilespmem:s31+$0x30]  }
0x85: {  	[tilespmem:s31+$0xFFFFFFF0] =	vst v1;
	v1 =	vld [tilespmem:s31+$0x0]  }
0x86: {  	[tilespmem:s31+$0xFFFFFFE0] =	vst v5;
	v2 =	vld [tilespmem:s31+$0x10]  }
0x87: {  	v5 =	vld [tilespmem:s29+$0x320]  }
0x88: {  	v6 =	vld [tilespmem:s31+$0x20];
	_ =	sdelay $0x2  }
.Ltmp0:
0x89: {  	(pc) =	sbr.rel @p0 .LBB2_3-.Ltmp0, $4  }
0x8a: {  	v1 =	vmul.f32 v1, v5;
	v3 =	vmul.f32 v2, v5  }
0x8b: {  	v4 =	vmul.f32 v4, v5;
	v2 =	vmul.f32 v6, v5  }
0x8c: {  	[tilespmem:s31+$0x0] =	vst v1  }
0x8d: {  	[tilespmem:s31+$0x30] =	vst v4;
	v1 =	vld [tilespmem:s31+$0x70]  }
0x8e: {  	[tilespmem:s28+$0x10] =	vst v3  }
0x8f: {  	v3 =	vld [tilespmem:s28+$0x40];
	[tilespmem:s28+$0x20] =	vst v2  }
0x90: {  	v2 =	vld [tilespmem:s29+$0x330];
	_ =	sdelay $0x1  }
0x91: {  	v4 =	vld [tilespmem:s28+$0x50]  }
0x92: {  	v5 =	vld [tilespmem:s28+$0x60];
	_ =	sdelay $0x1  }
0x93: {  	v3 =	vmul.f32 v3, v2  }
0x94: {  	v1 =	vmul.f32 v1, v2  }
0x95: {  	v4 =	vmul.f32 v4, v2;
	[tilespmem:s28+$0x40] =	vst v3  }
0x96: {  	v2 =	vmul.f32 v5, v2;
	[tilespmem:s28+$0x70] =	vst v1  }
0x97: {  	[tilespmem:s28+$0x50] =	vst v4  }
0x98: {  	[tilespmem:s28+$0x60] =	vst v2  }
0x99: {  	[spmem:s1] =	stream.indirect.scatter.add.f32 [tilespmem:s18], [sflag:$0x3], $0x40, s23, s17, $0xb8;
	[tilespmem:$0x1DB00] =	vst v63  }
0x9a: {  	_ =	swait.ge [sflag:s14], $0x2000  }
0x9b: {  	[sflag:s14] =	ssyncset.done $0x0  }
0x9c: {  	[sflag:s14] =	ssyncadd.s32 $0xFFFFE000  }
0x9d: {  	_ =	swait.ge [sflag:s24], $0x2000  }
0x9e: {  	[sflag:s24] =	ssyncset.done $0x0  }
0x9f: {  	s28 =	simm.s32 $0x3380;
	[sflag:s24] =	ssyncadd.s32 $0xFFFFE000  }
0xa0: {  	s29 =	simm.s32 $0x0;
	v1 =	vld [tilespmem:s28+$0xFFFFFFB0]  }
0xa1: {  	v2 =	vld [tilespmem:s29+$0xB00]  }
0xa2: {  	v3 =	vld [tilespmem:s28+$0xFFFFFF80]  }
0xa3: {  	v4 =	vld [tilespmem:s28+$0xFFFFFF90]  }
0xa4: {  	v5 =	vld [tilespmem:s28+$0xFFFFFFA0];
	_ =	sdelay $0x1  }
0xa5: {  	v1 =	vmul.f32 v1, v2  }
0xa6: {  	v3 =	vmul.f32 v3, v2  }
0xa7: {  	v4 =	vmul.f32 v4, v2;
	[tilespmem:s28+$0xFFFFFFB0] =	vst v1  }
0xa8: {  	v1 =	vmul.f32 v5, v2;
	[tilespmem:s28+$0xFFFFFF80] =	vst v3  }
0xa9: {  	[tilespmem:s28+$0xFFFFFF90] =	vst v4  }
0xaa: {  	[tilespmem:s28+$0xFFFFFFA0] =	vst v1;
	v1 =	vld [tilespmem:s28+$0xFFFFFFC0]  }
0xab: {  	v3 =	vld [tilespmem:s29+$0xB10]  }
0xac: {  	v2 =	vld [tilespmem:s28+$0xFFFFFFD0]  }
0xad: {  	v4 =	vld [tilespmem:s28+$0xFFFFFFF0]  }
0xae: {  	v5 =	vld [tilespmem:s28+$0xFFFFFFE0];
	_ =	sdelay $0x1  }
0xaf: {  	v1 =	vmul.f32 v1, v3  }
0xb0: {  	v2 =	vmul.f32 v2, v3  }
0xb1: {  	v4 =	vmul.f32 v4, v3;
	[tilespmem:s28+$0xFFFFFFC0] =	vst v1  }
0xb2: {  	[tilespmem:s28+$0xFFFFFFD0] =	vst v2;
	v1 =	vmul.f32 v5, v3  }
0xb3: {  	[tilespmem:s28+$0xFFFFFFF0] =	vst v4  }
0xb4: {  	v2 =	vld [tilespmem:s28+$0x0];
	[tilespmem:s28+$0xFFFFFFE0] =	vst v1  }
0xb5: {  	v1 =	vld [tilespmem:s29+$0xB20]  }
0xb6: {  	v3 =	vld [tilespmem:s28+$0x30]  }
0xb7: {  	v4 =	vld [tilespmem:s28+$0x10]  }
0xb8: {  	v5 =	vld [tilespmem:s28+$0x20];
	_ =	sdelay $0x1  }
0xb9: {  	v2 =	vmul.f32 v2, v1  }
0xba: {  	v6 =	vmul.f32 v3, v1  }
0xbb: {  	[tilespmem:s28+$0x0] =	vst v2  }
0xbc: {  	s30 =	simm.s32 $0x100;
	s31 =	simm.s32 $0x3380;
	v3 =	vmul.f32 v4, v1;
	v2 =	vmul.f32 v5, v1;
	[tilespmem:s28+$0x30] =	vst v6;
	v1 =	vld [tilespmem:s28+$0x70]  }
.LBB2_5:
0xbd: {  	p0 =	sne.s32 s30, $0x1F00  }
0xbe: {  	[tilespmem:s28+$0x10] =	vst v3;
	v3 =	vld [tilespmem:s28+$0x40];
	s31 =	sadd.s32 $0x100, s31;
	s0 =	smov.u32 s30;
	s30 =	sadd.s32 $0x100, s30  }
0xbf: {  	[tilespmem:s28+$0x20] =	vst v2;
	v2 =	vld [tilespmem:s28+$0x50]  }
0xc0: {  	v4 =	vld [tilespmem:s29+$0xB30]  }
0xc1: {  	v5 =	vld [tilespmem:s28+$0x60];
	_ =	sdelay $0x3  }
0xc2: {  	v3 =	vmul.f32 v3, v4;
	v2 =	vmul.f32 v2, v4  }
0xc3: {  	v1 =	vmul.f32 v1, v4;
	v5 =	vmul.f32 v5, v4  }
0xc4: {  	[tilespmem:s28+$0x40] =	vst v3  }
0xc5: {  	v3 =	vld [tilespmem:s31+$0xFFFFFFA0];
	[tilespmem:s28+$0x70] =	vst v1  }
0xc6: {  	v1 =	vld [tilespmem:s31+$0xFFFFFFB0];
	[tilespmem:s28+$0x50] =	vst v2  }
0xc7: {  	s29 =	sshra.s32 s0, $0x2;
	v2 =	vld [tilespmem:s31+$0xFFFFFF80];
	[tilespmem:s28+$0x60] =	vst v5;
	s28 =	smov.u32 s31  }
0xc8: {  	v4 =	vld [tilespmem:s29+$0xB00]  }
0xc9: {  	v5 =	vld [tilespmem:s31+$0xFFFFFF90];
	_ =	sdelay $0x3  }
0xca: {  	v2 =	vmul.f32 v2, v4;
	v1 =	vmul.f32 v1, v4  }
0xcb: {  	v3 =	vmul.f32 v3, v4;
	v5 =	vmul.f32 v5, v4  }
0xcc: {  	[tilespmem:s31+$0xFFFFFFB0] =	vst v1  }
0xcd: {  	[tilespmem:s31+$0xFFFFFF80] =	vst v2;
	v1 =	vld [tilespmem:s31+$0xFFFFFFF0]  }
0xce: {  	[tilespmem:s31+$0xFFFFFF90] =	vst v5;
	v2 =	vld [tilespmem:s31+$0xFFFFFFD0]  }
0xcf: {  	[tilespmem:s31+$0xFFFFFFA0] =	vst v3;
	v3 =	vld [tilespmem:s31+$0xFFFFFFC0]  }
0xd0: {  	v4 =	vld [tilespmem:s29+$0xB10]  }
0xd1: {  	v5 =	vld [tilespmem:s31+$0xFFFFFFE0];
	_ =	sdelay $0x3  }
0xd2: {  	v3 =	vmul.f32 v3, v4;
	v2 =	vmul.f32 v2, v4  }
0xd3: {  	v1 =	vmul.f32 v1, v4;
	v5 =	vmul.f32 v5, v4  }
0xd4: {  	[tilespmem:s31+$0xFFFFFFC0] =	vst v3  }
0xd5: {  	[tilespmem:s31+$0xFFFFFFD0] =	vst v2;
	v4 =	vld [tilespmem:s31+$0x30]  }
0xd6: {  	[tilespmem:s31+$0xFFFFFFF0] =	vst v1;
	v1 =	vld [tilespmem:s31+$0x0]  }
0xd7: {  	[tilespmem:s31+$0xFFFFFFE0] =	vst v5;
	v2 =	vld [tilespmem:s31+$0x10]  }
0xd8: {  	v5 =	vld [tilespmem:s29+$0xB20]  }
0xd9: {  	v6 =	vld [tilespmem:s31+$0x20];
	_ =	sdelay $0x2  }
.Ltmp1:
0xda: {  	(pc) =	sbr.rel @p0 .LBB2_5-.Ltmp1, $4  }
0xdb: {  	v1 =	vmul.f32 v1, v5;
	v3 =	vmul.f32 v2, v5  }
0xdc: {  	v4 =	vmul.f32 v4, v5;
	v2 =	vmul.f32 v6, v5  }
0xdd: {  	[tilespmem:s31+$0x0] =	vst v1  }
0xde: {  	[tilespmem:s31+$0x30] =	vst v4;
	v1 =	vld [tilespmem:s31+$0x70]  }
0xdf: {  	[tilespmem:s28+$0x10] =	vst v3  }
0xe0: {  	v3 =	vld [tilespmem:s28+$0x40];
	[tilespmem:s28+$0x20] =	vst v2  }
0xe1: {  	v2 =	vld [tilespmem:s29+$0xB30];
	_ =	sdelay $0x1  }
0xe2: {  	v4 =	vld [tilespmem:s28+$0x50]  }
0xe3: {  	v5 =	vld [tilespmem:s28+$0x60];
	_ =	sdelay $0x1  }
0xe4: {  	v3 =	vmul.f32 v3, v2  }
0xe5: {  	v1 =	vmul.f32 v1, v2  }
0xe6: {  	v4 =	vmul.f32 v4, v2;
	[tilespmem:s28+$0x40] =	vst v3  }
0xe7: {  	s26 =	sadd.s32 $0x1, s26;
	v2 =	vmul.f32 v5, v2;
	[tilespmem:s28+$0x70] =	vst v1  }
0xe8: {  	p0 =	sne.s32 s26, $0xC4;
	[tilespmem:s28+$0x50] =	vst v4  }
.Ltmp2:
0xe9: {  	[tilespmem:s28+$0x60] =	vst v2;
	(pc) =	sbr.rel @p0 .LBB2_2-.Ltmp2, $4  }
0xea: {  	[spmem:s1] =	stream.indirect.scatter.add.f32 [tilespmem:s21], [sflag:$0x3], $0x40, s25, s17, $0xb8;
	[tilespmem:$0x1DB00] =	vst v63  }
0xeb: {  	_ =	swait.ge [sflag:s14], $0x2000  }
0xec: {  	[sflag:s14] =	ssyncset.done $0x0  }
0xed: {  	[sflag:s14] =	ssyncadd.s32 $0xFFFFE000  }
0xee: {  	s3 =	sadd.s32 $0x1, s3  }
0xef: {  	p0 =	sne.s32 s3, s12  }
.Ltmp3:
0xf0: {  	[bflag:$0x0] =	sbarrier.arrive $0xFFFF;
	(pc) =	sbr.rel @p0 .LBB2_1-.Ltmp3, $4  }
0xf1: {  	[hbm:s11], [sflag:s9] =	dma.local [spmem:s13], $0x3100  }
0xf2: {  	_ =	swait.ge [sflag:s14], $0x3100  }
0xf3: {  	[sflag:s14] =	ssyncset.done $0x0  }
0xf4: {  	[sflag:s14] =	ssyncadd.s32 $0xFFFFCF00  }
0xf5: {  	_ =	sfence.sel $0x180000  }
0xf6: {  	[bflag:$0x0] =	sbarrier.arrive $0xFFFF  }
0xf7: {  	_ =	strace $0x90000053  }
0xf8: {  	[bflag:$0x2] =	sbarrier.arrive $0xFFFF  }
0xf9: {  	p0 =	sne.s32 s2, $0x0;
	s0 =	rddreg [dreg:$0x3]  }
0xfa: {  	s0 =	sadd.s32 @!p0 $0x100000, s0  }
0xfb: {  	[sflag:s0] =	ssyncadd.tile.s32 @!p0 $0x1;
	_ =	shalt  }
.Lfunc_end2:
_tile_overlayer_lowered:
.L_overlay_start_2:
0xfc: {  	(tag) =	ssettag $0x2  }
0xfd: {  	s0 =	rddreg [dreg:$0x0];
	s2 =	stileid.u32  }
0xfe: {  	s1 =	rddreg [dreg:$0x1];
	p0 =	sne.s32 s2, $0x0  }
0xff: {  	s3 =	rddreg [dreg:$0x2];
	[bflag:$0x3] =	sbarrier.arrive $0xFFFF;
	s2 =	simm.s32 @!p0 $0x1C03  }
0x100: {  	[timem:s3], [sflag:s2] =	dma.local @!p0 [hbm:s0], s1  }
0x101: {  	s0 =	simm.s32 @!p0 $0x3  }
0x102: {  	_ =	swait.ge @!p0 [sflag:s0], s1  }
0x103: {  	s1 =	ssub.s32 @!p0 $0x0, s1;
	[sflag:s0] =	ssyncset.done @!p0 $0x0  }
0x104: {  	[sflag:s0] =	ssyncadd.s32 @!p0 s1  }
0x105: {  	[bflag:$0x3] =	sbarrier.arrive $0xFFFF  }
0x106: {  	_ =	shalt  }

// kernel: kernel.19.cloned.1.call-start
scs
__scs_entry_jumppad:
0x0: {  	(pc) =	sbr.rel $0x88, $3  }
0x1: {  	(tag) =	ssettag $0x0;
	lr =	simm.s32 $0x1  }
0x2: {  	[smem:$0x3F99] =	sst lr;
	_ =	strace $0xD0000000  }
0x3: {  	_ = 	snop  }
0x4: {  	_ = 	snop  }
0x5: {  	_ = 	snop  }
0x6: {  	_ = 	snop  }
0x7: {  	_ = 	snop  }
__scs_overlays_trampoline_lowered:
0x8: {  	[smem:$0x3FA8] =	sst s0  }
0x9: {  	[smem:$0x3FA9] =	sst s1  }
0xa: {  	[smem:$0x3FAA] =	sst s2  }
0xb: {  	[smem:$0x3FAB] =	sst s3  }
0xc: {  	[smem:$0x3FAC] =	sst s4  }
0xd: {  	[smem:$0x3FAD] =	sst s5  }
0xe: {  	[smem:$0x3FAE] =	sst s6  }
0xf: {  	[smem:$0x3FAF] =	sst s7  }
0x10: {  	[smem:$0x3FB0] =	sst s8  }
0x11: {  	[smem:$0x3FB1] =	sst s9;
	s0 =	simm.s32 @!p0 $0x0  }
0x12: {  	s1 =	sld [smem:$0x3F97];
	s0 =	simm.s32 @p0 $0x1  }
0x13: {  	[smem:$0x3FB2] =	sst s0;
	s0 =	simm.s32 @!p1 $0x0  }
0x14: {  	s2 =	sld [smem:$0x3F96];
	s0 =	simm.s32 @p1 $0x1  }
0x15: {  	[smem:$0x3FB3] =	sst s0;
	s0 =	simm.s32 @!p2 $0x0  }
0x16: {  	s3 =	sld [smem:$0x3FDB];
	s0 =	simm.s32 @p2 $0x1  }
0x17: {  	s4 =	simm.s32 $0x1BF5;
	[smem:$0x3FB5] =	sst s0  }
0x18: {  	s0 =	sld [smem:$0x3F98];
	_ =	swait.ge [sflag:s4], $0x0  }
0x19: {  	s7 =	sld [smem:$0x3F99]  }
0x1a: {  	s8 =	sadd.s32 $0xFFFFE003, lr  }
0x1b: {  	s9 =	sadd.s32 $0xFFFFFEF7, lr;
	s5 =	simm.s32 $0xFFFFFFFF;
	p2 =	slt.u32 s8, $0xFFFFF086  }
0x1c: {  	p1 =	slt.u32 s9, $0xF7A;
	s5 =	simm.s32 @!p2 $0x0  }
0x1d: {  	s5 =	simm.s32 @p1 $0x1;
	p0 =	seq.s32 s7, s2  }
0x1e: {  	s7 =	smul.u32 @!p0 $0xF7A, s2;
	p2 =	seq.s32 @!p0 s5, $0x0  }
0x1f: {  	s9 =	smul.u32 $0xF7A, s1;
	s8 =	simm.s32 @!p0 $0x1BF5;
	p2 =	por !p2, p0  }
0x20: {  	[sflag:s8] =	ssyncset.s32 @!p0 $0xFFFFF086;
	s6 =	sadd.s32 @!p0 s3, s7;
	s7 =	simm.s32 @!p0 $0x108  }
0x21: {  	s3 =	sadd.s32 s3, s9;
	s6 =	sadd.s32 @!p0 $0x88, s6;
	s7 =	simm.s32 @p2 $0x1082  }
0x22: {  	[simem:s7], [sflag:s8] =	dma.local @!p0 [hbm:s6], $0xF7A  }
0x23: {  	s9 =	sor.u32 $0xD0000000, s2;
	s6 =	simm.s32 $0x108;
	_ =	swait.ge @!p0 [sflag:s8], $0x0  }
0x24: {  	s3 =	sadd.s32 $0x88, s3;
	s6 =	simm.s32 @!p1 $0x1082;
	[sflag:s4] =	ssyncset.s32 $0xFFFFF086  }
0x25: {  	[simem:s6], [sflag:s4] =	dma.local [hbm:s3], $0xF7A  }
0x26: {  	[smem:$0x3F99] =	sst s1;
	(tag) =	ssettag s2;
	_ =	strace s9  }
0x27: {  	s1 =	sld [smem:$0x3FA9]  }
0x28: {  	s2 =	sld [smem:$0x3FAA]  }
0x29: {  	s4 =	sld [smem:$0x3FAC]  }
0x2a: {  	p0 =	seq.s32 s5, $0x0;
	s5 =	sld [smem:$0x3FAD]  }
0x2b: {  	s6 =	sld [smem:$0x3FAE]  }
0x2c: {  	s7 =	sld [smem:$0x3FAF]  }
0x2d: {  	s3 =	simm.s32 $0x108;
	s8 =	sld [smem:$0x3FB0]  }
0x2e: {  	s3 =	simm.s32 @!p0 $0x1082;
	s9 =	sld [smem:$0x3FB1]  }
0x2f: {  	lr =	sadd.s32 s0, s3;
	s0 =	sld [smem:$0x3FA8]  }
0x30: {  	s3 =	sld [smem:$0x3FAB]  }
0x31: {  	[smem:$0x3FB4] =	sst s10  }
0x32: {  	s10 =	sld [smem:$0x3FB2];
	_ =	sdelay $0x3  }
0x33: {  	p0 =	seq.s32 s10, $0x1;
	s10 =	sld [smem:$0x3FB4];
	_ =	sdelay $0x3  }
0x34: {  	[smem:$0x3FB4] =	sst s10  }
0x35: {  	s10 =	sld [smem:$0x3FB3];
	_ =	sdelay $0x3  }
0x36: {  	p1 =	seq.s32 s10, $0x1;
	s10 =	sld [smem:$0x3FB4];
	_ =	sdelay $0x3  }
0x37: {  	[smem:$0x3FB4] =	sst s10  }
0x38: {  	s10 =	sld [smem:$0x3FB5]  }
0x39: {  	_ = 	snop;
	(pc) =	sbr.ind lr, $3  }
0x3a: {  	_ = 	snop  }
0x3b: {  	_ = 	snop  }
0x3c: {  	p2 =	seq.s32 s10, $0x1;
	s10 =	sld [smem:$0x3FB4]  }
0x3d: {  	_ =	shalt  }
0x3e: {  	_ =	shalt  }
0x3f: {  	_ =	shalt  }
0x40: {  	_ =	shalt  }
0x41: {  	_ =	shalt  }
0x42: {  	_ =	shalt  }
0x43: {  	_ =	shalt  }
0x44: {  	_ =	shalt  }
0x45: {  	_ =	shalt  }
0x46: {  	_ =	shalt  }
0x47: {  	_ =	shalt  }
0x48: {  	_ =	shalt  }
0x49: {  	_ =	shalt  }
0x4a: {  	_ =	shalt  }
0x4b: {  	_ =	shalt  }
0x4c: {  	_ =	shalt  }
0x4d: {  	_ =	shalt  }
0x4e: {  	_ =	shalt  }
0x4f: {  	_ =	shalt  }
0x50: {  	_ =	shalt  }
0x51: {  	_ =	shalt  }
0x52: {  	_ =	shalt  }
0x53: {  	_ =	shalt  }
0x54: {  	_ =	shalt  }
0x55: {  	_ =	shalt  }
0x56: {  	_ =	shalt  }
0x57: {  	_ =	shalt  }
0x58: {  	_ =	shalt  }
0x59: {  	_ =	shalt  }
0x5a: {  	_ =	shalt  }
0x5b: {  	_ =	shalt  }
0x5c: {  	_ =	shalt  }
0x5d: {  	_ =	shalt  }
0x5e: {  	_ =	shalt  }
0x5f: {  	_ =	shalt  }
0x60: {  	_ =	shalt  }
0x61: {  	_ =	shalt  }
0x62: {  	_ =	shalt  }
0x63: {  	_ =	shalt  }
0x64: {  	_ =	shalt  }
0x65: {  	_ =	shalt  }
0x66: {  	_ =	shalt  }
0x67: {  	_ =	shalt  }
0x68: {  	_ =	shalt  }
0x69: {  	_ =	shalt  }
0x6a: {  	_ =	shalt  }
0x6b: {  	_ =	shalt  }
0x6c: {  	_ =	shalt  }
0x6d: {  	_ =	shalt  }
0x6e: {  	_ =	shalt  }
0x6f: {  	_ =	shalt  }
0x70: {  	_ =	shalt  }
0x71: {  	_ =	shalt  }
0x72: {  	_ =	shalt  }
0x73: {  	_ =	shalt  }
0x74: {  	_ =	shalt  }
0x75: {  	_ =	shalt  }
0x76: {  	_ =	shalt  }
0x77: {  	_ =	shalt  }
0x78: {  	_ =	shalt  }
0x79: {  	_ =	shalt  }
0x7a: {  	_ =	shalt  }
0x7b: {  	_ =	shalt  }
0x7c: {  	_ =	shalt  }
0x7d: {  	_ =	shalt  }
0x7e: {  	_ =	shalt  }
0x7f: {  	_ =	shalt  }
0x80: {  	_ =	shalt  }
0x81: {  	_ =	shalt  }
0x82: {  	_ =	shalt  }
0x83: {  	_ =	shalt  }
0x84: {  	_ =	shalt  }
0x85: {  	_ =	shalt  }
0x86: {  	_ =	shalt  }
0x87: {  	_ =	shalt  }
.Lfunc_end0:
.L_simem_size_0:
called_computation.3_lowered:
.L_overlay_start_0:
0x88: {  	s2 =	sld [smem:$0x3FD9]  }
0x89: {  	s3 =	sld [smem:$0x3FFE];
	_ =	sdelay $0x1  }
0x8a: {  	s1 =	srdreg.scid  }
0x8b: {  	s0 =	sand.u32 $0x1, s1  }
0x8c: {  	s15 =	sshll.u32 s0, $0xA;
	s2 =	sadd.s32 s3, s2  }
0x8d: {  	s2 =	sadd.s32 s2, s15  }
0x8e: {  	[smem:$0x3FC0] =	sst s2  }
0x8f: {  	_ = 	snop  }
0x90: {  	s2 =	sld [smem:$0x3FD0];
	_ =	sdelay $0x2  }
0x91: {  	s16 =	simm.s32 $0xB;
	s4 =	simm.s32 $0x10  }
0x92: {  	[smem:s4], [sflag:s16] =	dma.local [hbm:s2], $0x1  }
0x93: {  	_ =	swait.eq [sflag:s16], $0x1  }
0x94: {  	[sflag:s16] =	ssyncset.done $0x0  }
0x95: {  	[sflag:s16] =	ssyncadd.s32 $0xFFFFFFFF  }
0x96: {  	s17 =	sld [smem:$0x10];
	(tm) =	ssettm $0x1  }
0x97: {  	s18 =	sld [smem:$0x3FFB];
	_ =	sdelay $0x3  }
0x98: {  	_ =	strace s18  }
0x99: {  	s2 =	sld [smem:$0x3FFC];
	_ =	sdelay $0x3  }
0x9a: {  	_ =	strace s2  }
0x9b: {  	s2 =	sld [smem:$0x3FFD];
	_ =	sdelay $0x3  }
0x9c: {  	_ =	strace s2  }
0x9d: {  	_ =	strace $0x8FFFFFFF  }
0x9e: {  	s19 =	sld [smem:$0x3FDB];
	_ =	sdelay $0x1  }
0x9f: {  	s20 =	simm.s32 $_scs_section_size  }
0xa0: {  	s5 =	simm.s32 $_size__tile_overlayer_lowered;
	s6 =	simm.s32 $_tile_overlayer_lowered  }
0xa1: {  	s7 =	simm.s32 $0x1BFF;
	s21 =	sshll.u32 s6, $0x1;
	s4 =	sadd.s32 s20, s19  }
0xa2: {  	s22 =	simm.s32 $0x0;
	s5 =	sshll.u32 s5, $0x1;
	s6 =	sadd.s32 s21, s4  }
0xa3: {  	[timem:s22], [sflag:s7] =	dma.local [hbm:s6], s5  }
0xa4: {  	_ =	swait.ge [sflag:s7], s5  }
0xa5: {  	s5 =	ssub.s32 $0x0, s5;
	[sflag:s7] =	ssyncset.done $0x0  }
0xa6: {  	[sflag:s7] =	ssyncadd.s32 s5;
	_ =	sdelay $0x1  }
0xa7: {  	s23 =	simm.s32 $0x1B8B  }
0xa8: {  	_ =	swait.ge [sflag:s23], $0x1  }
0xa9: {  	[sflag:s23] =	ssyncset.done $0x0  }
0xaa: {  	[sflag:s23] =	ssyncadd.s32 $0xFFFFFFFF  }
0xab: {  	s5 =	sld [smem:$0x0]  }
0xac: {  	s6 =	sand.u32 $0xFFFFFFFE, s1  }
0xad: {  	p0 =	sne.s32 s1, s6  }
0xae: {  	s6 =	sshll.u32 @p0 s6, $0xE  }
0xaf: {  	s6 =	sadd.s32 @p0 $0x11B8D, s6;
	s7 =	sshll.u32 @p0 s5, $0x11  }
0xb0: {  	s6 =	sor.u32 @p0 s7, s6  }
0xb1: {  	[sflag:s6] =	ssyncadd.remote.s32 @p0 $0x1;
	_ =	sdelay $0x1  }
0xb2: {  	s6 =	simm.s32 @p0 $0x1B8D  }
0xb3: {  	_ =	swait.eq @p0 [sflag:s6], $0x1  }
0xb4: {  	[sflag:s6] =	ssyncadd.s32 @p0 $0xFFFFFFFF  }
0xb5: {  	s7 =	sshll.u32 @!p0 s1, $0xE  }
0xb6: {  	s7 =	sor.u32 @!p0 $0x4000, s7;
	s6 =	simm.s32 @!p0 $0x1B8D  }
0xb7: {  	s5 =	sshll.u32 @!p0 s5, $0x11;
	s7 =	sadd.s32 @!p0 $0x11B8D, s7;
	_ =	swait.eq @!p0 [sflag:s6], $0x1  }
0xb8: {  	s5 =	sor.u32 @!p0 s5, s7;
	[sflag:s6] =	ssyncadd.s32 @!p0 $0xFFFFFFFF  }
0xb9: {  	s25 =	simm.s32 $0x1B8E;
	s24 =	sld [smem:$0x3FFE];
	[sflag:s5] =	ssyncadd.remote.s32 @!p0 $0x1  }
0xba: {  	s26 =	simm.s32 $execute0_lowered;
	[smem:$0x3FD2] =	sst s25  }
0xbb: {  	s6 =	sshll.u32 s26, $0x1;
	_ =	strace $0x80000049;
	[dreg:$0x1] =	wrdreg $0xFFFFFFFF  }
0xbc: {  	s28 =	simm.s32 $_size_execute0_lowered;
	s4 =	sadd.s32 s4, s6;
	[dreg:$0x0] =	wrdreg $0x0  }
0xbd: {  	s6 =	sshll.u32 s28, $0x1;
	[dreg:$0x2] =	wrdreg s4  }
0xbe: {  	[dreg:$0x3] =	wrdreg s6  }
0xbf: {  	[dreg:$0x4] =	wrdreg $0xC0  }
0xc0: {  	_ =	task [dreg:s22], $0x5FFFF  }
0xc1: {  	[dreg:$0x1] =	wrdreg $0xFFFFFFFF  }
0xc2: {  	[dreg:$0x0] =	wrdreg $0x60  }
0xc3: {  	[dreg:$0x2] =	wrdreg s24  }
0xc4: {  	[dreg:$0x3] =	wrdreg s17  }
0xc5: {  	[dreg:$0x4] =	wrdreg $0x53000  }
0xc6: {  	[dreg:$0x5] =	wrdreg $0xA  }
0xc7: {  	_ =	task.clear_ibuf [dreg:s22], $0x6FFFF;
	_ =	strace $0x90000049  }
0xc8: {  	s29 =	simm.s32 $0xA;
	_ =	strace $0x8000004B  }
0xc9: {  	_ =	swait.ge [sflag:s29], $0x1  }
0xca: {  	[sflag:s29] =	ssyncadd.s32 $0xFFFFFFFF  }
0xcb: {  	_ =	strace $0x9000004B  }
0xcc: {  	_ =	sfence  }
0xcd: {  	s30 =	sld [smem:$0x0];
	_ =	sdelay $0x2  }
0xce: {  	s31 =	sshll.u32 s1, $0xD;
	s1 =	sshrl.u32 s1, $0x2  }
0xcf: {  	s4 =	sand.u32 $0x4000, s31;
	s1 =	sadd.s32 s1, s30  }
0xd0: {  	s0 =	sor.u32 s4, s0;
	s1 =	sshll.u32 s1, $0x11  }
0xd1: {  	s0 =	sor.u32 s1, s0  }
0xd2: {  	s0 =	sadd.s32 $0x8F2B, s0  }
0xd3: {  	[sflag:s0] =	ssyncadd.remote.s32 $0x1  }
0xd4: {  	_ =	sfence.sel $0xFFFF  }
0xd5: {  	[dreg:$0x0] =	wrdreg $0xFFFFFFFF;
	(pc) =	sbr.abs _section_cstart, $3  }
0xd6: {  	[dreg:$0x1] =	wrdreg $0xFFFFFFFF  }
0xd7: {  	_ =	task.clear_ibuf [dreg:s22], $0x2FFFF;
	_ =	strace $0x9FFFFFFF  }
0xd8: {  	(tm) =	ssettm $0x7FFFFFFF  }
0xd9: {  	_ =	shalt  }
tec
execute0_lowered:
.L_overlay_start_1:
0x0: {  	(tag) =	ssettag $0x1  }
0x1: {  	s5 =	rddreg [dreg:$0x0]  }
0x2: {  	s7 =	rddreg [dreg:$0x1]  }
0x3: {  	s2 =	rddreg [dreg:$0x2]  }
0x4: {  	s0 =	rddreg [dreg:$0x3]  }
0x5: {  	s3 =	simm.s32 $0x0;
	s1 =	stileid.u32;
	s6 =	srdreg.scid  }
0x6: {  	s15 =	simm.s32 $0x300;
	s16 =	simm.s32 $0x180;
	s17 =	simm.s32 $0x2B00  }
0x7: {  	s18 =	simm.s32 $0x1;
	s19 =	simm.s32 $0x200;
	s4 =	smul.u32 $0x9E0, s1  }
0x8: {  	s21 =	simm.s32 $0x280;
	s22 =	simm.s32 $0x0;
	s8 =	smul.u32 $0x6400, s1  }
0x9: {  	[smem:$0x7FF] =	sst s3;
	s9 =	sand.u32 $0x1, s6;
	s11 =	smul.u32 $0xC80, s1  }
0xa: {  	s30 =	sshll.u32 s1, $0x6;
	_ =	strace $0x8000004A;
	s14 =	smul.u32 $0xC800, s9  }
0xb: {  	s6 =	ssub.s32 $0x2, s9;
	s20 =	smul.u32 $0x1388, s9;
	s10 =	sadd.s32 s4, s5  }
0xc: {  	s4 =	sadd.s32 $0x4000, s5;
	s12 =	sshrl.u32 s8, $0x3;
	s13 =	sshrl.u32 s6, $0x1  }
0xd: {  	s29 =	sadd.s32 s8, s2;
	s5 =	sadd.s32 s12, s5;
	s28 =	ssub.s32 s6, s13  }
0xe: {  	s31 =	sadd.s32 s11, s14;
	s6 =	sor.u32 $0x1C03, s30;
	s9 =	sadd.s32 $0x4B000, s10  }
0xf: {  	s10 =	sadd.s32 $0x41200, s10;
	s11 =	sshrl.u32 s29, $0x3;
	s12 =	simm.s32 $0x3  }
0x10: {  	s13 =	simm.s32 $0x100;
	s14 =	simm.s32 $0x80;
	v0 =	vmov s20;
	s20 =	simm.s32 $0x2  }
0x11: {  	s5 =	sadd.s32 $0x54E00, s5;
	s7 =	sadd.s32 s7, s31;
	s8 =	smax.u32 s28, $0x1  }
.LBB2_1:
0x12: {  	[spmem:s11], [sflag:s6] =	dma.local [hbm:s5], $0xC80  }
0x13: {  	_ =	swait.ge [sflag:s12], $0xC80  }
0x14: {  	[sflag:s12] =	ssyncset.done $0x0  }
0x15: {  	[sflag:s12] =	ssyncadd.s32 $0xFFFFF380  }
0x16: {  	s23 =	sadd.s32 $0x0, s9;
	[bflag:$0x0] =	sbarrier.arrive $0xFFFF  }
0x17: {  	[tilespmem:s3], [sflag:$0x3] =	stream.linear.gather [hbm4b:s23+s3], $0x80, $0x38;
	[tilespmem:$0xB700] =	vst v63  }
0x18: {  	_ =	swait.ge [sflag:s12], $0x80  }
0x19: {  	[sflag:s12] =	ssyncset.done $0x0  }
0x1a: {  	s24 =	sadd.s32 $0x0, s10;
	[sflag:s12] =	ssyncadd.s32 $0xFFFFFF80  }
0x1b: {  	[tilespmem:s13], [sflag:$0x3] =	stream.linear.gather [hbm4b:s24+s3], $0x80, $0x38;
	[tilespmem:$0xB700] =	vst v63  }
0x1c: {  	_ =	swait.ge [sflag:s12], $0x80  }
0x1d: {  	[sflag:s12] =	ssyncset.done $0x0  }
0x1e: {  	[sflag:s12] =	ssyncadd.s32 $0xFFFFFF80  }
0x1f: {  	[tilespmem:s15], [sflag:$0x1] =	stream.indirect.gather [hbm4b:s4+s14], $0x50, s3, s14, $0xb8;
	[tilespmem:$0xB700] =	vst v63  }
0x20: {  	s23 =	sadd.s32 $0x10, s23  }
0x21: {  	[tilespmem:s14], [sflag:$0x3] =	stream.linear.gather [hbm4b:s23+s3], $0x80, $0x38;
	[tilespmem:$0xB700] =	vst v63  }
0x22: {  	_ =	swait.ge [sflag:s12], $0x80  }
0x23: {  	[sflag:s12] =	ssyncset.done $0x0  }
0x24: {  	s31 =	sadd.s32 $0x10, s24;
	[sflag:s12] =	ssyncadd.s32 $0xFFFFFF80  }
0x25: {  	[tilespmem:s16], [sflag:$0x3] =	stream.linear.gather [hbm4b:s31+s3], $0x80, $0x38;
	[tilespmem:$0xB700] =	vst v63  }
0x26: {  	_ =	swait.ge [sflag:s12], $0x80  }
0x27: {  	[sflag:s12] =	ssyncset.done $0x0  }
0x28: {  	[sflag:s12] =	ssyncadd.s32 $0xFFFFFF80  }
0x29: {  	[tilespmem:s17], [sflag:$0x2] =	stream.indirect.gather [hbm4b:s4+s14], $0x50, s14, s14, $0xb8;
	[tilespmem:$0xB700] =	vst v63  }
0x2a: {  	v1 =	vld [tilespmem:$0x1F0]  }
0x2b: {  	v2 =	vld [tilespmem:$0x1B0]  }
0x2c: {  	v3 =	vld [tilespmem:$0x1D0]  }
0x2d: {  	v5 =	vld [tilespmem:$0x1A0]  }
0x2e: {  	v4 =	vld [tilespmem:$0x1C0]  }
0x2f: {  	v6 =	vld [tilespmem:$0x190];
	v1 =	vsub.s32 v1, v0  }
0x30: {  	v7 =	vld [tilespmem:$0x180];
	v2 =	vsub.s32 v2, v0;
	v1 =	vmin.u32 v1, $0x1388  }
0x31: {  	v8 =	vld [tilespmem:$0x170];
	v3 =	vsub.s32 v3, v0;
	v2 =	vmin.u32 v2, $0x1388;
	[tilespmem:$0x2F0] =	vst v1  }
0x32: {  	v59 =	vld [tilespmem:$0x150];
	v5 =	vsub.s32 v5, v0;
	v3 =	vmin.u32 v3, $0x1388;
	[tilespmem:$0x2B0] =	vst v2  }
0x33: {  	v5 =	vmin.u32 v5, $0x1388;
	v1 =	vld [tilespmem:$0x160];
	v2 =	vsub.s32 v4, v0;
	[tilespmem:$0x2D0] =	vst v3  }
0x34: {  	v6 =	vsub.s32 v6, v0;
	v3 =	vld [tilespmem:$0x140];
	[tilespmem:$0x2A0] =	vst v5;
	v2 =	vmin.u32 v2, $0x1388  }
0x35: {  	v7 =	vsub.s32 v7, v0;
	v6 =	vmin.u32 v6, $0x1388;
	[tilespmem:$0x2C0] =	vst v2;
	v2 =	vld [tilespmem:$0x130]  }
0x36: {  	v60 =	vld [tilespmem:$0x120];
	v8 =	vsub.s32 v8, v0;
	v7 =	vmin.u32 v7, $0x1388;
	[tilespmem:$0x290] =	vst v6  }
0x37: {  	v61 =	vld [tilespmem:$0x110];
	v8 =	vmin.u32 v8, $0x1388;
	[tilespmem:$0x280] =	vst v7;
	v4 =	vsub.s32 v59, v0  }
0x38: {  	v62 =	vld [tilespmem:$0x1E0];
	[tilespmem:$0x270] =	vst v8;
	v4 =	vmin.u32 v4, $0x1388;
	v1 =	vsub.s32 v1, v0  }
0x39: {  	v63 =	vld [tilespmem:$0x100];
	[tilespmem:$0x250] =	vst v4;
	v3 =	vsub.s32 v3, v0;
	v1 =	vmin.u32 v1, $0x1388  }
0x3a: {  	[tilespmem:$0x260] =	vst v1;
	v1 =	vsub.s32 v2, v0;
	v2 =	vmin.u32 v3, $0x1388  }
0x3b: {  	v3 =	vsub.s32 v60, v0;
	v1 =	vmin.u32 v1, $0x1388;
	[tilespmem:$0x240] =	vst v2  }
0x3c: {  	v2 =	vsub.s32 v61, v0;
	v3 =	vmin.u32 v3, $0x1388;
	[tilespmem:$0x230] =	vst v1  }
0x3d: {  	v2 =	vmin.u32 v2, $0x1388;
	[tilespmem:$0x220] =	vst v3;
	v3 =	vsub.s32 v62, v0  }
0x3e: {  	s23 =	simm.s32 $0x20;
	v1 =	vsub.s32 v63, v0;
	[tilespmem:$0x210] =	vst v2;
	v2 =	vmin.u32 v3, $0x1388  }
.LBB2_2:
0x3f: {  	p0 =	sne.s32 s23, $0x9C0;
	v1 =	vmin.u32 v1, $0x1388;
	[tilespmem:$0x2E0] =	vst v2;
	s24 =	smov.u32 s23;
	s23 =	sadd.s32 $0x20, s23  }
0x40: {  	[tilespmem:$0x200] =	vst v1  }
0x41: {  	_ =	swait.ge [sflag:s18], $0x2800  }
0x42: {  	[sflag:s18] =	ssyncset.done $0x0  }
0x43: {  	[sflag:s18] =	ssyncadd.s32 $0xFFFFD800  }
0x44: {  	[spmem:s2] =	stream.indirect.scatter.add.f32 [tilespmem:s15], [sflag:$0x3], $0x50, s19, s14, $0xb8;
	[tilespmem:$0xB700] =	vst v63  }
0x45: {  	_ =	swait.ge [sflag:s12], $0x2800  }
0x46: {  	[sflag:s12] =	ssyncset.done $0x0  }
0x47: {  	[sflag:s12] =	ssyncadd.s32 $0xFFFFD800  }
0x48: {  	_ =	swait.ge [sflag:s20], $0x2800  }
0x49: {  	[sflag:s20] =	ssyncset.done $0x0  }
0x4a: {  	[sflag:s20] =	ssyncadd.s32 $0xFFFFD800  }
0x4b: {  	[spmem:s2] =	stream.indirect.scatter.add.f32 [tilespmem:s17], [sflag:$0x3], $0x50, s21, s14, $0xb8;
	[tilespmem:$0xB700] =	vst v63  }
0x4c: {  	_ =	swait.ge [sflag:s12], $0x2800  }
0x4d: {  	[sflag:s12] =	ssyncset.done $0x0  }
0x4e: {  	s25 =	sadd.s32 s24, s9;
	[sflag:s12] =	ssyncadd.s32 $0xFFFFD800  }
0x4f: {  	[tilespmem:s3], [sflag:$0x3] =	stream.linear.gather [hbm4b:s25+s3], $0x80, $0x38;
	[tilespmem:$0xB700] =	vst v63  }
0x50: {  	_ =	swait.ge [sflag:s12], $0x80  }
0x51: {  	[sflag:s12] =	ssyncset.done $0x0  }
0x52: {  	s24 =	sadd.s32 s24, s10;
	[sflag:s12] =	ssyncadd.s32 $0xFFFFFF80  }
0x53: {  	[tilespmem:s13], [sflag:$0x3] =	stream.linear.gather [hbm4b:s24+s3], $0x80, $0x38;
	[tilespmem:$0xB700] =	vst v63  }
0x54: {  	_ =	swait.ge [sflag:s12], $0x80  }
0x55: {  	[sflag:s12] =	ssyncset.done $0x0  }
0x56: {  	[sflag:s12] =	ssyncadd.s32 $0xFFFFFF80  }
0x57: {  	[tilespmem:s15], [sflag:$0x1] =	stream.indirect.gather [hbm4b:s4+s14], $0x50, s3, s14, $0xb8;
	[tilespmem:$0xB700] =	vst v63  }
0x58: {  	s25 =	sadd.s32 $0x10, s25  }
0x59: {  	[tilespmem:s14], [sflag:$0x3] =	stream.linear.gather [hbm4b:s25+s3], $0x80, $0x38;
	[tilespmem:$0xB700] =	vst v63  }
0x5a: {  	_ =	swait.ge [sflag:s12], $0x80  }
0x5b: {  	[sflag:s12] =	ssyncset.done $0x0  }
0x5c: {  	s24 =	sadd.s32 $0x10, s24;
	[sflag:s12] =	ssyncadd.s32 $0xFFFFFF80  }
0x5d: {  	[tilespmem:s16], [sflag:$0x3] =	stream.linear.gather [hbm4b:s24+s3], $0x80, $0x38;
	[tilespmem:$0xB700] =	vst v63  }
0x5e: {  	_ =	swait.ge [sflag:s12], $0x80  }
0x5f: {  	[sflag:s12] =	ssyncset.done $0x0  }
0x60: {  	[sflag:s12] =	ssyncadd.s32 $0xFFFFFF80  }
0x61: {  	[tilespmem:s17], [sflag:$0x2] =	stream.indirect.gather [hbm4b:s4+s14], $0x50, s14, s14, $0xb8;
	[tilespmem:$0xB700] =	vst v63  }
0x62: {  	v1 =	vld [tilespmem:$0x1F0]  }
0x63: {  	v2 =	vld [tilespmem:$0x1B0]  }
0x64: {  	v3 =	vld [tilespmem:$0x1D0]  }
0x65: {  	v4 =	vld [tilespmem:$0x1C0]  }
0x66: {  	v5 =	vld [tilespmem:$0x1A0]  }
0x67: {  	v6 =	vld [tilespmem:$0x190];
	v1 =	vsub.s32 v1, v0  }
0x68: {  	v7 =	vld [tilespmem:$0x180];
	v2 =	vsub.s32 v2, v0;
	v1 =	vmin.u32 v1, $0x1388  }
0x69: {  	v8 =	vld [tilespmem:$0x170];
	v2 =	vmin.u32 v2, $0x1388;
	v3 =	vsub.s32 v3, v0;
	[tilespmem:$0x2F0] =	vst v1  }
0x6a: {  	v1 =	vld [tilespmem:$0x160];
	[tilespmem:$0x2B0] =	vst v2;
	v2 =	vsub.s32 v4, v0;
	v3 =	vmin.u32 v3, $0x1388  }
0x6b: {  	v4 =	vld [tilespmem:$0x150];
	v5 =	vsub.s32 v5, v0;
	v2 =	vmin.u32 v2, $0x1388;
	[tilespmem:$0x2D0] =	vst v3  }
0x6c: {  	v3 =	vld [tilespmem:$0x140];
	v6 =	vsub.s32 v6, v0;
	v5 =	vmin.u32 v5, $0x1388;
	[tilespmem:$0x2C0] =	vst v2  }
0x6d: {  	v2 =	vld [tilespmem:$0x130];
	v7 =	vsub.s32 v7, v0;
	v6 =	vmin.u32 v6, $0x1388;
	[tilespmem:$0x2A0] =	vst v5  }
0x6e: {  	v5 =	vld [tilespmem:$0x120];
	v8 =	vsub.s32 v8, v0;
	v7 =	vmin.u32 v7, $0x1388;
	[tilespmem:$0x290] =	vst v6  }
0x6f: {  	v6 =	vld [tilespmem:$0x110];
	v1 =	vsub.s32 v1, v0;
	v8 =	vmin.u32 v8, $0x1388;
	[tilespmem:$0x280] =	vst v7  }
0x70: {  	v4 =	vsub.s32 v4, v0;
	v1 =	vmin.u32 v1, $0x1388;
	[tilespmem:$0x270] =	vst v8;
	v7 =	vld [tilespmem:$0x1E0]  }
0x71: {  	v8 =	vld [tilespmem:$0x100];
	v3 =	vsub.s32 v3, v0;
	v4 =	vmin.u32 v4, $0x1388;
	[tilespmem:$0x260] =	vst v1  }
.Ltmp0:
0x72: {  	v1 =	vsub.s32 v2, v0;
	v2 =	vmin.u32 v3, $0x1388;
	[tilespmem:$0x250] =	vst v4;
	(pc) =	sbr.rel @p0 .LBB2_2-.Ltmp0, $4  }
0x73: {  	v3 =	vsub.s32 v5, v0;
	v1 =	vmin.u32 v1, $0x1388;
	[tilespmem:$0x240] =	vst v2  }
0x74: {  	v2 =	vsub.s32 v6, v0;
	v3 =	vmin.u32 v3, $0x1388;
	[tilespmem:$0x230] =	vst v1  }
0x75: {  	v2 =	vmin.u32 v2, $0x1388;
	[tilespmem:$0x220] =	vst v3;
	v3 =	vsub.s32 v7, v0  }
0x76: {  	v1 =	vsub.s32 v8, v0;
	[tilespmem:$0x210] =	vst v2;
	v2 =	vmin.u32 v3, $0x1388  }
0x77: {  	v1 =	vmin.u32 v1, $0x1388;
	[tilespmem:$0x2E0] =	vst v2  }
0x78: {  	[tilespmem:$0x200] =	vst v1  }
0x79: {  	_ =	swait.ge [sflag:s18], $0x2800  }
0x7a: {  	[sflag:s18] =	ssyncset.done $0x0  }
0x7b: {  	[sflag:s18] =	ssyncadd.s32 $0xFFFFD800  }
0x7c: {  	[spmem:s2] =	stream.indirect.scatter.add.f32 [tilespmem:s15], [sflag:$0x3], $0x50, s19, s14, $0xb8;
	[tilespmem:$0xB700] =	vst v63  }
0x7d: {  	_ =	swait.ge [sflag:s12], $0x2800  }
0x7e: {  	[sflag:s12] =	ssyncset.done $0x0  }
0x7f: {  	[sflag:s12] =	ssyncadd.s32 $0xFFFFD800  }
0x80: {  	_ =	swait.ge [sflag:s20], $0x2800  }
0x81: {  	[sflag:s20] =	ssyncset.done $0x0  }
0x82: {  	[sflag:s20] =	ssyncadd.s32 $0xFFFFD800  }
0x83: {  	[spmem:s2] =	stream.indirect.scatter.add.f32 [tilespmem:s17], [sflag:$0x3], $0x50, s21, s14, $0xb8;
	[tilespmem:$0xB700] =	vst v63  }
0x84: {  	_ =	swait.ge [sflag:s12], $0x2800  }
0x85: {  	s22 =	sadd.s32 $0x1, s22;
	[sflag:s12] =	ssyncset.done $0x0  }
0x86: {  	p0 =	sne.s32 s22, s8;
	[sflag:s12] =	ssyncadd.s32 $0xFFFFD800  }
.Ltmp1:
0x87: {  	[bflag:$0x0] =	sbarrier.arrive $0xFFFF;
	(pc) =	sbr.rel @p0 .LBB2_1-.Ltmp1, $4  }
0x88: {  	[hbm:s7], [sflag:s6] =	dma.local [spmem:s11], $0xC80  }
0x89: {  	_ =	swait.ge [sflag:s12], $0xC80  }
0x8a: {  	[sflag:s12] =	ssyncset.done $0x0  }
0x8b: {  	[sflag:s12] =	ssyncadd.s32 $0xFFFFF380  }
0x8c: {  	_ =	sfence.sel $0x180000  }
0x8d: {  	[bflag:$0x0] =	sbarrier.arrive $0xFFFF  }
0x8e: {  	p0 =	sne.s32 s1, $0x0;
	_ =	strace $0x9000004A  }
0x8f: {  	s0 =	sadd.s32 @!p0 $0x100000, s0;
	[bflag:$0x2] =	sbarrier.arrive $0xFFFF  }
0x90: {  	[sflag:s0] =	ssyncadd.tile.s32 @!p0 $0x1;
	_ =	shalt  }
.Lfunc_end2:
_tile_overlayer_lowered:
.L_overlay_start_2:
0x91: {  	(tag) =	ssettag $0x2  }
0x92: {  	s0 =	rddreg [dreg:$0x0];
	s2 =	stileid.u32  }
0x93: {  	s1 =	rddreg [dreg:$0x1];
	p0 =	sne.s32 s2, $0x0  }
0x94: {  	s3 =	rddreg [dreg:$0x2];
	[bflag:$0x3] =	sbarrier.arrive $0xFFFF;
	s2 =	simm.s32 @!p0 $0x1C03  }
0x95: {  	[timem:s3], [sflag:s2] =	dma.local @!p0 [hbm:s0], s1  }
0x96: {  	s0 =	simm.s32 @!p0 $0x3  }
0x97: {  	_ =	swait.ge @!p0 [sflag:s0], s1  }
0x98: {  	s1 =	ssub.s32 @!p0 $0x0, s1;
	[sflag:s0] =	ssyncset.done @!p0 $0x0  }
0x99: {  	[sflag:s0] =	ssyncadd.s32 @!p0 s1  }
0x9a: {  	[bflag:$0x3] =	sbarrier.arrive $0xFFFF  }
0x9b: {  	_ =	shalt  }

// kernel: kernel.22.cloned.1.call-start
scs
__scs_entry_jumppad:
0x0: {  	(pc) =	sbr.rel $0x88, $3  }
0x1: {  	(tag) =	ssettag $0x0;
	lr =	simm.s32 $0x1  }
0x2: {  	[smem:$0x3F99] =	sst lr;
	_ =	strace $0xD0000000  }
0x3: {  	_ = 	snop  }
0x4: {  	_ = 	snop  }
0x5: {  	_ = 	snop  }
0x6: {  	_ = 	snop  }
0x7: {  	_ = 	snop  }
__scs_overlays_trampoline_lowered:
0x8: {  	[smem:$0x3FA8] =	sst s0  }
0x9: {  	[smem:$0x3FA9] =	sst s1  }
0xa: {  	[smem:$0x3FAA] =	sst s2  }
0xb: {  	[smem:$0x3FAB] =	sst s3  }
0xc: {  	[smem:$0x3FAC] =	sst s4  }
0xd: {  	[smem:$0x3FAD] =	sst s5  }
0xe: {  	[smem:$0x3FAE] =	sst s6  }
0xf: {  	[smem:$0x3FAF] =	sst s7  }
0x10: {  	[smem:$0x3FB0] =	sst s8  }
0x11: {  	[smem:$0x3FB1] =	sst s9;
	s0 =	simm.s32 @!p0 $0x0  }
0x12: {  	s1 =	sld [smem:$0x3F97];
	s0 =	simm.s32 @p0 $0x1  }
0x13: {  	[smem:$0x3FB2] =	sst s0;
	s0 =	simm.s32 @!p1 $0x0  }
0x14: {  	s2 =	sld [smem:$0x3F96];
	s0 =	simm.s32 @p1 $0x1  }
0x15: {  	[smem:$0x3FB3] =	sst s0;
	s0 =	simm.s32 @!p2 $0x0  }
0x16: {  	s3 =	sld [smem:$0x3FDB];
	s0 =	simm.s32 @p2 $0x1  }
0x17: {  	s4 =	simm.s32 $0x1BF5;
	[smem:$0x3FB5] =	sst s0  }
0x18: {  	s0 =	sld [smem:$0x3F98];
	_ =	swait.ge [sflag:s4], $0x0  }
0x19: {  	s7 =	sld [smem:$0x3F99]  }
0x1a: {  	s8 =	sadd.s32 $0xFFFFE003, lr  }
0x1b: {  	s9 =	sadd.s32 $0xFFFFFEF7, lr;
	s5 =	simm.s32 $0xFFFFFFFF;
	p2 =	slt.u32 s8, $0xFFFFF086  }
0x1c: {  	p1 =	slt.u32 s9, $0xF7A;
	s5 =	simm.s32 @!p2 $0x0  }
0x1d: {  	s5 =	simm.s32 @p1 $0x1;
	p0 =	seq.s32 s7, s2  }
0x1e: {  	s7 =	smul.u32 @!p0 $0xF7A, s2;
	p2 =	seq.s32 @!p0 s5, $0x0  }
0x1f: {  	s9 =	smul.u32 $0xF7A, s1;
	s8 =	simm.s32 @!p0 $0x1BF5;
	p2 =	por !p2, p0  }
0x20: {  	[sflag:s8] =	ssyncset.s32 @!p0 $0xFFFFF086;
	s6 =	sadd.s32 @!p0 s3, s7;
	s7 =	simm.s32 @!p0 $0x108  }
0x21: {  	s3 =	sadd.s32 s3, s9;
	s6 =	sadd.s32 @!p0 $0x88, s6;
	s7 =	simm.s32 @p2 $0x1082  }
0x22: {  	[simem:s7], [sflag:s8] =	dma.local @!p0 [hbm:s6], $0xF7A  }
0x23: {  	s9 =	sor.u32 $0xD0000000, s2;
	s6 =	simm.s32 $0x108;
	_ =	swait.ge @!p0 [sflag:s8], $0x0  }
0x24: {  	s3 =	sadd.s32 $0x88, s3;
	s6 =	simm.s32 @!p1 $0x1082;
	[sflag:s4] =	ssyncset.s32 $0xFFFFF086  }
0x25: {  	[simem:s6], [sflag:s4] =	dma.local [hbm:s3], $0xF7A  }
0x26: {  	[smem:$0x3F99] =	sst s1;
	(tag) =	ssettag s2;
	_ =	strace s9  }
0x27: {  	s1 =	sld [smem:$0x3FA9]  }
0x28: {  	s2 =	sld [smem:$0x3FAA]  }
0x29: {  	s4 =	sld [smem:$0x3FAC]  }
0x2a: {  	p0 =	seq.s32 s5, $0x0;
	s5 =	sld [smem:$0x3FAD]  }
0x2b: {  	s6 =	sld [smem:$0x3FAE]  }
0x2c: {  	s7 =	sld [smem:$0x3FAF]  }
0x2d: {  	s3 =	simm.s32 $0x108;
	s8 =	sld [smem:$0x3FB0]  }
0x2e: {  	s3 =	simm.s32 @!p0 $0x1082;
	s9 =	sld [smem:$0x3FB1]  }
0x2f: {  	lr =	sadd.s32 s0, s3;
	s0 =	sld [smem:$0x3FA8]  }
0x30: {  	s3 =	sld [smem:$0x3FAB]  }
0x31: {  	[smem:$0x3FB4] =	sst s10  }
0x32: {  	s10 =	sld [smem:$0x3FB2];
	_ =	sdelay $0x3  }
0x33: {  	p0 =	seq.s32 s10, $0x1;
	s10 =	sld [smem:$0x3FB4];
	_ =	sdelay $0x3  }
0x34: {  	[smem:$0x3FB4] =	sst s10  }
0x35: {  	s10 =	sld [smem:$0x3FB3];
	_ =	sdelay $0x3  }
0x36: {  	p1 =	seq.s32 s10, $0x1;
	s10 =	sld [smem:$0x3FB4];
	_ =	sdelay $0x3  }
0x37: {  	[smem:$0x3FB4] =	sst s10  }
0x38: {  	s10 =	sld [smem:$0x3FB5]  }
0x39: {  	_ = 	snop;
	(pc) =	sbr.ind lr, $3  }
0x3a: {  	_ = 	snop  }
0x3b: {  	_ = 	snop  }
0x3c: {  	p2 =	seq.s32 s10, $0x1;
	s10 =	sld [smem:$0x3FB4]  }
0x3d: {  	_ =	shalt  }
0x3e: {  	_ =	shalt  }
0x3f: {  	_ =	shalt  }
0x40: {  	_ =	shalt  }
0x41: {  	_ =	shalt  }
0x42: {  	_ =	shalt  }
0x43: {  	_ =	shalt  }
0x44: {  	_ =	shalt  }
0x45: {  	_ =	shalt  }
0x46: {  	_ =	shalt  }
0x47: {  	_ =	shalt  }
0x48: {  	_ =	shalt  }
0x49: {  	_ =	shalt  }
0x4a: {  	_ =	shalt  }
0x4b: {  	_ =	shalt  }
0x4c: {  	_ =	shalt  }
0x4d: {  	_ =	shalt  }
0x4e: {  	_ =	shalt  }
0x4f: {  	_ =	shalt  }
0x50: {  	_ =	shalt  }
0x51: {  	_ =	shalt  }
0x52: {  	_ =	shalt  }
0x53: {  	_ =	shalt  }
0x54: {  	_ =	shalt  }
0x55: {  	_ =	shalt  }
0x56: {  	_ =	shalt  }
0x57: {  	_ =	shalt  }
0x58: {  	_ =	shalt  }
0x59: {  	_ =	shalt  }
0x5a: {  	_ =	shalt  }
0x5b: {  	_ =	shalt  }
0x5c: {  	_ =	shalt  }
0x5d: {  	_ =	shalt  }
0x5e: {  	_ =	shalt  }
0x5f: {  	_ =	shalt  }
0x60: {  	_ =	shalt  }
0x61: {  	_ =	shalt  }
0x62: {  	_ =	shalt  }
0x63: {  	_ =	shalt  }
0x64: {  	_ =	shalt  }
0x65: {  	_ =	shalt  }
0x66: {  	_ =	shalt  }
0x67: {  	_ =	shalt  }
0x68: {  	_ =	shalt  }
0x69: {  	_ =	shalt  }
0x6a: {  	_ =	shalt  }
0x6b: {  	_ =	shalt  }
0x6c: {  	_ =	shalt  }
0x6d: {  	_ =	shalt  }
0x6e: {  	_ =	shalt  }
0x6f: {  	_ =	shalt  }
0x70: {  	_ =	shalt  }
0x71: {  	_ =	shalt  }
0x72: {  	_ =	shalt  }
0x73: {  	_ =	shalt  }
0x74: {  	_ =	shalt  }
0x75: {  	_ =	shalt  }
0x76: {  	_ =	shalt  }
0x77: {  	_ =	shalt  }
0x78: {  	_ =	shalt  }
0x79: {  	_ =	shalt  }
0x7a: {  	_ =	shalt  }
0x7b: {  	_ =	shalt  }
0x7c: {  	_ =	shalt  }
0x7d: {  	_ =	shalt  }
0x7e: {  	_ =	shalt  }
0x7f: {  	_ =	shalt  }
0x80: {  	_ =	shalt  }
0x81: {  	_ =	shalt  }
0x82: {  	_ =	shalt  }
0x83: {  	_ =	shalt  }
0x84: {  	_ =	shalt  }
0x85: {  	_ =	shalt  }
0x86: {  	_ =	shalt  }
0x87: {  	_ =	shalt  }
.Lfunc_end0:
.L_simem_size_0:
called_computation.4_lowered:
.L_overlay_start_0:
0x88: {  	s2 =	sld [smem:$0x3FD9]  }
0x89: {  	s3 =	sld [smem:$0x3FFE];
	_ =	sdelay $0x1  }
0x8a: {  	s1 =	srdreg.scid  }
0x8b: {  	s0 =	sand.u32 $0x1, s1  }
0x8c: {  	s15 =	sshll.u32 s0, $0xA;
	s2 =	sadd.s32 s3, s2  }
0x8d: {  	s2 =	sadd.s32 s2, s15  }
0x8e: {  	[smem:$0x3FC0] =	sst s2  }
0x8f: {  	_ = 	snop  }
0x90: {  	s2 =	sld [smem:$0x3FD0];
	_ =	sdelay $0x2  }
0x91: {  	s16 =	simm.s32 $0xB;
	s4 =	simm.s32 $0x10  }
0x92: {  	[smem:s4], [sflag:s16] =	dma.local [hbm:s2], $0x1  }
0x93: {  	_ =	swait.eq [sflag:s16], $0x1  }
0x94: {  	[sflag:s16] =	ssyncset.done $0x0  }
0x95: {  	[sflag:s16] =	ssyncadd.s32 $0xFFFFFFFF  }
0x96: {  	s17 =	sld [smem:$0x10];
	(tm) =	ssettm $0x1  }
0x97: {  	s18 =	sld [smem:$0x3FFB];
	_ =	sdelay $0x3  }
0x98: {  	_ =	strace s18  }
0x99: {  	s2 =	sld [smem:$0x3FFC];
	_ =	sdelay $0x3  }
0x9a: {  	_ =	strace s2  }
0x9b: {  	s2 =	sld [smem:$0x3FFD];
	_ =	sdelay $0x3  }
0x9c: {  	_ =	strace s2  }
0x9d: {  	_ =	strace $0x8FFFFFFF  }
0x9e: {  	s19 =	sld [smem:$0x3FDB];
	_ =	sdelay $0x1  }
0x9f: {  	s20 =	simm.s32 $_scs_section_size  }
0xa0: {  	s5 =	simm.s32 $_size__tile_overlayer_lowered;
	s6 =	simm.s32 $_tile_overlayer_lowered  }
0xa1: {  	s7 =	simm.s32 $0x1BFF;
	s21 =	sshll.u32 s6, $0x1;
	s4 =	sadd.s32 s20, s19  }
0xa2: {  	s22 =	simm.s32 $0x0;
	s5 =	sshll.u32 s5, $0x1;
	s6 =	sadd.s32 s21, s4  }
0xa3: {  	[timem:s22], [sflag:s7] =	dma.local [hbm:s6], s5  }
0xa4: {  	_ =	swait.ge [sflag:s7], s5  }
0xa5: {  	s5 =	ssub.s32 $0x0, s5;
	[sflag:s7] =	ssyncset.done $0x0  }
0xa6: {  	[sflag:s7] =	ssyncadd.s32 s5;
	_ =	sdelay $0x1  }
0xa7: {  	s23 =	simm.s32 $0x1B8B  }
0xa8: {  	_ =	swait.ge [sflag:s23], $0x1  }
0xa9: {  	[sflag:s23] =	ssyncset.done $0x0  }
0xaa: {  	[sflag:s23] =	ssyncadd.s32 $0xFFFFFFFF  }
0xab: {  	s5 =	sld [smem:$0x0]  }
0xac: {  	s6 =	sand.u32 $0xFFFFFFFE, s1  }
0xad: {  	p0 =	sne.s32 s1, s6  }
0xae: {  	s6 =	sshll.u32 @p0 s6, $0xE  }
0xaf: {  	s6 =	sadd.s32 @p0 $0x11B8D, s6;
	s7 =	sshll.u32 @p0 s5, $0x11  }
0xb0: {  	s6 =	sor.u32 @p0 s7, s6  }
0xb1: {  	[sflag:s6] =	ssyncadd.remote.s32 @p0 $0x1;
	_ =	sdelay $0x1  }
0xb2: {  	s6 =	simm.s32 @p0 $0x1B8D  }
0xb3: {  	_ =	swait.eq @p0 [sflag:s6], $0x1  }
0xb4: {  	[sflag:s6] =	ssyncadd.s32 @p0 $0xFFFFFFFF  }
0xb5: {  	s7 =	sshll.u32 @!p0 s1, $0xE  }
0xb6: {  	s7 =	sor.u32 @!p0 $0x4000, s7;
	s6 =	simm.s32 @!p0 $0x1B8D  }
0xb7: {  	s5 =	sshll.u32 @!p0 s5, $0x11;
	s7 =	sadd.s32 @!p0 $0x11B8D, s7;
	_ =	swait.eq @!p0 [sflag:s6], $0x1  }
0xb8: {  	s5 =	sor.u32 @!p0 s5, s7;
	[sflag:s6] =	ssyncadd.s32 @!p0 $0xFFFFFFFF  }
0xb9: {  	s25 =	simm.s32 $0x1B8E;
	s24 =	sld [smem:$0x3FFE];
	[sflag:s5] =	ssyncadd.remote.s32 @!p0 $0x1  }
0xba: {  	s26 =	simm.s32 $execute0_lowered;
	[smem:$0x3FD2] =	sst s25  }
0xbb: {  	s6 =	sshll.u32 s26, $0x1;
	_ =	strace $0x8000004F;
	[dreg:$0x1] =	wrdreg $0xFFFFFFFF  }
0xbc: {  	s28 =	simm.s32 $_size_execute0_lowered;
	s4 =	sadd.s32 s4, s6;
	[dreg:$0x0] =	wrdreg $0x0  }
0xbd: {  	s6 =	sshll.u32 s28, $0x1;
	[dreg:$0x2] =	wrdreg s4  }
0xbe: {  	[dreg:$0x3] =	wrdreg s6  }
0xbf: {  	[dreg:$0x4] =	wrdreg $0xC0  }
0xc0: {  	_ =	task [dreg:s22], $0x5FFFF  }
0xc1: {  	[dreg:$0x1] =	wrdreg $0xFFFFFFFF  }
0xc2: {  	[dreg:$0x0] =	wrdreg $0x60  }
0xc3: {  	[dreg:$0x2] =	wrdreg s24  }
0xc4: {  	[dreg:$0x3] =	wrdreg s17  }
0xc5: {  	[dreg:$0x4] =	wrdreg $0x53000  }
0xc6: {  	[dreg:$0x5] =	wrdreg $0xA  }
0xc7: {  	_ =	task.clear_ibuf [dreg:s22], $0x6FFFF;
	_ =	strace $0x9000004F  }
0xc8: {  	s29 =	simm.s32 $0xA;
	_ =	strace $0x80000051  }
0xc9: {  	_ =	swait.ge [sflag:s29], $0x1  }
0xca: {  	[sflag:s29] =	ssyncadd.s32 $0xFFFFFFFF  }
0xcb: {  	_ =	strace $0x90000051  }
0xcc: {  	_ =	sfence  }
0xcd: {  	s30 =	sld [smem:$0x0];
	_ =	sdelay $0x2  }
0xce: {  	s31 =	sshll.u32 s1, $0xD;
	s1 =	sshrl.u32 s1, $0x2  }
0xcf: {  	s4 =	sand.u32 $0x4000, s31;
	s1 =	sadd.s32 s1, s30  }
0xd0: {  	s0 =	sor.u32 s4, s0;
	s1 =	sshll.u32 s1, $0x11  }
0xd1: {  	s0 =	sor.u32 s1, s0  }
0xd2: {  	s0 =	sadd.s32 $0x8F2B, s0  }
0xd3: {  	[sflag:s0] =	ssyncadd.remote.s32 $0x1  }
0xd4: {  	_ =	sfence.sel $0xFFFF  }
0xd5: {  	[dreg:$0x0] =	wrdreg $0xFFFFFFFF;
	(pc) =	sbr.abs _section_cstart, $3  }
0xd6: {  	[dreg:$0x1] =	wrdreg $0xFFFFFFFF  }
0xd7: {  	_ =	task.clear_ibuf [dreg:s22], $0x2FFFF;
	_ =	strace $0x9FFFFFFF  }
0xd8: {  	(tm) =	ssettm $0x7FFFFFFF  }
0xd9: {  	_ =	shalt  }
tec
execute0_lowered:
.L_overlay_start_1:
0x0: {  	(tag) =	ssettag $0x1  }
0x1: {  	s5 =	rddreg [dreg:$0x0]  }
0x2: {  	s6 =	rddreg [dreg:$0x1]  }
0x3: {  	s2 =	rddreg [dreg:$0x2]  }
0x4: {  	s0 =	rddreg [dreg:$0x3]  }
0x5: {  	s1 =	stileid.u32;
	s3 =	simm.s32 $0x0;
	s7 =	srdreg.scid  }
0x6: {  	s13 =	simm.s32 $0x100;
	s14 =	simm.s32 $0x80;
	s15 =	simm.s32 $0x300  }
0x7: {  	s16 =	simm.s32 $0x180;
	s17 =	simm.s32 $0x2B00;
	s18 =	simm.s32 $0x1  }
0x8: {  	s19 =	simm.s32 $0x200;
	s21 =	simm.s32 $0x280;
	s4 =	smul.u32 $0x7C0, s1  }
0x9: {  	s22 =	simm.s32 $0x0;
	[smem:$0x7FF] =	sst s3;
	s8 =	smul.u32 $0x1EA0, s1  }
0xa: {  	s7 =	sand.u32 $0x1, s7;
	s12 =	smul.u32 $0xF500, s1;
	s31 =	sshll.u32 s1, $0x6  }
0xb: {  	_ =	strace $0x80000050;
	s9 =	smul.u32 $0x1EA00, s7;
	s11 =	ssub.s32 $0x2, s7  }
0xc: {  	s20 =	smul.u32 $0x30D4, s7;
	s10 =	sadd.s32 s4, s5;
	s4 =	sadd.s32 $0x4000, s5  }
0xd: {  	s28 =	sshrl.u32 s11, $0x1;
	s29 =	sshrl.u32 s12, $0x3;
	s30 =	sadd.s32 s12, s2  }
0xe: {  	s12 =	simm.s32 $0x3;
	s8 =	sadd.s32 s8, s9;
	s9 =	ssub.s32 s11, s28  }
0xf: {  	s11 =	sshrl.u32 s30, $0x3;
	v0 =	vmov s20;
	s20 =	simm.s32 $0x2;
	s8 =	sadd.s32 s8, s5  }
0x10: {  	s5 =	sadd.s32 s6, s29;
	s6 =	sor.u32 $0x1C03, s31;
	s7 =	sadd.s32 $0x1C800, s8  }
0x11: {  	s8 =	smax.u32 s9, $0x1;
	s9 =	sadd.s32 $0x2E9000, s10;
	s10 =	sadd.s32 $0x2E1400, s10  }
.LBB2_1:
0x12: {  	[spmem:s11], [sflag:s6] =	dma.local [hbm:s5], $0x1EA0  }
0x13: {  	_ =	swait.ge [sflag:s12], $0x1EA0  }
0x14: {  	[sflag:s12] =	ssyncset.done $0x0  }
0x15: {  	[sflag:s12] =	ssyncadd.s32 $0xFFFFE160  }
0x16: {  	s23 =	sadd.s32 $0x0, s9;
	[bflag:$0x0] =	sbarrier.arrive $0xFFFF  }
0x17: {  	[tilespmem:s3], [sflag:$0x3] =	stream.linear.gather [hbm4b:s23+s3], $0x80, $0x38;
	[tilespmem:$0x14800] =	vst v63  }
0x18: {  	_ =	swait.ge [sflag:s12], $0x80  }
0x19: {  	[sflag:s12] =	ssyncset.done $0x0  }
0x1a: {  	s24 =	sadd.s32 $0x0, s10;
	[sflag:s12] =	ssyncadd.s32 $0xFFFFFF80  }
0x1b: {  	[tilespmem:s13], [sflag:$0x3] =	stream.linear.gather [hbm4b:s24+s3], $0x80, $0x38;
	[tilespmem:$0x14800] =	vst v63  }
0x1c: {  	_ =	swait.ge [sflag:s12], $0x80  }
0x1d: {  	[sflag:s12] =	ssyncset.done $0x0  }
0x1e: {  	[sflag:s12] =	ssyncadd.s32 $0xFFFFFF80  }
0x1f: {  	[tilespmem:s15], [sflag:$0x1] =	stream.indirect.gather [hbm4b:s4+s14], $0x50, s3, s14, $0xb8;
	[tilespmem:$0x14800] =	vst v63  }
0x20: {  	s23 =	sadd.s32 $0x10, s23  }
0x21: {  	[tilespmem:s14], [sflag:$0x3] =	stream.linear.gather [hbm4b:s23+s3], $0x80, $0x38;
	[tilespmem:$0x14800] =	vst v63  }
0x22: {  	_ =	swait.ge [sflag:s12], $0x80  }
0x23: {  	[sflag:s12] =	ssyncset.done $0x0  }
0x24: {  	s31 =	sadd.s32 $0x10, s24;
	[sflag:s12] =	ssyncadd.s32 $0xFFFFFF80  }
0x25: {  	[tilespmem:s16], [sflag:$0x3] =	stream.linear.gather [hbm4b:s31+s3], $0x80, $0x38;
	[tilespmem:$0x14800] =	vst v63  }
0x26: {  	_ =	swait.ge [sflag:s12], $0x80  }
0x27: {  	[sflag:s12] =	ssyncset.done $0x0  }
0x28: {  	[sflag:s12] =	ssyncadd.s32 $0xFFFFFF80  }
0x29: {  	[tilespmem:s17], [sflag:$0x2] =	stream.indirect.gather [hbm4b:s4+s14], $0x50, s14, s14, $0xb8;
	[tilespmem:$0x14800] =	vst v63  }
0x2a: {  	v1 =	vld [tilespmem:$0x1F0]  }
0x2b: {  	v2 =	vld [tilespmem:$0x1B0]  }
0x2c: {  	v3 =	vld [tilespmem:$0x1D0]  }
0x2d: {  	v5 =	vld [tilespmem:$0x1A0]  }
0x2e: {  	v4 =	vld [tilespmem:$0x1C0]  }
0x2f: {  	v6 =	vld [tilespmem:$0x190];
	v1 =	vsub.s32 v1, v0  }
0x30: {  	v7 =	vld [tilespmem:$0x180];
	v2 =	vsub.s32 v2, v0;
	v1 =	vmin.u32 v1, $0x30D4  }
0x31: {  	v8 =	vld [tilespmem:$0x170];
	v3 =	vsub.s32 v3, v0;
	v2 =	vmin.u32 v2, $0x30D4;
	[tilespmem:$0x2F0] =	vst v1  }
0x32: {  	v59 =	vld [tilespmem:$0x150];
	v5 =	vsub.s32 v5, v0;
	v3 =	vmin.u32 v3, $0x30D4;
	[tilespmem:$0x2B0] =	vst v2  }
0x33: {  	v5 =	vmin.u32 v5, $0x30D4;
	v1 =	vld [tilespmem:$0x160];
	v2 =	vsub.s32 v4, v0;
	[tilespmem:$0x2D0] =	vst v3  }
0x34: {  	v6 =	vsub.s32 v6, v0;
	v3 =	vld [tilespmem:$0x140];
	[tilespmem:$0x2A0] =	vst v5;
	v2 =	vmin.u32 v2, $0x30D4  }
0x35: {  	v7 =	vsub.s32 v7, v0;
	v6 =	vmin.u32 v6, $0x30D4;
	[tilespmem:$0x2C0] =	vst v2;
	v2 =	vld [tilespmem:$0x130]  }
0x36: {  	v60 =	vld [tilespmem:$0x120];
	v8 =	vsub.s32 v8, v0;
	v7 =	vmin.u32 v7, $0x30D4;
	[tilespmem:$0x290] =	vst v6  }
0x37: {  	v61 =	vld [tilespmem:$0x110];
	v8 =	vmin.u32 v8, $0x30D4;
	[tilespmem:$0x280] =	vst v7;
	v4 =	vsub.s32 v59, v0  }
0x38: {  	v62 =	vld [tilespmem:$0x1E0];
	[tilespmem:$0x270] =	vst v8;
	v4 =	vmin.u32 v4, $0x30D4;
	v1 =	vsub.s32 v1, v0  }
0x39: {  	v63 =	vld [tilespmem:$0x100];
	[tilespmem:$0x250] =	vst v4;
	v3 =	vsub.s32 v3, v0;
	v1 =	vmin.u32 v1, $0x30D4  }
0x3a: {  	[tilespmem:$0x260] =	vst v1;
	v1 =	vsub.s32 v2, v0;
	v2 =	vmin.u32 v3, $0x30D4  }
0x3b: {  	v3 =	vsub.s32 v60, v0;
	v1 =	vmin.u32 v1, $0x30D4;
	[tilespmem:$0x240] =	vst v2  }
0x3c: {  	v2 =	vsub.s32 v61, v0;
	v3 =	vmin.u32 v3, $0x30D4;
	[tilespmem:$0x230] =	vst v1  }
0x3d: {  	v2 =	vmin.u32 v2, $0x30D4;
	[tilespmem:$0x220] =	vst v3;
	v3 =	vsub.s32 v62, v0  }
0x3e: {  	s23 =	simm.s32 $0x20;
	v1 =	vsub.s32 v63, v0;
	[tilespmem:$0x210] =	vst v2;
	v2 =	vmin.u32 v3, $0x30D4  }
.LBB2_2:
0x3f: {  	p0 =	sne.s32 s23, $0x7A0;
	v1 =	vmin.u32 v1, $0x30D4;
	[tilespmem:$0x2E0] =	vst v2;
	s24 =	smov.u32 s23;
	s23 =	sadd.s32 $0x20, s23  }
0x40: {  	[tilespmem:$0x200] =	vst v1  }
0x41: {  	_ =	swait.ge [sflag:s18], $0x2800  }
0x42: {  	[sflag:s18] =	ssyncset.done $0x0  }
0x43: {  	[sflag:s18] =	ssyncadd.s32 $0xFFFFD800  }
0x44: {  	[spmem:s2] =	stream.indirect.scatter.add.f32 [tilespmem:s15], [sflag:$0x3], $0x50, s19, s14, $0xb8;
	[tilespmem:$0x14800] =	vst v63  }
0x45: {  	_ =	swait.ge [sflag:s12], $0x2800  }
0x46: {  	[sflag:s12] =	ssyncset.done $0x0  }
0x47: {  	[sflag:s12] =	ssyncadd.s32 $0xFFFFD800  }
0x48: {  	_ =	swait.ge [sflag:s20], $0x2800  }
0x49: {  	[sflag:s20] =	ssyncset.done $0x0  }
0x4a: {  	[sflag:s20] =	ssyncadd.s32 $0xFFFFD800  }
0x4b: {  	[spmem:s2] =	stream.indirect.scatter.add.f32 [tilespmem:s17], [sflag:$0x3], $0x50, s21, s14, $0xb8;
	[tilespmem:$0x14800] =	vst v63  }
0x4c: {  	_ =	swait.ge [sflag:s12], $0x2800  }
0x4d: {  	[sflag:s12] =	ssyncset.done $0x0  }
0x4e: {  	s25 =	sadd.s32 s24, s9;
	[sflag:s12] =	ssyncadd.s32 $0xFFFFD800  }
0x4f: {  	[tilespmem:s3], [sflag:$0x3] =	stream.linear.gather [hbm4b:s25+s3], $0x80, $0x38;
	[tilespmem:$0x14800] =	vst v63  }
0x50: {  	_ =	swait.ge [sflag:s12], $0x80  }
0x51: {  	[sflag:s12] =	ssyncset.done $0x0  }
0x52: {  	s24 =	sadd.s32 s24, s10;
	[sflag:s12] =	ssyncadd.s32 $0xFFFFFF80  }
0x53: {  	[tilespmem:s13], [sflag:$0x3] =	stream.linear.gather [hbm4b:s24+s3], $0x80, $0x38;
	[tilespmem:$0x14800] =	vst v63  }
0x54: {  	_ =	swait.ge [sflag:s12], $0x80  }
0x55: {  	[sflag:s12] =	ssyncset.done $0x0  }
0x56: {  	[sflag:s12] =	ssyncadd.s32 $0xFFFFFF80  }
0x57: {  	[tilespmem:s15], [sflag:$0x1] =	stream.indirect.gather [hbm4b:s4+s14], $0x50, s3, s14, $0xb8;
	[tilespmem:$0x14800] =	vst v63  }
0x58: {  	s25 =	sadd.s32 $0x10, s25  }
0x59: {  	[tilespmem:s14], [sflag:$0x3] =	stream.linear.gather [hbm4b:s25+s3], $0x80, $0x38;
	[tilespmem:$0x14800] =	vst v63  }
0x5a: {  	_ =	swait.ge [sflag:s12], $0x80  }
0x5b: {  	[sflag:s12] =	ssyncset.done $0x0  }
0x5c: {  	s24 =	sadd.s32 $0x10, s24;
	[sflag:s12] =	ssyncadd.s32 $0xFFFFFF80  }
0x5d: {  	[tilespmem:s16], [sflag:$0x3] =	stream.linear.gather [hbm4b:s24+s3], $0x80, $0x38;
	[tilespmem:$0x14800] =	vst v63  }
0x5e: {  	_ =	swait.ge [sflag:s12], $0x80  }
0x5f: {  	[sflag:s12] =	ssyncset.done $0x0  }
0x60: {  	[sflag:s12] =	ssyncadd.s32 $0xFFFFFF80  }
0x61: {  	[tilespmem:s17], [sflag:$0x2] =	stream.indirect.gather [hbm4b:s4+s14], $0x50, s14, s14, $0xb8;
	[tilespmem:$0x14800] =	vst v63  }
0x62: {  	v1 =	vld [tilespmem:$0x1F0]  }
0x63: {  	v2 =	vld [tilespmem:$0x1B0]  }
0x64: {  	v3 =	vld [tilespmem:$0x1D0]  }
0x65: {  	v4 =	vld [tilespmem:$0x1C0]  }
0x66: {  	v5 =	vld [tilespmem:$0x1A0]  }
0x67: {  	v6 =	vld [tilespmem:$0x190];
	v1 =	vsub.s32 v1, v0  }
0x68: {  	v7 =	vld [tilespmem:$0x180];
	v2 =	vsub.s32 v2, v0;
	v1 =	vmin.u32 v1, $0x30D4  }
0x69: {  	v8 =	vld [tilespmem:$0x170];
	v2 =	vmin.u32 v2, $0x30D4;
	v3 =	vsub.s32 v3, v0;
	[tilespmem:$0x2F0] =	vst v1  }
0x6a: {  	v1 =	vld [tilespmem:$0x160];
	[tilespmem:$0x2B0] =	vst v2;
	v2 =	vsub.s32 v4, v0;
	v3 =	vmin.u32 v3, $0x30D4  }
0x6b: {  	v4 =	vld [tilespmem:$0x150];
	v5 =	vsub.s32 v5, v0;
	v2 =	vmin.u32 v2, $0x30D4;
	[tilespmem:$0x2D0] =	vst v3  }
0x6c: {  	v3 =	vld [tilespmem:$0x140];
	v6 =	vsub.s32 v6, v0;
	v5 =	vmin.u32 v5, $0x30D4;
	[tilespmem:$0x2C0] =	vst v2  }
0x6d: {  	v2 =	vld [tilespmem:$0x130];
	v7 =	vsub.s32 v7, v0;
	v6 =	vmin.u32 v6, $0x30D4;
	[tilespmem:$0x2A0] =	vst v5  }
0x6e: {  	v5 =	vld [tilespmem:$0x120];
	v8 =	vsub.s32 v8, v0;
	v7 =	vmin.u32 v7, $0x30D4;
	[tilespmem:$0x290] =	vst v6  }
0x6f: {  	v6 =	vld [tilespmem:$0x110];
	v1 =	vsub.s32 v1, v0;
	v8 =	vmin.u32 v8, $0x30D4;
	[tilespmem:$0x280] =	vst v7  }
0x70: {  	v4 =	vsub.s32 v4, v0;
	v1 =	vmin.u32 v1, $0x30D4;
	[tilespmem:$0x270] =	vst v8;
	v7 =	vld [tilespmem:$0x1E0]  }
0x71: {  	v8 =	vld [tilespmem:$0x100];
	v3 =	vsub.s32 v3, v0;
	v4 =	vmin.u32 v4, $0x30D4;
	[tilespmem:$0x260] =	vst v1  }
.Ltmp0:
0x72: {  	v1 =	vsub.s32 v2, v0;
	v2 =	vmin.u32 v3, $0x30D4;
	[tilespmem:$0x250] =	vst v4;
	(pc) =	sbr.rel @p0 .LBB2_2-.Ltmp0, $4  }
0x73: {  	v3 =	vsub.s32 v5, v0;
	v1 =	vmin.u32 v1, $0x30D4;
	[tilespmem:$0x240] =	vst v2  }
0x74: {  	v2 =	vsub.s32 v6, v0;
	v3 =	vmin.u32 v3, $0x30D4;
	[tilespmem:$0x230] =	vst v1  }
0x75: {  	v2 =	vmin.u32 v2, $0x30D4;
	[tilespmem:$0x220] =	vst v3;
	v3 =	vsub.s32 v7, v0  }
0x76: {  	v1 =	vsub.s32 v8, v0;
	[tilespmem:$0x210] =	vst v2;
	v2 =	vmin.u32 v3, $0x30D4  }
0x77: {  	v1 =	vmin.u32 v1, $0x30D4;
	[tilespmem:$0x2E0] =	vst v2  }
0x78: {  	[tilespmem:$0x200] =	vst v1  }
0x79: {  	_ =	swait.ge [sflag:s18], $0x2800  }
0x7a: {  	[sflag:s18] =	ssyncset.done $0x0  }
0x7b: {  	[sflag:s18] =	ssyncadd.s32 $0xFFFFD800  }
0x7c: {  	[spmem:s2] =	stream.indirect.scatter.add.f32 [tilespmem:s15], [sflag:$0x3], $0x50, s19, s14, $0xb8;
	[tilespmem:$0x14800] =	vst v63  }
0x7d: {  	_ =	swait.ge [sflag:s12], $0x2800  }
0x7e: {  	[sflag:s12] =	ssyncset.done $0x0  }
0x7f: {  	[sflag:s12] =	ssyncadd.s32 $0xFFFFD800  }
0x80: {  	_ =	swait.ge [sflag:s20], $0x2800  }
0x81: {  	[sflag:s20] =	ssyncset.done $0x0  }
0x82: {  	[sflag:s20] =	ssyncadd.s32 $0xFFFFD800  }
0x83: {  	[spmem:s2] =	stream.indirect.scatter.add.f32 [tilespmem:s17], [sflag:$0x3], $0x50, s21, s14, $0xb8;
	[tilespmem:$0x14800] =	vst v63  }
0x84: {  	_ =	swait.ge [sflag:s12], $0x2800  }
0x85: {  	s22 =	sadd.s32 $0x1, s22;
	[sflag:s12] =	ssyncset.done $0x0  }
0x86: {  	p0 =	sne.s32 s22, s8;
	[sflag:s12] =	ssyncadd.s32 $0xFFFFD800  }
.Ltmp1:
0x87: {  	[bflag:$0x0] =	sbarrier.arrive $0xFFFF;
	(pc) =	sbr.rel @p0 .LBB2_1-.Ltmp1, $4  }
0x88: {  	[hbm:s7], [sflag:s6] =	dma.local [spmem:s11], $0x1EA0  }
0x89: {  	_ =	swait.ge [sflag:s12], $0x1EA0  }
0x8a: {  	[sflag:s12] =	ssyncset.done $0x0  }
0x8b: {  	[sflag:s12] =	ssyncadd.s32 $0xFFFFE160  }
0x8c: {  	_ =	sfence.sel $0x180000  }
0x8d: {  	[bflag:$0x0] =	sbarrier.arrive $0xFFFF  }
0x8e: {  	p0 =	sne.s32 s1, $0x0;
	_ =	strace $0x90000050  }
0x8f: {  	s0 =	sadd.s32 @!p0 $0x100000, s0;
	[bflag:$0x2] =	sbarrier.arrive $0xFFFF  }
0x90: {  	[sflag:s0] =	ssyncadd.tile.s32 @!p0 $0x1;
	_ =	shalt  }
.Lfunc_end2:
_tile_overlayer_lowered:
.L_overlay_start_2:
0x91: {  	(tag) =	ssettag $0x2  }
0x92: {  	s0 =	rddreg [dreg:$0x0];
	s2 =	stileid.u32  }
0x93: {  	s1 =	rddreg [dreg:$0x1];
	p0 =	sne.s32 s2, $0x0  }
0x94: {  	s3 =	rddreg [dreg:$0x2];
	[bflag:$0x3] =	sbarrier.arrive $0xFFFF;
	s2 =	simm.s32 @!p0 $0x1C03  }
0x95: {  	[timem:s3], [sflag:s2] =	dma.local @!p0 [hbm:s0], s1  }
0x96: {  	s0 =	simm.s32 @!p0 $0x3  }
0x97: {  	_ =	swait.ge @!p0 [sflag:s0], s1  }
0x98: {  	s1 =	ssub.s32 @!p0 $0x0, s1;
	[sflag:s0] =	ssyncset.done @!p0 $0x0  }
0x99: {  	[sflag:s0] =	ssyncadd.s32 @!p0 s1  }
0x9a: {  	[bflag:$0x3] =	sbarrier.arrive $0xFFFF  }
0x9b: {  	_ =	shalt  }

</sc_bundles>
